<compile_context>
chip_gen: v7x
topology: tpu7x:2x2x1
jax: 0.10.2.dev20260603
libtpu: 0.0.44.dev20260713+nightly
codegen_flags: <defaults>
</compile_context>

<pallas_src>
import functools
import math

import jax
import jax.numpy as jnp
from jax import lax
from jax.experimental import pallas as pl
from jax.experimental.pallas import tpu as pltpu
from jax.experimental.pallas import tpu_sc as plsc

N, L, D = 1024, 50, 64
NT = N * L
N_BANDS, OFFSET = 8, 3
NWF = N_BANDS + OFFSET + 1
C = 10
VD = 100004
VE = 2052
OUTSZ = L * C * D * N

NC, NS = 2, 16
NWORK = NC * NS

LCH = 5
TQ = LCH * N
NQ = L // LCH

G = 16
TBLK = G * 128

_W0 = math.pi * (2.0 ** float(-N_BANDS))


def _fourier_tc(v0, i0, v1, i1, v2, i2, Wbig, b0, b1, b2):

    def body(v0r, i0r, v1r, i1r, v2r, i2r, Wr, b0r, b1r, b2r, o0r, o1r, o2r):
        rows = []
        for vr, ir in ((v0r, i0r), (v1r, i1r), (v2r, i2r)):
            x = vr[...] - ir[...]
            angles = [x * (_W0 * 2.0 ** k) for k in range(NWF)]
            rows.extend([jnp.sin(a) for a in angles])
            rows.extend([jnp.cos(a) for a in angles])
        S = jnp.stack(rows)
        W = Wr[...]
        for r in range(G):
            o = lax.dot_general(W, S[:, r, :], (((0,), (0,)), ((), ())),
                                preferred_element_type=jnp.float32)
            sl = pl.ds(r * 128, 128)
            o0r[:, sl] = o[0:D, :] + b0r[...]
            o1r[:, sl] = o[D:2 * D, :] + b1r[...]
            o2r[:, sl] = o[2 * D:3 * D, :] + b2r[...]

    blk = pl.BlockSpec((G, 128), lambda i: (i, 0))
    wspec = pl.BlockSpec((6 * NWF, 3 * D), lambda i: (0, 0))
    bspec = pl.BlockSpec((D, 1), lambda i: (0, 0))
    outspec = pl.BlockSpec((D, TBLK), lambda i: (0, i))
    return pl.pallas_call(
        body,
        grid=(NT // TBLK,),
        in_specs=[blk] * 6 + [wspec, bspec, bspec, bspec],
        out_specs=[outspec] * 3,
        out_shape=[jax.ShapeDtypeStruct((D, NT), jnp.float32)] * 3,
    )(v0, i0, v1, i1, v2, i2, Wbig, b0, b1, b2)


def _sc_scatter(tabsT, idxF, foursF):
    mesh = plsc.VectorSubcoreMesh(core_axis_name="c", subcore_axis_name="s",
                                  num_cores=NC, num_subcores=NS)

    @functools.partial(
        pl.kernel,
        out_type=jax.ShapeDtypeStruct((OUTSZ,), jnp.float32),
        mesh=mesh,
        scratch_types=[pltpu.VMEM((VD,), jnp.float32),
                       pltpu.VMEM((VE,), jnp.float32),
                       pltpu.VMEM((TQ,), jnp.int32),
                       pltpu.VMEM((TQ,), jnp.int32),
                       pltpu.VMEM((TQ,), jnp.float32),
                       pltpu.VMEM((TQ,), jnp.float32)]
        + [pltpu.SemaphoreType.DMA] * 5,
        compiler_params=pltpu.CompilerParams(needs_layout_passes=False),
    )
    def k(t0, t1, t2, t3, t4, t5, te, x0, x1, x2, x3, x4, x5, x6,
          f0h, f1h, f2h, out, rowv, rowe, ix0, ix1, oq0, oq1,
          rsem, ls0, ls1, ws0, ws1):
        tabs = (t0, t1, t2, t3, t4, t5, te)
        idxs = (x0, x1, x2, x3, x4, x5, x6)
        fhs = (f0h, f1h, f2h)
        wid = lax.axis_index("s") * NC + lax.axis_index("c")

        def drain(sem, buf):
            src = idxs[0] if buf.dtype == jnp.int32 else out
            pltpu.make_async_copy(src.at[pl.ds(0, TQ)], buf, sem).wait()

        def fire_idx(ci, q, buf, sem):
            pltpu.async_copy(
                idxs[ci].at[pl.ds(pl.multiple_of(q * TQ, TQ), TQ)], buf, sem)

        def flush(c, d, q, buf, sem):
            for lr in range(LCH):
                off = ((q * LCH + lr) * C + c) * D * N + d * N
                pltpu.async_copy(buf.at[pl.ds(lr * N, N)],
                                 out.at[pl.ds(pl.multiple_of(off, N), N)],
                                 sem)

        def gather(row, iq, oq):
            @plsc.parallel_loop(0, TQ // 16, unroll=8)
            def _(i):
                sl = pl.ds(i * 16, 16)
                oq[sl] = plsc.load_gather(row, [iq[sl]])

        def fire_row(ci, d):
            pltpu.async_copy(tabs[ci].at[d], rowv if ci < 6 else rowe, rsem)

        def gather_task(ci, c, d, prefetched=False):
            tab, row = tabs[ci], (rowv if ci < 6 else rowe)
            if not prefetched:
                fire_row(ci, d)
            pltpu.make_async_copy(tab.at[d], row, rsem).wait()
            fire_idx(ci, 0, ix0, ls0)

            def hbody(h, _):
                q0, q1 = 2 * h, 2 * h + 1
                fire_idx(ci, q1, ix1, ls1)
                drain(ls0, ix0)

                @pl.when(h > 0)
                def _():
                    drain(ws0, oq0)
                gather(row, ix0, oq0)
                flush(c, d, q0, oq0, ws0)
                nxt = lax.rem(q1 + 1, NQ)
                fire_idx(ci, nxt, ix0, ls0)
                drain(ls1, ix1)

                @pl.when(h > 0)
                def _():
                    drain(ws1, oq1)
                gather(row, ix1, oq1)
                flush(c, d, q1, oq1, ws1)
                return 0

            lax.fori_loop(0, NQ // 2, hbody, 0)
            drain(ls0, ix0)
            drain(ws0, oq0)
            drain(ws1, oq1)

        def copy_task(fi, c, d, pre=None):
            if pre is not None:
                fire_row(pre[0], d)
            fh = fhs[fi]

            def qbody(q, _):
                pltpu.async_copy(
                    fh.at[d, pl.ds(pl.multiple_of(q * TQ, TQ), TQ)],
                    oq0, ls0).wait()
                flush(c, d, q, oq0, ws0)
                drain(ws0, oq0)
                return 0

            lax.fori_loop(0, NQ, qbody, 0)

        def rbody(rep, _):
            d = wid * 2 + rep
            fire_row(6, d)
            gather_task(0, 0, d)
            copy_task(0, 6, d, pre=(1,))
            gather_task(1, 1, d, prefetched=True)
            copy_task(1, 7, d, pre=(2,))
            gather_task(2, 2, d, prefetched=True)
            copy_task(2, 9, d, pre=(3,))
            gather_task(3, 3, d, prefetched=True)
            fire_row(4, d)
            gather_task(6, 8, d, prefetched=True)
            gather_task(4, 4, d, prefetched=True)
            gather_task(5, 5, d)
            return 0

        lax.fori_loop(0, 2, rbody, 0)

    return k(*tabsT, *idxF, *foursF)


def kernel(discrete_0, table_d0, discrete_1, table_d1, discrete_2, table_d2,
           discrete_3, table_d3, discrete_4, table_d4, discrete_5, table_d5,
           entity, table_e,
           cont0_values, cont0_indicators, W_cont0, b_cont0,
           cont1_values, cont1_indicators, W_cont1, b_cont1,
           temp_values, temp_indicators, W_temp, b_temp):
    Z = jnp.zeros((2 * NWF, D), jnp.float32)
    Wbig = jnp.concatenate([
        jnp.concatenate([W_cont0, Z, Z], axis=1),
        jnp.concatenate([Z, W_cont1, Z], axis=1),
        jnp.concatenate([Z, Z, W_temp], axis=1)], axis=0)

    def tok(a):
        return a.T.reshape(NT // 128, 128)

    f0, f1, f2 = _fourier_tc(
        tok(cont0_values), tok(cont0_indicators),
        tok(cont1_values), tok(cont1_indicators),
        tok(temp_values), tok(temp_indicators),
        Wbig, b_cont0.reshape(D, 1), b_cont1.reshape(D, 1),
        b_temp.reshape(D, 1))

    idxF = [a.T.reshape(NT) for a in
            (discrete_0, discrete_1, discrete_2, discrete_3, discrete_4,
             discrete_5, entity)]
    tabsT = [t.T for t in
             (table_d0, table_d1, table_d2, table_d3, table_d4, table_d5,
              table_e)]
    foursF = (f0, f1, f2)

    out = _sc_scatter(tabsT, idxF, foursF)
    return out.reshape(L, C, D, N).transpose(3, 0, 1, 2)

# --- scband reference (transcript-rebuilt; emitter-appended) ---
"""Pipeline reference for scband-modular-field-embedding-system-7653631721720 (READ-ONLY COPY).

The authoritative reference and input builder live on the scoring server;
editing this copy changes nothing except your own understanding.
"""

import math
import jax, jax.numpy as jnp
import numpy as np

N, L, D = 1024, 50, 64
N_BANDS, OFFSET = 8, 3
NW = N_BANDS + OFFSET + 1
VOCAB, N_TOKENS, N_CONTEXT = 100000, 4, 2048
ND = 6

def _weights():
    # torch.logspace(start=-n_bands, end=3, steps=NW, base=2) * pi
    return (2.0 ** jnp.linspace(-float(N_BANDS), float(OFFSET), NW)).reshape(1, NW) * math.pi

def _cont(values, indicators, W, b):
    w = _weights()
    weighted = (values - indicators).reshape(-1, 1) * w
    f = jnp.concatenate([jnp.sin(weighted), jnp.cos(weighted)], axis=1)
    return (jnp.dot(f, W) + b).reshape(values.shape[0], values.shape[1], -1)

def setup_inputs(seed=0):
    key = jax.random.key(seed)
    ks = jax.random.split(key, 64)
    inp = {}
    for i in range(ND):
        inp[f'discrete_{i}'] = jax.random.randint(ks[i], (N, L), 0, VOCAB + N_TOKENS, dtype=jnp.int32)
        inp[f'table_d{i}'] = jax.random.normal(ks[10 + i], (VOCAB + N_TOKENS, D), dtype=jnp.float32) * 0.02
    inp['entity'] = jax.random.randint(ks[20], (N, L), 0, N_CONTEXT + N_TOKENS, dtype=jnp.int32)
    inp['table_e'] = jax.random.normal(ks[21], (N_CONTEXT + N_TOKENS, D), dtype=jnp.float32) * 0.02
    for j, nm in enumerate(['cont0', 'cont1', 'temp']):
        inp[f'{nm}_values'] = jax.random.uniform(ks[30 + j], (N, L), dtype=jnp.float32, minval=0.0, maxval=0.999)
        inp[f'{nm}_indicators'] = jnp.zeros((N, L), dtype=jnp.float32)
        inp[f'W_{nm}'] = jax.random.normal(ks[40 + j], (2 * NW, D), dtype=jnp.float32) * (1.0 / math.sqrt(2 * NW))
        inp[f'b_{nm}'] = jnp.zeros((D,), dtype=jnp.float32)
    return inp

def reference(discrete_0, table_d0, discrete_1, table_d1, discrete_2, table_d2,
              discrete_3, table_d3, discrete_4, table_d4, discrete_5, table_d5,
              entity, table_e,
              cont0_values, cont0_indicators, W_cont0, b_cont0,
              cont1_values, cont1_indicators, W_cont1, b_cont1,
              temp_values, temp_indicators, W_temp, b_temp):
    inp = {
        'discrete_0': discrete_0, 'table_d0': table_d0,
        'discrete_1': discrete_1, 'table_d1': table_d1,
        'discrete_2': discrete_2, 'table_d2': table_d2,
        'discrete_3': discrete_3, 'table_d3': table_d3,
        'discrete_4': discrete_4, 'table_d4': table_d4,
        'discrete_5': discrete_5, 'table_d5': table_d5,
        'entity': entity, 'table_e': table_e,
        'cont0_values': cont0_values, 'cont0_indicators': cont0_indicators,
        'W_cont0': W_cont0, 'b_cont0': b_cont0,
        'cont1_values': cont1_values, 'cont1_indicators': cont1_indicators,
        'W_cont1': W_cont1, 'b_cont1': b_cont1,
        'temp_values': temp_values, 'temp_indicators': temp_indicators,
        'W_temp': W_temp, 'b_temp': b_temp,
    }
    embs = []
    for i in range(ND):
        embs.append(jnp.take(inp[f'table_d{i}'], inp[f'discrete_{i}'], axis=0))
    embs.append(_cont(inp['cont0_values'], inp['cont0_indicators'], inp['W_cont0'], inp['b_cont0']))
    embs.append(_cont(inp['cont1_values'], inp['cont1_indicators'], inp['W_cont1'], inp['b_cont1']))
    embs.append(jnp.take(inp['table_e'], inp['entity'], axis=0))
    embs.append(_cont(inp['temp_values'], inp['temp_indicators'], inp['W_temp'], inp['b_temp']))
    stacked = jnp.stack(embs, axis=-1)  # [N, L, D, C]
    return jnp.transpose(stacked, (0, 1, 3, 2))  # [N, L, C, D]

if __name__ == "__main__":
    import jax
    _d = setup_inputs()
    print(jax.jit(kernel)(*tuple(_d.values())))

</pallas_src>

<mosaic_0001>
#map = affine_map<(d0, d1) -> (0, 0)>
#map1 = affine_map<(d0, d1) -> (0)>
module attributes {stable_mosaic.version = 14 : i64} {
  func.func @k(%arg0: i32, %arg1: i32, %arg2: memref<64x100004xf32, #tpu.memory_space<hbm>>, %arg3: memref<64x100004xf32, #tpu.memory_space<hbm>>, %arg4: memref<64x100004xf32, #tpu.memory_space<hbm>>, %arg5: memref<64x100004xf32, #tpu.memory_space<hbm>>, %arg6: memref<64x100004xf32, #tpu.memory_space<hbm>>, %arg7: memref<64x100004xf32, #tpu.memory_space<hbm>>, %arg8: memref<64x2052xf32, #tpu.memory_space<hbm>>, %arg9: memref<51200xi32, #tpu.memory_space<hbm>>, %arg10: memref<51200xi32, #tpu.memory_space<hbm>>, %arg11: memref<51200xi32, #tpu.memory_space<hbm>>, %arg12: memref<51200xi32, #tpu.memory_space<hbm>>, %arg13: memref<51200xi32, #tpu.memory_space<hbm>>, %arg14: memref<51200xi32, #tpu.memory_space<hbm>>, %arg15: memref<51200xi32, #tpu.memory_space<hbm>>, %arg16: memref<64x51200xf32, #tpu.memory_space<hbm>>, %arg17: memref<64x51200xf32, #tpu.memory_space<hbm>>, %arg18: memref<64x51200xf32, #tpu.memory_space<hbm>>, %arg19: memref<32768000xf32, #tpu.memory_space<hbm>>, %arg20: memref<100004xf32, #tpu.memory_space<vmem>>, %arg21: memref<2052xf32, #tpu.memory_space<vmem>>, %arg22: memref<5120xi32, #tpu.memory_space<vmem>>, %arg23: memref<5120xi32, #tpu.memory_space<vmem>>, %arg24: memref<5120xf32, #tpu.memory_space<vmem>>, %arg25: memref<5120xf32, #tpu.memory_space<vmem>>, %arg26: memref<!tpu.dma_semaphore, #tpu.memory_space<semaphore_mem>>, %arg27: memref<!tpu.dma_semaphore, #tpu.memory_space<semaphore_mem>>, %arg28: memref<!tpu.dma_semaphore, #tpu.memory_space<semaphore_mem>>, %arg29: memref<!tpu.dma_semaphore, #tpu.memory_space<semaphore_mem>>, %arg30: memref<!tpu.dma_semaphore, #tpu.memory_space<semaphore_mem>>) attributes {dimension_semantics = [#tpu.dimension_semantics<core_parallel>, #tpu.dimension_semantics<subcore_parallel>], iteration_bounds = array<i64: 2, 16>, scalar_prefetch = 0 : i64, scratch_operands = 11 : i64, tpu.core_type = #tpu.core_type<sc_vector_subcore>, window_params = [{transform_indices = #map}, {transform_indices = #map}, {transform_indices = #map}, {transform_indices = #map}, {transform_indices = #map}, {transform_indices = #map}, {transform_indices = #map}, {transform_indices = #map1}, {transform_indices = #map1}, {transform_indices = #map1}, {transform_indices = #map1}, {transform_indices = #map1}, {transform_indices = #map1}, {transform_indices = #map1}, {transform_indices = #map}, {transform_indices = #map}, {transform_indices = #map}, {transform_indices = #map1}]} {
    %mul3A = arith.constant 2 : i32
    %mul3A_0 = arith.muli %arg1, %mul3A : i32
    %add3A = arith.addi %mul3A_0, %arg0 : i32
    %scan3A = arith.constant 0 : i32
    %scan3A_1 = arith.constant 0 : i32
    %scan3A_2 = arith.constant 2 : i32
    %scan3A_3 = arith.addi %scan3A_1, %scan3A_2 : i32
    %scan3A_4 = arith.constant 1 : i32
    %scan3A_5 = scf.for %scan3A_7 = %scan3A_1 to %scan3A_3 step %scan3A_4 iter_args(%scan3A_8 = %scan3A) -> (i32)  : i32 {
      %mul3A_9 = arith.constant 2 : i32
      %mul3A_10 = arith.muli %add3A, %mul3A_9 : i32
      %add3A_11 = arith.addi %mul3A_10, %scan3A_7 : i32
      %dma_start3A = arith.constant 0 : i32
      %dma_start3A_12 = tpu.memref_slice %arg8[%add3A_11, %dma_start3A] : memref<64x2052xf32, #tpu.memory_space<hbm>> -> memref<1x2052xf32, #tpu.memory_space<hbm>>
      %dma_start3A_13 = tpu.memref_squeeze %dma_start3A_12 : memref<1x2052xf32, #tpu.memory_space<hbm>> -> memref<2052xf32, #tpu.memory_space<hbm>>
      %dma_start3A_14 = arith.constant 0 : i32
      %dma_start3A_15 = tpu.memref_slice %arg8[%add3A_11, %dma_start3A_14] : memref<64x2052xf32, #tpu.memory_space<hbm>> -> memref<1x2052xf32, #tpu.memory_space<hbm>>
      %dma_start3A_16 = tpu.memref_squeeze %dma_start3A_15 : memref<1x2052xf32, #tpu.memory_space<hbm>> -> memref<2052xf32, #tpu.memory_space<hbm>>
      tpu.enqueue_dma source(%dma_start3A_16 : memref<2052xf32, #tpu.memory_space<hbm>>) target(%arg21 : memref<2052xf32, #tpu.memory_space<vmem>>) target_semaphore(%arg26 : memref<!tpu.dma_semaphore, #tpu.memory_space<semaphore_mem>>)
      %dma_start3A_17 = arith.constant 0 : i32
      %dma_start3A_18 = tpu.memref_slice %arg2[%add3A_11, %dma_start3A_17] : memref<64x100004xf32, #tpu.memory_space<hbm>> -> memref<1x100004xf32, #tpu.memory_space<hbm>>
      %dma_start3A_19 = tpu.memref_squeeze %dma_start3A_18 : memref<1x100004xf32, #tpu.memory_space<hbm>> -> memref<100004xf32, #tpu.memory_space<hbm>>
      %dma_start3A_20 = arith.constant 0 : i32
      %dma_start3A_21 = tpu.memref_slice %arg2[%add3A_11, %dma_start3A_20] : memref<64x100004xf32, #tpu.memory_space<hbm>> -> memref<1x100004xf32, #tpu.memory_space<hbm>>
      %dma_start3A_22 = tpu.memref_squeeze %dma_start3A_21 : memref<1x100004xf32, #tpu.memory_space<hbm>> -> memref<100004xf32, #tpu.memory_space<hbm>>
      tpu.enqueue_dma source(%dma_start3A_22 : memref<100004xf32, #tpu.memory_space<hbm>>) target(%arg20 : memref<100004xf32, #tpu.memory_space<vmem>>) target_semaphore(%arg26 : memref<!tpu.dma_semaphore, #tpu.memory_space<semaphore_mem>>)
      %dma_wait3A = arith.constant 0 : i32
      %dma_wait3A_23 = tpu.memref_slice %arg2[%add3A_11, %dma_wait3A] : memref<64x100004xf32, #tpu.memory_space<hbm>> -> memref<1x100004xf32, #tpu.memory_space<hbm>>
      %dma_wait3A_24 = tpu.memref_squeeze %dma_wait3A_23 : memref<1x100004xf32, #tpu.memory_space<hbm>> -> memref<100004xf32, #tpu.memory_space<hbm>>
      %dma_wait3A_25 = arith.constant 0 : i32
      %dma_wait3A_26 = tpu.memref_slice %arg2[%add3A_11, %dma_wait3A_25] : memref<64x100004xf32, #tpu.memory_space<hbm>> -> memref<1x100004xf32, #tpu.memory_space<hbm>>
      %dma_wait3A_27 = tpu.memref_squeeze %dma_wait3A_26 : memref<1x100004xf32, #tpu.memory_space<hbm>> -> memref<100004xf32, #tpu.memory_space<hbm>>
      tpu.wait_dma2 semaphore(%arg26 : memref<!tpu.dma_semaphore, #tpu.memory_space<semaphore_mem>>) src(%dma_wait3A_27 : memref<100004xf32, #tpu.memory_space<hbm>>) dst(%arg20 : memref<100004xf32, #tpu.memory_space<vmem>>)
      %multiple_of3A = arith.constant 0 : i32
      %multiple_of3A_28 = tpu.assume_multiple %multiple_of3A, 5120 : i32
      %dma_start3A_29 = tpu.memref_slice %arg9[%multiple_of3A_28] : memref<51200xi32, #tpu.memory_space<hbm>> -> memref<5120xi32, #tpu.memory_space<hbm>>
      %dma_start3A_30 = tpu.memref_slice %arg9[%multiple_of3A_28] : memref<51200xi32, #tpu.memory_space<hbm>> -> memref<5120xi32, #tpu.memory_space<hbm>>
      tpu.enqueue_dma source(%dma_start3A_30 : memref<5120xi32, #tpu.memory_space<hbm>>) target(%arg22 : memref<5120xi32, #tpu.memory_space<vmem>>) target_semaphore(%arg27 : memref<!tpu.dma_semaphore, #tpu.memory_space<semaphore_mem>>)
      %scan3A_31 = arith.constant 0 : i32
      %scan3A_32 = arith.constant 0 : i32
      %scan3A_33 = arith.constant 5 : i32
      %scan3A_34 = arith.addi %scan3A_32, %scan3A_33 : i32
      %scan3A_35 = arith.constant 1 : i32
      %scan3A_36 = scf.for %scan3A_276 = %scan3A_32 to %scan3A_34 step %scan3A_35 iter_args(%scan3A_277 = %scan3A_31) -> (i32)  : i32 {
        %mul3A_278 = arith.constant 2 : i32
        %mul3A_279 = arith.muli %mul3A_278, %scan3A_276 : i32
        %mul3A_280 = arith.constant 2 : i32
        %mul3A_281 = arith.muli %mul3A_280, %scan3A_276 : i32
        %add3A_282 = arith.constant 1 : i32
        %add3A_283 = arith.addi %mul3A_281, %add3A_282 : i32
        %mul3A_284 = arith.constant 5120 : i32
        %mul3A_285 = arith.muli %add3A_283, %mul3A_284 : i32
        %multiple_of3A_286 = tpu.assume_multiple %mul3A_285, 5120 : i32
        %dma_start3A_287 = tpu.memref_slice %arg9[%multiple_of3A_286] : memref<51200xi32, #tpu.memory_space<hbm>> -> memref<5120xi32, #tpu.memory_space<hbm>>
        %dma_start3A_288 = tpu.memref_slice %arg9[%multiple_of3A_286] : memref<51200xi32, #tpu.memory_space<hbm>> -> memref<5120xi32, #tpu.memory_space<hbm>>
        tpu.enqueue_dma source(%dma_start3A_288 : memref<5120xi32, #tpu.memory_space<hbm>>) target(%arg23 : memref<5120xi32, #tpu.memory_space<vmem>>) target_semaphore(%arg28 : memref<!tpu.dma_semaphore, #tpu.memory_space<semaphore_mem>>)
        %dma_wait3A_289 = arith.constant 0 : i32
        %dma_wait3A_290 = tpu.memref_slice %arg9[%dma_wait3A_289] : memref<51200xi32, #tpu.memory_space<hbm>> -> memref<5120xi32, #tpu.memory_space<hbm>>
        %dma_wait3A_291 = arith.constant 0 : i32
        %dma_wait3A_292 = tpu.memref_slice %arg9[%dma_wait3A_291] : memref<51200xi32, #tpu.memory_space<hbm>> -> memref<5120xi32, #tpu.memory_space<hbm>>
        tpu.wait_dma2 semaphore(%arg27 : memref<!tpu.dma_semaphore, #tpu.memory_space<semaphore_mem>>) src(%dma_wait3A_292 : memref<5120xi32, #tpu.memory_space<hbm>>) dst(%arg22 : memref<5120xi32, #tpu.memory_space<vmem>>)
        %gt3A = arith.constant 0 : i32
        %gt3A_293 = arith.cmpi sgt, %scan3A_276, %gt3A : i32
        %convert_element_type3A = arith.extui %gt3A_293 : i1 to i32
        %cond3A = arith.constant 0 : i32
        %cond3A_294 = arith.cmpi ne, %convert_element_type3A, %cond3A : i32
        scf.if %cond3A_294 {
          %dma_wait3A_538 = arith.constant 0 : i32
          %dma_wait3A_539 = tpu.memref_slice %arg19[%dma_wait3A_538] : memref<32768000xf32, #tpu.memory_space<hbm>> -> memref<5120xf32, #tpu.memory_space<hbm>>
          %dma_wait3A_540 = arith.constant 0 : i32
          %dma_wait3A_541 = tpu.memref_slice %arg19[%dma_wait3A_540] : memref<32768000xf32, #tpu.memory_space<hbm>> -> memref<5120xf32, #tpu.memory_space<hbm>>
          tpu.wait_dma2 semaphore(%arg29 : memref<!tpu.dma_semaphore, #tpu.memory_space<semaphore_mem>>) src(%dma_wait3A_541 : memref<5120xf32, #tpu.memory_space<hbm>>) dst(%arg24 : memref<5120xf32, #tpu.memory_space<vmem>>)
        } else {
        }
        %parallel_loop3A = arith.constant 0 : i32
        %parallel_loop3A_295 = arith.constant 320 : i32
        %parallel_loop3A_296 = arith.constant 1 : i32
        scf.for %parallel_loop3A_538 = %parallel_loop3A to %parallel_loop3A_295 step %parallel_loop3A_296  : i32 {
          %parallel_loop3A_539 = arith.constant 16 : i32
          %parallel_loop3A_540 = arith.muli %parallel_loop3A_538, %parallel_loop3A_539 : i32
          %parallel_loop3A_541 = arith.index_cast %parallel_loop3A_540 : i32 to index
          %parallel_loop3A_542 = tpu.vector_load %arg22[%parallel_loop3A_541] {strides = array<i32>} : memref<5120xi32, #tpu.memory_space<vmem>>, vector<16xi32>,
          %parallel_loop3A_543 = tpu.vector_load_idx %arg20[%parallel_loop3A_542] : memref<100004xf32, #tpu.memory_space<vmem>>[vector<16xi32>], vector<16xf32>,
          %parallel_loop3A_544 = arith.index_cast %parallel_loop3A_540 : i32 to index
          %parallel_loop3A_545 = tpu.vector_load %arg24[%parallel_loop3A_544] {strides = array<i32>} : memref<5120xf32, #tpu.memory_space<vmem>>, vector<16xf32>,
          tpu.vector_store %arg24[%parallel_loop3A_544], %parallel_loop3A_543 {strides = array<i32>} : memref<5120xf32, #tpu.memory_space<vmem>>, vector<16xf32>,
        } {sc.loop_unroll_factor = 8 : i64, sc.parallel_access}
        %mul3A_297 = arith.constant 5 : i32
        %mul3A_298 = arith.muli %mul3A_279, %mul3A_297 : i32
        %add3A_299 = arith.constant 0 : i32
        %add3A_300 = arith.addi %mul3A_298, %add3A_299 : i32
        %mul3A_301 = arith.constant 10 : i32
        %mul3A_302 = arith.muli %add3A_300, %mul3A_301 : i32
        %add3A_303 = arith.constant 0 : i32
        %add3A_304 = arith.addi %mul3A_302, %add3A_303 : i32
        %mul3A_305 = arith.constant 64 : i32
        %mul3A_306 = arith.muli %add3A_304, %mul3A_305 : i32
        %mul3A_307 = arith.constant 1024 : i32
        %mul3A_308 = arith.muli %mul3A_306, %mul3A_307 : i32
        %mul3A_309 = arith.constant 1024 : i32
        %mul3A_310 = arith.muli %add3A_11, %mul3A_309 : i32
        %add3A_311 = arith.addi %mul3A_308, %mul3A_310 : i32
        %multiple_of3A_312 = tpu.assume_multiple %add3A_311, 1024 : i32
        %dma_start3A_313 = arith.constant 0 : i32
        %dma_start3A_314 = tpu.memref_slice %arg24[%dma_start3A_313] : memref<5120xf32, #tpu.memory_space<vmem>> -> memref<1024xf32, #tpu.memory_space<vmem>>
        %dma_start3A_315 = tpu.memref_slice %arg19[%multiple_of3A_312] : memref<32768000xf32, #tpu.memory_space<hbm>> -> memref<1024xf32, #tpu.memory_space<hbm>>
        %dma_start3A_316 = tpu.memref_slice %arg19[%multiple_of3A_312] : memref<32768000xf32, #tpu.memory_space<hbm>> -> memref<1024xf32, #tpu.memory_space<hbm>>
        %dma_start3A_317 = arith.constant 0 : i32
        %dma_start3A_318 = tpu.memref_slice %arg24[%dma_start3A_317] : memref<5120xf32, #tpu.memory_space<vmem>> -> memref<1024xf32, #tpu.memory_space<vmem>>
        tpu.enqueue_dma source(%dma_start3A_318 : memref<1024xf32, #tpu.memory_space<vmem>>) target(%dma_start3A_316 : memref<1024xf32, #tpu.memory_space<hbm>>) target_semaphore(%arg29 : memref<!tpu.dma_semaphore, #tpu.memory_space<semaphore_mem>>)
        %mul3A_319 = arith.constant 5 : i32
        %mul3A_320 = arith.muli %mul3A_279, %mul3A_319 : i32
        %add3A_321 = arith.constant 1 : i32
        %add3A_322 = arith.addi %mul3A_320, %add3A_321 : i32
        %mul3A_323 = arith.constant 10 : i32
        %mul3A_324 = arith.muli %add3A_322, %mul3A_323 : i32
        %add3A_325 = arith.constant 0 : i32
        %add3A_326 = arith.addi %mul3A_324, %add3A_325 : i32
        %mul3A_327 = arith.constant 64 : i32
        %mul3A_328 = arith.muli %add3A_326, %mul3A_327 : i32
        %mul3A_329 = arith.constant 1024 : i32
        %mul3A_330 = arith.muli %mul3A_328, %mul3A_329 : i32
        %mul3A_331 = arith.constant 1024 : i32
        %mul3A_332 = arith.muli %add3A_11, %mul3A_331 : i32
        %add3A_333 = arith.addi %mul3A_330, %mul3A_332 : i32
        %multiple_of3A_334 = tpu.assume_multiple %add3A_333, 1024 : i32
        %dma_start3A_335 = arith.constant 1024 : i32
        %dma_start3A_336 = tpu.memref_slice %arg24[%dma_start3A_335] : memref<5120xf32, #tpu.memory_space<vmem>> -> memref<1024xf32, #tpu.memory_space<vmem>>
        %dma_start3A_337 = tpu.memref_slice %arg19[%multiple_of3A_334] : memref<32768000xf32, #tpu.memory_space<hbm>> -> memref<1024xf32, #tpu.memory_space<hbm>>
        %dma_start3A_338 = tpu.memref_slice %arg19[%multiple_of3A_334] : memref<32768000xf32, #tpu.memory_space<hbm>> -> memref<1024xf32, #tpu.memory_space<hbm>>
        %dma_start3A_339 = arith.constant 1024 : i32
        %dma_start3A_340 = tpu.memref_slice %arg24[%dma_start3A_339] : memref<5120xf32, #tpu.memory_space<vmem>> -> memref<1024xf32, #tpu.memory_space<vmem>>
        tpu.enqueue_dma source(%dma_start3A_340 : memref<1024xf32, #tpu.memory_space<vmem>>) target(%dma_start3A_338 : memref<1024xf32, #tpu.memory_space<hbm>>) target_semaphore(%arg29 : memref<!tpu.dma_semaphore, #tpu.memory_space<semaphore_mem>>)
        %mul3A_341 = arith.constant 5 : i32
        %mul3A_342 = arith.muli %mul3A_279, %mul3A_341 : i32
        %add3A_343 = arith.constant 2 : i32
        %add3A_344 = arith.addi %mul3A_342, %add3A_343 : i32
        %mul3A_345 = arith.constant 10 : i32
        %mul3A_346 = arith.muli %add3A_344, %mul3A_345 : i32
        %add3A_347 = arith.constant 0 : i32
        %add3A_348 = arith.addi %mul3A_346, %add3A_347 : i32
        %mul3A_349 = arith.constant 64 : i32
        %mul3A_350 = arith.muli %add3A_348, %mul3A_349 : i32
        %mul3A_351 = arith.constant 1024 : i32
        %mul3A_352 = arith.muli %mul3A_350, %mul3A_351 : i32
        %mul3A_353 = arith.constant 1024 : i32
        %mul3A_354 = arith.muli %add3A_11, %mul3A_353 : i32
        %add3A_355 = arith.addi %mul3A_352, %mul3A_354 : i32
        %multiple_of3A_356 = tpu.assume_multiple %add3A_355, 1024 : i32
        %dma_start3A_357 = arith.constant 2048 : i32
        %dma_start3A_358 = tpu.memref_slice %arg24[%dma_start3A_357] : memref<5120xf32, #tpu.memory_space<vmem>> -> memref<1024xf32, #tpu.memory_space<vmem>>
        %dma_start3A_359 = tpu.memref_slice %arg19[%multiple_of3A_356] : memref<32768000xf32, #tpu.memory_space<hbm>> -> memref<1024xf32, #tpu.memory_space<hbm>>
        %dma_start3A_360 = tpu.memref_slice %arg19[%multiple_of3A_356] : memref<32768000xf32, #tpu.memory_space<hbm>> -> memref<1024xf32, #tpu.memory_space<hbm>>
        %dma_start3A_361 = arith.constant 2048 : i32
        %dma_start3A_362 = tpu.memref_slice %arg24[%dma_start3A_361] : memref<5120xf32, #tpu.memory_space<vmem>> -> memref<1024xf32, #tpu.memory_space<vmem>>
        tpu.enqueue_dma source(%dma_start3A_362 : memref<1024xf32, #tpu.memory_space<vmem>>) target(%dma_start3A_360 : memref<1024xf32, #tpu.memory_space<hbm>>) target_semaphore(%arg29 : memref<!tpu.dma_semaphore, #tpu.memory_space<semaphore_mem>>)
        %mul3A_363 = arith.constant 5 : i32
        %mul3A_364 = arith.muli %mul3A_279, %mul3A_363 : i32
        %add3A_365 = arith.constant 3 : i32
        %add3A_366 = arith.addi %mul3A_364, %add3A_365 : i32
        %mul3A_367 = arith.constant 10 : i32
        %mul3A_368 = arith.muli %add3A_366, %mul3A_367 : i32
        %add3A_369 = arith.constant 0 : i32
        %add3A_370 = arith.addi %mul3A_368, %add3A_369 : i32
        %mul3A_371 = arith.constant 64 : i32
        %mul3A_372 = arith.muli %add3A_370, %mul3A_371 : i32
        %mul3A_373 = arith.constant 1024 : i32
        %mul3A_374 = arith.muli %mul3A_372, %mul3A_373 : i32
        %mul3A_375 = arith.constant 1024 : i32
        %mul3A_376 = arith.muli %add3A_11, %mul3A_375 : i32
        %add3A_377 = arith.addi %mul3A_374, %mul3A_376 : i32
        %multiple_of3A_378 = tpu.assume_multiple %add3A_377, 1024 : i32
        %dma_start3A_379 = arith.constant 3072 : i32
        %dma_start3A_380 = tpu.memref_slice %arg24[%dma_start3A_379] : memref<5120xf32, #tpu.memory_space<vmem>> -> memref<1024xf32, #tpu.memory_space<vmem>>
        %dma_start3A_381 = tpu.memref_slice %arg19[%multiple_of3A_378] : memref<32768000xf32, #tpu.memory_space<hbm>> -> memref<1024xf32, #tpu.memory_space<hbm>>
        %dma_start3A_382 = tpu.memref_slice %arg19[%multiple_of3A_378] : memref<32768000xf32, #tpu.memory_space<hbm>> -> memref<1024xf32, #tpu.memory_space<hbm>>
        %dma_start3A_383 = arith.constant 3072 : i32
        %dma_start3A_384 = tpu.memref_slice %arg24[%dma_start3A_383] : memref<5120xf32, #tpu.memory_space<vmem>> -> memref<1024xf32, #tpu.memory_space<vmem>>
        tpu.enqueue_dma source(%dma_start3A_384 : memref<1024xf32, #tpu.memory_space<vmem>>) target(%dma_start3A_382 : memref<1024xf32, #tpu.memory_space<hbm>>) target_semaphore(%arg29 : memref<!tpu.dma_semaphore, #tpu.memory_space<semaphore_mem>>)
        %mul3A_385 = arith.constant 5 : i32
        %mul3A_386 = arith.muli %mul3A_279, %mul3A_385 : i32
        %add3A_387 = arith.constant 4 : i32
        %add3A_388 = arith.addi %mul3A_386, %add3A_387 : i32
        %mul3A_389 = arith.constant 10 : i32
        %mul3A_390 = arith.muli %add3A_388, %mul3A_389 : i32
        %add3A_391 = arith.constant 0 : i32
        %add3A_392 = arith.addi %mul3A_390, %add3A_391 : i32
        %mul3A_393 = arith.constant 64 : i32
        %mul3A_394 = arith.muli %add3A_392, %mul3A_393 : i32
        %mul3A_395 = arith.constant 1024 : i32
        %mul3A_396 = arith.muli %mul3A_394, %mul3A_395 : i32
        %mul3A_397 = arith.constant 1024 : i32
        %mul3A_398 = arith.muli %add3A_11, %mul3A_397 : i32
        %add3A_399 = arith.addi %mul3A_396, %mul3A_398 : i32
        %multiple_of3A_400 = tpu.assume_multiple %add3A_399, 1024 : i32
        %dma_start3A_401 = arith.constant 4096 : i32
        %dma_start3A_402 = tpu.memref_slice %arg24[%dma_start3A_401] : memref<5120xf32, #tpu.memory_space<vmem>> -> memref<1024xf32, #tpu.memory_space<vmem>>
        %dma_start3A_403 = tpu.memref_slice %arg19[%multiple_of3A_400] : memref<32768000xf32, #tpu.memory_space<hbm>> -> memref<1024xf32, #tpu.memory_space<hbm>>
        %dma_start3A_404 = tpu.memref_slice %arg19[%multiple_of3A_400] : memref<32768000xf32, #tpu.memory_space<hbm>> -> memref<1024xf32, #tpu.memory_space<hbm>>
        %dma_start3A_405 = arith.constant 4096 : i32
        %dma_start3A_406 = tpu.memref_slice %arg24[%dma_start3A_405] : memref<5120xf32, #tpu.memory_space<vmem>> -> memref<1024xf32, #tpu.memory_space<vmem>>
        tpu.enqueue_dma source(%dma_start3A_406 : memref<1024xf32, #tpu.memory_space<vmem>>) target(%dma_start3A_404 : memref<1024xf32, #tpu.memory_space<hbm>>) target_semaphore(%arg29 : memref<!tpu.dma_semaphore, #tpu.memory_space<semaphore_mem>>)
        %add3A_407 = arith.constant 1 : i32
        %add3A_408 = arith.addi %add3A_283, %add3A_407 : i32
        %rem3A = arith.constant 10 : i32
        %rem3A_409 = arith.remsi %add3A_408, %rem3A : i32
        %mul3A_410 = arith.constant 5120 : i32
        %mul3A_411 = arith.muli %rem3A_409, %mul3A_410 : i32
        %multiple_of3A_412 = tpu.assume_multiple %mul3A_411, 5120 : i32
        %dma_start3A_413 = tpu.memref_slice %arg9[%multiple_of3A_412] : memref<51200xi32, #tpu.memory_space<hbm>> -> memref<5120xi32, #tpu.memory_space<hbm>>
        %dma_start3A_414 = tpu.memref_slice %arg9[%multiple_of3A_412] : memref<51200xi32, #tpu.memory_space<hbm>> -> memref<5120xi32, #tpu.memory_space<hbm>>
        tpu.enqueue_dma source(%dma_start3A_414 : memref<5120xi32, #tpu.memory_space<hbm>>) target(%arg22 : memref<5120xi32, #tpu.memory_space<vmem>>) target_semaphore(%arg27 : memref<!tpu.dma_semaphore, #tpu.memory_space<semaphore_mem>>)
        %dma_wait3A_415 = arith.constant 0 : i32
        %dma_wait3A_416 = tpu.memref_slice %arg9[%dma_wait3A_415] : memref<51200xi32, #tpu.memory_space<hbm>> -> memref<5120xi32, #tpu.memory_space<hbm>>
        %dma_wait3A_417 = arith.constant 0 : i32
        %dma_wait3A_418 = tpu.memref_slice %arg9[%dma_wait3A_417] : memref<51200xi32, #tpu.memory_space<hbm>> -> memref<5120xi32, #tpu.memory_space<hbm>>
        tpu.wait_dma2 semaphore(%arg28 : memref<!tpu.dma_semaphore, #tpu.memory_space<semaphore_mem>>) src(%dma_wait3A_418 : memref<5120xi32, #tpu.memory_space<hbm>>) dst(%arg23 : memref<5120xi32, #tpu.memory_space<vmem>>)
        %gt3A_419 = arith.constant 0 : i32
        %gt3A_420 = arith.cmpi sgt, %scan3A_276, %gt3A_419 : i32
        %convert_element_type3A_421 = arith.extui %gt3A_420 : i1 to i32
        %cond3A_422 = arith.constant 0 : i32
        %cond3A_423 = arith.cmpi ne, %convert_element_type3A_421, %cond3A_422 : i32
        scf.if %cond3A_423 {
          %dma_wait3A_538 = arith.constant 0 : i32
          %dma_wait3A_539 = tpu.memref_slice %arg19[%dma_wait3A_538] : memref<32768000xf32, #tpu.memory_space<hbm>> -> memref<5120xf32, #tpu.memory_space<hbm>>
          %dma_wait3A_540 = arith.constant 0 : i32
          %dma_wait3A_541 = tpu.memref_slice %arg19[%dma_wait3A_540] : memref<32768000xf32, #tpu.memory_space<hbm>> -> memref<5120xf32, #tpu.memory_space<hbm>>
          tpu.wait_dma2 semaphore(%arg30 : memref<!tpu.dma_semaphore, #tpu.memory_space<semaphore_mem>>) src(%dma_wait3A_541 : memref<5120xf32, #tpu.memory_space<hbm>>) dst(%arg25 : memref<5120xf32, #tpu.memory_space<vmem>>)
        } else {
        }
        %parallel_loop3A_424 = arith.constant 0 : i32
        %parallel_loop3A_425 = arith.constant 320 : i32
        %parallel_loop3A_426 = arith.constant 1 : i32
        scf.for %parallel_loop3A_538 = %parallel_loop3A_424 to %parallel_loop3A_425 step %parallel_loop3A_426  : i32 {
          %parallel_loop3A_539 = arith.constant 16 : i32
          %parallel_loop3A_540 = arith.muli %parallel_loop3A_538, %parallel_loop3A_539 : i32
          %parallel_loop3A_541 = arith.index_cast %parallel_loop3A_540 : i32 to index
          %parallel_loop3A_542 = tpu.vector_load %arg23[%parallel_loop3A_541] {strides = array<i32>} : memref<5120xi32, #tpu.memory_space<vmem>>, vector<16xi32>,
          %parallel_loop3A_543 = tpu.vector_load_idx %arg20[%parallel_loop3A_542] : memref<100004xf32, #tpu.memory_space<vmem>>[vector<16xi32>], vector<16xf32>,
          %parallel_loop3A_544 = arith.index_cast %parallel_loop3A_540 : i32 to index
          %parallel_loop3A_545 = tpu.vector_load %arg25[%parallel_loop3A_544] {strides = array<i32>} : memref<5120xf32, #tpu.memory_space<vmem>>, vector<16xf32>,
          tpu.vector_store %arg25[%parallel_loop3A_544], %parallel_loop3A_543 {strides = array<i32>} : memref<5120xf32, #tpu.memory_space<vmem>>, vector<16xf32>,
        } {sc.loop_unroll_factor = 8 : i64, sc.parallel_access}
        %mul3A_427 = arith.constant 5 : i32
        %mul3A_428 = arith.muli %add3A_283, %mul3A_427 : i32
        %add3A_429 = arith.constant 0 : i32
        %add3A_430 = arith.addi %mul3A_428, %add3A_429 : i32
        %mul3A_431 = arith.constant 10 : i32
        %mul3A_432 = arith.muli %add3A_430, %mul3A_431 : i32
        %add3A_433 = arith.constant 0 : i32
        %add3A_434 = arith.addi %mul3A_432, %add3A_433 : i32
        %mul3A_435 = arith.constant 64 : i32
        %mul3A_436 = arith.muli %add3A_434, %mul3A_435 : i32
        %mul3A_437 = arith.constant 1024 : i32
        %mul3A_438 = arith.muli %mul3A_436, %mul3A_437 : i32
        %mul3A_439 = arith.constant 1024 : i32
        %mul3A_440 = arith.muli %add3A_11, %mul3A_439 : i32
        %add3A_441 = arith.addi %mul3A_438, %mul3A_440 : i32
        %multiple_of3A_442 = tpu.assume_multiple %add3A_441, 1024 : i32
        %dma_start3A_443 = arith.constant 0 : i32
        %dma_start3A_444 = tpu.memref_slice %arg25[%dma_start3A_443] : memref<5120xf32, #tpu.memory_space<vmem>> -> memref<1024xf32, #tpu.memory_space<vmem>>
        %dma_start3A_445 = tpu.memref_slice %arg19[%multiple_of3A_442] : memref<32768000xf32, #tpu.memory_space<hbm>> -> memref<1024xf32, #tpu.memory_space<hbm>>
        %dma_start3A_446 = tpu.memref_slice %arg19[%multiple_of3A_442] : memref<32768000xf32, #tpu.memory_space<hbm>> -> memref<1024xf32, #tpu.memory_space<hbm>>
        %dma_start3A_447 = arith.constant 0 : i32
        %dma_start3A_448 = tpu.memref_slice %arg25[%dma_start3A_447] : memref<5120xf32, #tpu.memory_space<vmem>> -> memref<1024xf32, #tpu.memory_space<vmem>>
        tpu.enqueue_dma source(%dma_start3A_448 : memref<1024xf32, #tpu.memory_space<vmem>>) target(%dma_start3A_446 : memref<1024xf32, #tpu.memory_space<hbm>>) target_semaphore(%arg30 : memref<!tpu.dma_semaphore, #tpu.memory_space<semaphore_mem>>)
        %mul3A_449 = arith.constant 5 : i32
        %mul3A_450 = arith.muli %add3A_283, %mul3A_449 : i32
        %add3A_451 = arith.constant 1 : i32
        %add3A_452 = arith.addi %mul3A_450, %add3A_451 : i32
        %mul3A_453 = arith.constant 10 : i32
        %mul3A_454 = arith.muli %add3A_452, %mul3A_453 : i32
        %add3A_455 = arith.constant 0 : i32
        %add3A_456 = arith.addi %mul3A_454, %add3A_455 : i32
        %mul3A_457 = arith.constant 64 : i32
        %mul3A_458 = arith.muli %add3A_456, %mul3A_457 : i32
        %mul3A_459 = arith.constant 1024 : i32
        %mul3A_460 = arith.muli %mul3A_458, %mul3A_459 : i32
        %mul3A_461 = arith.constant 1024 : i32
        %mul3A_462 = arith.muli %add3A_11, %mul3A_461 : i32
        %add3A_463 = arith.addi %mul3A_460, %mul3A_462 : i32
        %multiple_of3A_464 = tpu.assume_multiple %add3A_463, 1024 : i32
        %dma_start3A_465 = arith.constant 1024 : i32
        %dma_start3A_466 = tpu.memref_slice %arg25[%dma_start3A_465] : memref<5120xf32, #tpu.memory_space<vmem>> -> memref<1024xf32, #tpu.memory_space<vmem>>
        %dma_start3A_467 = tpu.memref_slice %arg19[%multiple_of3A_464] : memref<32768000xf32, #tpu.memory_space<hbm>> -> memref<1024xf32, #tpu.memory_space<hbm>>
        %dma_start3A_468 = tpu.memref_slice %arg19[%multiple_of3A_464] : memref<32768000xf32, #tpu.memory_space<hbm>> -> memref<1024xf32, #tpu.memory_space<hbm>>
        %dma_start3A_469 = arith.constant 1024 : i32
        %dma_start3A_470 = tpu.memref_slice %arg25[%dma_start3A_469] : memref<5120xf32, #tpu.memory_space<vmem>> -> memref<1024xf32, #tpu.memory_space<vmem>>
        tpu.enqueue_dma source(%dma_start3A_470 : memref<1024xf32, #tpu.memory_space<vmem>>) target(%dma_start3A_468 : memref<1024xf32, #tpu.memory_space<hbm>>) target_semaphore(%arg30 : memref<!tpu.dma_semaphore, #tpu.memory_space<semaphore_mem>>)
        %mul3A_471 = arith.constant 5 : i32
        %mul3A_472 = arith.muli %add3A_283, %mul3A_471 : i32
        %add3A_473 = arith.constant 2 : i32
        %add3A_474 = arith.addi %mul3A_472, %add3A_473 : i32
        %mul3A_475 = arith.constant 10 : i32
        %mul3A_476 = arith.muli %add3A_474, %mul3A_475 : i32
        %add3A_477 = arith.constant 0 : i32
        %add3A_478 = arith.addi %mul3A_476, %add3A_477 : i32
        %mul3A_479 = arith.constant 64 : i32
        %mul3A_480 = arith.muli %add3A_478, %mul3A_479 : i32
        %mul3A_481 = arith.constant 1024 : i32
        %mul3A_482 = arith.muli %mul3A_480, %mul3A_481 : i32
        %mul3A_483 = arith.constant 1024 : i32
        %mul3A_484 = arith.muli %add3A_11, %mul3A_483 : i32
        %add3A_485 = arith.addi %mul3A_482, %mul3A_484 : i32
        %multiple_of3A_486 = tpu.assume_multiple %add3A_485, 1024 : i32
        %dma_start3A_487 = arith.constant 2048 : i32
        %dma_start3A_488 = tpu.memref_slice %arg25[%dma_start3A_487] : memref<5120xf32, #tpu.memory_space<vmem>> -> memref<1024xf32, #tpu.memory_space<vmem>>
        %dma_start3A_489 = tpu.memref_slice %arg19[%multiple_of3A_486] : memref<32768000xf32, #tpu.memory_space<hbm>> -> memref<1024xf32, #tpu.memory_space<hbm>>
        %dma_start3A_490 = tpu.memref_slice %arg19[%multiple_of3A_486] : memref<32768000xf32, #tpu.memory_space<hbm>> -> memref<1024xf32, #tpu.memory_space<hbm>>
        %dma_start3A_491 = arith.constant 2048 : i32
        %dma_start3A_492 = tpu.memref_slice %arg25[%dma_start3A_491] : memref<5120xf32, #tpu.memory_space<vmem>> -> memref<1024xf32, #tpu.memory_space<vmem>>
        tpu.enqueue_dma source(%dma_start3A_492 : memref<1024xf32, #tpu.memory_space<vmem>>) target(%dma_start3A_490 : memref<1024xf32, #tpu.memory_space<hbm>>) target_semaphore(%arg30 : memref<!tpu.dma_semaphore, #tpu.memory_space<semaphore_mem>>)
        %mul3A_493 = arith.constant 5 : i32
        %mul3A_494 = arith.muli %add3A_283, %mul3A_493 : i32
        %add3A_495 = arith.constant 3 : i32
        %add3A_496 = arith.addi %mul3A_494, %add3A_495 : i32
        %mul3A_497 = arith.constant 10 : i32
        %mul3A_498 = arith.muli %add3A_496, %mul3A_497 : i32
        %add3A_499 = arith.constant 0 : i32
        %add3A_500 = arith.addi %mul3A_498, %add3A_499 : i32
        %mul3A_501 = arith.constant 64 : i32
        %mul3A_502 = arith.muli %add3A_500, %mul3A_501 : i32
        %mul3A_503 = arith.constant 1024 : i32
        %mul3A_504 = arith.muli %mul3A_502, %mul3A_503 : i32
        %mul3A_505 = arith.constant 1024 : i32
        %mul3A_506 = arith.muli %add3A_11, %mul3A_505 : i32
        %add3A_507 = arith.addi %mul3A_504, %mul3A_506 : i32
        %multiple_of3A_508 = tpu.assume_multiple %add3A_507, 1024 : i32
        %dma_start3A_509 = arith.constant 3072 : i32
        %dma_start3A_510 = tpu.memref_slice %arg25[%dma_start3A_509] : memref<5120xf32, #tpu.memory_space<vmem>> -> memref<1024xf32, #tpu.memory_space<vmem>>
        %dma_start3A_511 = tpu.memref_slice %arg19[%multiple_of3A_508] : memref<32768000xf32, #tpu.memory_space<hbm>> -> memref<1024xf32, #tpu.memory_space<hbm>>
        %dma_start3A_512 = tpu.memref_slice %arg19[%multiple_of3A_508] : memref<32768000xf32, #tpu.memory_space<hbm>> -> memref<1024xf32, #tpu.memory_space<hbm>>
        %dma_start3A_513 = arith.constant 3072 : i32
        %dma_start3A_514 = tpu.memref_slice %arg25[%dma_start3A_513] : memref<5120xf32, #tpu.memory_space<vmem>> -> memref<1024xf32, #tpu.memory_space<vmem>>
        tpu.enqueue_dma source(%dma_start3A_514 : memref<1024xf32, #tpu.memory_space<vmem>>) target(%dma_start3A_512 : memref<1024xf32, #tpu.memory_space<hbm>>) target_semaphore(%arg30 : memref<!tpu.dma_semaphore, #tpu.memory_space<semaphore_mem>>)
        %mul3A_515 = arith.constant 5 : i32
        %mul3A_516 = arith.muli %add3A_283, %mul3A_515 : i32
        %add3A_517 = arith.constant 4 : i32
        %add3A_518 = arith.addi %mul3A_516, %add3A_517 : i32
        %mul3A_519 = arith.constant 10 : i32
        %mul3A_520 = arith.muli %add3A_518, %mul3A_519 : i32
        %add3A_521 = arith.constant 0 : i32
        %add3A_522 = arith.addi %mul3A_520, %add3A_521 : i32
        %mul3A_523 = arith.constant 64 : i32
        %mul3A_524 = arith.muli %add3A_522, %mul3A_523 : i32
        %mul3A_525 = arith.constant 1024 : i32
        %mul3A_526 = arith.muli %mul3A_524, %mul3A_525 : i32
        %mul3A_527 = arith.constant 1024 : i32
        %mul3A_528 = arith.muli %add3A_11, %mul3A_527 : i32
        %add3A_529 = arith.addi %mul3A_526, %mul3A_528 : i32
        %multiple_of3A_530 = tpu.assume_multiple %add3A_529, 1024 : i32
        %dma_start3A_531 = arith.constant 4096 : i32
        %dma_start3A_532 = tpu.memref_slice %arg25[%dma_start3A_531] : memref<5120xf32, #tpu.memory_space<vmem>> -> memref<1024xf32, #tpu.memory_space<vmem>>
        %dma_start3A_533 = tpu.memref_slice %arg19[%multiple_of3A_530] : memref<32768000xf32, #tpu.memory_space<hbm>> -> memref<1024xf32, #tpu.memory_space<hbm>>
        %dma_start3A_534 = tpu.memref_slice %arg19[%multiple_of3A_530] : memref<32768000xf32, #tpu.memory_space<hbm>> -> memref<1024xf32, #tpu.memory_space<hbm>>
        %dma_start3A_535 = arith.constant 4096 : i32
        %dma_start3A_536 = tpu.memref_slice %arg25[%dma_start3A_535] : memref<5120xf32, #tpu.memory_space<vmem>> -> memref<1024xf32, #tpu.memory_space<vmem>>
        tpu.enqueue_dma source(%dma_start3A_536 : memref<1024xf32, #tpu.memory_space<vmem>>) target(%dma_start3A_534 : memref<1024xf32, #tpu.memory_space<hbm>>) target_semaphore(%arg30 : memref<!tpu.dma_semaphore, #tpu.memory_space<semaphore_mem>>)
        %scan3A_537 = arith.constant 0 : i32
        scf.yield %scan3A_537 : i32
      }
      %scan3A_37 = arith.constant 5 : i32
      %dma_wait3A_38 = arith.constant 0 : i32
      %dma_wait3A_39 = tpu.memref_slice %arg9[%dma_wait3A_38] : memref<51200xi32, #tpu.memory_space<hbm>> -> memref<5120xi32, #tpu.memory_space<hbm>>
      %dma_wait3A_40 = arith.constant 0 : i32
      %dma_wait3A_41 = tpu.memref_slice %arg9[%dma_wait3A_40] : memref<51200xi32, #tpu.memory_space<hbm>> -> memref<5120xi32, #tpu.memory_space<hbm>>
      tpu.wait_dma2 semaphore(%arg27 : memref<!tpu.dma_semaphore, #tpu.memory_space<semaphore_mem>>) src(%dma_wait3A_41 : memref<5120xi32, #tpu.memory_space<hbm>>) dst(%arg22 : memref<5120xi32, #tpu.memory_space<vmem>>)
      %dma_wait3A_42 = arith.constant 0 : i32
      %dma_wait3A_43 = tpu.memref_slice %arg19[%dma_wait3A_42] : memref<32768000xf32, #tpu.memory_space<hbm>> -> memref<5120xf32, #tpu.memory_space<hbm>>
      %dma_wait3A_44 = arith.constant 0 : i32
      %dma_wait3A_45 = tpu.memref_slice %arg19[%dma_wait3A_44] : memref<32768000xf32, #tpu.memory_space<hbm>> -> memref<5120xf32, #tpu.memory_space<hbm>>
      tpu.wait_dma2 semaphore(%arg29 : memref<!tpu.dma_semaphore, #tpu.memory_space<semaphore_mem>>) src(%dma_wait3A_45 : memref<5120xf32, #tpu.memory_space<hbm>>) dst(%arg24 : memref<5120xf32, #tpu.memory_space<vmem>>)
      %dma_wait3A_46 = arith.constant 0 : i32
      %dma_wait3A_47 = tpu.memref_slice %arg19[%dma_wait3A_46] : memref<32768000xf32, #tpu.memory_space<hbm>> -> memref<5120xf32, #tpu.memory_space<hbm>>
      %dma_wait3A_48 = arith.constant 0 : i32
      %dma_wait3A_49 = tpu.memref_slice %arg19[%dma_wait3A_48] : memref<32768000xf32, #tpu.memory_space<hbm>> -> memref<5120xf32, #tpu.memory_space<hbm>>
      tpu.wait_dma2 semaphore(%arg30 : memref<!tpu.dma_semaphore, #tpu.memory_space<semaphore_mem>>) src(%dma_wait3A_49 : memref<5120xf32, #tpu.memory_space<hbm>>) dst(%arg25 : memref<5120xf32, #tpu.memory_space<vmem>>)
      %dma_start3A_50 = arith.constant 0 : i32
      %dma_start3A_51 = tpu.memref_slice %arg3[%add3A_11, %dma_start3A_50] : memref<64x100004xf32, #tpu.memory_space<hbm>> -> memref<1x100004xf32, #tpu.memory_space<hbm>>
      %dma_start3A_52 = tpu.memref_squeeze %dma_start3A_51 : memref<1x100004xf32, #tpu.memory_space<hbm>> -> memref<100004xf32, #tpu.memory_space<hbm>>
      %dma_start3A_53 = arith.constant 0 : i32
      %dma_start3A_54 = tpu.memref_slice %arg3[%add3A_11, %dma_start3A_53] : memref<64x100004xf32, #tpu.memory_space<hbm>> -> memref<1x100004xf32, #tpu.memory_space<hbm>>
      %dma_start3A_55 = tpu.memref_squeeze %dma_start3A_54 : memref<1x100004xf32, #tpu.memory_space<hbm>> -> memref<100004xf32, #tpu.memory_space<hbm>>
      tpu.enqueue_dma source(%dma_start3A_55 : memref<100004xf32, #tpu.memory_space<hbm>>) target(%arg20 : memref<100004xf32, #tpu.memory_space<vmem>>) target_semaphore(%arg26 : memref<!tpu.dma_semaphore, #tpu.memory_space<semaphore_mem>>)
      %scan3A_56 = arith.constant 0 : i32
      %scan3A_57 = arith.constant 0 : i32
      %scan3A_58 = arith.constant 10 : i32
      %scan3A_59 = arith.addi %scan3A_57, %scan3A_58 : i32
      %scan3A_60 = arith.constant 1 : i32
      %scan3A_61 = scf.for %scan3A_276 = %scan3A_57 to %scan3A_59 step %scan3A_60 iter_args(%scan3A_277 = %scan3A_56) -> (i32)  : i32 {
        %mul3A_278 = arith.constant 5120 : i32
        %mul3A_279 = arith.muli %scan3A_276, %mul3A_278 : i32
        %multiple_of3A_280 = tpu.assume_multiple %mul3A_279, 5120 : i32
        %dma_start3A_281 = tpu.memref_slice %arg16[%add3A_11, %multiple_of3A_280] : memref<64x51200xf32, #tpu.memory_space<hbm>> -> memref<1x5120xf32, #tpu.memory_space<hbm>>
        %dma_start3A_282 = tpu.memref_squeeze %dma_start3A_281 : memref<1x5120xf32, #tpu.memory_space<hbm>> -> memref<5120xf32, #tpu.memory_space<hbm>>
        %dma_start3A_283 = tpu.memref_slice %arg16[%add3A_11, %multiple_of3A_280] : memref<64x51200xf32, #tpu.memory_space<hbm>> -> memref<1x5120xf32, #tpu.memory_space<hbm>>
        %dma_start3A_284 = tpu.memref_squeeze %dma_start3A_283 : memref<1x5120xf32, #tpu.memory_space<hbm>> -> memref<5120xf32, #tpu.memory_space<hbm>>
        tpu.enqueue_dma source(%dma_start3A_284 : memref<5120xf32, #tpu.memory_space<hbm>>) target(%arg24 : memref<5120xf32, #tpu.memory_space<vmem>>) target_semaphore(%arg27 : memref<!tpu.dma_semaphore, #tpu.memory_space<semaphore_mem>>)
        %dma_wait3A_285 = tpu.memref_slice %arg16[%add3A_11, %multiple_of3A_280] : memref<64x51200xf32, #tpu.memory_space<hbm>> -> memref<1x5120xf32, #tpu.memory_space<hbm>>
        %dma_wait3A_286 = tpu.memref_squeeze %dma_wait3A_285 : memref<1x5120xf32, #tpu.memory_space<hbm>> -> memref<5120xf32, #tpu.memory_space<hbm>>
        %dma_wait3A_287 = tpu.memref_slice %arg16[%add3A_11, %multiple_of3A_280] : memref<64x51200xf32, #tpu.memory_space<hbm>> -> memref<1x5120xf32, #tpu.memory_space<hbm>>
        %dma_wait3A_288 = tpu.memref_squeeze %dma_wait3A_287 : memref<1x5120xf32, #tpu.memory_space<hbm>> -> memref<5120xf32, #tpu.memory_space<hbm>>
        tpu.wait_dma2 semaphore(%arg27 : memref<!tpu.dma_semaphore, #tpu.memory_space<semaphore_mem>>) src(%dma_wait3A_288 : memref<5120xf32, #tpu.memory_space<hbm>>) dst(%arg24 : memref<5120xf32, #tpu.memory_space<vmem>>)
        %mul3A_289 = arith.constant 5 : i32
        %mul3A_290 = arith.muli %scan3A_276, %mul3A_289 : i32
        %add3A_291 = arith.constant 0 : i32
        %add3A_292 = arith.addi %mul3A_290, %add3A_291 : i32
        %mul3A_293 = arith.constant 10 : i32
        %mul3A_294 = arith.muli %add3A_292, %mul3A_293 : i32
        %add3A_295 = arith.constant 6 : i32
        %add3A_296 = arith.addi %mul3A_294, %add3A_295 : i32
        %mul3A_297 = arith.constant 64 : i32
        %mul3A_298 = arith.muli %add3A_296, %mul3A_297 : i32
        %mul3A_299 = arith.constant 1024 : i32
        %mul3A_300 = arith.muli %mul3A_298, %mul3A_299 : i32
        %mul3A_301 = arith.constant 1024 : i32
        %mul3A_302 = arith.muli %add3A_11, %mul3A_301 : i32
        %add3A_303 = arith.addi %mul3A_300, %mul3A_302 : i32
        %multiple_of3A_304 = tpu.assume_multiple %add3A_303, 1024 : i32
        %dma_start3A_305 = arith.constant 0 : i32
        %dma_start3A_306 = tpu.memref_slice %arg24[%dma_start3A_305] : memref<5120xf32, #tpu.memory_space<vmem>> -> memref<1024xf32, #tpu.memory_space<vmem>>
        %dma_start3A_307 = tpu.memref_slice %arg19[%multiple_of3A_304] : memref<32768000xf32, #tpu.memory_space<hbm>> -> memref<1024xf32, #tpu.memory_space<hbm>>
        %dma_start3A_308 = tpu.memref_slice %arg19[%multiple_of3A_304] : memref<32768000xf32, #tpu.memory_space<hbm>> -> memref<1024xf32, #tpu.memory_space<hbm>>
        %dma_start3A_309 = arith.constant 0 : i32
        %dma_start3A_310 = tpu.memref_slice %arg24[%dma_start3A_309] : memref<5120xf32, #tpu.memory_space<vmem>> -> memref<1024xf32, #tpu.memory_space<vmem>>
        tpu.enqueue_dma source(%dma_start3A_310 : memref<1024xf32, #tpu.memory_space<vmem>>) target(%dma_start3A_308 : memref<1024xf32, #tpu.memory_space<hbm>>) target_semaphore(%arg29 : memref<!tpu.dma_semaphore, #tpu.memory_space<semaphore_mem>>)
        %mul3A_311 = arith.constant 5 : i32
        %mul3A_312 = arith.muli %scan3A_276, %mul3A_311 : i32
        %add3A_313 = arith.constant 1 : i32
        %add3A_314 = arith.addi %mul3A_312, %add3A_313 : i32
        %mul3A_315 = arith.constant 10 : i32
        %mul3A_316 = arith.muli %add3A_314, %mul3A_315 : i32
        %add3A_317 = arith.constant 6 : i32
        %add3A_318 = arith.addi %mul3A_316, %add3A_317 : i32
        %mul3A_319 = arith.constant 64 : i32
        %mul3A_320 = arith.muli %add3A_318, %mul3A_319 : i32
        %mul3A_321 = arith.constant 1024 : i32
        %mul3A_322 = arith.muli %mul3A_320, %mul3A_321 : i32
        %mul3A_323 = arith.constant 1024 : i32
        %mul3A_324 = arith.muli %add3A_11, %mul3A_323 : i32
        %add3A_325 = arith.addi %mul3A_322, %mul3A_324 : i32
        %multiple_of3A_326 = tpu.assume_multiple %add3A_325, 1024 : i32
        %dma_start3A_327 = arith.constant 1024 : i32
        %dma_start3A_328 = tpu.memref_slice %arg24[%dma_start3A_327] : memref<5120xf32, #tpu.memory_space<vmem>> -> memref<1024xf32, #tpu.memory_space<vmem>>
        %dma_start3A_329 = tpu.memref_slice %arg19[%multiple_of3A_326] : memref<32768000xf32, #tpu.memory_space<hbm>> -> memref<1024xf32, #tpu.memory_space<hbm>>
        %dma_start3A_330 = tpu.memref_slice %arg19[%multiple_of3A_326] : memref<32768000xf32, #tpu.memory_space<hbm>> -> memref<1024xf32, #tpu.memory_space<hbm>>
        %dma_start3A_331 = arith.constant 1024 : i32
        %dma_start3A_332 = tpu.memref_slice %arg24[%dma_start3A_331] : memref<5120xf32, #tpu.memory_space<vmem>> -> memref<1024xf32, #tpu.memory_space<vmem>>
        tpu.enqueue_dma source(%dma_start3A_332 : memref<1024xf32, #tpu.memory_space<vmem>>) target(%dma_start3A_330 : memref<1024xf32, #tpu.memory_space<hbm>>) target_semaphore(%arg29 : memref<!tpu.dma_semaphore, #tpu.memory_space<semaphore_mem>>)
        %mul3A_333 = arith.constant 5 : i32
        %mul3A_334 = arith.muli %scan3A_276, %mul3A_333 : i32
        %add3A_335 = arith.constant 2 : i32
        %add3A_336 = arith.addi %mul3A_334, %add3A_335 : i32
        %mul3A_337 = arith.constant 10 : i32
        %mul3A_338 = arith.muli %add3A_336, %mul3A_337 : i32
        %add3A_339 = arith.constant 6 : i32
        %add3A_340 = arith.addi %mul3A_338, %add3A_339 : i32
        %mul3A_341 = arith.constant 64 : i32
        %mul3A_342 = arith.muli %add3A_340, %mul3A_341 : i32
        %mul3A_343 = arith.constant 1024 : i32
        %mul3A_344 = arith.muli %mul3A_342, %mul3A_343 : i32
        %mul3A_345 = arith.constant 1024 : i32
        %mul3A_346 = arith.muli %add3A_11, %mul3A_345 : i32
        %add3A_347 = arith.addi %mul3A_344, %mul3A_346 : i32
        %multiple_of3A_348 = tpu.assume_multiple %add3A_347, 1024 : i32
        %dma_start3A_349 = arith.constant 2048 : i32
        %dma_start3A_350 = tpu.memref_slice %arg24[%dma_start3A_349] : memref<5120xf32, #tpu.memory_space<vmem>> -> memref<1024xf32, #tpu.memory_space<vmem>>
        %dma_start3A_351 = tpu.memref_slice %arg19[%multiple_of3A_348] : memref<32768000xf32, #tpu.memory_space<hbm>> -> memref<1024xf32, #tpu.memory_space<hbm>>
        %dma_start3A_352 = tpu.memref_slice %arg19[%multiple_of3A_348] : memref<32768000xf32, #tpu.memory_space<hbm>> -> memref<1024xf32, #tpu.memory_space<hbm>>
        %dma_start3A_353 = arith.constant 2048 : i32
        %dma_start3A_354 = tpu.memref_slice %arg24[%dma_start3A_353] : memref<5120xf32, #tpu.memory_space<vmem>> -> memref<1024xf32, #tpu.memory_space<vmem>>
        tpu.enqueue_dma source(%dma_start3A_354 : memref<1024xf32, #tpu.memory_space<vmem>>) target(%dma_start3A_352 : memref<1024xf32, #tpu.memory_space<hbm>>) target_semaphore(%arg29 : memref<!tpu.dma_semaphore, #tpu.memory_space<semaphore_mem>>)
        %mul3A_355 = arith.constant 5 : i32
        %mul3A_356 = arith.muli %scan3A_276, %mul3A_355 : i32
        %add3A_357 = arith.constant 3 : i32
        %add3A_358 = arith.addi %mul3A_356, %add3A_357 : i32
        %mul3A_359 = arith.constant 10 : i32
        %mul3A_360 = arith.muli %add3A_358, %mul3A_359 : i32
        %add3A_361 = arith.constant 6 : i32
        %add3A_362 = arith.addi %mul3A_360, %add3A_361 : i32
        %mul3A_363 = arith.constant 64 : i32
        %mul3A_364 = arith.muli %add3A_362, %mul3A_363 : i32
        %mul3A_365 = arith.constant 1024 : i32
        %mul3A_366 = arith.muli %mul3A_364, %mul3A_365 : i32
        %mul3A_367 = arith.constant 1024 : i32
        %mul3A_368 = arith.muli %add3A_11, %mul3A_367 : i32
        %add3A_369 = arith.addi %mul3A_366, %mul3A_368 : i32
        %multiple_of3A_370 = tpu.assume_multiple %add3A_369, 1024 : i32
        %dma_start3A_371 = arith.constant 3072 : i32
        %dma_start3A_372 = tpu.memref_slice %arg24[%dma_start3A_371] : memref<5120xf32, #tpu.memory_space<vmem>> -> memref<1024xf32, #tpu.memory_space<vmem>>
        %dma_start3A_373 = tpu.memref_slice %arg19[%multiple_of3A_370] : memref<32768000xf32, #tpu.memory_space<hbm>> -> memref<1024xf32, #tpu.memory_space<hbm>>
        %dma_start3A_374 = tpu.memref_slice %arg19[%multiple_of3A_370] : memref<32768000xf32, #tpu.memory_space<hbm>> -> memref<1024xf32, #tpu.memory_space<hbm>>
        %dma_start3A_375 = arith.constant 3072 : i32
        %dma_start3A_376 = tpu.memref_slice %arg24[%dma_start3A_375] : memref<5120xf32, #tpu.memory_space<vmem>> -> memref<1024xf32, #tpu.memory_space<vmem>>
        tpu.enqueue_dma source(%dma_start3A_376 : memref<1024xf32, #tpu.memory_space<vmem>>) target(%dma_start3A_374 : memref<1024xf32, #tpu.memory_space<hbm>>) target_semaphore(%arg29 : memref<!tpu.dma_semaphore, #tpu.memory_space<semaphore_mem>>)
        %mul3A_377 = arith.constant 5 : i32
        %mul3A_378 = arith.muli %scan3A_276, %mul3A_377 : i32
        %add3A_379 = arith.constant 4 : i32
        %add3A_380 = arith.addi %mul3A_378, %add3A_379 : i32
        %mul3A_381 = arith.constant 10 : i32
        %mul3A_382 = arith.muli %add3A_380, %mul3A_381 : i32
        %add3A_383 = arith.constant 6 : i32
        %add3A_384 = arith.addi %mul3A_382, %add3A_383 : i32
        %mul3A_385 = arith.constant 64 : i32
        %mul3A_386 = arith.muli %add3A_384, %mul3A_385 : i32
        %mul3A_387 = arith.constant 1024 : i32
        %mul3A_388 = arith.muli %mul3A_386, %mul3A_387 : i32
        %mul3A_389 = arith.constant 1024 : i32
        %mul3A_390 = arith.muli %add3A_11, %mul3A_389 : i32
        %add3A_391 = arith.addi %mul3A_388, %mul3A_390 : i32
        %multiple_of3A_392 = tpu.assume_multiple %add3A_391, 1024 : i32
        %dma_start3A_393 = arith.constant 4096 : i32
        %dma_start3A_394 = tpu.memref_slice %arg24[%dma_start3A_393] : memref<5120xf32, #tpu.memory_space<vmem>> -> memref<1024xf32, #tpu.memory_space<vmem>>
        %dma_start3A_395 = tpu.memref_slice %arg19[%multiple_of3A_392] : memref<32768000xf32, #tpu.memory_space<hbm>> -> memref<1024xf32, #tpu.memory_space<hbm>>
        %dma_start3A_396 = tpu.memref_slice %arg19[%multiple_of3A_392] : memref<32768000xf32, #tpu.memory_space<hbm>> -> memref<1024xf32, #tpu.memory_space<hbm>>
        %dma_start3A_397 = arith.constant 4096 : i32
        %dma_start3A_398 = tpu.memref_slice %arg24[%dma_start3A_397] : memref<5120xf32, #tpu.memory_space<vmem>> -> memref<1024xf32, #tpu.memory_space<vmem>>
        tpu.enqueue_dma source(%dma_start3A_398 : memref<1024xf32, #tpu.memory_space<vmem>>) target(%dma_start3A_396 : memref<1024xf32, #tpu.memory_space<hbm>>) target_semaphore(%arg29 : memref<!tpu.dma_semaphore, #tpu.memory_space<semaphore_mem>>)
        %dma_wait3A_399 = arith.constant 0 : i32
        %dma_wait3A_400 = tpu.memref_slice %arg19[%dma_wait3A_399] : memref<32768000xf32, #tpu.memory_space<hbm>> -> memref<5120xf32, #tpu.memory_space<hbm>>
        %dma_wait3A_401 = arith.constant 0 : i32
        %dma_wait3A_402 = tpu.memref_slice %arg19[%dma_wait3A_401] : memref<32768000xf32, #tpu.memory_space<hbm>> -> memref<5120xf32, #tpu.memory_space<hbm>>
        tpu.wait_dma2 semaphore(%arg29 : memref<!tpu.dma_semaphore, #tpu.memory_space<semaphore_mem>>) src(%dma_wait3A_402 : memref<5120xf32, #tpu.memory_space<hbm>>) dst(%arg24 : memref<5120xf32, #tpu.memory_space<vmem>>)
        %scan3A_403 = arith.constant 0 : i32
        scf.yield %scan3A_403 : i32
      }
      %scan3A_62 = arith.constant 10 : i32
      %dma_wait3A_63 = arith.constant 0 : i32
      %dma_wait3A_64 = tpu.memref_slice %arg3[%add3A_11, %dma_wait3A_63] : memref<64x100004xf32, #tpu.memory_space<hbm>> -> memref<1x100004xf32, #tpu.memory_space<hbm>>
      %dma_wait3A_65 = tpu.memref_squeeze %dma_wait3A_64 : memref<1x100004xf32, #tpu.memory_space<hbm>> -> memref<100004xf32, #tpu.memory_space<hbm>>
      %dma_wait3A_66 = arith.constant 0 : i32
      %dma_wait3A_67 = tpu.memref_slice %arg3[%add3A_11, %dma_wait3A_66] : memref<64x100004xf32, #tpu.memory_space<hbm>> -> memref<1x100004xf32, #tpu.memory_space<hbm>>
      %dma_wait3A_68 = tpu.memref_squeeze %dma_wait3A_67 : memref<1x100004xf32, #tpu.memory_space<hbm>> -> memref<100004xf32, #tpu.memory_space<hbm>>
      tpu.wait_dma2 semaphore(%arg26 : memref<!tpu.dma_semaphore, #tpu.memory_space<semaphore_mem>>) src(%dma_wait3A_68 : memref<100004xf32, #tpu.memory_space<hbm>>) dst(%arg20 : memref<100004xf32, #tpu.memory_space<vmem>>)
      %multiple_of3A_69 = arith.constant 0 : i32
      %multiple_of3A_70 = tpu.assume_multiple %multiple_of3A_69, 5120 : i32
      %dma_start3A_71 = tpu.memref_slice %arg10[%multiple_of3A_70] : memref<51200xi32, #tpu.memory_space<hbm>> -> memref<5120xi32, #tpu.memory_space<hbm>>
      %dma_start3A_72 = tpu.memref_slice %arg10[%multiple_of3A_70] : memref<51200xi32, #tpu.memory_space<hbm>> -> memref<5120xi32, #tpu.memory_space<hbm>>
      tpu.enqueue_dma source(%dma_start3A_72 : memref<5120xi32, #tpu.memory_space<hbm>>) target(%arg22 : memref<5120xi32, #tpu.memory_space<vmem>>) target_semaphore(%arg27 : memref<!tpu.dma_semaphore, #tpu.memory_space<semaphore_mem>>)
      %scan3A_73 = arith.constant 0 : i32
      %scan3A_74 = arith.constant 0 : i32
      %scan3A_75 = arith.constant 5 : i32
      %scan3A_76 = arith.addi %scan3A_74, %scan3A_75 : i32
      %scan3A_77 = arith.constant 1 : i32
      %scan3A_78 = scf.for %scan3A_276 = %scan3A_74 to %scan3A_76 step %scan3A_77 iter_args(%scan3A_277 = %scan3A_73) -> (i32)  : i32 {
        %mul3A_278 = arith.constant 2 : i32
        %mul3A_279 = arith.muli %mul3A_278, %scan3A_276 : i32
        %mul3A_280 = arith.constant 2 : i32
        %mul3A_281 = arith.muli %mul3A_280, %scan3A_276 : i32
        %add3A_282 = arith.constant 1 : i32
        %add3A_283 = arith.addi %mul3A_281, %add3A_282 : i32
        %mul3A_284 = arith.constant 5120 : i32
        %mul3A_285 = arith.muli %add3A_283, %mul3A_284 : i32
        %multiple_of3A_286 = tpu.assume_multiple %mul3A_285, 5120 : i32
        %dma_start3A_287 = tpu.memref_slice %arg10[%multiple_of3A_286] : memref<51200xi32, #tpu.memory_space<hbm>> -> memref<5120xi32, #tpu.memory_space<hbm>>
        %dma_start3A_288 = tpu.memref_slice %arg10[%multiple_of3A_286] : memref<51200xi32, #tpu.memory_space<hbm>> -> memref<5120xi32, #tpu.memory_space<hbm>>
        tpu.enqueue_dma source(%dma_start3A_288 : memref<5120xi32, #tpu.memory_space<hbm>>) target(%arg23 : memref<5120xi32, #tpu.memory_space<vmem>>) target_semaphore(%arg28 : memref<!tpu.dma_semaphore, #tpu.memory_space<semaphore_mem>>)
        %dma_wait3A_289 = arith.constant 0 : i32
        %dma_wait3A_290 = tpu.memref_slice %arg9[%dma_wait3A_289] : memref<51200xi32, #tpu.memory_space<hbm>> -> memref<5120xi32, #tpu.memory_space<hbm>>
        %dma_wait3A_291 = arith.constant 0 : i32
        %dma_wait3A_292 = tpu.memref_slice %arg9[%dma_wait3A_291] : memref<51200xi32, #tpu.memory_space<hbm>> -> memref<5120xi32, #tpu.memory_space<hbm>>
        tpu.wait_dma2 semaphore(%arg27 : memref<!tpu.dma_semaphore, #tpu.memory_space<semaphore_mem>>) src(%dma_wait3A_292 : memref<5120xi32, #tpu.memory_space<hbm>>) dst(%arg22 : memref<5120xi32, #tpu.memory_space<vmem>>)
        %gt3A = arith.constant 0 : i32
        %gt3A_293 = arith.cmpi sgt, %scan3A_276, %gt3A : i32
        %convert_element_type3A = arith.extui %gt3A_293 : i1 to i32
        %cond3A = arith.constant 0 : i32
        %cond3A_294 = arith.cmpi ne, %convert_element_type3A, %cond3A : i32
        scf.if %cond3A_294 {
          %dma_wait3A_538 = arith.constant 0 : i32
          %dma_wait3A_539 = tpu.memref_slice %arg19[%dma_wait3A_538] : memref<32768000xf32, #tpu.memory_space<hbm>> -> memref<5120xf32, #tpu.memory_space<hbm>>
          %dma_wait3A_540 = arith.constant 0 : i32
          %dma_wait3A_541 = tpu.memref_slice %arg19[%dma_wait3A_540] : memref<32768000xf32, #tpu.memory_space<hbm>> -> memref<5120xf32, #tpu.memory_space<hbm>>
          tpu.wait_dma2 semaphore(%arg29 : memref<!tpu.dma_semaphore, #tpu.memory_space<semaphore_mem>>) src(%dma_wait3A_541 : memref<5120xf32, #tpu.memory_space<hbm>>) dst(%arg24 : memref<5120xf32, #tpu.memory_space<vmem>>)
        } else {
        }
        %parallel_loop3A = arith.constant 0 : i32
        %parallel_loop3A_295 = arith.constant 320 : i32
        %parallel_loop3A_296 = arith.constant 1 : i32
        scf.for %parallel_loop3A_538 = %parallel_loop3A to %parallel_loop3A_295 step %parallel_loop3A_296  : i32 {
          %parallel_loop3A_539 = arith.constant 16 : i32
          %parallel_loop3A_540 = arith.muli %parallel_loop3A_538, %parallel_loop3A_539 : i32
          %parallel_loop3A_541 = arith.index_cast %parallel_loop3A_540 : i32 to index
          %parallel_loop3A_542 = tpu.vector_load %arg22[%parallel_loop3A_541] {strides = array<i32>} : memref<5120xi32, #tpu.memory_space<vmem>>, vector<16xi32>,
          %parallel_loop3A_543 = tpu.vector_load_idx %arg20[%parallel_loop3A_542] : memref<100004xf32, #tpu.memory_space<vmem>>[vector<16xi32>], vector<16xf32>,
          %parallel_loop3A_544 = arith.index_cast %parallel_loop3A_540 : i32 to index
          %parallel_loop3A_545 = tpu.vector_load %arg24[%parallel_loop3A_544] {strides = array<i32>} : memref<5120xf32, #tpu.memory_space<vmem>>, vector<16xf32>,
          tpu.vector_store %arg24[%parallel_loop3A_544], %parallel_loop3A_543 {strides = array<i32>} : memref<5120xf32, #tpu.memory_space<vmem>>, vector<16xf32>,
        } {sc.loop_unroll_factor = 8 : i64, sc.parallel_access}
        %mul3A_297 = arith.constant 5 : i32
        %mul3A_298 = arith.muli %mul3A_279, %mul3A_297 : i32
        %add3A_299 = arith.constant 0 : i32
        %add3A_300 = arith.addi %mul3A_298, %add3A_299 : i32
        %mul3A_301 = arith.constant 10 : i32
        %mul3A_302 = arith.muli %add3A_300, %mul3A_301 : i32
        %add3A_303 = arith.constant 1 : i32
        %add3A_304 = arith.addi %mul3A_302, %add3A_303 : i32
        %mul3A_305 = arith.constant 64 : i32
        %mul3A_306 = arith.muli %add3A_304, %mul3A_305 : i32
        %mul3A_307 = arith.constant 1024 : i32
        %mul3A_308 = arith.muli %mul3A_306, %mul3A_307 : i32
        %mul3A_309 = arith.constant 1024 : i32
        %mul3A_310 = arith.muli %add3A_11, %mul3A_309 : i32
        %add3A_311 = arith.addi %mul3A_308, %mul3A_310 : i32
        %multiple_of3A_312 = tpu.assume_multiple %add3A_311, 1024 : i32
        %dma_start3A_313 = arith.constant 0 : i32
        %dma_start3A_314 = tpu.memref_slice %arg24[%dma_start3A_313] : memref<5120xf32, #tpu.memory_space<vmem>> -> memref<1024xf32, #tpu.memory_space<vmem>>
        %dma_start3A_315 = tpu.memref_slice %arg19[%multiple_of3A_312] : memref<32768000xf32, #tpu.memory_space<hbm>> -> memref<1024xf32, #tpu.memory_space<hbm>>
        %dma_start3A_316 = tpu.memref_slice %arg19[%multiple_of3A_312] : memref<32768000xf32, #tpu.memory_space<hbm>> -> memref<1024xf32, #tpu.memory_space<hbm>>
        %dma_start3A_317 = arith.constant 0 : i32
        %dma_start3A_318 = tpu.memref_slice %arg24[%dma_start3A_317] : memref<5120xf32, #tpu.memory_space<vmem>> -> memref<1024xf32, #tpu.memory_space<vmem>>
        tpu.enqueue_dma source(%dma_start3A_318 : memref<1024xf32, #tpu.memory_space<vmem>>) target(%dma_start3A_316 : memref<1024xf32, #tpu.memory_space<hbm>>) target_semaphore(%arg29 : memref<!tpu.dma_semaphore, #tpu.memory_space<semaphore_mem>>)
        %mul3A_319 = arith.constant 5 : i32
        %mul3A_320 = arith.muli %mul3A_279, %mul3A_319 : i32
        %add3A_321 = arith.constant 1 : i32
        %add3A_322 = arith.addi %mul3A_320, %add3A_321 : i32
        %mul3A_323 = arith.constant 10 : i32
        %mul3A_324 = arith.muli %add3A_322, %mul3A_323 : i32
        %add3A_325 = arith.constant 1 : i32
        %add3A_326 = arith.addi %mul3A_324, %add3A_325 : i32
        %mul3A_327 = arith.constant 64 : i32
        %mul3A_328 = arith.muli %add3A_326, %mul3A_327 : i32
        %mul3A_329 = arith.constant 1024 : i32
        %mul3A_330 = arith.muli %mul3A_328, %mul3A_329 : i32
        %mul3A_331 = arith.constant 1024 : i32
        %mul3A_332 = arith.muli %add3A_11, %mul3A_331 : i32
        %add3A_333 = arith.addi %mul3A_330, %mul3A_332 : i32
        %multiple_of3A_334 = tpu.assume_multiple %add3A_333, 1024 : i32
        %dma_start3A_335 = arith.constant 1024 : i32
        %dma_start3A_336 = tpu.memref_slice %arg24[%dma_start3A_335] : memref<5120xf32, #tpu.memory_space<vmem>> -> memref<1024xf32, #tpu.memory_space<vmem>>
        %dma_start3A_337 = tpu.memref_slice %arg19[%multiple_of3A_334] : memref<32768000xf32, #tpu.memory_space<hbm>> -> memref<1024xf32, #tpu.memory_space<hbm>>
        %dma_start3A_338 = tpu.memref_slice %arg19[%multiple_of3A_334] : memref<32768000xf32, #tpu.memory_space<hbm>> -> memref<1024xf32, #tpu.memory_space<hbm>>
        %dma_start3A_339 = arith.constant 1024 : i32
        %dma_start3A_340 = tpu.memref_slice %arg24[%dma_start3A_339] : memref<5120xf32, #tpu.memory_space<vmem>> -> memref<1024xf32, #tpu.memory_space<vmem>>
        tpu.enqueue_dma source(%dma_start3A_340 : memref<1024xf32, #tpu.memory_space<vmem>>) target(%dma_start3A_338 : memref<1024xf32, #tpu.memory_space<hbm>>) target_semaphore(%arg29 : memref<!tpu.dma_semaphore, #tpu.memory_space<semaphore_mem>>)
        %mul3A_341 = arith.constant 5 : i32
        %mul3A_342 = arith.muli %mul3A_279, %mul3A_341 : i32
        %add3A_343 = arith.constant 2 : i32
        %add3A_344 = arith.addi %mul3A_342, %add3A_343 : i32
        %mul3A_345 = arith.constant 10 : i32
        %mul3A_346 = arith.muli %add3A_344, %mul3A_345 : i32
        %add3A_347 = arith.constant 1 : i32
        %add3A_348 = arith.addi %mul3A_346, %add3A_347 : i32
        %mul3A_349 = arith.constant 64 : i32
        %mul3A_350 = arith.muli %add3A_348, %mul3A_349 : i32
        %mul3A_351 = arith.constant 1024 : i32
        %mul3A_352 = arith.muli %mul3A_350, %mul3A_351 : i32
        %mul3A_353 = arith.constant 1024 : i32
        %mul3A_354 = arith.muli %add3A_11, %mul3A_353 : i32
        %add3A_355 = arith.addi %mul3A_352, %mul3A_354 : i32
        %multiple_of3A_356 = tpu.assume_multiple %add3A_355, 1024 : i32
        %dma_start3A_357 = arith.constant 2048 : i32
        %dma_start3A_358 = tpu.memref_slice %arg24[%dma_start3A_357] : memref<5120xf32, #tpu.memory_space<vmem>> -> memref<1024xf32, #tpu.memory_space<vmem>>
        %dma_start3A_359 = tpu.memref_slice %arg19[%multiple_of3A_356] : memref<32768000xf32, #tpu.memory_space<hbm>> -> memref<1024xf32, #tpu.memory_space<hbm>>
        %dma_start3A_360 = tpu.memref_slice %arg19[%multiple_of3A_356] : memref<32768000xf32, #tpu.memory_space<hbm>> -> memref<1024xf32, #tpu.memory_space<hbm>>
        %dma_start3A_361 = arith.constant 2048 : i32
        %dma_start3A_362 = tpu.memref_slice %arg24[%dma_start3A_361] : memref<5120xf32, #tpu.memory_space<vmem>> -> memref<1024xf32, #tpu.memory_space<vmem>>
        tpu.enqueue_dma source(%dma_start3A_362 : memref<1024xf32, #tpu.memory_space<vmem>>) target(%dma_start3A_360 : memref<1024xf32, #tpu.memory_space<hbm>>) target_semaphore(%arg29 : memref<!tpu.dma_semaphore, #tpu.memory_space<semaphore_mem>>)
        %mul3A_363 = arith.constant 5 : i32
        %mul3A_364 = arith.muli %mul3A_279, %mul3A_363 : i32
        %add3A_365 = arith.constant 3 : i32
        %add3A_366 = arith.addi %mul3A_364, %add3A_365 : i32
        %mul3A_367 = arith.constant 10 : i32
        %mul3A_368 = arith.muli %add3A_366, %mul3A_367 : i32
        %add3A_369 = arith.constant 1 : i32
        %add3A_370 = arith.addi %mul3A_368, %add3A_369 : i32
        %mul3A_371 = arith.constant 64 : i32
        %mul3A_372 = arith.muli %add3A_370, %mul3A_371 : i32
        %mul3A_373 = arith.constant 1024 : i32
        %mul3A_374 = arith.muli %mul3A_372, %mul3A_373 : i32
        %mul3A_375 = arith.constant 1024 : i32
        %mul3A_376 = arith.muli %add3A_11, %mul3A_375 : i32
        %add3A_377 = arith.addi %mul3A_374, %mul3A_376 : i32
        %multiple_of3A_378 = tpu.assume_multiple %add3A_377, 1024 : i32
        %dma_start3A_379 = arith.constant 3072 : i32
        %dma_start3A_380 = tpu.memref_slice %arg24[%dma_start3A_379] : memref<5120xf32, #tpu.memory_space<vmem>> -> memref<1024xf32, #tpu.memory_space<vmem>>
        %dma_start3A_381 = tpu.memref_slice %arg19[%multiple_of3A_378] : memref<32768000xf32, #tpu.memory_space<hbm>> -> memref<1024xf32, #tpu.memory_space<hbm>>
        %dma_start3A_382 = tpu.memref_slice %arg19[%multiple_of3A_378] : memref<32768000xf32, #tpu.memory_space<hbm>> -> memref<1024xf32, #tpu.memory_space<hbm>>
        %dma_start3A_383 = arith.constant 3072 : i32
        %dma_start3A_384 = tpu.memref_slice %arg24[%dma_start3A_383] : memref<5120xf32, #tpu.memory_space<vmem>> -> memref<1024xf32, #tpu.memory_space<vmem>>
        tpu.enqueue_dma source(%dma_start3A_384 : memref<1024xf32, #tpu.memory_space<vmem>>) target(%dma_start3A_382 : memref<1024xf32, #tpu.memory_space<hbm>>) target_semaphore(%arg29 : memref<!tpu.dma_semaphore, #tpu.memory_space<semaphore_mem>>)
        %mul3A_385 = arith.constant 5 : i32
        %mul3A_386 = arith.muli %mul3A_279, %mul3A_385 : i32
        %add3A_387 = arith.constant 4 : i32
        %add3A_388 = arith.addi %mul3A_386, %add3A_387 : i32
        %mul3A_389 = arith.constant 10 : i32
        %mul3A_390 = arith.muli %add3A_388, %mul3A_389 : i32
        %add3A_391 = arith.constant 1 : i32
        %add3A_392 = arith.addi %mul3A_390, %add3A_391 : i32
        %mul3A_393 = arith.constant 64 : i32
        %mul3A_394 = arith.muli %add3A_392, %mul3A_393 : i32
        %mul3A_395 = arith.constant 1024 : i32
        %mul3A_396 = arith.muli %mul3A_394, %mul3A_395 : i32
        %mul3A_397 = arith.constant 1024 : i32
        %mul3A_398 = arith.muli %add3A_11, %mul3A_397 : i32
        %add3A_399 = arith.addi %mul3A_396, %mul3A_398 : i32
        %multiple_of3A_400 = tpu.assume_multiple %add3A_399, 1024 : i32
        %dma_start3A_401 = arith.constant 4096 : i32
        %dma_start3A_402 = tpu.memref_slice %arg24[%dma_start3A_401] : memref<5120xf32, #tpu.memory_space<vmem>> -> memref<1024xf32, #tpu.memory_space<vmem>>
        %dma_start3A_403 = tpu.memref_slice %arg19[%multiple_of3A_400] : memref<32768000xf32, #tpu.memory_space<hbm>> -> memref<1024xf32, #tpu.memory_space<hbm>>
        %dma_start3A_404 = tpu.memref_slice %arg19[%multiple_of3A_400] : memref<32768000xf32, #tpu.memory_space<hbm>> -> memref<1024xf32, #tpu.memory_space<hbm>>
        %dma_start3A_405 = arith.constant 4096 : i32
        %dma_start3A_406 = tpu.memref_slice %arg24[%dma_start3A_405] : memref<5120xf32, #tpu.memory_space<vmem>> -> memref<1024xf32, #tpu.memory_space<vmem>>
        tpu.enqueue_dma source(%dma_start3A_406 : memref<1024xf32, #tpu.memory_space<vmem>>) target(%dma_start3A_404 : memref<1024xf32, #tpu.memory_space<hbm>>) target_semaphore(%arg29 : memref<!tpu.dma_semaphore, #tpu.memory_space<semaphore_mem>>)
        %add3A_407 = arith.constant 1 : i32
        %add3A_408 = arith.addi %add3A_283, %add3A_407 : i32
        %rem3A = arith.constant 10 : i32
        %rem3A_409 = arith.remsi %add3A_408, %rem3A : i32
        %mul3A_410 = arith.constant 5120 : i32
        %mul3A_411 = arith.muli %rem3A_409, %mul3A_410 : i32
        %multiple_of3A_412 = tpu.assume_multiple %mul3A_411, 5120 : i32
        %dma_start3A_413 = tpu.memref_slice %arg10[%multiple_of3A_412] : memref<51200xi32, #tpu.memory_space<hbm>> -> memref<5120xi32, #tpu.memory_space<hbm>>
        %dma_start3A_414 = tpu.memref_slice %arg10[%multiple_of3A_412] : memref<51200xi32, #tpu.memory_space<hbm>> -> memref<5120xi32, #tpu.memory_space<hbm>>
        tpu.enqueue_dma source(%dma_start3A_414 : memref<5120xi32, #tpu.memory_space<hbm>>) target(%arg22 : memref<5120xi32, #tpu.memory_space<vmem>>) target_semaphore(%arg27 : memref<!tpu.dma_semaphore, #tpu.memory_space<semaphore_mem>>)
        %dma_wait3A_415 = arith.constant 0 : i32
        %dma_wait3A_416 = tpu.memref_slice %arg9[%dma_wait3A_415] : memref<51200xi32, #tpu.memory_space<hbm>> -> memref<5120xi32, #tpu.memory_space<hbm>>
        %dma_wait3A_417 = arith.constant 0 : i32
        %dma_wait3A_418 = tpu.memref_slice %arg9[%dma_wait3A_417] : memref<51200xi32, #tpu.memory_space<hbm>> -> memref<5120xi32, #tpu.memory_space<hbm>>
        tpu.wait_dma2 semaphore(%arg28 : memref<!tpu.dma_semaphore, #tpu.memory_space<semaphore_mem>>) src(%dma_wait3A_418 : memref<5120xi32, #tpu.memory_space<hbm>>) dst(%arg23 : memref<5120xi32, #tpu.memory_space<vmem>>)
        %gt3A_419 = arith.constant 0 : i32
        %gt3A_420 = arith.cmpi sgt, %scan3A_276, %gt3A_419 : i32
        %convert_element_type3A_421 = arith.extui %gt3A_420 : i1 to i32
        %cond3A_422 = arith.constant 0 : i32
        %cond3A_423 = arith.cmpi ne, %convert_element_type3A_421, %cond3A_422 : i32
        scf.if %cond3A_423 {
          %dma_wait3A_538 = arith.constant 0 : i32
          %dma_wait3A_539 = tpu.memref_slice %arg19[%dma_wait3A_538] : memref<32768000xf32, #tpu.memory_space<hbm>> -> memref<5120xf32, #tpu.memory_space<hbm>>
          %dma_wait3A_540 = arith.constant 0 : i32
          %dma_wait3A_541 = tpu.memref_slice %arg19[%dma_wait3A_540] : memref<32768000xf32, #tpu.memory_space<hbm>> -> memref<5120xf32, #tpu.memory_space<hbm>>
          tpu.wait_dma2 semaphore(%arg30 : memref<!tpu.dma_semaphore, #tpu.memory_space<semaphore_mem>>) src(%dma_wait3A_541 : memref<5120xf32, #tpu.memory_space<hbm>>) dst(%arg25 : memref<5120xf32, #tpu.memory_space<vmem>>)
        } else {
        }
        %parallel_loop3A_424 = arith.constant 0 : i32
        %parallel_loop3A_425 = arith.constant 320 : i32
        %parallel_loop3A_426 = arith.constant 1 : i32
        scf.for %parallel_loop3A_538 = %parallel_loop3A_424 to %parallel_loop3A_425 step %parallel_loop3A_426  : i32 {
          %parallel_loop3A_539 = arith.constant 16 : i32
          %parallel_loop3A_540 = arith.muli %parallel_loop3A_538, %parallel_loop3A_539 : i32
          %parallel_loop3A_541 = arith.index_cast %parallel_loop3A_540 : i32 to index
          %parallel_loop3A_542 = tpu.vector_load %arg23[%parallel_loop3A_541] {strides = array<i32>} : memref<5120xi32, #tpu.memory_space<vmem>>, vector<16xi32>,
          %parallel_loop3A_543 = tpu.vector_load_idx %arg20[%parallel_loop3A_542] : memref<100004xf32, #tpu.memory_space<vmem>>[vector<16xi32>], vector<16xf32>,
          %parallel_loop3A_544 = arith.index_cast %parallel_loop3A_540 : i32 to index
          %parallel_loop3A_545 = tpu.vector_load %arg25[%parallel_loop3A_544] {strides = array<i32>} : memref<5120xf32, #tpu.memory_space<vmem>>, vector<16xf32>,
          tpu.vector_store %arg25[%parallel_loop3A_544], %parallel_loop3A_543 {strides = array<i32>} : memref<5120xf32, #tpu.memory_space<vmem>>, vector<16xf32>,
        } {sc.loop_unroll_factor = 8 : i64, sc.parallel_access}
        %mul3A_427 = arith.constant 5 : i32
        %mul3A_428 = arith.muli %add3A_283, %mul3A_427 : i32
        %add3A_429 = arith.constant 0 : i32
        %add3A_430 = arith.addi %mul3A_428, %add3A_429 : i32
        %mul3A_431 = arith.constant 10 : i32
        %mul3A_432 = arith.muli %add3A_430, %mul3A_431 : i32
        %add3A_433 = arith.constant 1 : i32
        %add3A_434 = arith.addi %mul3A_432, %add3A_433 : i32
        %mul3A_435 = arith.constant 64 : i32
        %mul3A_436 = arith.muli %add3A_434, %mul3A_435 : i32
        %mul3A_437 = arith.constant 1024 : i32
        %mul3A_438 = arith.muli %mul3A_436, %mul3A_437 : i32
        %mul3A_439 = arith.constant 1024 : i32
        %mul3A_440 = arith.muli %add3A_11, %mul3A_439 : i32
        %add3A_441 = arith.addi %mul3A_438, %mul3A_440 : i32
        %multiple_of3A_442 = tpu.assume_multiple %add3A_441, 1024 : i32
        %dma_start3A_443 = arith.constant 0 : i32
        %dma_start3A_444 = tpu.memref_slice %arg25[%dma_start3A_443] : memref<5120xf32, #tpu.memory_space<vmem>> -> memref<1024xf32, #tpu.memory_space<vmem>>
        %dma_start3A_445 = tpu.memref_slice %arg19[%multiple_of3A_442] : memref<32768000xf32, #tpu.memory_space<hbm>> -> memref<1024xf32, #tpu.memory_space<hbm>>
        %dma_start3A_446 = tpu.memref_slice %arg19[%multiple_of3A_442] : memref<32768000xf32, #tpu.memory_space<hbm>> -> memref<1024xf32, #tpu.memory_space<hbm>>
        %dma_start3A_447 = arith.constant 0 : i32
        %dma_start3A_448 = tpu.memref_slice %arg25[%dma_start3A_447] : memref<5120xf32, #tpu.memory_space<vmem>> -> memref<1024xf32, #tpu.memory_space<vmem>>
        tpu.enqueue_dma source(%dma_start3A_448 : memref<1024xf32, #tpu.memory_space<vmem>>) target(%dma_start3A_446 : memref<1024xf32, #tpu.memory_space<hbm>>) target_semaphore(%arg30 : memref<!tpu.dma_semaphore, #tpu.memory_space<semaphore_mem>>)
        %mul3A_449 = arith.constant 5 : i32
        %mul3A_450 = arith.muli %add3A_283, %mul3A_449 : i32
        %add3A_451 = arith.constant 1 : i32
        %add3A_452 = arith.addi %mul3A_450, %add3A_451 : i32
        %mul3A_453 = arith.constant 10 : i32
        %mul3A_454 = arith.muli %add3A_452, %mul3A_453 : i32
        %add3A_455 = arith.constant 1 : i32
        %add3A_456 = arith.addi %mul3A_454, %add3A_455 : i32
        %mul3A_457 = arith.constant 64 : i32
        %mul3A_458 = arith.muli %add3A_456, %mul3A_457 : i32
        %mul3A_459 = arith.constant 1024 : i32
        %mul3A_460 = arith.muli %mul3A_458, %mul3A_459 : i32
        %mul3A_461 = arith.constant 1024 : i32
        %mul3A_462 = arith.muli %add3A_11, %mul3A_461 : i32
        %add3A_463 = arith.addi %mul3A_460, %mul3A_462 : i32
        %multiple_of3A_464 = tpu.assume_multiple %add3A_463, 1024 : i32
        %dma_start3A_465 = arith.constant 1024 : i32
        %dma_start3A_466 = tpu.memref_slice %arg25[%dma_start3A_465] : memref<5120xf32, #tpu.memory_space<vmem>> -> memref<1024xf32, #tpu.memory_space<vmem>>
        %dma_start3A_467 = tpu.memref_slice %arg19[%multiple_of3A_464] : memref<32768000xf32, #tpu.memory_space<hbm>> -> memref<1024xf32, #tpu.memory_space<hbm>>
        %dma_start3A_468 = tpu.memref_slice %arg19[%multiple_of3A_464] : memref<32768000xf32, #tpu.memory_space<hbm>> -> memref<1024xf32, #tpu.memory_space<hbm>>
        %dma_start3A_469 = arith.constant 1024 : i32
        %dma_start3A_470 = tpu.memref_slice %arg25[%dma_start3A_469] : memref<5120xf32, #tpu.memory_space<vmem>> -> memref<1024xf32, #tpu.memory_space<vmem>>
        tpu.enqueue_dma source(%dma_start3A_470 : memref<1024xf32, #tpu.memory_space<vmem>>) target(%dma_start3A_468 : memref<1024xf32, #tpu.memory_space<hbm>>) target_semaphore(%arg30 : memref<!tpu.dma_semaphore, #tpu.memory_space<semaphore_mem>>)
        %mul3A_471 = arith.constant 5 : i32
        %mul3A_472 = arith.muli %add3A_283, %mul3A_471 : i32
        %add3A_473 = arith.constant 2 : i32
        %add3A_474 = arith.addi %mul3A_472, %add3A_473 : i32
        %mul3A_475 = arith.constant 10 : i32
        %mul3A_476 = arith.muli %add3A_474, %mul3A_475 : i32
        %add3A_477 = arith.constant 1 : i32
        %add3A_478 = arith.addi %mul3A_476, %add3A_477 : i32
        %mul3A_479 = arith.constant 64 : i32
        %mul3A_480 = arith.muli %add3A_478, %mul3A_479 : i32
        %mul3A_481 = arith.constant 1024 : i32
        %mul3A_482 = arith.muli %mul3A_480, %mul3A_481 : i32
        %mul3A_483 = arith.constant 1024 : i32
        %mul3A_484 = arith.muli %add3A_11, %mul3A_483 : i32
        %add3A_485 = arith.addi %mul3A_482, %mul3A_484 : i32
        %multiple_of3A_486 = tpu.assume_multiple %add3A_485, 1024 : i32
        %dma_start3A_487 = arith.constant 2048 : i32
        %dma_start3A_488 = tpu.memref_slice %arg25[%dma_start3A_487] : memref<5120xf32, #tpu.memory_space<vmem>> -> memref<1024xf32, #tpu.memory_space<vmem>>
        %dma_start3A_489 = tpu.memref_slice %arg19[%multiple_of3A_486] : memref<32768000xf32, #tpu.memory_space<hbm>> -> memref<1024xf32, #tpu.memory_space<hbm>>
        %dma_start3A_490 = tpu.memref_slice %arg19[%multiple_of3A_486] : memref<32768000xf32, #tpu.memory_space<hbm>> -> memref<1024xf32, #tpu.memory_space<hbm>>
        %dma_start3A_491 = arith.constant 2048 : i32
        %dma_start3A_492 = tpu.memref_slice %arg25[%dma_start3A_491] : memref<5120xf32, #tpu.memory_space<vmem>> -> memref<1024xf32, #tpu.memory_space<vmem>>
        tpu.enqueue_dma source(%dma_start3A_492 : memref<1024xf32, #tpu.memory_space<vmem>>) target(%dma_start3A_490 : memref<1024xf32, #tpu.memory_space<hbm>>) target_semaphore(%arg30 : memref<!tpu.dma_semaphore, #tpu.memory_space<semaphore_mem>>)
        %mul3A_493 = arith.constant 5 : i32
        %mul3A_494 = arith.muli %add3A_283, %mul3A_493 : i32
        %add3A_495 = arith.constant 3 : i32
        %add3A_496 = arith.addi %mul3A_494, %add3A_495 : i32
        %mul3A_497 = arith.constant 10 : i32
        %mul3A_498 = arith.muli %add3A_496, %mul3A_497 : i32
        %add3A_499 = arith.constant 1 : i32
        %add3A_500 = arith.addi %mul3A_498, %add3A_499 : i32
        %mul3A_501 = arith.constant 64 : i32
        %mul3A_502 = arith.muli %add3A_500, %mul3A_501 : i32
        %mul3A_503 = arith.constant 1024 : i32
        %mul3A_504 = arith.muli %mul3A_502, %mul3A_503 : i32
        %mul3A_505 = arith.constant 1024 : i32
        %mul3A_506 = arith.muli %add3A_11, %mul3A_505 : i32
        %add3A_507 = arith.addi %mul3A_504, %mul3A_506 : i32
        %multiple_of3A_508 = tpu.assume_multiple %add3A_507, 1024 : i32
        %dma_start3A_509 = arith.constant 3072 : i32
        %dma_start3A_510 = tpu.memref_slice %arg25[%dma_start3A_509] : memref<5120xf32, #tpu.memory_space<vmem>> -> memref<1024xf32, #tpu.memory_space<vmem>>
        %dma_start3A_511 = tpu.memref_slice %arg19[%multiple_of3A_508] : memref<32768000xf32, #tpu.memory_space<hbm>> -> memref<1024xf32, #tpu.memory_space<hbm>>
        %dma_start3A_512 = tpu.memref_slice %arg19[%multiple_of3A_508] : memref<32768000xf32, #tpu.memory_space<hbm>> -> memref<1024xf32, #tpu.memory_space<hbm>>
        %dma_start3A_513 = arith.constant 3072 : i32
        %dma_start3A_514 = tpu.memref_slice %arg25[%dma_start3A_513] : memref<5120xf32, #tpu.memory_space<vmem>> -> memref<1024xf32, #tpu.memory_space<vmem>>
        tpu.enqueue_dma source(%dma_start3A_514 : memref<1024xf32, #tpu.memory_space<vmem>>) target(%dma_start3A_512 : memref<1024xf32, #tpu.memory_space<hbm>>) target_semaphore(%arg30 : memref<!tpu.dma_semaphore, #tpu.memory_space<semaphore_mem>>)
        %mul3A_515 = arith.constant 5 : i32
        %mul3A_516 = arith.muli %add3A_283, %mul3A_515 : i32
        %add3A_517 = arith.constant 4 : i32
        %add3A_518 = arith.addi %mul3A_516, %add3A_517 : i32
        %mul3A_519 = arith.constant 10 : i32
        %mul3A_520 = arith.muli %add3A_518, %mul3A_519 : i32
        %add3A_521 = arith.constant 1 : i32
        %add3A_522 = arith.addi %mul3A_520, %add3A_521 : i32
        %mul3A_523 = arith.constant 64 : i32
        %mul3A_524 = arith.muli %add3A_522, %mul3A_523 : i32
        %mul3A_525 = arith.constant 1024 : i32
        %mul3A_526 = arith.muli %mul3A_524, %mul3A_525 : i32
        %mul3A_527 = arith.constant 1024 : i32
        %mul3A_528 = arith.muli %add3A_11, %mul3A_527 : i32
        %add3A_529 = arith.addi %mul3A_526, %mul3A_528 : i32
        %multiple_of3A_530 = tpu.assume_multiple %add3A_529, 1024 : i32
        %dma_start3A_531 = arith.constant 4096 : i32
        %dma_start3A_532 = tpu.memref_slice %arg25[%dma_start3A_531] : memref<5120xf32, #tpu.memory_space<vmem>> -> memref<1024xf32, #tpu.memory_space<vmem>>
        %dma_start3A_533 = tpu.memref_slice %arg19[%multiple_of3A_530] : memref<32768000xf32, #tpu.memory_space<hbm>> -> memref<1024xf32, #tpu.memory_space<hbm>>
        %dma_start3A_534 = tpu.memref_slice %arg19[%multiple_of3A_530] : memref<32768000xf32, #tpu.memory_space<hbm>> -> memref<1024xf32, #tpu.memory_space<hbm>>
        %dma_start3A_535 = arith.constant 4096 : i32
        %dma_start3A_536 = tpu.memref_slice %arg25[%dma_start3A_535] : memref<5120xf32, #tpu.memory_space<vmem>> -> memref<1024xf32, #tpu.memory_space<vmem>>
        tpu.enqueue_dma source(%dma_start3A_536 : memref<1024xf32, #tpu.memory_space<vmem>>) target(%dma_start3A_534 : memref<1024xf32, #tpu.memory_space<hbm>>) target_semaphore(%arg30 : memref<!tpu.dma_semaphore, #tpu.memory_space<semaphore_mem>>)
        %scan3A_537 = arith.constant 0 : i32
        scf.yield %scan3A_537 : i32
      }
      %scan3A_79 = arith.constant 5 : i32
      %dma_wait3A_80 = arith.constant 0 : i32
      %dma_wait3A_81 = tpu.memref_slice %arg9[%dma_wait3A_80] : memref<51200xi32, #tpu.memory_space<hbm>> -> memref<5120xi32, #tpu.memory_space<hbm>>
      %dma_wait3A_82 = arith.constant 0 : i32
      %dma_wait3A_83 = tpu.memref_slice %arg9[%dma_wait3A_82] : memref<51200xi32, #tpu.memory_space<hbm>> -> memref<5120xi32, #tpu.memory_space<hbm>>
      tpu.wait_dma2 semaphore(%arg27 : memref<!tpu.dma_semaphore, #tpu.memory_space<semaphore_mem>>) src(%dma_wait3A_83 : memref<5120xi32, #tpu.memory_space<hbm>>) dst(%arg22 : memref<5120xi32, #tpu.memory_space<vmem>>)
      %dma_wait3A_84 = arith.constant 0 : i32
      %dma_wait3A_85 = tpu.memref_slice %arg19[%dma_wait3A_84] : memref<32768000xf32, #tpu.memory_space<hbm>> -> memref<5120xf32, #tpu.memory_space<hbm>>
      %dma_wait3A_86 = arith.constant 0 : i32
      %dma_wait3A_87 = tpu.memref_slice %arg19[%dma_wait3A_86] : memref<32768000xf32, #tpu.memory_space<hbm>> -> memref<5120xf32, #tpu.memory_space<hbm>>
      tpu.wait_dma2 semaphore(%arg29 : memref<!tpu.dma_semaphore, #tpu.memory_space<semaphore_mem>>) src(%dma_wait3A_87 : memref<5120xf32, #tpu.memory_space<hbm>>) dst(%arg24 : memref<5120xf32, #tpu.memory_space<vmem>>)
      %dma_wait3A_88 = arith.constant 0 : i32
      %dma_wait3A_89 = tpu.memref_slice %arg19[%dma_wait3A_88] : memref<32768000xf32, #tpu.memory_space<hbm>> -> memref<5120xf32, #tpu.memory_space<hbm>>
      %dma_wait3A_90 = arith.constant 0 : i32
      %dma_wait3A_91 = tpu.memref_slice %arg19[%dma_wait3A_90] : memref<32768000xf32, #tpu.memory_space<hbm>> -> memref<5120xf32, #tpu.memory_space<hbm>>
      tpu.wait_dma2 semaphore(%arg30 : memref<!tpu.dma_semaphore, #tpu.memory_space<semaphore_mem>>) src(%dma_wait3A_91 : memref<5120xf32, #tpu.memory_space<hbm>>) dst(%arg25 : memref<5120xf32, #tpu.memory_space<vmem>>)
      %dma_start3A_92 = arith.constant 0 : i32
      %dma_start3A_93 = tpu.memref_slice %arg4[%add3A_11, %dma_start3A_92] : memref<64x100004xf32, #tpu.memory_space<hbm>> -> memref<1x100004xf32, #tpu.memory_space<hbm>>
      %dma_start3A_94 = tpu.memref_squeeze %dma_start3A_93 : memref<1x100004xf32, #tpu.memory_space<hbm>> -> memref<100004xf32, #tpu.memory_space<hbm>>
      %dma_start3A_95 = arith.constant 0 : i32
      %dma_start3A_96 = tpu.memref_slice %arg4[%add3A_11, %dma_start3A_95] : memref<64x100004xf32, #tpu.memory_space<hbm>> -> memref<1x100004xf32, #tpu.memory_space<hbm>>
      %dma_start3A_97 = tpu.memref_squeeze %dma_start3A_96 : memref<1x100004xf32, #tpu.memory_space<hbm>> -> memref<100004xf32, #tpu.memory_space<hbm>>
      tpu.enqueue_dma source(%dma_start3A_97 : memref<100004xf32, #tpu.memory_space<hbm>>) target(%arg20 : memref<100004xf32, #tpu.memory_space<vmem>>) target_semaphore(%arg26 : memref<!tpu.dma_semaphore, #tpu.memory_space<semaphore_mem>>)
      %scan3A_98 = arith.constant 0 : i32
      %scan3A_99 = arith.constant 0 : i32
      %scan3A_100 = arith.constant 10 : i32
      %scan3A_101 = arith.addi %scan3A_99, %scan3A_100 : i32
      %scan3A_102 = arith.constant 1 : i32
      %scan3A_103 = scf.for %scan3A_276 = %scan3A_99 to %scan3A_101 step %scan3A_102 iter_args(%scan3A_277 = %scan3A_98) -> (i32)  : i32 {
        %mul3A_278 = arith.constant 5120 : i32
        %mul3A_279 = arith.muli %scan3A_276, %mul3A_278 : i32
        %multiple_of3A_280 = tpu.assume_multiple %mul3A_279, 5120 : i32
        %dma_start3A_281 = tpu.memref_slice %arg17[%add3A_11, %multiple_of3A_280] : memref<64x51200xf32, #tpu.memory_space<hbm>> -> memref<1x5120xf32, #tpu.memory_space<hbm>>
        %dma_start3A_282 = tpu.memref_squeeze %dma_start3A_281 : memref<1x5120xf32, #tpu.memory_space<hbm>> -> memref<5120xf32, #tpu.memory_space<hbm>>
        %dma_start3A_283 = tpu.memref_slice %arg17[%add3A_11, %multiple_of3A_280] : memref<64x51200xf32, #tpu.memory_space<hbm>> -> memref<1x5120xf32, #tpu.memory_space<hbm>>
        %dma_start3A_284 = tpu.memref_squeeze %dma_start3A_283 : memref<1x5120xf32, #tpu.memory_space<hbm>> -> memref<5120xf32, #tpu.memory_space<hbm>>
        tpu.enqueue_dma source(%dma_start3A_284 : memref<5120xf32, #tpu.memory_space<hbm>>) target(%arg24 : memref<5120xf32, #tpu.memory_space<vmem>>) target_semaphore(%arg27 : memref<!tpu.dma_semaphore, #tpu.memory_space<semaphore_mem>>)
        %dma_wait3A_285 = tpu.memref_slice %arg17[%add3A_11, %multiple_of3A_280] : memref<64x51200xf32, #tpu.memory_space<hbm>> -> memref<1x5120xf32, #tpu.memory_space<hbm>>
        %dma_wait3A_286 = tpu.memref_squeeze %dma_wait3A_285 : memref<1x5120xf32, #tpu.memory_space<hbm>> -> memref<5120xf32, #tpu.memory_space<hbm>>
        %dma_wait3A_287 = tpu.memref_slice %arg17[%add3A_11, %multiple_of3A_280] : memref<64x51200xf32, #tpu.memory_space<hbm>> -> memref<1x5120xf32, #tpu.memory_space<hbm>>
        %dma_wait3A_288 = tpu.memref_squeeze %dma_wait3A_287 : memref<1x5120xf32, #tpu.memory_space<hbm>> -> memref<5120xf32, #tpu.memory_space<hbm>>
        tpu.wait_dma2 semaphore(%arg27 : memref<!tpu.dma_semaphore, #tpu.memory_space<semaphore_mem>>) src(%dma_wait3A_288 : memref<5120xf32, #tpu.memory_space<hbm>>) dst(%arg24 : memref<5120xf32, #tpu.memory_space<vmem>>)
        %mul3A_289 = arith.constant 5 : i32
        %mul3A_290 = arith.muli %scan3A_276, %mul3A_289 : i32
        %add3A_291 = arith.constant 0 : i32
        %add3A_292 = arith.addi %mul3A_290, %add3A_291 : i32
        %mul3A_293 = arith.constant 10 : i32
        %mul3A_294 = arith.muli %add3A_292, %mul3A_293 : i32
        %add3A_295 = arith.constant 7 : i32
        %add3A_296 = arith.addi %mul3A_294, %add3A_295 : i32
        %mul3A_297 = arith.constant 64 : i32
        %mul3A_298 = arith.muli %add3A_296, %mul3A_297 : i32
        %mul3A_299 = arith.constant 1024 : i32
        %mul3A_300 = arith.muli %mul3A_298, %mul3A_299 : i32
        %mul3A_301 = arith.constant 1024 : i32
        %mul3A_302 = arith.muli %add3A_11, %mul3A_301 : i32
        %add3A_303 = arith.addi %mul3A_300, %mul3A_302 : i32
        %multiple_of3A_304 = tpu.assume_multiple %add3A_303, 1024 : i32
        %dma_start3A_305 = arith.constant 0 : i32
        %dma_start3A_306 = tpu.memref_slice %arg24[%dma_start3A_305] : memref<5120xf32, #tpu.memory_space<vmem>> -> memref<1024xf32, #tpu.memory_space<vmem>>
        %dma_start3A_307 = tpu.memref_slice %arg19[%multiple_of3A_304] : memref<32768000xf32, #tpu.memory_space<hbm>> -> memref<1024xf32, #tpu.memory_space<hbm>>
        %dma_start3A_308 = tpu.memref_slice %arg19[%multiple_of3A_304] : memref<32768000xf32, #tpu.memory_space<hbm>> -> memref<1024xf32, #tpu.memory_space<hbm>>
        %dma_start3A_309 = arith.constant 0 : i32
        %dma_start3A_310 = tpu.memref_slice %arg24[%dma_start3A_309] : memref<5120xf32, #tpu.memory_space<vmem>> -> memref<1024xf32, #tpu.memory_space<vmem>>
        tpu.enqueue_dma source(%dma_start3A_310 : memref<1024xf32, #tpu.memory_space<vmem>>) target(%dma_start3A_308 : memref<1024xf32, #tpu.memory_space<hbm>>) target_semaphore(%arg29 : memref<!tpu.dma_semaphore, #tpu.memory_space<semaphore_mem>>)
        %mul3A_311 = arith.constant 5 : i32
        %mul3A_312 = arith.muli %scan3A_276, %mul3A_311 : i32
        %add3A_313 = arith.constant 1 : i32
        %add3A_314 = arith.addi %mul3A_312, %add3A_313 : i32
        %mul3A_315 = arith.constant 10 : i32
        %mul3A_316 = arith.muli %add3A_314, %mul3A_315 : i32
        %add3A_317 = arith.constant 7 : i32
        %add3A_318 = arith.addi %mul3A_316, %add3A_317 : i32
        %mul3A_319 = arith.constant 64 : i32
        %mul3A_320 = arith.muli %add3A_318, %mul3A_319 : i32
        %mul3A_321 = arith.constant 1024 : i32
        %mul3A_322 = arith.muli %mul3A_320, %mul3A_321 : i32
        %mul3A_323 = arith.constant 1024 : i32
        %mul3A_324 = arith.muli %add3A_11, %mul3A_323 : i32
        %add3A_325 = arith.addi %mul3A_322, %mul3A_324 : i32
        %multiple_of3A_326 = tpu.assume_multiple %add3A_325, 1024 : i32
        %dma_start3A_327 = arith.constant 1024 : i32
        %dma_start3A_328 = tpu.memref_slice %arg24[%dma_start3A_327] : memref<5120xf32, #tpu.memory_space<vmem>> -> memref<1024xf32, #tpu.memory_space<vmem>>
        %dma_start3A_329 = tpu.memref_slice %arg19[%multiple_of3A_326] : memref<32768000xf32, #tpu.memory_space<hbm>> -> memref<1024xf32, #tpu.memory_space<hbm>>
        %dma_start3A_330 = tpu.memref_slice %arg19[%multiple_of3A_326] : memref<32768000xf32, #tpu.memory_space<hbm>> -> memref<1024xf32, #tpu.memory_space<hbm>>
        %dma_start3A_331 = arith.constant 1024 : i32
        %dma_start3A_332 = tpu.memref_slice %arg24[%dma_start3A_331] : memref<5120xf32, #tpu.memory_space<vmem>> -> memref<1024xf32, #tpu.memory_space<vmem>>
        tpu.enqueue_dma source(%dma_start3A_332 : memref<1024xf32, #tpu.memory_space<vmem>>) target(%dma_start3A_330 : memref<1024xf32, #tpu.memory_space<hbm>>) target_semaphore(%arg29 : memref<!tpu.dma_semaphore, #tpu.memory_space<semaphore_mem>>)
        %mul3A_333 = arith.constant 5 : i32
        %mul3A_334 = arith.muli %scan3A_276, %mul3A_333 : i32
        %add3A_335 = arith.constant 2 : i32
        %add3A_336 = arith.addi %mul3A_334, %add3A_335 : i32
        %mul3A_337 = arith.constant 10 : i32
        %mul3A_338 = arith.muli %add3A_336, %mul3A_337 : i32
        %add3A_339 = arith.constant 7 : i32
        %add3A_340 = arith.addi %mul3A_338, %add3A_339 : i32
        %mul3A_341 = arith.constant 64 : i32
        %mul3A_342 = arith.muli %add3A_340, %mul3A_341 : i32
        %mul3A_343 = arith.constant 1024 : i32
        %mul3A_344 = arith.muli %mul3A_342, %mul3A_343 : i32
        %mul3A_345 = arith.constant 1024 : i32
        %mul3A_346 = arith.muli %add3A_11, %mul3A_345 : i32
        %add3A_347 = arith.addi %mul3A_344, %mul3A_346 : i32
        %multiple_of3A_348 = tpu.assume_multiple %add3A_347, 1024 : i32
        %dma_start3A_349 = arith.constant 2048 : i32
        %dma_start3A_350 = tpu.memref_slice %arg24[%dma_start3A_349] : memref<5120xf32, #tpu.memory_space<vmem>> -> memref<1024xf32, #tpu.memory_space<vmem>>
        %dma_start3A_351 = tpu.memref_slice %arg19[%multiple_of3A_348] : memref<32768000xf32, #tpu.memory_space<hbm>> -> memref<1024xf32, #tpu.memory_space<hbm>>
        %dma_start3A_352 = tpu.memref_slice %arg19[%multiple_of3A_348] : memref<32768000xf32, #tpu.memory_space<hbm>> -> memref<1024xf32, #tpu.memory_space<hbm>>
        %dma_start3A_353 = arith.constant 2048 : i32
        %dma_start3A_354 = tpu.memref_slice %arg24[%dma_start3A_353] : memref<5120xf32, #tpu.memory_space<vmem>> -> memref<1024xf32, #tpu.memory_space<vmem>>
        tpu.enqueue_dma source(%dma_start3A_354 : memref<1024xf32, #tpu.memory_space<vmem>>) target(%dma_start3A_352 : memref<1024xf32, #tpu.memory_space<hbm>>) target_semaphore(%arg29 : memref<!tpu.dma_semaphore, #tpu.memory_space<semaphore_mem>>)
        %mul3A_355 = arith.constant 5 : i32
        %mul3A_356 = arith.muli %scan3A_276, %mul3A_355 : i32
        %add3A_357 = arith.constant 3 : i32
        %add3A_358 = arith.addi %mul3A_356, %add3A_357 : i32
        %mul3A_359 = arith.constant 10 : i32
        %mul3A_360 = arith.muli %add3A_358, %mul3A_359 : i32
        %add3A_361 = arith.constant 7 : i32
        %add3A_362 = arith.addi %mul3A_360, %add3A_361 : i32
        %mul3A_363 = arith.constant 64 : i32
        %mul3A_364 = arith.muli %add3A_362, %mul3A_363 : i32
        %mul3A_365 = arith.constant 1024 : i32
        %mul3A_366 = arith.muli %mul3A_364, %mul3A_365 : i32
        %mul3A_367 = arith.constant 1024 : i32
        %mul3A_368 = arith.muli %add3A_11, %mul3A_367 : i32
        %add3A_369 = arith.addi %mul3A_366, %mul3A_368 : i32
        %multiple_of3A_370 = tpu.assume_multiple %add3A_369, 1024 : i32
        %dma_start3A_371 = arith.constant 3072 : i32
        %dma_start3A_372 = tpu.memref_slice %arg24[%dma_start3A_371] : memref<5120xf32, #tpu.memory_space<vmem>> -> memref<1024xf32, #tpu.memory_space<vmem>>
        %dma_start3A_373 = tpu.memref_slice %arg19[%multiple_of3A_370] : memref<32768000xf32, #tpu.memory_space<hbm>> -> memref<1024xf32, #tpu.memory_space<hbm>>
        %dma_start3A_374 = tpu.memref_slice %arg19[%multiple_of3A_370] : memref<32768000xf32, #tpu.memory_space<hbm>> -> memref<1024xf32, #tpu.memory_space<hbm>>
        %dma_start3A_375 = arith.constant 3072 : i32
        %dma_start3A_376 = tpu.memref_slice %arg24[%dma_start3A_375] : memref<5120xf32, #tpu.memory_space<vmem>> -> memref<1024xf32, #tpu.memory_space<vmem>>
        tpu.enqueue_dma source(%dma_start3A_376 : memref<1024xf32, #tpu.memory_space<vmem>>) target(%dma_start3A_374 : memref<1024xf32, #tpu.memory_space<hbm>>) target_semaphore(%arg29 : memref<!tpu.dma_semaphore, #tpu.memory_space<semaphore_mem>>)
        %mul3A_377 = arith.constant 5 : i32
        %mul3A_378 = arith.muli %scan3A_276, %mul3A_377 : i32
        %add3A_379 = arith.constant 4 : i32
        %add3A_380 = arith.addi %mul3A_378, %add3A_379 : i32
        %mul3A_381 = arith.constant 10 : i32
        %mul3A_382 = arith.muli %add3A_380, %mul3A_381 : i32
        %add3A_383 = arith.constant 7 : i32
        %add3A_384 = arith.addi %mul3A_382, %add3A_383 : i32
        %mul3A_385 = arith.constant 64 : i32
        %mul3A_386 = arith.muli %add3A_384, %mul3A_385 : i32
        %mul3A_387 = arith.constant 1024 : i32
        %mul3A_388 = arith.muli %mul3A_386, %mul3A_387 : i32
        %mul3A_389 = arith.constant 1024 : i32
        %mul3A_390 = arith.muli %add3A_11, %mul3A_389 : i32
        %add3A_391 = arith.addi %mul3A_388, %mul3A_390 : i32
        %multiple_of3A_392 = tpu.assume_multiple %add3A_391, 1024 : i32
        %dma_start3A_393 = arith.constant 4096 : i32
        %dma_start3A_394 = tpu.memref_slice %arg24[%dma_start3A_393] : memref<5120xf32, #tpu.memory_space<vmem>> -> memref<1024xf32, #tpu.memory_space<vmem>>
        %dma_start3A_395 = tpu.memref_slice %arg19[%multiple_of3A_392] : memref<32768000xf32, #tpu.memory_space<hbm>> -> memref<1024xf32, #tpu.memory_space<hbm>>
        %dma_start3A_396 = tpu.memref_slice %arg19[%multiple_of3A_392] : memref<32768000xf32, #tpu.memory_space<hbm>> -> memref<1024xf32, #tpu.memory_space<hbm>>
        %dma_start3A_397 = arith.constant 4096 : i32
        %dma_start3A_398 = tpu.memref_slice %arg24[%dma_start3A_397] : memref<5120xf32, #tpu.memory_space<vmem>> -> memref<1024xf32, #tpu.memory_space<vmem>>
        tpu.enqueue_dma source(%dma_start3A_398 : memref<1024xf32, #tpu.memory_space<vmem>>) target(%dma_start3A_396 : memref<1024xf32, #tpu.memory_space<hbm>>) target_semaphore(%arg29 : memref<!tpu.dma_semaphore, #tpu.memory_space<semaphore_mem>>)
        %dma_wait3A_399 = arith.constant 0 : i32
        %dma_wait3A_400 = tpu.memref_slice %arg19[%dma_wait3A_399] : memref<32768000xf32, #tpu.memory_space<hbm>> -> memref<5120xf32, #tpu.memory_space<hbm>>
        %dma_wait3A_401 = arith.constant 0 : i32
        %dma_wait3A_402 = tpu.memref_slice %arg19[%dma_wait3A_401] : memref<32768000xf32, #tpu.memory_space<hbm>> -> memref<5120xf32, #tpu.memory_space<hbm>>
        tpu.wait_dma2 semaphore(%arg29 : memref<!tpu.dma_semaphore, #tpu.memory_space<semaphore_mem>>) src(%dma_wait3A_402 : memref<5120xf32, #tpu.memory_space<hbm>>) dst(%arg24 : memref<5120xf32, #tpu.memory_space<vmem>>)
        %scan3A_403 = arith.constant 0 : i32
        scf.yield %scan3A_403 : i32
      }
      %scan3A_104 = arith.constant 10 : i32
      %dma_wait3A_105 = arith.constant 0 : i32
      %dma_wait3A_106 = tpu.memref_slice %arg4[%add3A_11, %dma_wait3A_105] : memref<64x100004xf32, #tpu.memory_space<hbm>> -> memref<1x100004xf32, #tpu.memory_space<hbm>>
      %dma_wait3A_107 = tpu.memref_squeeze %dma_wait3A_106 : memref<1x100004xf32, #tpu.memory_space<hbm>> -> memref<100004xf32, #tpu.memory_space<hbm>>
      %dma_wait3A_108 = arith.constant 0 : i32
      %dma_wait3A_109 = tpu.memref_slice %arg4[%add3A_11, %dma_wait3A_108] : memref<64x100004xf32, #tpu.memory_space<hbm>> -> memref<1x100004xf32, #tpu.memory_space<hbm>>
      %dma_wait3A_110 = tpu.memref_squeeze %dma_wait3A_109 : memref<1x100004xf32, #tpu.memory_space<hbm>> -> memref<100004xf32, #tpu.memory_space<hbm>>
      tpu.wait_dma2 semaphore(%arg26 : memref<!tpu.dma_semaphore, #tpu.memory_space<semaphore_mem>>) src(%dma_wait3A_110 : memref<100004xf32, #tpu.memory_space<hbm>>) dst(%arg20 : memref<100004xf32, #tpu.memory_space<vmem>>)
      %multiple_of3A_111 = arith.constant 0 : i32
      %multiple_of3A_112 = tpu.assume_multiple %multiple_of3A_111, 5120 : i32
      %dma_start3A_113 = tpu.memref_slice %arg11[%multiple_of3A_112] : memref<51200xi32, #tpu.memory_space<hbm>> -> memref<5120xi32, #tpu.memory_space<hbm>>
      %dma_start3A_114 = tpu.memref_slice %arg11[%multiple_of3A_112] : memref<51200xi32, #tpu.memory_space<hbm>> -> memref<5120xi32, #tpu.memory_space<hbm>>
      tpu.enqueue_dma source(%dma_start3A_114 : memref<5120xi32, #tpu.memory_space<hbm>>) target(%arg22 : memref<5120xi32, #tpu.memory_space<vmem>>) target_semaphore(%arg27 : memref<!tpu.dma_semaphore, #tpu.memory_space<semaphore_mem>>)
      %scan3A_115 = arith.constant 0 : i32
      %scan3A_116 = arith.constant 0 : i32
      %scan3A_117 = arith.constant 5 : i32
      %scan3A_118 = arith.addi %scan3A_116, %scan3A_117 : i32
      %scan3A_119 = arith.constant 1 : i32
      %scan3A_120 = scf.for %scan3A_276 = %scan3A_116 to %scan3A_118 step %scan3A_119 iter_args(%scan3A_277 = %scan3A_115) -> (i32)  : i32 {
        %mul3A_278 = arith.constant 2 : i32
        %mul3A_279 = arith.muli %mul3A_278, %scan3A_276 : i32
        %mul3A_280 = arith.constant 2 : i32
        %mul3A_281 = arith.muli %mul3A_280, %scan3A_276 : i32
        %add3A_282 = arith.constant 1 : i32
        %add3A_283 = arith.addi %mul3A_281, %add3A_282 : i32
        %mul3A_284 = arith.constant 5120 : i32
        %mul3A_285 = arith.muli %add3A_283, %mul3A_284 : i32
        %multiple_of3A_286 = tpu.assume_multiple %mul3A_285, 5120 : i32
        %dma_start3A_287 = tpu.memref_slice %arg11[%multiple_of3A_286] : memref<51200xi32, #tpu.memory_space<hbm>> -> memref<5120xi32, #tpu.memory_space<hbm>>
        %dma_start3A_288 = tpu.memref_slice %arg11[%multiple_of3A_286] : memref<51200xi32, #tpu.memory_space<hbm>> -> memref<5120xi32, #tpu.memory_space<hbm>>
        tpu.enqueue_dma source(%dma_start3A_288 : memref<5120xi32, #tpu.memory_space<hbm>>) target(%arg23 : memref<5120xi32, #tpu.memory_space<vmem>>) target_semaphore(%arg28 : memref<!tpu.dma_semaphore, #tpu.memory_space<semaphore_mem>>)
        %dma_wait3A_289 = arith.constant 0 : i32
        %dma_wait3A_290 = tpu.memref_slice %arg9[%dma_wait3A_289] : memref<51200xi32, #tpu.memory_space<hbm>> -> memref<5120xi32, #tpu.memory_space<hbm>>
        %dma_wait3A_291 = arith.constant 0 : i32
        %dma_wait3A_292 = tpu.memref_slice %arg9[%dma_wait3A_291] : memref<51200xi32, #tpu.memory_space<hbm>> -> memref<5120xi32, #tpu.memory_space<hbm>>
        tpu.wait_dma2 semaphore(%arg27 : memref<!tpu.dma_semaphore, #tpu.memory_space<semaphore_mem>>) src(%dma_wait3A_292 : memref<5120xi32, #tpu.memory_space<hbm>>) dst(%arg22 : memref<5120xi32, #tpu.memory_space<vmem>>)
        %gt3A = arith.constant 0 : i32
        %gt3A_293 = arith.cmpi sgt, %scan3A_276, %gt3A : i32
        %convert_element_type3A = arith.extui %gt3A_293 : i1 to i32
        %cond3A = arith.constant 0 : i32
        %cond3A_294 = arith.cmpi ne, %convert_element_type3A, %cond3A : i32
        scf.if %cond3A_294 {
          %dma_wait3A_538 = arith.constant 0 : i32
          %dma_wait3A_539 = tpu.memref_slice %arg19[%dma_wait3A_538] : memref<32768000xf32, #tpu.memory_space<hbm>> -> memref<5120xf32, #tpu.memory_space<hbm>>
          %dma_wait3A_540 = arith.constant 0 : i32
          %dma_wait3A_541 = tpu.memref_slice %arg19[%dma_wait3A_540] : memref<32768000xf32, #tpu.memory_space<hbm>> -> memref<5120xf32, #tpu.memory_space<hbm>>
          tpu.wait_dma2 semaphore(%arg29 : memref<!tpu.dma_semaphore, #tpu.memory_space<semaphore_mem>>) src(%dma_wait3A_541 : memref<5120xf32, #tpu.memory_space<hbm>>) dst(%arg24 : memref<5120xf32, #tpu.memory_space<vmem>>)
        } else {
        }
        %parallel_loop3A = arith.constant 0 : i32
        %parallel_loop3A_295 = arith.constant 320 : i32
        %parallel_loop3A_296 = arith.constant 1 : i32
        scf.for %parallel_loop3A_538 = %parallel_loop3A to %parallel_loop3A_295 step %parallel_loop3A_296  : i32 {
          %parallel_loop3A_539 = arith.constant 16 : i32
          %parallel_loop3A_540 = arith.muli %parallel_loop3A_538, %parallel_loop3A_539 : i32
          %parallel_loop3A_541 = arith.index_cast %parallel_loop3A_540 : i32 to index
          %parallel_loop3A_542 = tpu.vector_load %arg22[%parallel_loop3A_541] {strides = array<i32>} : memref<5120xi32, #tpu.memory_space<vmem>>, vector<16xi32>,
          %parallel_loop3A_543 = tpu.vector_load_idx %arg20[%parallel_loop3A_542] : memref<100004xf32, #tpu.memory_space<vmem>>[vector<16xi32>], vector<16xf32>,
          %parallel_loop3A_544 = arith.index_cast %parallel_loop3A_540 : i32 to index
          %parallel_loop3A_545 = tpu.vector_load %arg24[%parallel_loop3A_544] {strides = array<i32>} : memref<5120xf32, #tpu.memory_space<vmem>>, vector<16xf32>,
          tpu.vector_store %arg24[%parallel_loop3A_544], %parallel_loop3A_543 {strides = array<i32>} : memref<5120xf32, #tpu.memory_space<vmem>>, vector<16xf32>,
        } {sc.loop_unroll_factor = 8 : i64, sc.parallel_access}
        %mul3A_297 = arith.constant 5 : i32
        %mul3A_298 = arith.muli %mul3A_279, %mul3A_297 : i32
        %add3A_299 = arith.constant 0 : i32
        %add3A_300 = arith.addi %mul3A_298, %add3A_299 : i32
        %mul3A_301 = arith.constant 10 : i32
        %mul3A_302 = arith.muli %add3A_300, %mul3A_301 : i32
        %add3A_303 = arith.constant 2 : i32
        %add3A_304 = arith.addi %mul3A_302, %add3A_303 : i32
        %mul3A_305 = arith.constant 64 : i32
        %mul3A_306 = arith.muli %add3A_304, %mul3A_305 : i32
        %mul3A_307 = arith.constant 1024 : i32
        %mul3A_308 = arith.muli %mul3A_306, %mul3A_307 : i32
        %mul3A_309 = arith.constant 1024 : i32
        %mul3A_310 = arith.muli %add3A_11, %mul3A_309 : i32
        %add3A_311 = arith.addi %mul3A_308, %mul3A_310 : i32
        %multiple_of3A_312 = tpu.assume_multiple %add3A_311, 1024 : i32
        %dma_start3A_313 = arith.constant 0 : i32
        %dma_start3A_314 = tpu.memref_slice %arg24[%dma_start3A_313] : memref<5120xf32, #tpu.memory_space<vmem>> -> memref<1024xf32, #tpu.memory_space<vmem>>
        %dma_start3A_315 = tpu.memref_slice %arg19[%multiple_of3A_312] : memref<32768000xf32, #tpu.memory_space<hbm>> -> memref<1024xf32, #tpu.memory_space<hbm>>
        %dma_start3A_316 = tpu.memref_slice %arg19[%multiple_of3A_312] : memref<32768000xf32, #tpu.memory_space<hbm>> -> memref<1024xf32, #tpu.memory_space<hbm>>
        %dma_start3A_317 = arith.constant 0 : i32
        %dma_start3A_318 = tpu.memref_slice %arg24[%dma_start3A_317] : memref<5120xf32, #tpu.memory_space<vmem>> -> memref<1024xf32, #tpu.memory_space<vmem>>
        tpu.enqueue_dma source(%dma_start3A_318 : memref<1024xf32, #tpu.memory_space<vmem>>) target(%dma_start3A_316 : memref<1024xf32, #tpu.memory_space<hbm>>) target_semaphore(%arg29 : memref<!tpu.dma_semaphore, #tpu.memory_space<semaphore_mem>>)
        %mul3A_319 = arith.constant 5 : i32
        %mul3A_320 = arith.muli %mul3A_279, %mul3A_319 : i32
        %add3A_321 = arith.constant 1 : i32
        %add3A_322 = arith.addi %mul3A_320, %add3A_321 : i32
        %mul3A_323 = arith.constant 10 : i32
        %mul3A_324 = arith.muli %add3A_322, %mul3A_323 : i32
        %add3A_325 = arith.constant 2 : i32
        %add3A_326 = arith.addi %mul3A_324, %add3A_325 : i32
        %mul3A_327 = arith.constant 64 : i32
        %mul3A_328 = arith.muli %add3A_326, %mul3A_327 : i32
        %mul3A_329 = arith.constant 1024 : i32
        %mul3A_330 = arith.muli %mul3A_328, %mul3A_329 : i32
        %mul3A_331 = arith.constant 1024 : i32
        %mul3A_332 = arith.muli %add3A_11, %mul3A_331 : i32
        %add3A_333 = arith.addi %mul3A_330, %mul3A_332 : i32
        %multiple_of3A_334 = tpu.assume_multiple %add3A_333, 1024 : i32
        %dma_start3A_335 = arith.constant 1024 : i32
        %dma_start3A_336 = tpu.memref_slice %arg24[%dma_start3A_335] : memref<5120xf32, #tpu.memory_space<vmem>> -> memref<1024xf32, #tpu.memory_space<vmem>>
        %dma_start3A_337 = tpu.memref_slice %arg19[%multiple_of3A_334] : memref<32768000xf32, #tpu.memory_space<hbm>> -> memref<1024xf32, #tpu.memory_space<hbm>>
        %dma_start3A_338 = tpu.memref_slice %arg19[%multiple_of3A_334] : memref<32768000xf32, #tpu.memory_space<hbm>> -> memref<1024xf32, #tpu.memory_space<hbm>>
        %dma_start3A_339 = arith.constant 1024 : i32
        %dma_start3A_340 = tpu.memref_slice %arg24[%dma_start3A_339] : memref<5120xf32, #tpu.memory_space<vmem>> -> memref<1024xf32, #tpu.memory_space<vmem>>
        tpu.enqueue_dma source(%dma_start3A_340 : memref<1024xf32, #tpu.memory_space<vmem>>) target(%dma_start3A_338 : memref<1024xf32, #tpu.memory_space<hbm>>) target_semaphore(%arg29 : memref<!tpu.dma_semaphore, #tpu.memory_space<semaphore_mem>>)
        %mul3A_341 = arith.constant 5 : i32
        %mul3A_342 = arith.muli %mul3A_279, %mul3A_341 : i32
        %add3A_343 = arith.constant 2 : i32
        %add3A_344 = arith.addi %mul3A_342, %add3A_343 : i32
        %mul3A_345 = arith.constant 10 : i32
        %mul3A_346 = arith.muli %add3A_344, %mul3A_345 : i32
        %add3A_347 = arith.constant 2 : i32
        %add3A_348 = arith.addi %mul3A_346, %add3A_347 : i32
        %mul3A_349 = arith.constant 64 : i32
        %mul3A_350 = arith.muli %add3A_348, %mul3A_349 : i32
        %mul3A_351 = arith.constant 1024 : i32
        %mul3A_352 = arith.muli %mul3A_350, %mul3A_351 : i32
        %mul3A_353 = arith.constant 1024 : i32
        %mul3A_354 = arith.muli %add3A_11, %mul3A_353 : i32
        %add3A_355 = arith.addi %mul3A_352, %mul3A_354 : i32
        %multiple_of3A_356 = tpu.assume_multiple %add3A_355, 1024 : i32
        %dma_start3A_357 = arith.constant 2048 : i32
        %dma_start3A_358 = tpu.memref_slice %arg24[%dma_start3A_357] : memref<5120xf32, #tpu.memory_space<vmem>> -> memref<1024xf32, #tpu.memory_space<vmem>>
        %dma_start3A_359 = tpu.memref_slice %arg19[%multiple_of3A_356] : memref<32768000xf32, #tpu.memory_space<hbm>> -> memref<1024xf32, #tpu.memory_space<hbm>>
        %dma_start3A_360 = tpu.memref_slice %arg19[%multiple_of3A_356] : memref<32768000xf32, #tpu.memory_space<hbm>> -> memref<1024xf32, #tpu.memory_space<hbm>>
        %dma_start3A_361 = arith.constant 2048 : i32
        %dma_start3A_362 = tpu.memref_slice %arg24[%dma_start3A_361] : memref<5120xf32, #tpu.memory_space<vmem>> -> memref<1024xf32, #tpu.memory_space<vmem>>
        tpu.enqueue_dma source(%dma_start3A_362 : memref<1024xf32, #tpu.memory_space<vmem>>) target(%dma_start3A_360 : memref<1024xf32, #tpu.memory_space<hbm>>) target_semaphore(%arg29 : memref<!tpu.dma_semaphore, #tpu.memory_space<semaphore_mem>>)
        %mul3A_363 = arith.constant 5 : i32
        %mul3A_364 = arith.muli %mul3A_279, %mul3A_363 : i32
        %add3A_365 = arith.constant 3 : i32
        %add3A_366 = arith.addi %mul3A_364, %add3A_365 : i32
        %mul3A_367 = arith.constant 10 : i32
        %mul3A_368 = arith.muli %add3A_366, %mul3A_367 : i32
        %add3A_369 = arith.constant 2 : i32
        %add3A_370 = arith.addi %mul3A_368, %add3A_369 : i32
        %mul3A_371 = arith.constant 64 : i32
        %mul3A_372 = arith.muli %add3A_370, %mul3A_371 : i32
        %mul3A_373 = arith.constant 1024 : i32
        %mul3A_374 = arith.muli %mul3A_372, %mul3A_373 : i32
        %mul3A_375 = arith.constant 1024 : i32
        %mul3A_376 = arith.muli %add3A_11, %mul3A_375 : i32
        %add3A_377 = arith.addi %mul3A_374, %mul3A_376 : i32
        %multiple_of3A_378 = tpu.assume_multiple %add3A_377, 1024 : i32
        %dma_start3A_379 = arith.constant 3072 : i32
        %dma_start3A_380 = tpu.memref_slice %arg24[%dma_start3A_379] : memref<5120xf32, #tpu.memory_space<vmem>> -> memref<1024xf32, #tpu.memory_space<vmem>>
        %dma_start3A_381 = tpu.memref_slice %arg19[%multiple_of3A_378] : memref<32768000xf32, #tpu.memory_space<hbm>> -> memref<1024xf32, #tpu.memory_space<hbm>>
        %dma_start3A_382 = tpu.memref_slice %arg19[%multiple_of3A_378] : memref<32768000xf32, #tpu.memory_space<hbm>> -> memref<1024xf32, #tpu.memory_space<hbm>>
        %dma_start3A_383 = arith.constant 3072 : i32
        %dma_start3A_384 = tpu.memref_slice %arg24[%dma_start3A_383] : memref<5120xf32, #tpu.memory_space<vmem>> -> memref<1024xf32, #tpu.memory_space<vmem>>
        tpu.enqueue_dma source(%dma_start3A_384 : memref<1024xf32, #tpu.memory_space<vmem>>) target(%dma_start3A_382 : memref<1024xf32, #tpu.memory_space<hbm>>) target_semaphore(%arg29 : memref<!tpu.dma_semaphore, #tpu.memory_space<semaphore_mem>>)
        %mul3A_385 = arith.constant 5 : i32
        %mul3A_386 = arith.muli %mul3A_279, %mul3A_385 : i32
        %add3A_387 = arith.constant 4 : i32
        %add3A_388 = arith.addi %mul3A_386, %add3A_387 : i32
        %mul3A_389 = arith.constant 10 : i32
        %mul3A_390 = arith.muli %add3A_388, %mul3A_389 : i32
        %add3A_391 = arith.constant 2 : i32
        %add3A_392 = arith.addi %mul3A_390, %add3A_391 : i32
        %mul3A_393 = arith.constant 64 : i32
        %mul3A_394 = arith.muli %add3A_392, %mul3A_393 : i32
        %mul3A_395 = arith.constant 1024 : i32
        %mul3A_396 = arith.muli %mul3A_394, %mul3A_395 : i32
        %mul3A_397 = arith.constant 1024 : i32
        %mul3A_398 = arith.muli %add3A_11, %mul3A_397 : i32
        %add3A_399 = arith.addi %mul3A_396, %mul3A_398 : i32
        %multiple_of3A_400 = tpu.assume_multiple %add3A_399, 1024 : i32
        %dma_start3A_401 = arith.constant 4096 : i32
        %dma_start3A_402 = tpu.memref_slice %arg24[%dma_start3A_401] : memref<5120xf32, #tpu.memory_space<vmem>> -> memref<1024xf32, #tpu.memory_space<vmem>>
        %dma_start3A_403 = tpu.memref_slice %arg19[%multiple_of3A_400] : memref<32768000xf32, #tpu.memory_space<hbm>> -> memref<1024xf32, #tpu.memory_space<hbm>>
        %dma_start3A_404 = tpu.memref_slice %arg19[%multiple_of3A_400] : memref<32768000xf32, #tpu.memory_space<hbm>> -> memref<1024xf32, #tpu.memory_space<hbm>>
        %dma_start3A_405 = arith.constant 4096 : i32
        %dma_start3A_406 = tpu.memref_slice %arg24[%dma_start3A_405] : memref<5120xf32, #tpu.memory_space<vmem>> -> memref<1024xf32, #tpu.memory_space<vmem>>
        tpu.enqueue_dma source(%dma_start3A_406 : memref<1024xf32, #tpu.memory_space<vmem>>) target(%dma_start3A_404 : memref<1024xf32, #tpu.memory_space<hbm>>) target_semaphore(%arg29 : memref<!tpu.dma_semaphore, #tpu.memory_space<semaphore_mem>>)
        %add3A_407 = arith.constant 1 : i32
        %add3A_408 = arith.addi %add3A_283, %add3A_407 : i32
        %rem3A = arith.constant 10 : i32
        %rem3A_409 = arith.remsi %add3A_408, %rem3A : i32
        %mul3A_410 = arith.constant 5120 : i32
        %mul3A_411 = arith.muli %rem3A_409, %mul3A_410 : i32
        %multiple_of3A_412 = tpu.assume_multiple %mul3A_411, 5120 : i32
        %dma_start3A_413 = tpu.memref_slice %arg11[%multiple_of3A_412] : memref<51200xi32, #tpu.memory_space<hbm>> -> memref<5120xi32, #tpu.memory_space<hbm>>
        %dma_start3A_414 = tpu.memref_slice %arg11[%multiple_of3A_412] : memref<51200xi32, #tpu.memory_space<hbm>> -> memref<5120xi32, #tpu.memory_space<hbm>>
        tpu.enqueue_dma source(%dma_start3A_414 : memref<5120xi32, #tpu.memory_space<hbm>>) target(%arg22 : memref<5120xi32, #tpu.memory_space<vmem>>) target_semaphore(%arg27 : memref<!tpu.dma_semaphore, #tpu.memory_space<semaphore_mem>>)
        %dma_wait3A_415 = arith.constant 0 : i32
        %dma_wait3A_416 = tpu.memref_slice %arg9[%dma_wait3A_415] : memref<51200xi32, #tpu.memory_space<hbm>> -> memref<5120xi32, #tpu.memory_space<hbm>>
        %dma_wait3A_417 = arith.constant 0 : i32
        %dma_wait3A_418 = tpu.memref_slice %arg9[%dma_wait3A_417] : memref<51200xi32, #tpu.memory_space<hbm>> -> memref<5120xi32, #tpu.memory_space<hbm>>
        tpu.wait_dma2 semaphore(%arg28 : memref<!tpu.dma_semaphore, #tpu.memory_space<semaphore_mem>>) src(%dma_wait3A_418 : memref<5120xi32, #tpu.memory_space<hbm>>) dst(%arg23 : memref<5120xi32, #tpu.memory_space<vmem>>)
        %gt3A_419 = arith.constant 0 : i32
        %gt3A_420 = arith.cmpi sgt, %scan3A_276, %gt3A_419 : i32
        %convert_element_type3A_421 = arith.extui %gt3A_420 : i1 to i32
        %cond3A_422 = arith.constant 0 : i32
        %cond3A_423 = arith.cmpi ne, %convert_element_type3A_421, %cond3A_422 : i32
        scf.if %cond3A_423 {
          %dma_wait3A_538 = arith.constant 0 : i32
          %dma_wait3A_539 = tpu.memref_slice %arg19[%dma_wait3A_538] : memref<32768000xf32, #tpu.memory_space<hbm>> -> memref<5120xf32, #tpu.memory_space<hbm>>
          %dma_wait3A_540 = arith.constant 0 : i32
          %dma_wait3A_541 = tpu.memref_slice %arg19[%dma_wait3A_540] : memref<32768000xf32, #tpu.memory_space<hbm>> -> memref<5120xf32, #tpu.memory_space<hbm>>
          tpu.wait_dma2 semaphore(%arg30 : memref<!tpu.dma_semaphore, #tpu.memory_space<semaphore_mem>>) src(%dma_wait3A_541 : memref<5120xf32, #tpu.memory_space<hbm>>) dst(%arg25 : memref<5120xf32, #tpu.memory_space<vmem>>)
        } else {
        }
        %parallel_loop3A_424 = arith.constant 0 : i32
        %parallel_loop3A_425 = arith.constant 320 : i32
        %parallel_loop3A_426 = arith.constant 1 : i32
        scf.for %parallel_loop3A_538 = %parallel_loop3A_424 to %parallel_loop3A_425 step %parallel_loop3A_426  : i32 {
          %parallel_loop3A_539 = arith.constant 16 : i32
          %parallel_loop3A_540 = arith.muli %parallel_loop3A_538, %parallel_loop3A_539 : i32
          %parallel_loop3A_541 = arith.index_cast %parallel_loop3A_540 : i32 to index
          %parallel_loop3A_542 = tpu.vector_load %arg23[%parallel_loop3A_541] {strides = array<i32>} : memref<5120xi32, #tpu.memory_space<vmem>>, vector<16xi32>,
          %parallel_loop3A_543 = tpu.vector_load_idx %arg20[%parallel_loop3A_542] : memref<100004xf32, #tpu.memory_space<vmem>>[vector<16xi32>], vector<16xf32>,
          %parallel_loop3A_544 = arith.index_cast %parallel_loop3A_540 : i32 to index
          %parallel_loop3A_545 = tpu.vector_load %arg25[%parallel_loop3A_544] {strides = array<i32>} : memref<5120xf32, #tpu.memory_space<vmem>>, vector<16xf32>,
          tpu.vector_store %arg25[%parallel_loop3A_544], %parallel_loop3A_543 {strides = array<i32>} : memref<5120xf32, #tpu.memory_space<vmem>>, vector<16xf32>,
        } {sc.loop_unroll_factor = 8 : i64, sc.parallel_access}
        %mul3A_427 = arith.constant 5 : i32
        %mul3A_428 = arith.muli %add3A_283, %mul3A_427 : i32
        %add3A_429 = arith.constant 0 : i32
        %add3A_430 = arith.addi %mul3A_428, %add3A_429 : i32
        %mul3A_431 = arith.constant 10 : i32
        %mul3A_432 = arith.muli %add3A_430, %mul3A_431 : i32
        %add3A_433 = arith.constant 2 : i32
        %add3A_434 = arith.addi %mul3A_432, %add3A_433 : i32
        %mul3A_435 = arith.constant 64 : i32
        %mul3A_436 = arith.muli %add3A_434, %mul3A_435 : i32
        %mul3A_437 = arith.constant 1024 : i32
        %mul3A_438 = arith.muli %mul3A_436, %mul3A_437 : i32
        %mul3A_439 = arith.constant 1024 : i32
        %mul3A_440 = arith.muli %add3A_11, %mul3A_439 : i32
        %add3A_441 = arith.addi %mul3A_438, %mul3A_440 : i32
        %multiple_of3A_442 = tpu.assume_multiple %add3A_441, 1024 : i32
        %dma_start3A_443 = arith.constant 0 : i32
        %dma_start3A_444 = tpu.memref_slice %arg25[%dma_start3A_443] : memref<5120xf32, #tpu.memory_space<vmem>> -> memref<1024xf32, #tpu.memory_space<vmem>>
        %dma_start3A_445 = tpu.memref_slice %arg19[%multiple_of3A_442] : memref<32768000xf32, #tpu.memory_space<hbm>> -> memref<1024xf32, #tpu.memory_space<hbm>>
        %dma_start3A_446 = tpu.memref_slice %arg19[%multiple_of3A_442] : memref<32768000xf32, #tpu.memory_space<hbm>> -> memref<1024xf32, #tpu.memory_space<hbm>>
        %dma_start3A_447 = arith.constant 0 : i32
        %dma_start3A_448 = tpu.memref_slice %arg25[%dma_start3A_447] : memref<5120xf32, #tpu.memory_space<vmem>> -> memref<1024xf32, #tpu.memory_space<vmem>>
        tpu.enqueue_dma source(%dma_start3A_448 : memref<1024xf32, #tpu.memory_space<vmem>>) target(%dma_start3A_446 : memref<1024xf32, #tpu.memory_space<hbm>>) target_semaphore(%arg30 : memref<!tpu.dma_semaphore, #tpu.memory_space<semaphore_mem>>)
        %mul3A_449 = arith.constant 5 : i32
        %mul3A_450 = arith.muli %add3A_283, %mul3A_449 : i32
        %add3A_451 = arith.constant 1 : i32
        %add3A_452 = arith.addi %mul3A_450, %add3A_451 : i32
        %mul3A_453 = arith.constant 10 : i32
        %mul3A_454 = arith.muli %add3A_452, %mul3A_453 : i32
        %add3A_455 = arith.constant 2 : i32
        %add3A_456 = arith.addi %mul3A_454, %add3A_455 : i32
        %mul3A_457 = arith.constant 64 : i32
        %mul3A_458 = arith.muli %add3A_456, %mul3A_457 : i32
        %mul3A_459 = arith.constant 1024 : i32
        %mul3A_460 = arith.muli %mul3A_458, %mul3A_459 : i32
        %mul3A_461 = arith.constant 1024 : i32
        %mul3A_462 = arith.muli %add3A_11, %mul3A_461 : i32
        %add3A_463 = arith.addi %mul3A_460, %mul3A_462 : i32
        %multiple_of3A_464 = tpu.assume_multiple %add3A_463, 1024 : i32
        %dma_start3A_465 = arith.constant 1024 : i32
        %dma_start3A_466 = tpu.memref_slice %arg25[%dma_start3A_465] : memref<5120xf32, #tpu.memory_space<vmem>> -> memref<1024xf32, #tpu.memory_space<vmem>>
        %dma_start3A_467 = tpu.memref_slice %arg19[%multiple_of3A_464] : memref<32768000xf32, #tpu.memory_space<hbm>> -> memref<1024xf32, #tpu.memory_space<hbm>>
        %dma_start3A_468 = tpu.memref_slice %arg19[%multiple_of3A_464] : memref<32768000xf32, #tpu.memory_space<hbm>> -> memref<1024xf32, #tpu.memory_space<hbm>>
        %dma_start3A_469 = arith.constant 1024 : i32
        %dma_start3A_470 = tpu.memref_slice %arg25[%dma_start3A_469] : memref<5120xf32, #tpu.memory_space<vmem>> -> memref<1024xf32, #tpu.memory_space<vmem>>
        tpu.enqueue_dma source(%dma_start3A_470 : memref<1024xf32, #tpu.memory_space<vmem>>) target(%dma_start3A_468 : memref<1024xf32, #tpu.memory_space<hbm>>) target_semaphore(%arg30 : memref<!tpu.dma_semaphore, #tpu.memory_space<semaphore_mem>>)
        %mul3A_471 = arith.constant 5 : i32
        %mul3A_472 = arith.muli %add3A_283, %mul3A_471 : i32
        %add3A_473 = arith.constant 2 : i32
        %add3A_474 = arith.addi %mul3A_472, %add3A_473 : i32
        %mul3A_475 = arith.constant 10 : i32
        %mul3A_476 = arith.muli %add3A_474, %mul3A_475 : i32
        %add3A_477 = arith.constant 2 : i32
        %add3A_478 = arith.addi %mul3A_476, %add3A_477 : i32
        %mul3A_479 = arith.constant 64 : i32
        %mul3A_480 = arith.muli %add3A_478, %mul3A_479 : i32
        %mul3A_481 = arith.constant 1024 : i32
        %mul3A_482 = arith.muli %mul3A_480, %mul3A_481 : i32
        %mul3A_483 = arith.constant 1024 : i32
        %mul3A_484 = arith.muli %add3A_11, %mul3A_483 : i32
        %add3A_485 = arith.addi %mul3A_482, %mul3A_484 : i32
        %multiple_of3A_486 = tpu.assume_multiple %add3A_485, 1024 : i32
        %dma_start3A_487 = arith.constant 2048 : i32
        %dma_start3A_488 = tpu.memref_slice %arg25[%dma_start3A_487] : memref<5120xf32, #tpu.memory_space<vmem>> -> memref<1024xf32, #tpu.memory_space<vmem>>
        %dma_start3A_489 = tpu.memref_slice %arg19[%multiple_of3A_486] : memref<32768000xf32, #tpu.memory_space<hbm>> -> memref<1024xf32, #tpu.memory_space<hbm>>
        %dma_start3A_490 = tpu.memref_slice %arg19[%multiple_of3A_486] : memref<32768000xf32, #tpu.memory_space<hbm>> -> memref<1024xf32, #tpu.memory_space<hbm>>
        %dma_start3A_491 = arith.constant 2048 : i32
        %dma_start3A_492 = tpu.memref_slice %arg25[%dma_start3A_491] : memref<5120xf32, #tpu.memory_space<vmem>> -> memref<1024xf32, #tpu.memory_space<vmem>>
        tpu.enqueue_dma source(%dma_start3A_492 : memref<1024xf32, #tpu.memory_space<vmem>>) target(%dma_start3A_490 : memref<1024xf32, #tpu.memory_space<hbm>>) target_semaphore(%arg30 : memref<!tpu.dma_semaphore, #tpu.memory_space<semaphore_mem>>)
        %mul3A_493 = arith.constant 5 : i32
        %mul3A_494 = arith.muli %add3A_283, %mul3A_493 : i32
        %add3A_495 = arith.constant 3 : i32
        %add3A_496 = arith.addi %mul3A_494, %add3A_495 : i32
        %mul3A_497 = arith.constant 10 : i32
        %mul3A_498 = arith.muli %add3A_496, %mul3A_497 : i32
        %add3A_499 = arith.constant 2 : i32
        %add3A_500 = arith.addi %mul3A_498, %add3A_499 : i32
        %mul3A_501 = arith.constant 64 : i32
        %mul3A_502 = arith.muli %add3A_500, %mul3A_501 : i32
        %mul3A_503 = arith.constant 1024 : i32
        %mul3A_504 = arith.muli %mul3A_502, %mul3A_503 : i32
        %mul3A_505 = arith.constant 1024 : i32
        %mul3A_506 = arith.muli %add3A_11, %mul3A_505 : i32
        %add3A_507 = arith.addi %mul3A_504, %mul3A_506 : i32
        %multiple_of3A_508 = tpu.assume_multiple %add3A_507, 1024 : i32
        %dma_start3A_509 = arith.constant 3072 : i32
        %dma_start3A_510 = tpu.memref_slice %arg25[%dma_start3A_509] : memref<5120xf32, #tpu.memory_space<vmem>> -> memref<1024xf32, #tpu.memory_space<vmem>>
        %dma_start3A_511 = tpu.memref_slice %arg19[%multiple_of3A_508] : memref<32768000xf32, #tpu.memory_space<hbm>> -> memref<1024xf32, #tpu.memory_space<hbm>>
        %dma_start3A_512 = tpu.memref_slice %arg19[%multiple_of3A_508] : memref<32768000xf32, #tpu.memory_space<hbm>> -> memref<1024xf32, #tpu.memory_space<hbm>>
        %dma_start3A_513 = arith.constant 3072 : i32
        %dma_start3A_514 = tpu.memref_slice %arg25[%dma_start3A_513] : memref<5120xf32, #tpu.memory_space<vmem>> -> memref<1024xf32, #tpu.memory_space<vmem>>
        tpu.enqueue_dma source(%dma_start3A_514 : memref<1024xf32, #tpu.memory_space<vmem>>) target(%dma_start3A_512 : memref<1024xf32, #tpu.memory_space<hbm>>) target_semaphore(%arg30 : memref<!tpu.dma_semaphore, #tpu.memory_space<semaphore_mem>>)
        %mul3A_515 = arith.constant 5 : i32
        %mul3A_516 = arith.muli %add3A_283, %mul3A_515 : i32
        %add3A_517 = arith.constant 4 : i32
        %add3A_518 = arith.addi %mul3A_516, %add3A_517 : i32
        %mul3A_519 = arith.constant 10 : i32
        %mul3A_520 = arith.muli %add3A_518, %mul3A_519 : i32
        %add3A_521 = arith.constant 2 : i32
        %add3A_522 = arith.addi %mul3A_520, %add3A_521 : i32
        %mul3A_523 = arith.constant 64 : i32
        %mul3A_524 = arith.muli %add3A_522, %mul3A_523 : i32
        %mul3A_525 = arith.constant 1024 : i32
        %mul3A_526 = arith.muli %mul3A_524, %mul3A_525 : i32
        %mul3A_527 = arith.constant 1024 : i32
        %mul3A_528 = arith.muli %add3A_11, %mul3A_527 : i32
        %add3A_529 = arith.addi %mul3A_526, %mul3A_528 : i32
        %multiple_of3A_530 = tpu.assume_multiple %add3A_529, 1024 : i32
        %dma_start3A_531 = arith.constant 4096 : i32
        %dma_start3A_532 = tpu.memref_slice %arg25[%dma_start3A_531] : memref<5120xf32, #tpu.memory_space<vmem>> -> memref<1024xf32, #tpu.memory_space<vmem>>
        %dma_start3A_533 = tpu.memref_slice %arg19[%multiple_of3A_530] : memref<32768000xf32, #tpu.memory_space<hbm>> -> memref<1024xf32, #tpu.memory_space<hbm>>
        %dma_start3A_534 = tpu.memref_slice %arg19[%multiple_of3A_530] : memref<32768000xf32, #tpu.memory_space<hbm>> -> memref<1024xf32, #tpu.memory_space<hbm>>
        %dma_start3A_535 = arith.constant 4096 : i32
        %dma_start3A_536 = tpu.memref_slice %arg25[%dma_start3A_535] : memref<5120xf32, #tpu.memory_space<vmem>> -> memref<1024xf32, #tpu.memory_space<vmem>>
        tpu.enqueue_dma source(%dma_start3A_536 : memref<1024xf32, #tpu.memory_space<vmem>>) target(%dma_start3A_534 : memref<1024xf32, #tpu.memory_space<hbm>>) target_semaphore(%arg30 : memref<!tpu.dma_semaphore, #tpu.memory_space<semaphore_mem>>)
        %scan3A_537 = arith.constant 0 : i32
        scf.yield %scan3A_537 : i32
      }
      %scan3A_121 = arith.constant 5 : i32
      %dma_wait3A_122 = arith.constant 0 : i32
      %dma_wait3A_123 = tpu.memref_slice %arg9[%dma_wait3A_122] : memref<51200xi32, #tpu.memory_space<hbm>> -> memref<5120xi32, #tpu.memory_space<hbm>>
      %dma_wait3A_124 = arith.constant 0 : i32
      %dma_wait3A_125 = tpu.memref_slice %arg9[%dma_wait3A_124] : memref<51200xi32, #tpu.memory_space<hbm>> -> memref<5120xi32, #tpu.memory_space<hbm>>
      tpu.wait_dma2 semaphore(%arg27 : memref<!tpu.dma_semaphore, #tpu.memory_space<semaphore_mem>>) src(%dma_wait3A_125 : memref<5120xi32, #tpu.memory_space<hbm>>) dst(%arg22 : memref<5120xi32, #tpu.memory_space<vmem>>)
      %dma_wait3A_126 = arith.constant 0 : i32
      %dma_wait3A_127 = tpu.memref_slice %arg19[%dma_wait3A_126] : memref<32768000xf32, #tpu.memory_space<hbm>> -> memref<5120xf32, #tpu.memory_space<hbm>>
      %dma_wait3A_128 = arith.constant 0 : i32
      %dma_wait3A_129 = tpu.memref_slice %arg19[%dma_wait3A_128] : memref<32768000xf32, #tpu.memory_space<hbm>> -> memref<5120xf32, #tpu.memory_space<hbm>>
      tpu.wait_dma2 semaphore(%arg29 : memref<!tpu.dma_semaphore, #tpu.memory_space<semaphore_mem>>) src(%dma_wait3A_129 : memref<5120xf32, #tpu.memory_space<hbm>>) dst(%arg24 : memref<5120xf32, #tpu.memory_space<vmem>>)
      %dma_wait3A_130 = arith.constant 0 : i32
      %dma_wait3A_131 = tpu.memref_slice %arg19[%dma_wait3A_130] : memref<32768000xf32, #tpu.memory_space<hbm>> -> memref<5120xf32, #tpu.memory_space<hbm>>
      %dma_wait3A_132 = arith.constant 0 : i32
      %dma_wait3A_133 = tpu.memref_slice %arg19[%dma_wait3A_132] : memref<32768000xf32, #tpu.memory_space<hbm>> -> memref<5120xf32, #tpu.memory_space<hbm>>
      tpu.wait_dma2 semaphore(%arg30 : memref<!tpu.dma_semaphore, #tpu.memory_space<semaphore_mem>>) src(%dma_wait3A_133 : memref<5120xf32, #tpu.memory_space<hbm>>) dst(%arg25 : memref<5120xf32, #tpu.memory_space<vmem>>)
      %dma_start3A_134 = arith.constant 0 : i32
      %dma_start3A_135 = tpu.memref_slice %arg5[%add3A_11, %dma_start3A_134] : memref<64x100004xf32, #tpu.memory_space<hbm>> -> memref<1x100004xf32, #tpu.memory_space<hbm>>
      %dma_start3A_136 = tpu.memref_squeeze %dma_start3A_135 : memref<1x100004xf32, #tpu.memory_space<hbm>> -> memref<100004xf32, #tpu.memory_space<hbm>>
      %dma_start3A_137 = arith.constant 0 : i32
      %dma_start3A_138 = tpu.memref_slice %arg5[%add3A_11, %dma_start3A_137] : memref<64x100004xf32, #tpu.memory_space<hbm>> -> memref<1x100004xf32, #tpu.memory_space<hbm>>
      %dma_start3A_139 = tpu.memref_squeeze %dma_start3A_138 : memref<1x100004xf32, #tpu.memory_space<hbm>> -> memref<100004xf32, #tpu.memory_space<hbm>>
      tpu.enqueue_dma source(%dma_start3A_139 : memref<100004xf32, #tpu.memory_space<hbm>>) target(%arg20 : memref<100004xf32, #tpu.memory_space<vmem>>) target_semaphore(%arg26 : memref<!tpu.dma_semaphore, #tpu.memory_space<semaphore_mem>>)
      %scan3A_140 = arith.constant 0 : i32
      %scan3A_141 = arith.constant 0 : i32
      %scan3A_142 = arith.constant 10 : i32
      %scan3A_143 = arith.addi %scan3A_141, %scan3A_142 : i32
      %scan3A_144 = arith.constant 1 : i32
      %scan3A_145 = scf.for %scan3A_276 = %scan3A_141 to %scan3A_143 step %scan3A_144 iter_args(%scan3A_277 = %scan3A_140) -> (i32)  : i32 {
        %mul3A_278 = arith.constant 5120 : i32
        %mul3A_279 = arith.muli %scan3A_276, %mul3A_278 : i32
        %multiple_of3A_280 = tpu.assume_multiple %mul3A_279, 5120 : i32
        %dma_start3A_281 = tpu.memref_slice %arg18[%add3A_11, %multiple_of3A_280] : memref<64x51200xf32, #tpu.memory_space<hbm>> -> memref<1x5120xf32, #tpu.memory_space<hbm>>
        %dma_start3A_282 = tpu.memref_squeeze %dma_start3A_281 : memref<1x5120xf32, #tpu.memory_space<hbm>> -> memref<5120xf32, #tpu.memory_space<hbm>>
        %dma_start3A_283 = tpu.memref_slice %arg18[%add3A_11, %multiple_of3A_280] : memref<64x51200xf32, #tpu.memory_space<hbm>> -> memref<1x5120xf32, #tpu.memory_space<hbm>>
        %dma_start3A_284 = tpu.memref_squeeze %dma_start3A_283 : memref<1x5120xf32, #tpu.memory_space<hbm>> -> memref<5120xf32, #tpu.memory_space<hbm>>
        tpu.enqueue_dma source(%dma_start3A_284 : memref<5120xf32, #tpu.memory_space<hbm>>) target(%arg24 : memref<5120xf32, #tpu.memory_space<vmem>>) target_semaphore(%arg27 : memref<!tpu.dma_semaphore, #tpu.memory_space<semaphore_mem>>)
        %dma_wait3A_285 = tpu.memref_slice %arg18[%add3A_11, %multiple_of3A_280] : memref<64x51200xf32, #tpu.memory_space<hbm>> -> memref<1x5120xf32, #tpu.memory_space<hbm>>
        %dma_wait3A_286 = tpu.memref_squeeze %dma_wait3A_285 : memref<1x5120xf32, #tpu.memory_space<hbm>> -> memref<5120xf32, #tpu.memory_space<hbm>>
        %dma_wait3A_287 = tpu.memref_slice %arg18[%add3A_11, %multiple_of3A_280] : memref<64x51200xf32, #tpu.memory_space<hbm>> -> memref<1x5120xf32, #tpu.memory_space<hbm>>
        %dma_wait3A_288 = tpu.memref_squeeze %dma_wait3A_287 : memref<1x5120xf32, #tpu.memory_space<hbm>> -> memref<5120xf32, #tpu.memory_space<hbm>>
        tpu.wait_dma2 semaphore(%arg27 : memref<!tpu.dma_semaphore, #tpu.memory_space<semaphore_mem>>) src(%dma_wait3A_288 : memref<5120xf32, #tpu.memory_space<hbm>>) dst(%arg24 : memref<5120xf32, #tpu.memory_space<vmem>>)
        %mul3A_289 = arith.constant 5 : i32
        %mul3A_290 = arith.muli %scan3A_276, %mul3A_289 : i32
        %add3A_291 = arith.constant 0 : i32
        %add3A_292 = arith.addi %mul3A_290, %add3A_291 : i32
        %mul3A_293 = arith.constant 10 : i32
        %mul3A_294 = arith.muli %add3A_292, %mul3A_293 : i32
        %add3A_295 = arith.constant 9 : i32
        %add3A_296 = arith.addi %mul3A_294, %add3A_295 : i32
        %mul3A_297 = arith.constant 64 : i32
        %mul3A_298 = arith.muli %add3A_296, %mul3A_297 : i32
        %mul3A_299 = arith.constant 1024 : i32
        %mul3A_300 = arith.muli %mul3A_298, %mul3A_299 : i32
        %mul3A_301 = arith.constant 1024 : i32
        %mul3A_302 = arith.muli %add3A_11, %mul3A_301 : i32
        %add3A_303 = arith.addi %mul3A_300, %mul3A_302 : i32
        %multiple_of3A_304 = tpu.assume_multiple %add3A_303, 1024 : i32
        %dma_start3A_305 = arith.constant 0 : i32
        %dma_start3A_306 = tpu.memref_slice %arg24[%dma_start3A_305] : memref<5120xf32, #tpu.memory_space<vmem>> -> memref<1024xf32, #tpu.memory_space<vmem>>
        %dma_start3A_307 = tpu.memref_slice %arg19[%multiple_of3A_304] : memref<32768000xf32, #tpu.memory_space<hbm>> -> memref<1024xf32, #tpu.memory_space<hbm>>
        %dma_start3A_308 = tpu.memref_slice %arg19[%multiple_of3A_304] : memref<32768000xf32, #tpu.memory_space<hbm>> -> memref<1024xf32, #tpu.memory_space<hbm>>
        %dma_start3A_309 = arith.constant 0 : i32
        %dma_start3A_310 = tpu.memref_slice %arg24[%dma_start3A_309] : memref<5120xf32, #tpu.memory_space<vmem>> -> memref<1024xf32, #tpu.memory_space<vmem>>
        tpu.enqueue_dma source(%dma_start3A_310 : memref<1024xf32, #tpu.memory_space<vmem>>) target(%dma_start3A_308 : memref<1024xf32, #tpu.memory_space<hbm>>) target_semaphore(%arg29 : memref<!tpu.dma_semaphore, #tpu.memory_space<semaphore_mem>>)
        %mul3A_311 = arith.constant 5 : i32
        %mul3A_312 = arith.muli %scan3A_276, %mul3A_311 : i32
        %add3A_313 = arith.constant 1 : i32
        %add3A_314 = arith.addi %mul3A_312, %add3A_313 : i32
        %mul3A_315 = arith.constant 10 : i32
        %mul3A_316 = arith.muli %add3A_314, %mul3A_315 : i32
        %add3A_317 = arith.constant 9 : i32
        %add3A_318 = arith.addi %mul3A_316, %add3A_317 : i32
        %mul3A_319 = arith.constant 64 : i32
        %mul3A_320 = arith.muli %add3A_318, %mul3A_319 : i32
        %mul3A_321 = arith.constant 1024 : i32
        %mul3A_322 = arith.muli %mul3A_320, %mul3A_321 : i32
        %mul3A_323 = arith.constant 1024 : i32
        %mul3A_324 = arith.muli %add3A_11, %mul3A_323 : i32
        %add3A_325 = arith.addi %mul3A_322, %mul3A_324 : i32
        %multiple_of3A_326 = tpu.assume_multiple %add3A_325, 1024 : i32
        %dma_start3A_327 = arith.constant 1024 : i32
        %dma_start3A_328 = tpu.memref_slice %arg24[%dma_start3A_327] : memref<5120xf32, #tpu.memory_space<vmem>> -> memref<1024xf32, #tpu.memory_space<vmem>>
        %dma_start3A_329 = tpu.memref_slice %arg19[%multiple_of3A_326] : memref<32768000xf32, #tpu.memory_space<hbm>> -> memref<1024xf32, #tpu.memory_space<hbm>>
        %dma_start3A_330 = tpu.memref_slice %arg19[%multiple_of3A_326] : memref<32768000xf32, #tpu.memory_space<hbm>> -> memref<1024xf32, #tpu.memory_space<hbm>>
        %dma_start3A_331 = arith.constant 1024 : i32
        %dma_start3A_332 = tpu.memref_slice %arg24[%dma_start3A_331] : memref<5120xf32, #tpu.memory_space<vmem>> -> memref<1024xf32, #tpu.memory_space<vmem>>
        tpu.enqueue_dma source(%dma_start3A_332 : memref<1024xf32, #tpu.memory_space<vmem>>) target(%dma_start3A_330 : memref<1024xf32, #tpu.memory_space<hbm>>) target_semaphore(%arg29 : memref<!tpu.dma_semaphore, #tpu.memory_space<semaphore_mem>>)
        %mul3A_333 = arith.constant 5 : i32
        %mul3A_334 = arith.muli %scan3A_276, %mul3A_333 : i32
        %add3A_335 = arith.constant 2 : i32
        %add3A_336 = arith.addi %mul3A_334, %add3A_335 : i32
        %mul3A_337 = arith.constant 10 : i32
        %mul3A_338 = arith.muli %add3A_336, %mul3A_337 : i32
        %add3A_339 = arith.constant 9 : i32
        %add3A_340 = arith.addi %mul3A_338, %add3A_339 : i32
        %mul3A_341 = arith.constant 64 : i32
        %mul3A_342 = arith.muli %add3A_340, %mul3A_341 : i32
        %mul3A_343 = arith.constant 1024 : i32
        %mul3A_344 = arith.muli %mul3A_342, %mul3A_343 : i32
        %mul3A_345 = arith.constant 1024 : i32
        %mul3A_346 = arith.muli %add3A_11, %mul3A_345 : i32
        %add3A_347 = arith.addi %mul3A_344, %mul3A_346 : i32
        %multiple_of3A_348 = tpu.assume_multiple %add3A_347, 1024 : i32
        %dma_start3A_349 = arith.constant 2048 : i32
        %dma_start3A_350 = tpu.memref_slice %arg24[%dma_start3A_349] : memref<5120xf32, #tpu.memory_space<vmem>> -> memref<1024xf32, #tpu.memory_space<vmem>>
        %dma_start3A_351 = tpu.memref_slice %arg19[%multiple_of3A_348] : memref<32768000xf32, #tpu.memory_space<hbm>> -> memref<1024xf32, #tpu.memory_space<hbm>>
        %dma_start3A_352 = tpu.memref_slice %arg19[%multiple_of3A_348] : memref<32768000xf32, #tpu.memory_space<hbm>> -> memref<1024xf32, #tpu.memory_space<hbm>>
        %dma_start3A_353 = arith.constant 2048 : i32
        %dma_start3A_354 = tpu.memref_slice %arg24[%dma_start3A_353] : memref<5120xf32, #tpu.memory_space<vmem>> -> memref<1024xf32, #tpu.memory_space<vmem>>
        tpu.enqueue_dma source(%dma_start3A_354 : memref<1024xf32, #tpu.memory_space<vmem>>) target(%dma_start3A_352 : memref<1024xf32, #tpu.memory_space<hbm>>) target_semaphore(%arg29 : memref<!tpu.dma_semaphore, #tpu.memory_space<semaphore_mem>>)
        %mul3A_355 = arith.constant 5 : i32
        %mul3A_356 = arith.muli %scan3A_276, %mul3A_355 : i32
        %add3A_357 = arith.constant 3 : i32
        %add3A_358 = arith.addi %mul3A_356, %add3A_357 : i32
        %mul3A_359 = arith.constant 10 : i32
        %mul3A_360 = arith.muli %add3A_358, %mul3A_359 : i32
        %add3A_361 = arith.constant 9 : i32
        %add3A_362 = arith.addi %mul3A_360, %add3A_361 : i32
        %mul3A_363 = arith.constant 64 : i32
        %mul3A_364 = arith.muli %add3A_362, %mul3A_363 : i32
        %mul3A_365 = arith.constant 1024 : i32
        %mul3A_366 = arith.muli %mul3A_364, %mul3A_365 : i32
        %mul3A_367 = arith.constant 1024 : i32
        %mul3A_368 = arith.muli %add3A_11, %mul3A_367 : i32
        %add3A_369 = arith.addi %mul3A_366, %mul3A_368 : i32
        %multiple_of3A_370 = tpu.assume_multiple %add3A_369, 1024 : i32
        %dma_start3A_371 = arith.constant 3072 : i32
        %dma_start3A_372 = tpu.memref_slice %arg24[%dma_start3A_371] : memref<5120xf32, #tpu.memory_space<vmem>> -> memref<1024xf32, #tpu.memory_space<vmem>>
        %dma_start3A_373 = tpu.memref_slice %arg19[%multiple_of3A_370] : memref<32768000xf32, #tpu.memory_space<hbm>> -> memref<1024xf32, #tpu.memory_space<hbm>>
        %dma_start3A_374 = tpu.memref_slice %arg19[%multiple_of3A_370] : memref<32768000xf32, #tpu.memory_space<hbm>> -> memref<1024xf32, #tpu.memory_space<hbm>>
        %dma_start3A_375 = arith.constant 3072 : i32
        %dma_start3A_376 = tpu.memref_slice %arg24[%dma_start3A_375] : memref<5120xf32, #tpu.memory_space<vmem>> -> memref<1024xf32, #tpu.memory_space<vmem>>
        tpu.enqueue_dma source(%dma_start3A_376 : memref<1024xf32, #tpu.memory_space<vmem>>) target(%dma_start3A_374 : memref<1024xf32, #tpu.memory_space<hbm>>) target_semaphore(%arg29 : memref<!tpu.dma_semaphore, #tpu.memory_space<semaphore_mem>>)
        %mul3A_377 = arith.constant 5 : i32
        %mul3A_378 = arith.muli %scan3A_276, %mul3A_377 : i32
        %add3A_379 = arith.constant 4 : i32
        %add3A_380 = arith.addi %mul3A_378, %add3A_379 : i32
        %mul3A_381 = arith.constant 10 : i32
        %mul3A_382 = arith.muli %add3A_380, %mul3A_381 : i32
        %add3A_383 = arith.constant 9 : i32
        %add3A_384 = arith.addi %mul3A_382, %add3A_383 : i32
        %mul3A_385 = arith.constant 64 : i32
        %mul3A_386 = arith.muli %add3A_384, %mul3A_385 : i32
        %mul3A_387 = arith.constant 1024 : i32
        %mul3A_388 = arith.muli %mul3A_386, %mul3A_387 : i32
        %mul3A_389 = arith.constant 1024 : i32
        %mul3A_390 = arith.muli %add3A_11, %mul3A_389 : i32
        %add3A_391 = arith.addi %mul3A_388, %mul3A_390 : i32
        %multiple_of3A_392 = tpu.assume_multiple %add3A_391, 1024 : i32
        %dma_start3A_393 = arith.constant 4096 : i32
        %dma_start3A_394 = tpu.memref_slice %arg24[%dma_start3A_393] : memref<5120xf32, #tpu.memory_space<vmem>> -> memref<1024xf32, #tpu.memory_space<vmem>>
        %dma_start3A_395 = tpu.memref_slice %arg19[%multiple_of3A_392] : memref<32768000xf32, #tpu.memory_space<hbm>> -> memref<1024xf32, #tpu.memory_space<hbm>>
        %dma_start3A_396 = tpu.memref_slice %arg19[%multiple_of3A_392] : memref<32768000xf32, #tpu.memory_space<hbm>> -> memref<1024xf32, #tpu.memory_space<hbm>>
        %dma_start3A_397 = arith.constant 4096 : i32
        %dma_start3A_398 = tpu.memref_slice %arg24[%dma_start3A_397] : memref<5120xf32, #tpu.memory_space<vmem>> -> memref<1024xf32, #tpu.memory_space<vmem>>
        tpu.enqueue_dma source(%dma_start3A_398 : memref<1024xf32, #tpu.memory_space<vmem>>) target(%dma_start3A_396 : memref<1024xf32, #tpu.memory_space<hbm>>) target_semaphore(%arg29 : memref<!tpu.dma_semaphore, #tpu.memory_space<semaphore_mem>>)
        %dma_wait3A_399 = arith.constant 0 : i32
        %dma_wait3A_400 = tpu.memref_slice %arg19[%dma_wait3A_399] : memref<32768000xf32, #tpu.memory_space<hbm>> -> memref<5120xf32, #tpu.memory_space<hbm>>
        %dma_wait3A_401 = arith.constant 0 : i32
        %dma_wait3A_402 = tpu.memref_slice %arg19[%dma_wait3A_401] : memref<32768000xf32, #tpu.memory_space<hbm>> -> memref<5120xf32, #tpu.memory_space<hbm>>
        tpu.wait_dma2 semaphore(%arg29 : memref<!tpu.dma_semaphore, #tpu.memory_space<semaphore_mem>>) src(%dma_wait3A_402 : memref<5120xf32, #tpu.memory_space<hbm>>) dst(%arg24 : memref<5120xf32, #tpu.memory_space<vmem>>)
        %scan3A_403 = arith.constant 0 : i32
        scf.yield %scan3A_403 : i32
      }
      %scan3A_146 = arith.constant 10 : i32
      %dma_wait3A_147 = arith.constant 0 : i32
      %dma_wait3A_148 = tpu.memref_slice %arg5[%add3A_11, %dma_wait3A_147] : memref<64x100004xf32, #tpu.memory_space<hbm>> -> memref<1x100004xf32, #tpu.memory_space<hbm>>
      %dma_wait3A_149 = tpu.memref_squeeze %dma_wait3A_148 : memref<1x100004xf32, #tpu.memory_space<hbm>> -> memref<100004xf32, #tpu.memory_space<hbm>>
      %dma_wait3A_150 = arith.constant 0 : i32
      %dma_wait3A_151 = tpu.memref_slice %arg5[%add3A_11, %dma_wait3A_150] : memref<64x100004xf32, #tpu.memory_space<hbm>> -> memref<1x100004xf32, #tpu.memory_space<hbm>>
      %dma_wait3A_152 = tpu.memref_squeeze %dma_wait3A_151 : memref<1x100004xf32, #tpu.memory_space<hbm>> -> memref<100004xf32, #tpu.memory_space<hbm>>
      tpu.wait_dma2 semaphore(%arg26 : memref<!tpu.dma_semaphore, #tpu.memory_space<semaphore_mem>>) src(%dma_wait3A_152 : memref<100004xf32, #tpu.memory_space<hbm>>) dst(%arg20 : memref<100004xf32, #tpu.memory_space<vmem>>)
      %multiple_of3A_153 = arith.constant 0 : i32
      %multiple_of3A_154 = tpu.assume_multiple %multiple_of3A_153, 5120 : i32
      %dma_start3A_155 = tpu.memref_slice %arg12[%multiple_of3A_154] : memref<51200xi32, #tpu.memory_space<hbm>> -> memref<5120xi32, #tpu.memory_space<hbm>>
      %dma_start3A_156 = tpu.memref_slice %arg12[%multiple_of3A_154] : memref<51200xi32, #tpu.memory_space<hbm>> -> memref<5120xi32, #tpu.memory_space<hbm>>
      tpu.enqueue_dma source(%dma_start3A_156 : memref<5120xi32, #tpu.memory_space<hbm>>) target(%arg22 : memref<5120xi32, #tpu.memory_space<vmem>>) target_semaphore(%arg27 : memref<!tpu.dma_semaphore, #tpu.memory_space<semaphore_mem>>)
      %scan3A_157 = arith.constant 0 : i32
      %scan3A_158 = arith.constant 0 : i32
      %scan3A_159 = arith.constant 5 : i32
      %scan3A_160 = arith.addi %scan3A_158, %scan3A_159 : i32
      %scan3A_161 = arith.constant 1 : i32
      %scan3A_162 = scf.for %scan3A_276 = %scan3A_158 to %scan3A_160 step %scan3A_161 iter_args(%scan3A_277 = %scan3A_157) -> (i32)  : i32 {
        %mul3A_278 = arith.constant 2 : i32
        %mul3A_279 = arith.muli %mul3A_278, %scan3A_276 : i32
        %mul3A_280 = arith.constant 2 : i32
        %mul3A_281 = arith.muli %mul3A_280, %scan3A_276 : i32
        %add3A_282 = arith.constant 1 : i32
        %add3A_283 = arith.addi %mul3A_281, %add3A_282 : i32
        %mul3A_284 = arith.constant 5120 : i32
        %mul3A_285 = arith.muli %add3A_283, %mul3A_284 : i32
        %multiple_of3A_286 = tpu.assume_multiple %mul3A_285, 5120 : i32
        %dma_start3A_287 = tpu.memref_slice %arg12[%multiple_of3A_286] : memref<51200xi32, #tpu.memory_space<hbm>> -> memref<5120xi32, #tpu.memory_space<hbm>>
        %dma_start3A_288 = tpu.memref_slice %arg12[%multiple_of3A_286] : memref<51200xi32, #tpu.memory_space<hbm>> -> memref<5120xi32, #tpu.memory_space<hbm>>
        tpu.enqueue_dma source(%dma_start3A_288 : memref<5120xi32, #tpu.memory_space<hbm>>) target(%arg23 : memref<5120xi32, #tpu.memory_space<vmem>>) target_semaphore(%arg28 : memref<!tpu.dma_semaphore, #tpu.memory_space<semaphore_mem>>)
        %dma_wait3A_289 = arith.constant 0 : i32
        %dma_wait3A_290 = tpu.memref_slice %arg9[%dma_wait3A_289] : memref<51200xi32, #tpu.memory_space<hbm>> -> memref<5120xi32, #tpu.memory_space<hbm>>
        %dma_wait3A_291 = arith.constant 0 : i32
        %dma_wait3A_292 = tpu.memref_slice %arg9[%dma_wait3A_291] : memref<51200xi32, #tpu.memory_space<hbm>> -> memref<5120xi32, #tpu.memory_space<hbm>>
        tpu.wait_dma2 semaphore(%arg27 : memref<!tpu.dma_semaphore, #tpu.memory_space<semaphore_mem>>) src(%dma_wait3A_292 : memref<5120xi32, #tpu.memory_space<hbm>>) dst(%arg22 : memref<5120xi32, #tpu.memory_space<vmem>>)
        %gt3A = arith.constant 0 : i32
        %gt3A_293 = arith.cmpi sgt, %scan3A_276, %gt3A : i32
        %convert_element_type3A = arith.extui %gt3A_293 : i1 to i32
        %cond3A = arith.constant 0 : i32
        %cond3A_294 = arith.cmpi ne, %convert_element_type3A, %cond3A : i32
        scf.if %cond3A_294 {
          %dma_wait3A_538 = arith.constant 0 : i32
          %dma_wait3A_539 = tpu.memref_slice %arg19[%dma_wait3A_538] : memref<32768000xf32, #tpu.memory_space<hbm>> -> memref<5120xf32, #tpu.memory_space<hbm>>
          %dma_wait3A_540 = arith.constant 0 : i32
          %dma_wait3A_541 = tpu.memref_slice %arg19[%dma_wait3A_540] : memref<32768000xf32, #tpu.memory_space<hbm>> -> memref<5120xf32, #tpu.memory_space<hbm>>
          tpu.wait_dma2 semaphore(%arg29 : memref<!tpu.dma_semaphore, #tpu.memory_space<semaphore_mem>>) src(%dma_wait3A_541 : memref<5120xf32, #tpu.memory_space<hbm>>) dst(%arg24 : memref<5120xf32, #tpu.memory_space<vmem>>)
        } else {
        }
        %parallel_loop3A = arith.constant 0 : i32
        %parallel_loop3A_295 = arith.constant 320 : i32
        %parallel_loop3A_296 = arith.constant 1 : i32
        scf.for %parallel_loop3A_538 = %parallel_loop3A to %parallel_loop3A_295 step %parallel_loop3A_296  : i32 {
          %parallel_loop3A_539 = arith.constant 16 : i32
          %parallel_loop3A_540 = arith.muli %parallel_loop3A_538, %parallel_loop3A_539 : i32
          %parallel_loop3A_541 = arith.index_cast %parallel_loop3A_540 : i32 to index
          %parallel_loop3A_542 = tpu.vector_load %arg22[%parallel_loop3A_541] {strides = array<i32>} : memref<5120xi32, #tpu.memory_space<vmem>>, vector<16xi32>,
          %parallel_loop3A_543 = tpu.vector_load_idx %arg20[%parallel_loop3A_542] : memref<100004xf32, #tpu.memory_space<vmem>>[vector<16xi32>], vector<16xf32>,
          %parallel_loop3A_544 = arith.index_cast %parallel_loop3A_540 : i32 to index
          %parallel_loop3A_545 = tpu.vector_load %arg24[%parallel_loop3A_544] {strides = array<i32>} : memref<5120xf32, #tpu.memory_space<vmem>>, vector<16xf32>,
          tpu.vector_store %arg24[%parallel_loop3A_544], %parallel_loop3A_543 {strides = array<i32>} : memref<5120xf32, #tpu.memory_space<vmem>>, vector<16xf32>,
        } {sc.loop_unroll_factor = 8 : i64, sc.parallel_access}
        %mul3A_297 = arith.constant 5 : i32
        %mul3A_298 = arith.muli %mul3A_279, %mul3A_297 : i32
        %add3A_299 = arith.constant 0 : i32
        %add3A_300 = arith.addi %mul3A_298, %add3A_299 : i32
        %mul3A_301 = arith.constant 10 : i32
        %mul3A_302 = arith.muli %add3A_300, %mul3A_301 : i32
        %add3A_303 = arith.constant 3 : i32
        %add3A_304 = arith.addi %mul3A_302, %add3A_303 : i32
        %mul3A_305 = arith.constant 64 : i32
        %mul3A_306 = arith.muli %add3A_304, %mul3A_305 : i32
        %mul3A_307 = arith.constant 1024 : i32
        %mul3A_308 = arith.muli %mul3A_306, %mul3A_307 : i32
        %mul3A_309 = arith.constant 1024 : i32
        %mul3A_310 = arith.muli %add3A_11, %mul3A_309 : i32
        %add3A_311 = arith.addi %mul3A_308, %mul3A_310 : i32
        %multiple_of3A_312 = tpu.assume_multiple %add3A_311, 1024 : i32
        %dma_start3A_313 = arith.constant 0 : i32
        %dma_start3A_314 = tpu.memref_slice %arg24[%dma_start3A_313] : memref<5120xf32, #tpu.memory_space<vmem>> -> memref<1024xf32, #tpu.memory_space<vmem>>
        %dma_start3A_315 = tpu.memref_slice %arg19[%multiple_of3A_312] : memref<32768000xf32, #tpu.memory_space<hbm>> -> memref<1024xf32, #tpu.memory_space<hbm>>
        %dma_start3A_316 = tpu.memref_slice %arg19[%multiple_of3A_312] : memref<32768000xf32, #tpu.memory_space<hbm>> -> memref<1024xf32, #tpu.memory_space<hbm>>
        %dma_start3A_317 = arith.constant 0 : i32
        %dma_start3A_318 = tpu.memref_slice %arg24[%dma_start3A_317] : memref<5120xf32, #tpu.memory_space<vmem>> -> memref<1024xf32, #tpu.memory_space<vmem>>
        tpu.enqueue_dma source(%dma_start3A_318 : memref<1024xf32, #tpu.memory_space<vmem>>) target(%dma_start3A_316 : memref<1024xf32, #tpu.memory_space<hbm>>) target_semaphore(%arg29 : memref<!tpu.dma_semaphore, #tpu.memory_space<semaphore_mem>>)
        %mul3A_319 = arith.constant 5 : i32
        %mul3A_320 = arith.muli %mul3A_279, %mul3A_319 : i32
        %add3A_321 = arith.constant 1 : i32
        %add3A_322 = arith.addi %mul3A_320, %add3A_321 : i32
        %mul3A_323 = arith.constant 10 : i32
        %mul3A_324 = arith.muli %add3A_322, %mul3A_323 : i32
        %add3A_325 = arith.constant 3 : i32
        %add3A_326 = arith.addi %mul3A_324, %add3A_325 : i32
        %mul3A_327 = arith.constant 64 : i32
        %mul3A_328 = arith.muli %add3A_326, %mul3A_327 : i32
        %mul3A_329 = arith.constant 1024 : i32
        %mul3A_330 = arith.muli %mul3A_328, %mul3A_329 : i32
        %mul3A_331 = arith.constant 1024 : i32
        %mul3A_332 = arith.muli %add3A_11, %mul3A_331 : i32
        %add3A_333 = arith.addi %mul3A_330, %mul3A_332 : i32
        %multiple_of3A_334 = tpu.assume_multiple %add3A_333, 1024 : i32
        %dma_start3A_335 = arith.constant 1024 : i32
        %dma_start3A_336 = tpu.memref_slice %arg24[%dma_start3A_335] : memref<5120xf32, #tpu.memory_space<vmem>> -> memref<1024xf32, #tpu.memory_space<vmem>>
        %dma_start3A_337 = tpu.memref_slice %arg19[%multiple_of3A_334] : memref<32768000xf32, #tpu.memory_space<hbm>> -> memref<1024xf32, #tpu.memory_space<hbm>>
        %dma_start3A_338 = tpu.memref_slice %arg19[%multiple_of3A_334] : memref<32768000xf32, #tpu.memory_space<hbm>> -> memref<1024xf32, #tpu.memory_space<hbm>>
        %dma_start3A_339 = arith.constant 1024 : i32
        %dma_start3A_340 = tpu.memref_slice %arg24[%dma_start3A_339] : memref<5120xf32, #tpu.memory_space<vmem>> -> memref<1024xf32, #tpu.memory_space<vmem>>
        tpu.enqueue_dma source(%dma_start3A_340 : memref<1024xf32, #tpu.memory_space<vmem>>) target(%dma_start3A_338 : memref<1024xf32, #tpu.memory_space<hbm>>) target_semaphore(%arg29 : memref<!tpu.dma_semaphore, #tpu.memory_space<semaphore_mem>>)
        %mul3A_341 = arith.constant 5 : i32
        %mul3A_342 = arith.muli %mul3A_279, %mul3A_341 : i32
        %add3A_343 = arith.constant 2 : i32
        %add3A_344 = arith.addi %mul3A_342, %add3A_343 : i32
        %mul3A_345 = arith.constant 10 : i32
        %mul3A_346 = arith.muli %add3A_344, %mul3A_345 : i32
        %add3A_347 = arith.constant 3 : i32
        %add3A_348 = arith.addi %mul3A_346, %add3A_347 : i32
        %mul3A_349 = arith.constant 64 : i32
        %mul3A_350 = arith.muli %add3A_348, %mul3A_349 : i32
        %mul3A_351 = arith.constant 1024 : i32
        %mul3A_352 = arith.muli %mul3A_350, %mul3A_351 : i32
        %mul3A_353 = arith.constant 1024 : i32
        %mul3A_354 = arith.muli %add3A_11, %mul3A_353 : i32
        %add3A_355 = arith.addi %mul3A_352, %mul3A_354 : i32
        %multiple_of3A_356 = tpu.assume_multiple %add3A_355, 1024 : i32
        %dma_start3A_357 = arith.constant 2048 : i32
        %dma_start3A_358 = tpu.memref_slice %arg24[%dma_start3A_357] : memref<5120xf32, #tpu.memory_space<vmem>> -> memref<1024xf32, #tpu.memory_space<vmem>>
        %dma_start3A_359 = tpu.memref_slice %arg19[%multiple_of3A_356] : memref<32768000xf32, #tpu.memory_space<hbm>> -> memref<1024xf32, #tpu.memory_space<hbm>>
        %dma_start3A_360 = tpu.memref_slice %arg19[%multiple_of3A_356] : memref<32768000xf32, #tpu.memory_space<hbm>> -> memref<1024xf32, #tpu.memory_space<hbm>>
        %dma_start3A_361 = arith.constant 2048 : i32
        %dma_start3A_362 = tpu.memref_slice %arg24[%dma_start3A_361] : memref<5120xf32, #tpu.memory_space<vmem>> -> memref<1024xf32, #tpu.memory_space<vmem>>
        tpu.enqueue_dma source(%dma_start3A_362 : memref<1024xf32, #tpu.memory_space<vmem>>) target(%dma_start3A_360 : memref<1024xf32, #tpu.memory_space<hbm>>) target_semaphore(%arg29 : memref<!tpu.dma_semaphore, #tpu.memory_space<semaphore_mem>>)
        %mul3A_363 = arith.constant 5 : i32
        %mul3A_364 = arith.muli %mul3A_279, %mul3A_363 : i32
        %add3A_365 = arith.constant 3 : i32
        %add3A_366 = arith.addi %mul3A_364, %add3A_365 : i32
        %mul3A_367 = arith.constant 10 : i32
        %mul3A_368 = arith.muli %add3A_366, %mul3A_367 : i32
        %add3A_369 = arith.constant 3 : i32
        %add3A_370 = arith.addi %mul3A_368, %add3A_369 : i32
        %mul3A_371 = arith.constant 64 : i32
        %mul3A_372 = arith.muli %add3A_370, %mul3A_371 : i32
        %mul3A_373 = arith.constant 1024 : i32
        %mul3A_374 = arith.muli %mul3A_372, %mul3A_373 : i32
        %mul3A_375 = arith.constant 1024 : i32
        %mul3A_376 = arith.muli %add3A_11, %mul3A_375 : i32
        %add3A_377 = arith.addi %mul3A_374, %mul3A_376 : i32
        %multiple_of3A_378 = tpu.assume_multiple %add3A_377, 1024 : i32
        %dma_start3A_379 = arith.constant 3072 : i32
        %dma_start3A_380 = tpu.memref_slice %arg24[%dma_start3A_379] : memref<5120xf32, #tpu.memory_space<vmem>> -> memref<1024xf32, #tpu.memory_space<vmem>>
        %dma_start3A_381 = tpu.memref_slice %arg19[%multiple_of3A_378] : memref<32768000xf32, #tpu.memory_space<hbm>> -> memref<1024xf32, #tpu.memory_space<hbm>>
        %dma_start3A_382 = tpu.memref_slice %arg19[%multiple_of3A_378] : memref<32768000xf32, #tpu.memory_space<hbm>> -> memref<1024xf32, #tpu.memory_space<hbm>>
        %dma_start3A_383 = arith.constant 3072 : i32
        %dma_start3A_384 = tpu.memref_slice %arg24[%dma_start3A_383] : memref<5120xf32, #tpu.memory_space<vmem>> -> memref<1024xf32, #tpu.memory_space<vmem>>
        tpu.enqueue_dma source(%dma_start3A_384 : memref<1024xf32, #tpu.memory_space<vmem>>) target(%dma_start3A_382 : memref<1024xf32, #tpu.memory_space<hbm>>) target_semaphore(%arg29 : memref<!tpu.dma_semaphore, #tpu.memory_space<semaphore_mem>>)
        %mul3A_385 = arith.constant 5 : i32
        %mul3A_386 = arith.muli %mul3A_279, %mul3A_385 : i32
        %add3A_387 = arith.constant 4 : i32
        %add3A_388 = arith.addi %mul3A_386, %add3A_387 : i32
        %mul3A_389 = arith.constant 10 : i32
        %mul3A_390 = arith.muli %add3A_388, %mul3A_389 : i32
        %add3A_391 = arith.constant 3 : i32
        %add3A_392 = arith.addi %mul3A_390, %add3A_391 : i32
        %mul3A_393 = arith.constant 64 : i32
        %mul3A_394 = arith.muli %add3A_392, %mul3A_393 : i32
        %mul3A_395 = arith.constant 1024 : i32
        %mul3A_396 = arith.muli %mul3A_394, %mul3A_395 : i32
        %mul3A_397 = arith.constant 1024 : i32
        %mul3A_398 = arith.muli %add3A_11, %mul3A_397 : i32
        %add3A_399 = arith.addi %mul3A_396, %mul3A_398 : i32
        %multiple_of3A_400 = tpu.assume_multiple %add3A_399, 1024 : i32
        %dma_start3A_401 = arith.constant 4096 : i32
        %dma_start3A_402 = tpu.memref_slice %arg24[%dma_start3A_401] : memref<5120xf32, #tpu.memory_space<vmem>> -> memref<1024xf32, #tpu.memory_space<vmem>>
        %dma_start3A_403 = tpu.memref_slice %arg19[%multiple_of3A_400] : memref<32768000xf32, #tpu.memory_space<hbm>> -> memref<1024xf32, #tpu.memory_space<hbm>>
        %dma_start3A_404 = tpu.memref_slice %arg19[%multiple_of3A_400] : memref<32768000xf32, #tpu.memory_space<hbm>> -> memref<1024xf32, #tpu.memory_space<hbm>>
        %dma_start3A_405 = arith.constant 4096 : i32
        %dma_start3A_406 = tpu.memref_slice %arg24[%dma_start3A_405] : memref<5120xf32, #tpu.memory_space<vmem>> -> memref<1024xf32, #tpu.memory_space<vmem>>
        tpu.enqueue_dma source(%dma_start3A_406 : memref<1024xf32, #tpu.memory_space<vmem>>) target(%dma_start3A_404 : memref<1024xf32, #tpu.memory_space<hbm>>) target_semaphore(%arg29 : memref<!tpu.dma_semaphore, #tpu.memory_space<semaphore_mem>>)
        %add3A_407 = arith.constant 1 : i32
        %add3A_408 = arith.addi %add3A_283, %add3A_407 : i32
        %rem3A = arith.constant 10 : i32
        %rem3A_409 = arith.remsi %add3A_408, %rem3A : i32
        %mul3A_410 = arith.constant 5120 : i32
        %mul3A_411 = arith.muli %rem3A_409, %mul3A_410 : i32
        %multiple_of3A_412 = tpu.assume_multiple %mul3A_411, 5120 : i32
        %dma_start3A_413 = tpu.memref_slice %arg12[%multiple_of3A_412] : memref<51200xi32, #tpu.memory_space<hbm>> -> memref<5120xi32, #tpu.memory_space<hbm>>
        %dma_start3A_414 = tpu.memref_slice %arg12[%multiple_of3A_412] : memref<51200xi32, #tpu.memory_space<hbm>> -> memref<5120xi32, #tpu.memory_space<hbm>>
        tpu.enqueue_dma source(%dma_start3A_414 : memref<5120xi32, #tpu.memory_space<hbm>>) target(%arg22 : memref<5120xi32, #tpu.memory_space<vmem>>) target_semaphore(%arg27 : memref<!tpu.dma_semaphore, #tpu.memory_space<semaphore_mem>>)
        %dma_wait3A_415 = arith.constant 0 : i32
        %dma_wait3A_416 = tpu.memref_slice %arg9[%dma_wait3A_415] : memref<51200xi32, #tpu.memory_space<hbm>> -> memref<5120xi32, #tpu.memory_space<hbm>>
        %dma_wait3A_417 = arith.constant 0 : i32
        %dma_wait3A_418 = tpu.memref_slice %arg9[%dma_wait3A_417] : memref<51200xi32, #tpu.memory_space<hbm>> -> memref<5120xi32, #tpu.memory_space<hbm>>
        tpu.wait_dma2 semaphore(%arg28 : memref<!tpu.dma_semaphore, #tpu.memory_space<semaphore_mem>>) src(%dma_wait3A_418 : memref<5120xi32, #tpu.memory_space<hbm>>) dst(%arg23 : memref<5120xi32, #tpu.memory_space<vmem>>)
        %gt3A_419 = arith.constant 0 : i32
        %gt3A_420 = arith.cmpi sgt, %scan3A_276, %gt3A_419 : i32
        %convert_element_type3A_421 = arith.extui %gt3A_420 : i1 to i32
        %cond3A_422 = arith.constant 0 : i32
        %cond3A_423 = arith.cmpi ne, %convert_element_type3A_421, %cond3A_422 : i32
        scf.if %cond3A_423 {
          %dma_wait3A_538 = arith.constant 0 : i32
          %dma_wait3A_539 = tpu.memref_slice %arg19[%dma_wait3A_538] : memref<32768000xf32, #tpu.memory_space<hbm>> -> memref<5120xf32, #tpu.memory_space<hbm>>
          %dma_wait3A_540 = arith.constant 0 : i32
          %dma_wait3A_541 = tpu.memref_slice %arg19[%dma_wait3A_540] : memref<32768000xf32, #tpu.memory_space<hbm>> -> memref<5120xf32, #tpu.memory_space<hbm>>
          tpu.wait_dma2 semaphore(%arg30 : memref<!tpu.dma_semaphore, #tpu.memory_space<semaphore_mem>>) src(%dma_wait3A_541 : memref<5120xf32, #tpu.memory_space<hbm>>) dst(%arg25 : memref<5120xf32, #tpu.memory_space<vmem>>)
        } else {
        }
        %parallel_loop3A_424 = arith.constant 0 : i32
        %parallel_loop3A_425 = arith.constant 320 : i32
        %parallel_loop3A_426 = arith.constant 1 : i32
        scf.for %parallel_loop3A_538 = %parallel_loop3A_424 to %parallel_loop3A_425 step %parallel_loop3A_426  : i32 {
          %parallel_loop3A_539 = arith.constant 16 : i32
          %parallel_loop3A_540 = arith.muli %parallel_loop3A_538, %parallel_loop3A_539 : i32
          %parallel_loop3A_541 = arith.index_cast %parallel_loop3A_540 : i32 to index
          %parallel_loop3A_542 = tpu.vector_load %arg23[%parallel_loop3A_541] {strides = array<i32>} : memref<5120xi32, #tpu.memory_space<vmem>>, vector<16xi32>,
          %parallel_loop3A_543 = tpu.vector_load_idx %arg20[%parallel_loop3A_542] : memref<100004xf32, #tpu.memory_space<vmem>>[vector<16xi32>], vector<16xf32>,
          %parallel_loop3A_544 = arith.index_cast %parallel_loop3A_540 : i32 to index
          %parallel_loop3A_545 = tpu.vector_load %arg25[%parallel_loop3A_544] {strides = array<i32>} : memref<5120xf32, #tpu.memory_space<vmem>>, vector<16xf32>,
          tpu.vector_store %arg25[%parallel_loop3A_544], %parallel_loop3A_543 {strides = array<i32>} : memref<5120xf32, #tpu.memory_space<vmem>>, vector<16xf32>,
        } {sc.loop_unroll_factor = 8 : i64, sc.parallel_access}
        %mul3A_427 = arith.constant 5 : i32
        %mul3A_428 = arith.muli %add3A_283, %mul3A_427 : i32
        %add3A_429 = arith.constant 0 : i32
        %add3A_430 = arith.addi %mul3A_428, %add3A_429 : i32
        %mul3A_431 = arith.constant 10 : i32
        %mul3A_432 = arith.muli %add3A_430, %mul3A_431 : i32
        %add3A_433 = arith.constant 3 : i32
        %add3A_434 = arith.addi %mul3A_432, %add3A_433 : i32
        %mul3A_435 = arith.constant 64 : i32
        %mul3A_436 = arith.muli %add3A_434, %mul3A_435 : i32
        %mul3A_437 = arith.constant 1024 : i32
        %mul3A_438 = arith.muli %mul3A_436, %mul3A_437 : i32
        %mul3A_439 = arith.constant 1024 : i32
        %mul3A_440 = arith.muli %add3A_11, %mul3A_439 : i32
        %add3A_441 = arith.addi %mul3A_438, %mul3A_440 : i32
        %multiple_of3A_442 = tpu.assume_multiple %add3A_441, 1024 : i32
        %dma_start3A_443 = arith.constant 0 : i32
        %dma_start3A_444 = tpu.memref_slice %arg25[%dma_start3A_443] : memref<5120xf32, #tpu.memory_space<vmem>> -> memref<1024xf32, #tpu.memory_space<vmem>>
        %dma_start3A_445 = tpu.memref_slice %arg19[%multiple_of3A_442] : memref<32768000xf32, #tpu.memory_space<hbm>> -> memref<1024xf32, #tpu.memory_space<hbm>>
        %dma_start3A_446 = tpu.memref_slice %arg19[%multiple_of3A_442] : memref<32768000xf32, #tpu.memory_space<hbm>> -> memref<1024xf32, #tpu.memory_space<hbm>>
        %dma_start3A_447 = arith.constant 0 : i32
        %dma_start3A_448 = tpu.memref_slice %arg25[%dma_start3A_447] : memref<5120xf32, #tpu.memory_space<vmem>> -> memref<1024xf32, #tpu.memory_space<vmem>>
        tpu.enqueue_dma source(%dma_start3A_448 : memref<1024xf32, #tpu.memory_space<vmem>>) target(%dma_start3A_446 : memref<1024xf32, #tpu.memory_space<hbm>>) target_semaphore(%arg30 : memref<!tpu.dma_semaphore, #tpu.memory_space<semaphore_mem>>)
        %mul3A_449 = arith.constant 5 : i32
        %mul3A_450 = arith.muli %add3A_283, %mul3A_449 : i32
        %add3A_451 = arith.constant 1 : i32
        %add3A_452 = arith.addi %mul3A_450, %add3A_451 : i32
        %mul3A_453 = arith.constant 10 : i32
        %mul3A_454 = arith.muli %add3A_452, %mul3A_453 : i32
        %add3A_455 = arith.constant 3 : i32
        %add3A_456 = arith.addi %mul3A_454, %add3A_455 : i32
        %mul3A_457 = arith.constant 64 : i32
        %mul3A_458 = arith.muli %add3A_456, %mul3A_457 : i32
        %mul3A_459 = arith.constant 1024 : i32
        %mul3A_460 = arith.muli %mul3A_458, %mul3A_459 : i32
        %mul3A_461 = arith.constant 1024 : i32
        %mul3A_462 = arith.muli %add3A_11, %mul3A_461 : i32
        %add3A_463 = arith.addi %mul3A_460, %mul3A_462 : i32
        %multiple_of3A_464 = tpu.assume_multiple %add3A_463, 1024 : i32
        %dma_start3A_465 = arith.constant 1024 : i32
        %dma_start3A_466 = tpu.memref_slice %arg25[%dma_start3A_465] : memref<5120xf32, #tpu.memory_space<vmem>> -> memref<1024xf32, #tpu.memory_space<vmem>>
        %dma_start3A_467 = tpu.memref_slice %arg19[%multiple_of3A_464] : memref<32768000xf32, #tpu.memory_space<hbm>> -> memref<1024xf32, #tpu.memory_space<hbm>>
        %dma_start3A_468 = tpu.memref_slice %arg19[%multiple_of3A_464] : memref<32768000xf32, #tpu.memory_space<hbm>> -> memref<1024xf32, #tpu.memory_space<hbm>>
        %dma_start3A_469 = arith.constant 1024 : i32
        %dma_start3A_470 = tpu.memref_slice %arg25[%dma_start3A_469] : memref<5120xf32, #tpu.memory_space<vmem>> -> memref<1024xf32, #tpu.memory_space<vmem>>
        tpu.enqueue_dma source(%dma_start3A_470 : memref<1024xf32, #tpu.memory_space<vmem>>) target(%dma_start3A_468 : memref<1024xf32, #tpu.memory_space<hbm>>) target_semaphore(%arg30 : memref<!tpu.dma_semaphore, #tpu.memory_space<semaphore_mem>>)
        %mul3A_471 = arith.constant 5 : i32
        %mul3A_472 = arith.muli %add3A_283, %mul3A_471 : i32
        %add3A_473 = arith.constant 2 : i32
        %add3A_474 = arith.addi %mul3A_472, %add3A_473 : i32
        %mul3A_475 = arith.constant 10 : i32
        %mul3A_476 = arith.muli %add3A_474, %mul3A_475 : i32
        %add3A_477 = arith.constant 3 : i32
        %add3A_478 = arith.addi %mul3A_476, %add3A_477 : i32
        %mul3A_479 = arith.constant 64 : i32
        %mul3A_480 = arith.muli %add3A_478, %mul3A_479 : i32
        %mul3A_481 = arith.constant 1024 : i32
        %mul3A_482 = arith.muli %mul3A_480, %mul3A_481 : i32
        %mul3A_483 = arith.constant 1024 : i32
        %mul3A_484 = arith.muli %add3A_11, %mul3A_483 : i32
        %add3A_485 = arith.addi %mul3A_482, %mul3A_484 : i32
        %multiple_of3A_486 = tpu.assume_multiple %add3A_485, 1024 : i32
        %dma_start3A_487 = arith.constant 2048 : i32
        %dma_start3A_488 = tpu.memref_slice %arg25[%dma_start3A_487] : memref<5120xf32, #tpu.memory_space<vmem>> -> memref<1024xf32, #tpu.memory_space<vmem>>
        %dma_start3A_489 = tpu.memref_slice %arg19[%multiple_of3A_486] : memref<32768000xf32, #tpu.memory_space<hbm>> -> memref<1024xf32, #tpu.memory_space<hbm>>
        %dma_start3A_490 = tpu.memref_slice %arg19[%multiple_of3A_486] : memref<32768000xf32, #tpu.memory_space<hbm>> -> memref<1024xf32, #tpu.memory_space<hbm>>
        %dma_start3A_491 = arith.constant 2048 : i32
        %dma_start3A_492 = tpu.memref_slice %arg25[%dma_start3A_491] : memref<5120xf32, #tpu.memory_space<vmem>> -> memref<1024xf32, #tpu.memory_space<vmem>>
        tpu.enqueue_dma source(%dma_start3A_492 : memref<1024xf32, #tpu.memory_space<vmem>>) target(%dma_start3A_490 : memref<1024xf32, #tpu.memory_space<hbm>>) target_semaphore(%arg30 : memref<!tpu.dma_semaphore, #tpu.memory_space<semaphore_mem>>)
        %mul3A_493 = arith.constant 5 : i32
        %mul3A_494 = arith.muli %add3A_283, %mul3A_493 : i32
        %add3A_495 = arith.constant 3 : i32
        %add3A_496 = arith.addi %mul3A_494, %add3A_495 : i32
        %mul3A_497 = arith.constant 10 : i32
        %mul3A_498 = arith.muli %add3A_496, %mul3A_497 : i32
        %add3A_499 = arith.constant 3 : i32
        %add3A_500 = arith.addi %mul3A_498, %add3A_499 : i32
        %mul3A_501 = arith.constant 64 : i32
        %mul3A_502 = arith.muli %add3A_500, %mul3A_501 : i32
        %mul3A_503 = arith.constant 1024 : i32
        %mul3A_504 = arith.muli %mul3A_502, %mul3A_503 : i32
        %mul3A_505 = arith.constant 1024 : i32
        %mul3A_506 = arith.muli %add3A_11, %mul3A_505 : i32
        %add3A_507 = arith.addi %mul3A_504, %mul3A_506 : i32
        %multiple_of3A_508 = tpu.assume_multiple %add3A_507, 1024 : i32
        %dma_start3A_509 = arith.constant 3072 : i32
        %dma_start3A_510 = tpu.memref_slice %arg25[%dma_start3A_509] : memref<5120xf32, #tpu.memory_space<vmem>> -> memref<1024xf32, #tpu.memory_space<vmem>>
        %dma_start3A_511 = tpu.memref_slice %arg19[%multiple_of3A_508] : memref<32768000xf32, #tpu.memory_space<hbm>> -> memref<1024xf32, #tpu.memory_space<hbm>>
        %dma_start3A_512 = tpu.memref_slice %arg19[%multiple_of3A_508] : memref<32768000xf32, #tpu.memory_space<hbm>> -> memref<1024xf32, #tpu.memory_space<hbm>>
        %dma_start3A_513 = arith.constant 3072 : i32
        %dma_start3A_514 = tpu.memref_slice %arg25[%dma_start3A_513] : memref<5120xf32, #tpu.memory_space<vmem>> -> memref<1024xf32, #tpu.memory_space<vmem>>
        tpu.enqueue_dma source(%dma_start3A_514 : memref<1024xf32, #tpu.memory_space<vmem>>) target(%dma_start3A_512 : memref<1024xf32, #tpu.memory_space<hbm>>) target_semaphore(%arg30 : memref<!tpu.dma_semaphore, #tpu.memory_space<semaphore_mem>>)
        %mul3A_515 = arith.constant 5 : i32
        %mul3A_516 = arith.muli %add3A_283, %mul3A_515 : i32
        %add3A_517 = arith.constant 4 : i32
        %add3A_518 = arith.addi %mul3A_516, %add3A_517 : i32
        %mul3A_519 = arith.constant 10 : i32
        %mul3A_520 = arith.muli %add3A_518, %mul3A_519 : i32
        %add3A_521 = arith.constant 3 : i32
        %add3A_522 = arith.addi %mul3A_520, %add3A_521 : i32
        %mul3A_523 = arith.constant 64 : i32
        %mul3A_524 = arith.muli %add3A_522, %mul3A_523 : i32
        %mul3A_525 = arith.constant 1024 : i32
        %mul3A_526 = arith.muli %mul3A_524, %mul3A_525 : i32
        %mul3A_527 = arith.constant 1024 : i32
        %mul3A_528 = arith.muli %add3A_11, %mul3A_527 : i32
        %add3A_529 = arith.addi %mul3A_526, %mul3A_528 : i32
        %multiple_of3A_530 = tpu.assume_multiple %add3A_529, 1024 : i32
        %dma_start3A_531 = arith.constant 4096 : i32
        %dma_start3A_532 = tpu.memref_slice %arg25[%dma_start3A_531] : memref<5120xf32, #tpu.memory_space<vmem>> -> memref<1024xf32, #tpu.memory_space<vmem>>
        %dma_start3A_533 = tpu.memref_slice %arg19[%multiple_of3A_530] : memref<32768000xf32, #tpu.memory_space<hbm>> -> memref<1024xf32, #tpu.memory_space<hbm>>
        %dma_start3A_534 = tpu.memref_slice %arg19[%multiple_of3A_530] : memref<32768000xf32, #tpu.memory_space<hbm>> -> memref<1024xf32, #tpu.memory_space<hbm>>
        %dma_start3A_535 = arith.constant 4096 : i32
        %dma_start3A_536 = tpu.memref_slice %arg25[%dma_start3A_535] : memref<5120xf32, #tpu.memory_space<vmem>> -> memref<1024xf32, #tpu.memory_space<vmem>>
        tpu.enqueue_dma source(%dma_start3A_536 : memref<1024xf32, #tpu.memory_space<vmem>>) target(%dma_start3A_534 : memref<1024xf32, #tpu.memory_space<hbm>>) target_semaphore(%arg30 : memref<!tpu.dma_semaphore, #tpu.memory_space<semaphore_mem>>)
        %scan3A_537 = arith.constant 0 : i32
        scf.yield %scan3A_537 : i32
      }
      %scan3A_163 = arith.constant 5 : i32
      %dma_wait3A_164 = arith.constant 0 : i32
      %dma_wait3A_165 = tpu.memref_slice %arg9[%dma_wait3A_164] : memref<51200xi32, #tpu.memory_space<hbm>> -> memref<5120xi32, #tpu.memory_space<hbm>>
      %dma_wait3A_166 = arith.constant 0 : i32
      %dma_wait3A_167 = tpu.memref_slice %arg9[%dma_wait3A_166] : memref<51200xi32, #tpu.memory_space<hbm>> -> memref<5120xi32, #tpu.memory_space<hbm>>
      tpu.wait_dma2 semaphore(%arg27 : memref<!tpu.dma_semaphore, #tpu.memory_space<semaphore_mem>>) src(%dma_wait3A_167 : memref<5120xi32, #tpu.memory_space<hbm>>) dst(%arg22 : memref<5120xi32, #tpu.memory_space<vmem>>)
      %dma_wait3A_168 = arith.constant 0 : i32
      %dma_wait3A_169 = tpu.memref_slice %arg19[%dma_wait3A_168] : memref<32768000xf32, #tpu.memory_space<hbm>> -> memref<5120xf32, #tpu.memory_space<hbm>>
      %dma_wait3A_170 = arith.constant 0 : i32
      %dma_wait3A_171 = tpu.memref_slice %arg19[%dma_wait3A_170] : memref<32768000xf32, #tpu.memory_space<hbm>> -> memref<5120xf32, #tpu.memory_space<hbm>>
      tpu.wait_dma2 semaphore(%arg29 : memref<!tpu.dma_semaphore, #tpu.memory_space<semaphore_mem>>) src(%dma_wait3A_171 : memref<5120xf32, #tpu.memory_space<hbm>>) dst(%arg24 : memref<5120xf32, #tpu.memory_space<vmem>>)
      %dma_wait3A_172 = arith.constant 0 : i32
      %dma_wait3A_173 = tpu.memref_slice %arg19[%dma_wait3A_172] : memref<32768000xf32, #tpu.memory_space<hbm>> -> memref<5120xf32, #tpu.memory_space<hbm>>
      %dma_wait3A_174 = arith.constant 0 : i32
      %dma_wait3A_175 = tpu.memref_slice %arg19[%dma_wait3A_174] : memref<32768000xf32, #tpu.memory_space<hbm>> -> memref<5120xf32, #tpu.memory_space<hbm>>
      tpu.wait_dma2 semaphore(%arg30 : memref<!tpu.dma_semaphore, #tpu.memory_space<semaphore_mem>>) src(%dma_wait3A_175 : memref<5120xf32, #tpu.memory_space<hbm>>) dst(%arg25 : memref<5120xf32, #tpu.memory_space<vmem>>)
      %dma_start3A_176 = arith.constant 0 : i32
      %dma_start3A_177 = tpu.memref_slice %arg6[%add3A_11, %dma_start3A_176] : memref<64x100004xf32, #tpu.memory_space<hbm>> -> memref<1x100004xf32, #tpu.memory_space<hbm>>
      %dma_start3A_178 = tpu.memref_squeeze %dma_start3A_177 : memref<1x100004xf32, #tpu.memory_space<hbm>> -> memref<100004xf32, #tpu.memory_space<hbm>>
      %dma_start3A_179 = arith.constant 0 : i32
      %dma_start3A_180 = tpu.memref_slice %arg6[%add3A_11, %dma_start3A_179] : memref<64x100004xf32, #tpu.memory_space<hbm>> -> memref<1x100004xf32, #tpu.memory_space<hbm>>
      %dma_start3A_181 = tpu.memref_squeeze %dma_start3A_180 : memref<1x100004xf32, #tpu.memory_space<hbm>> -> memref<100004xf32, #tpu.memory_space<hbm>>
      tpu.enqueue_dma source(%dma_start3A_181 : memref<100004xf32, #tpu.memory_space<hbm>>) target(%arg20 : memref<100004xf32, #tpu.memory_space<vmem>>) target_semaphore(%arg26 : memref<!tpu.dma_semaphore, #tpu.memory_space<semaphore_mem>>)
      %dma_wait3A_182 = arith.constant 0 : i32
      %dma_wait3A_183 = tpu.memref_slice %arg8[%add3A_11, %dma_wait3A_182] : memref<64x2052xf32, #tpu.memory_space<hbm>> -> memref<1x2052xf32, #tpu.memory_space<hbm>>
      %dma_wait3A_184 = tpu.memref_squeeze %dma_wait3A_183 : memref<1x2052xf32, #tpu.memory_space<hbm>> -> memref<2052xf32, #tpu.memory_space<hbm>>
      %dma_wait3A_185 = arith.constant 0 : i32
      %dma_wait3A_186 = tpu.memref_slice %arg8[%add3A_11, %dma_wait3A_185] : memref<64x2052xf32, #tpu.memory_space<hbm>> -> memref<1x2052xf32, #tpu.memory_space<hbm>>
      %dma_wait3A_187 = tpu.memref_squeeze %dma_wait3A_186 : memref<1x2052xf32, #tpu.memory_space<hbm>> -> memref<2052xf32, #tpu.memory_space<hbm>>
      tpu.wait_dma2 semaphore(%arg26 : memref<!tpu.dma_semaphore, #tpu.memory_space<semaphore_mem>>) src(%dma_wait3A_187 : memref<2052xf32, #tpu.memory_space<hbm>>) dst(%arg21 : memref<2052xf32, #tpu.memory_space<vmem>>)
      %multiple_of3A_188 = arith.constant 0 : i32
      %multiple_of3A_189 = tpu.assume_multiple %multiple_of3A_188, 5120 : i32
      %dma_start3A_190 = tpu.memref_slice %arg15[%multiple_of3A_189] : memref<51200xi32, #tpu.memory_space<hbm>> -> memref<5120xi32, #tpu.memory_space<hbm>>
      %dma_start3A_191 = tpu.memref_slice %arg15[%multiple_of3A_189] : memref<51200xi32, #tpu.memory_space<hbm>> -> memref<5120xi32, #tpu.memory_space<hbm>>
      tpu.enqueue_dma source(%dma_start3A_191 : memref<5120xi32, #tpu.memory_space<hbm>>) target(%arg22 : memref<5120xi32, #tpu.memory_space<vmem>>) target_semaphore(%arg27 : memref<!tpu.dma_semaphore, #tpu.memory_space<semaphore_mem>>)
      %scan3A_192 = arith.constant 0 : i32
      %scan3A_193 = arith.constant 0 : i32
      %scan3A_194 = arith.constant 5 : i32
      %scan3A_195 = arith.addi %scan3A_193, %scan3A_194 : i32
      %scan3A_196 = arith.constant 1 : i32
      %scan3A_197 = scf.for %scan3A_276 = %scan3A_193 to %scan3A_195 step %scan3A_196 iter_args(%scan3A_277 = %scan3A_192) -> (i32)  : i32 {
        %mul3A_278 = arith.constant 2 : i32
        %mul3A_279 = arith.muli %mul3A_278, %scan3A_276 : i32
        %mul3A_280 = arith.constant 2 : i32
        %mul3A_281 = arith.muli %mul3A_280, %scan3A_276 : i32
        %add3A_282 = arith.constant 1 : i32
        %add3A_283 = arith.addi %mul3A_281, %add3A_282 : i32
        %mul3A_284 = arith.constant 5120 : i32
        %mul3A_285 = arith.muli %add3A_283, %mul3A_284 : i32
        %multiple_of3A_286 = tpu.assume_multiple %mul3A_285, 5120 : i32
        %dma_start3A_287 = tpu.memref_slice %arg15[%multiple_of3A_286] : memref<51200xi32, #tpu.memory_space<hbm>> -> memref<5120xi32, #tpu.memory_space<hbm>>
        %dma_start3A_288 = tpu.memref_slice %arg15[%multiple_of3A_286] : memref<51200xi32, #tpu.memory_space<hbm>> -> memref<5120xi32, #tpu.memory_space<hbm>>
        tpu.enqueue_dma source(%dma_start3A_288 : memref<5120xi32, #tpu.memory_space<hbm>>) target(%arg23 : memref<5120xi32, #tpu.memory_space<vmem>>) target_semaphore(%arg28 : memref<!tpu.dma_semaphore, #tpu.memory_space<semaphore_mem>>)
        %dma_wait3A_289 = arith.constant 0 : i32
        %dma_wait3A_290 = tpu.memref_slice %arg9[%dma_wait3A_289] : memref<51200xi32, #tpu.memory_space<hbm>> -> memref<5120xi32, #tpu.memory_space<hbm>>
        %dma_wait3A_291 = arith.constant 0 : i32
        %dma_wait3A_292 = tpu.memref_slice %arg9[%dma_wait3A_291] : memref<51200xi32, #tpu.memory_space<hbm>> -> memref<5120xi32, #tpu.memory_space<hbm>>
        tpu.wait_dma2 semaphore(%arg27 : memref<!tpu.dma_semaphore, #tpu.memory_space<semaphore_mem>>) src(%dma_wait3A_292 : memref<5120xi32, #tpu.memory_space<hbm>>) dst(%arg22 : memref<5120xi32, #tpu.memory_space<vmem>>)
        %gt3A = arith.constant 0 : i32
        %gt3A_293 = arith.cmpi sgt, %scan3A_276, %gt3A : i32
        %convert_element_type3A = arith.extui %gt3A_293 : i1 to i32
        %cond3A = arith.constant 0 : i32
        %cond3A_294 = arith.cmpi ne, %convert_element_type3A, %cond3A : i32
        scf.if %cond3A_294 {
          %dma_wait3A_538 = arith.constant 0 : i32
          %dma_wait3A_539 = tpu.memref_slice %arg19[%dma_wait3A_538] : memref<32768000xf32, #tpu.memory_space<hbm>> -> memref<5120xf32, #tpu.memory_space<hbm>>
          %dma_wait3A_540 = arith.constant 0 : i32
          %dma_wait3A_541 = tpu.memref_slice %arg19[%dma_wait3A_540] : memref<32768000xf32, #tpu.memory_space<hbm>> -> memref<5120xf32, #tpu.memory_space<hbm>>
          tpu.wait_dma2 semaphore(%arg29 : memref<!tpu.dma_semaphore, #tpu.memory_space<semaphore_mem>>) src(%dma_wait3A_541 : memref<5120xf32, #tpu.memory_space<hbm>>) dst(%arg24 : memref<5120xf32, #tpu.memory_space<vmem>>)
        } else {
        }
        %parallel_loop3A = arith.constant 0 : i32
        %parallel_loop3A_295 = arith.constant 320 : i32
        %parallel_loop3A_296 = arith.constant 1 : i32
        scf.for %parallel_loop3A_538 = %parallel_loop3A to %parallel_loop3A_295 step %parallel_loop3A_296  : i32 {
          %parallel_loop3A_539 = arith.constant 16 : i32
          %parallel_loop3A_540 = arith.muli %parallel_loop3A_538, %parallel_loop3A_539 : i32
          %parallel_loop3A_541 = arith.index_cast %parallel_loop3A_540 : i32 to index
          %parallel_loop3A_542 = tpu.vector_load %arg22[%parallel_loop3A_541] {strides = array<i32>} : memref<5120xi32, #tpu.memory_space<vmem>>, vector<16xi32>,
          %parallel_loop3A_543 = tpu.vector_load_idx %arg21[%parallel_loop3A_542] : memref<2052xf32, #tpu.memory_space<vmem>>[vector<16xi32>], vector<16xf32>,
          %parallel_loop3A_544 = arith.index_cast %parallel_loop3A_540 : i32 to index
          %parallel_loop3A_545 = tpu.vector_load %arg24[%parallel_loop3A_544] {strides = array<i32>} : memref<5120xf32, #tpu.memory_space<vmem>>, vector<16xf32>,
          tpu.vector_store %arg24[%parallel_loop3A_544], %parallel_loop3A_543 {strides = array<i32>} : memref<5120xf32, #tpu.memory_space<vmem>>, vector<16xf32>,
        } {sc.loop_unroll_factor = 8 : i64, sc.parallel_access}
        %mul3A_297 = arith.constant 5 : i32
        %mul3A_298 = arith.muli %mul3A_279, %mul3A_297 : i32
        %add3A_299 = arith.constant 0 : i32
        %add3A_300 = arith.addi %mul3A_298, %add3A_299 : i32
        %mul3A_301 = arith.constant 10 : i32
        %mul3A_302 = arith.muli %add3A_300, %mul3A_301 : i32
        %add3A_303 = arith.constant 8 : i32
        %add3A_304 = arith.addi %mul3A_302, %add3A_303 : i32
        %mul3A_305 = arith.constant 64 : i32
        %mul3A_306 = arith.muli %add3A_304, %mul3A_305 : i32
        %mul3A_307 = arith.constant 1024 : i32
        %mul3A_308 = arith.muli %mul3A_306, %mul3A_307 : i32
        %mul3A_309 = arith.constant 1024 : i32
        %mul3A_310 = arith.muli %add3A_11, %mul3A_309 : i32
        %add3A_311 = arith.addi %mul3A_308, %mul3A_310 : i32
        %multiple_of3A_312 = tpu.assume_multiple %add3A_311, 1024 : i32
        %dma_start3A_313 = arith.constant 0 : i32
        %dma_start3A_314 = tpu.memref_slice %arg24[%dma_start3A_313] : memref<5120xf32, #tpu.memory_space<vmem>> -> memref<1024xf32, #tpu.memory_space<vmem>>
        %dma_start3A_315 = tpu.memref_slice %arg19[%multiple_of3A_312] : memref<32768000xf32, #tpu.memory_space<hbm>> -> memref<1024xf32, #tpu.memory_space<hbm>>
        %dma_start3A_316 = tpu.memref_slice %arg19[%multiple_of3A_312] : memref<32768000xf32, #tpu.memory_space<hbm>> -> memref<1024xf32, #tpu.memory_space<hbm>>
        %dma_start3A_317 = arith.constant 0 : i32
        %dma_start3A_318 = tpu.memref_slice %arg24[%dma_start3A_317] : memref<5120xf32, #tpu.memory_space<vmem>> -> memref<1024xf32, #tpu.memory_space<vmem>>
        tpu.enqueue_dma source(%dma_start3A_318 : memref<1024xf32, #tpu.memory_space<vmem>>) target(%dma_start3A_316 : memref<1024xf32, #tpu.memory_space<hbm>>) target_semaphore(%arg29 : memref<!tpu.dma_semaphore, #tpu.memory_space<semaphore_mem>>)
        %mul3A_319 = arith.constant 5 : i32
        %mul3A_320 = arith.muli %mul3A_279, %mul3A_319 : i32
        %add3A_321 = arith.constant 1 : i32
        %add3A_322 = arith.addi %mul3A_320, %add3A_321 : i32
        %mul3A_323 = arith.constant 10 : i32
        %mul3A_324 = arith.muli %add3A_322, %mul3A_323 : i32
        %add3A_325 = arith.constant 8 : i32
        %add3A_326 = arith.addi %mul3A_324, %add3A_325 : i32
        %mul3A_327 = arith.constant 64 : i32
        %mul3A_328 = arith.muli %add3A_326, %mul3A_327 : i32
        %mul3A_329 = arith.constant 1024 : i32
        %mul3A_330 = arith.muli %mul3A_328, %mul3A_329 : i32
        %mul3A_331 = arith.constant 1024 : i32
        %mul3A_332 = arith.muli %add3A_11, %mul3A_331 : i32
        %add3A_333 = arith.addi %mul3A_330, %mul3A_332 : i32
        %multiple_of3A_334 = tpu.assume_multiple %add3A_333, 1024 : i32
        %dma_start3A_335 = arith.constant 1024 : i32
        %dma_start3A_336 = tpu.memref_slice %arg24[%dma_start3A_335] : memref<5120xf32, #tpu.memory_space<vmem>> -> memref<1024xf32, #tpu.memory_space<vmem>>
        %dma_start3A_337 = tpu.memref_slice %arg19[%multiple_of3A_334] : memref<32768000xf32, #tpu.memory_space<hbm>> -> memref<1024xf32, #tpu.memory_space<hbm>>
        %dma_start3A_338 = tpu.memref_slice %arg19[%multiple_of3A_334] : memref<32768000xf32, #tpu.memory_space<hbm>> -> memref<1024xf32, #tpu.memory_space<hbm>>
        %dma_start3A_339 = arith.constant 1024 : i32
        %dma_start3A_340 = tpu.memref_slice %arg24[%dma_start3A_339] : memref<5120xf32, #tpu.memory_space<vmem>> -> memref<1024xf32, #tpu.memory_space<vmem>>
        tpu.enqueue_dma source(%dma_start3A_340 : memref<1024xf32, #tpu.memory_space<vmem>>) target(%dma_start3A_338 : memref<1024xf32, #tpu.memory_space<hbm>>) target_semaphore(%arg29 : memref<!tpu.dma_semaphore, #tpu.memory_space<semaphore_mem>>)
        %mul3A_341 = arith.constant 5 : i32
        %mul3A_342 = arith.muli %mul3A_279, %mul3A_341 : i32
        %add3A_343 = arith.constant 2 : i32
        %add3A_344 = arith.addi %mul3A_342, %add3A_343 : i32
        %mul3A_345 = arith.constant 10 : i32
        %mul3A_346 = arith.muli %add3A_344, %mul3A_345 : i32
        %add3A_347 = arith.constant 8 : i32
        %add3A_348 = arith.addi %mul3A_346, %add3A_347 : i32
        %mul3A_349 = arith.constant 64 : i32
        %mul3A_350 = arith.muli %add3A_348, %mul3A_349 : i32
        %mul3A_351 = arith.constant 1024 : i32
        %mul3A_352 = arith.muli %mul3A_350, %mul3A_351 : i32
        %mul3A_353 = arith.constant 1024 : i32
        %mul3A_354 = arith.muli %add3A_11, %mul3A_353 : i32
        %add3A_355 = arith.addi %mul3A_352, %mul3A_354 : i32
        %multiple_of3A_356 = tpu.assume_multiple %add3A_355, 1024 : i32
        %dma_start3A_357 = arith.constant 2048 : i32
        %dma_start3A_358 = tpu.memref_slice %arg24[%dma_start3A_357] : memref<5120xf32, #tpu.memory_space<vmem>> -> memref<1024xf32, #tpu.memory_space<vmem>>
        %dma_start3A_359 = tpu.memref_slice %arg19[%multiple_of3A_356] : memref<32768000xf32, #tpu.memory_space<hbm>> -> memref<1024xf32, #tpu.memory_space<hbm>>
        %dma_start3A_360 = tpu.memref_slice %arg19[%multiple_of3A_356] : memref<32768000xf32, #tpu.memory_space<hbm>> -> memref<1024xf32, #tpu.memory_space<hbm>>
        %dma_start3A_361 = arith.constant 2048 : i32
        %dma_start3A_362 = tpu.memref_slice %arg24[%dma_start3A_361] : memref<5120xf32, #tpu.memory_space<vmem>> -> memref<1024xf32, #tpu.memory_space<vmem>>
        tpu.enqueue_dma source(%dma_start3A_362 : memref<1024xf32, #tpu.memory_space<vmem>>) target(%dma_start3A_360 : memref<1024xf32, #tpu.memory_space<hbm>>) target_semaphore(%arg29 : memref<!tpu.dma_semaphore, #tpu.memory_space<semaphore_mem>>)
        %mul3A_363 = arith.constant 5 : i32
        %mul3A_364 = arith.muli %mul3A_279, %mul3A_363 : i32
        %add3A_365 = arith.constant 3 : i32
        %add3A_366 = arith.addi %mul3A_364, %add3A_365 : i32
        %mul3A_367 = arith.constant 10 : i32
        %mul3A_368 = arith.muli %add3A_366, %mul3A_367 : i32
        %add3A_369 = arith.constant 8 : i32
        %add3A_370 = arith.addi %mul3A_368, %add3A_369 : i32
        %mul3A_371 = arith.constant 64 : i32
        %mul3A_372 = arith.muli %add3A_370, %mul3A_371 : i32
        %mul3A_373 = arith.constant 1024 : i32
        %mul3A_374 = arith.muli %mul3A_372, %mul3A_373 : i32
        %mul3A_375 = arith.constant 1024 : i32
        %mul3A_376 = arith.muli %add3A_11, %mul3A_375 : i32
        %add3A_377 = arith.addi %mul3A_374, %mul3A_376 : i32
        %multiple_of3A_378 = tpu.assume_multiple %add3A_377, 1024 : i32
        %dma_start3A_379 = arith.constant 3072 : i32
        %dma_start3A_380 = tpu.memref_slice %arg24[%dma_start3A_379] : memref<5120xf32, #tpu.memory_space<vmem>> -> memref<1024xf32, #tpu.memory_space<vmem>>
        %dma_start3A_381 = tpu.memref_slice %arg19[%multiple_of3A_378] : memref<32768000xf32, #tpu.memory_space<hbm>> -> memref<1024xf32, #tpu.memory_space<hbm>>
        %dma_start3A_382 = tpu.memref_slice %arg19[%multiple_of3A_378] : memref<32768000xf32, #tpu.memory_space<hbm>> -> memref<1024xf32, #tpu.memory_space<hbm>>
        %dma_start3A_383 = arith.constant 3072 : i32
        %dma_start3A_384 = tpu.memref_slice %arg24[%dma_start3A_383] : memref<5120xf32, #tpu.memory_space<vmem>> -> memref<1024xf32, #tpu.memory_space<vmem>>
        tpu.enqueue_dma source(%dma_start3A_384 : memref<1024xf32, #tpu.memory_space<vmem>>) target(%dma_start3A_382 : memref<1024xf32, #tpu.memory_space<hbm>>) target_semaphore(%arg29 : memref<!tpu.dma_semaphore, #tpu.memory_space<semaphore_mem>>)
        %mul3A_385 = arith.constant 5 : i32
        %mul3A_386 = arith.muli %mul3A_279, %mul3A_385 : i32
        %add3A_387 = arith.constant 4 : i32
        %add3A_388 = arith.addi %mul3A_386, %add3A_387 : i32
        %mul3A_389 = arith.constant 10 : i32
        %mul3A_390 = arith.muli %add3A_388, %mul3A_389 : i32
        %add3A_391 = arith.constant 8 : i32
        %add3A_392 = arith.addi %mul3A_390, %add3A_391 : i32
        %mul3A_393 = arith.constant 64 : i32
        %mul3A_394 = arith.muli %add3A_392, %mul3A_393 : i32
        %mul3A_395 = arith.constant 1024 : i32
        %mul3A_396 = arith.muli %mul3A_394, %mul3A_395 : i32
        %mul3A_397 = arith.constant 1024 : i32
        %mul3A_398 = arith.muli %add3A_11, %mul3A_397 : i32
        %add3A_399 = arith.addi %mul3A_396, %mul3A_398 : i32
        %multiple_of3A_400 = tpu.assume_multiple %add3A_399, 1024 : i32
        %dma_start3A_401 = arith.constant 4096 : i32
        %dma_start3A_402 = tpu.memref_slice %arg24[%dma_start3A_401] : memref<5120xf32, #tpu.memory_space<vmem>> -> memref<1024xf32, #tpu.memory_space<vmem>>
        %dma_start3A_403 = tpu.memref_slice %arg19[%multiple_of3A_400] : memref<32768000xf32, #tpu.memory_space<hbm>> -> memref<1024xf32, #tpu.memory_space<hbm>>
        %dma_start3A_404 = tpu.memref_slice %arg19[%multiple_of3A_400] : memref<32768000xf32, #tpu.memory_space<hbm>> -> memref<1024xf32, #tpu.memory_space<hbm>>
        %dma_start3A_405 = arith.constant 4096 : i32
        %dma_start3A_406 = tpu.memref_slice %arg24[%dma_start3A_405] : memref<5120xf32, #tpu.memory_space<vmem>> -> memref<1024xf32, #tpu.memory_space<vmem>>
        tpu.enqueue_dma source(%dma_start3A_406 : memref<1024xf32, #tpu.memory_space<vmem>>) target(%dma_start3A_404 : memref<1024xf32, #tpu.memory_space<hbm>>) target_semaphore(%arg29 : memref<!tpu.dma_semaphore, #tpu.memory_space<semaphore_mem>>)
        %add3A_407 = arith.constant 1 : i32
        %add3A_408 = arith.addi %add3A_283, %add3A_407 : i32
        %rem3A = arith.constant 10 : i32
        %rem3A_409 = arith.remsi %add3A_408, %rem3A : i32
        %mul3A_410 = arith.constant 5120 : i32
        %mul3A_411 = arith.muli %rem3A_409, %mul3A_410 : i32
        %multiple_of3A_412 = tpu.assume_multiple %mul3A_411, 5120 : i32
        %dma_start3A_413 = tpu.memref_slice %arg15[%multiple_of3A_412] : memref<51200xi32, #tpu.memory_space<hbm>> -> memref<5120xi32, #tpu.memory_space<hbm>>
        %dma_start3A_414 = tpu.memref_slice %arg15[%multiple_of3A_412] : memref<51200xi32, #tpu.memory_space<hbm>> -> memref<5120xi32, #tpu.memory_space<hbm>>
        tpu.enqueue_dma source(%dma_start3A_414 : memref<5120xi32, #tpu.memory_space<hbm>>) target(%arg22 : memref<5120xi32, #tpu.memory_space<vmem>>) target_semaphore(%arg27 : memref<!tpu.dma_semaphore, #tpu.memory_space<semaphore_mem>>)
        %dma_wait3A_415 = arith.constant 0 : i32
        %dma_wait3A_416 = tpu.memref_slice %arg9[%dma_wait3A_415] : memref<51200xi32, #tpu.memory_space<hbm>> -> memref<5120xi32, #tpu.memory_space<hbm>>
        %dma_wait3A_417 = arith.constant 0 : i32
        %dma_wait3A_418 = tpu.memref_slice %arg9[%dma_wait3A_417] : memref<51200xi32, #tpu.memory_space<hbm>> -> memref<5120xi32, #tpu.memory_space<hbm>>
        tpu.wait_dma2 semaphore(%arg28 : memref<!tpu.dma_semaphore, #tpu.memory_space<semaphore_mem>>) src(%dma_wait3A_418 : memref<5120xi32, #tpu.memory_space<hbm>>) dst(%arg23 : memref<5120xi32, #tpu.memory_space<vmem>>)
        %gt3A_419 = arith.constant 0 : i32
        %gt3A_420 = arith.cmpi sgt, %scan3A_276, %gt3A_419 : i32
        %convert_element_type3A_421 = arith.extui %gt3A_420 : i1 to i32
        %cond3A_422 = arith.constant 0 : i32
        %cond3A_423 = arith.cmpi ne, %convert_element_type3A_421, %cond3A_422 : i32
        scf.if %cond3A_423 {
          %dma_wait3A_538 = arith.constant 0 : i32
          %dma_wait3A_539 = tpu.memref_slice %arg19[%dma_wait3A_538] : memref<32768000xf32, #tpu.memory_space<hbm>> -> memref<5120xf32, #tpu.memory_space<hbm>>
          %dma_wait3A_540 = arith.constant 0 : i32
          %dma_wait3A_541 = tpu.memref_slice %arg19[%dma_wait3A_540] : memref<32768000xf32, #tpu.memory_space<hbm>> -> memref<5120xf32, #tpu.memory_space<hbm>>
          tpu.wait_dma2 semaphore(%arg30 : memref<!tpu.dma_semaphore, #tpu.memory_space<semaphore_mem>>) src(%dma_wait3A_541 : memref<5120xf32, #tpu.memory_space<hbm>>) dst(%arg25 : memref<5120xf32, #tpu.memory_space<vmem>>)
        } else {
        }
        %parallel_loop3A_424 = arith.constant 0 : i32
        %parallel_loop3A_425 = arith.constant 320 : i32
        %parallel_loop3A_426 = arith.constant 1 : i32
        scf.for %parallel_loop3A_538 = %parallel_loop3A_424 to %parallel_loop3A_425 step %parallel_loop3A_426  : i32 {
          %parallel_loop3A_539 = arith.constant 16 : i32
          %parallel_loop3A_540 = arith.muli %parallel_loop3A_538, %parallel_loop3A_539 : i32
          %parallel_loop3A_541 = arith.index_cast %parallel_loop3A_540 : i32 to index
          %parallel_loop3A_542 = tpu.vector_load %arg23[%parallel_loop3A_541] {strides = array<i32>} : memref<5120xi32, #tpu.memory_space<vmem>>, vector<16xi32>,
          %parallel_loop3A_543 = tpu.vector_load_idx %arg21[%parallel_loop3A_542] : memref<2052xf32, #tpu.memory_space<vmem>>[vector<16xi32>], vector<16xf32>,
          %parallel_loop3A_544 = arith.index_cast %parallel_loop3A_540 : i32 to index
          %parallel_loop3A_545 = tpu.vector_load %arg25[%parallel_loop3A_544] {strides = array<i32>} : memref<5120xf32, #tpu.memory_space<vmem>>, vector<16xf32>,
          tpu.vector_store %arg25[%parallel_loop3A_544], %parallel_loop3A_543 {strides = array<i32>} : memref<5120xf32, #tpu.memory_space<vmem>>, vector<16xf32>,
        } {sc.loop_unroll_factor = 8 : i64, sc.parallel_access}
        %mul3A_427 = arith.constant 5 : i32
        %mul3A_428 = arith.muli %add3A_283, %mul3A_427 : i32
        %add3A_429 = arith.constant 0 : i32
        %add3A_430 = arith.addi %mul3A_428, %add3A_429 : i32
        %mul3A_431 = arith.constant 10 : i32
        %mul3A_432 = arith.muli %add3A_430, %mul3A_431 : i32
        %add3A_433 = arith.constant 8 : i32
        %add3A_434 = arith.addi %mul3A_432, %add3A_433 : i32
        %mul3A_435 = arith.constant 64 : i32
        %mul3A_436 = arith.muli %add3A_434, %mul3A_435 : i32
        %mul3A_437 = arith.constant 1024 : i32
        %mul3A_438 = arith.muli %mul3A_436, %mul3A_437 : i32
        %mul3A_439 = arith.constant 1024 : i32
        %mul3A_440 = arith.muli %add3A_11, %mul3A_439 : i32
        %add3A_441 = arith.addi %mul3A_438, %mul3A_440 : i32
        %multiple_of3A_442 = tpu.assume_multiple %add3A_441, 1024 : i32
        %dma_start3A_443 = arith.constant 0 : i32
        %dma_start3A_444 = tpu.memref_slice %arg25[%dma_start3A_443] : memref<5120xf32, #tpu.memory_space<vmem>> -> memref<1024xf32, #tpu.memory_space<vmem>>
        %dma_start3A_445 = tpu.memref_slice %arg19[%multiple_of3A_442] : memref<32768000xf32, #tpu.memory_space<hbm>> -> memref<1024xf32, #tpu.memory_space<hbm>>
        %dma_start3A_446 = tpu.memref_slice %arg19[%multiple_of3A_442] : memref<32768000xf32, #tpu.memory_space<hbm>> -> memref<1024xf32, #tpu.memory_space<hbm>>
        %dma_start3A_447 = arith.constant 0 : i32
        %dma_start3A_448 = tpu.memref_slice %arg25[%dma_start3A_447] : memref<5120xf32, #tpu.memory_space<vmem>> -> memref<1024xf32, #tpu.memory_space<vmem>>
        tpu.enqueue_dma source(%dma_start3A_448 : memref<1024xf32, #tpu.memory_space<vmem>>) target(%dma_start3A_446 : memref<1024xf32, #tpu.memory_space<hbm>>) target_semaphore(%arg30 : memref<!tpu.dma_semaphore, #tpu.memory_space<semaphore_mem>>)
        %mul3A_449 = arith.constant 5 : i32
        %mul3A_450 = arith.muli %add3A_283, %mul3A_449 : i32
        %add3A_451 = arith.constant 1 : i32
        %add3A_452 = arith.addi %mul3A_450, %add3A_451 : i32
        %mul3A_453 = arith.constant 10 : i32
        %mul3A_454 = arith.muli %add3A_452, %mul3A_453 : i32
        %add3A_455 = arith.constant 8 : i32
        %add3A_456 = arith.addi %mul3A_454, %add3A_455 : i32
        %mul3A_457 = arith.constant 64 : i32
        %mul3A_458 = arith.muli %add3A_456, %mul3A_457 : i32
        %mul3A_459 = arith.constant 1024 : i32
        %mul3A_460 = arith.muli %mul3A_458, %mul3A_459 : i32
        %mul3A_461 = arith.constant 1024 : i32
        %mul3A_462 = arith.muli %add3A_11, %mul3A_461 : i32
        %add3A_463 = arith.addi %mul3A_460, %mul3A_462 : i32
        %multiple_of3A_464 = tpu.assume_multiple %add3A_463, 1024 : i32
        %dma_start3A_465 = arith.constant 1024 : i32
        %dma_start3A_466 = tpu.memref_slice %arg25[%dma_start3A_465] : memref<5120xf32, #tpu.memory_space<vmem>> -> memref<1024xf32, #tpu.memory_space<vmem>>
        %dma_start3A_467 = tpu.memref_slice %arg19[%multiple_of3A_464] : memref<32768000xf32, #tpu.memory_space<hbm>> -> memref<1024xf32, #tpu.memory_space<hbm>>
        %dma_start3A_468 = tpu.memref_slice %arg19[%multiple_of3A_464] : memref<32768000xf32, #tpu.memory_space<hbm>> -> memref<1024xf32, #tpu.memory_space<hbm>>
        %dma_start3A_469 = arith.constant 1024 : i32
        %dma_start3A_470 = tpu.memref_slice %arg25[%dma_start3A_469] : memref<5120xf32, #tpu.memory_space<vmem>> -> memref<1024xf32, #tpu.memory_space<vmem>>
        tpu.enqueue_dma source(%dma_start3A_470 : memref<1024xf32, #tpu.memory_space<vmem>>) target(%dma_start3A_468 : memref<1024xf32, #tpu.memory_space<hbm>>) target_semaphore(%arg30 : memref<!tpu.dma_semaphore, #tpu.memory_space<semaphore_mem>>)
        %mul3A_471 = arith.constant 5 : i32
        %mul3A_472 = arith.muli %add3A_283, %mul3A_471 : i32
        %add3A_473 = arith.constant 2 : i32
        %add3A_474 = arith.addi %mul3A_472, %add3A_473 : i32
        %mul3A_475 = arith.constant 10 : i32
        %mul3A_476 = arith.muli %add3A_474, %mul3A_475 : i32
        %add3A_477 = arith.constant 8 : i32
        %add3A_478 = arith.addi %mul3A_476, %add3A_477 : i32
        %mul3A_479 = arith.constant 64 : i32
        %mul3A_480 = arith.muli %add3A_478, %mul3A_479 : i32
        %mul3A_481 = arith.constant 1024 : i32
        %mul3A_482 = arith.muli %mul3A_480, %mul3A_481 : i32
        %mul3A_483 = arith.constant 1024 : i32
        %mul3A_484 = arith.muli %add3A_11, %mul3A_483 : i32
        %add3A_485 = arith.addi %mul3A_482, %mul3A_484 : i32
        %multiple_of3A_486 = tpu.assume_multiple %add3A_485, 1024 : i32
        %dma_start3A_487 = arith.constant 2048 : i32
        %dma_start3A_488 = tpu.memref_slice %arg25[%dma_start3A_487] : memref<5120xf32, #tpu.memory_space<vmem>> -> memref<1024xf32, #tpu.memory_space<vmem>>
        %dma_start3A_489 = tpu.memref_slice %arg19[%multiple_of3A_486] : memref<32768000xf32, #tpu.memory_space<hbm>> -> memref<1024xf32, #tpu.memory_space<hbm>>
        %dma_start3A_490 = tpu.memref_slice %arg19[%multiple_of3A_486] : memref<32768000xf32, #tpu.memory_space<hbm>> -> memref<1024xf32, #tpu.memory_space<hbm>>
        %dma_start3A_491 = arith.constant 2048 : i32
        %dma_start3A_492 = tpu.memref_slice %arg25[%dma_start3A_491] : memref<5120xf32, #tpu.memory_space<vmem>> -> memref<1024xf32, #tpu.memory_space<vmem>>
        tpu.enqueue_dma source(%dma_start3A_492 : memref<1024xf32, #tpu.memory_space<vmem>>) target(%dma_start3A_490 : memref<1024xf32, #tpu.memory_space<hbm>>) target_semaphore(%arg30 : memref<!tpu.dma_semaphore, #tpu.memory_space<semaphore_mem>>)
        %mul3A_493 = arith.constant 5 : i32
        %mul3A_494 = arith.muli %add3A_283, %mul3A_493 : i32
        %add3A_495 = arith.constant 3 : i32
        %add3A_496 = arith.addi %mul3A_494, %add3A_495 : i32
        %mul3A_497 = arith.constant 10 : i32
        %mul3A_498 = arith.muli %add3A_496, %mul3A_497 : i32
        %add3A_499 = arith.constant 8 : i32
        %add3A_500 = arith.addi %mul3A_498, %add3A_499 : i32
        %mul3A_501 = arith.constant 64 : i32
        %mul3A_502 = arith.muli %add3A_500, %mul3A_501 : i32
        %mul3A_503 = arith.constant 1024 : i32
        %mul3A_504 = arith.muli %mul3A_502, %mul3A_503 : i32
        %mul3A_505 = arith.constant 1024 : i32
        %mul3A_506 = arith.muli %add3A_11, %mul3A_505 : i32
        %add3A_507 = arith.addi %mul3A_504, %mul3A_506 : i32
        %multiple_of3A_508 = tpu.assume_multiple %add3A_507, 1024 : i32
        %dma_start3A_509 = arith.constant 3072 : i32
        %dma_start3A_510 = tpu.memref_slice %arg25[%dma_start3A_509] : memref<5120xf32, #tpu.memory_space<vmem>> -> memref<1024xf32, #tpu.memory_space<vmem>>
        %dma_start3A_511 = tpu.memref_slice %arg19[%multiple_of3A_508] : memref<32768000xf32, #tpu.memory_space<hbm>> -> memref<1024xf32, #tpu.memory_space<hbm>>
        %dma_start3A_512 = tpu.memref_slice %arg19[%multiple_of3A_508] : memref<32768000xf32, #tpu.memory_space<hbm>> -> memref<1024xf32, #tpu.memory_space<hbm>>
        %dma_start3A_513 = arith.constant 3072 : i32
        %dma_start3A_514 = tpu.memref_slice %arg25[%dma_start3A_513] : memref<5120xf32, #tpu.memory_space<vmem>> -> memref<1024xf32, #tpu.memory_space<vmem>>
        tpu.enqueue_dma source(%dma_start3A_514 : memref<1024xf32, #tpu.memory_space<vmem>>) target(%dma_start3A_512 : memref<1024xf32, #tpu.memory_space<hbm>>) target_semaphore(%arg30 : memref<!tpu.dma_semaphore, #tpu.memory_space<semaphore_mem>>)
        %mul3A_515 = arith.constant 5 : i32
        %mul3A_516 = arith.muli %add3A_283, %mul3A_515 : i32
        %add3A_517 = arith.constant 4 : i32
        %add3A_518 = arith.addi %mul3A_516, %add3A_517 : i32
        %mul3A_519 = arith.constant 10 : i32
        %mul3A_520 = arith.muli %add3A_518, %mul3A_519 : i32
        %add3A_521 = arith.constant 8 : i32
        %add3A_522 = arith.addi %mul3A_520, %add3A_521 : i32
        %mul3A_523 = arith.constant 64 : i32
        %mul3A_524 = arith.muli %add3A_522, %mul3A_523 : i32
        %mul3A_525 = arith.constant 1024 : i32
        %mul3A_526 = arith.muli %mul3A_524, %mul3A_525 : i32
        %mul3A_527 = arith.constant 1024 : i32
        %mul3A_528 = arith.muli %add3A_11, %mul3A_527 : i32
        %add3A_529 = arith.addi %mul3A_526, %mul3A_528 : i32
        %multiple_of3A_530 = tpu.assume_multiple %add3A_529, 1024 : i32
        %dma_start3A_531 = arith.constant 4096 : i32
        %dma_start3A_532 = tpu.memref_slice %arg25[%dma_start3A_531] : memref<5120xf32, #tpu.memory_space<vmem>> -> memref<1024xf32, #tpu.memory_space<vmem>>
        %dma_start3A_533 = tpu.memref_slice %arg19[%multiple_of3A_530] : memref<32768000xf32, #tpu.memory_space<hbm>> -> memref<1024xf32, #tpu.memory_space<hbm>>
        %dma_start3A_534 = tpu.memref_slice %arg19[%multiple_of3A_530] : memref<32768000xf32, #tpu.memory_space<hbm>> -> memref<1024xf32, #tpu.memory_space<hbm>>
        %dma_start3A_535 = arith.constant 4096 : i32
        %dma_start3A_536 = tpu.memref_slice %arg25[%dma_start3A_535] : memref<5120xf32, #tpu.memory_space<vmem>> -> memref<1024xf32, #tpu.memory_space<vmem>>
        tpu.enqueue_dma source(%dma_start3A_536 : memref<1024xf32, #tpu.memory_space<vmem>>) target(%dma_start3A_534 : memref<1024xf32, #tpu.memory_space<hbm>>) target_semaphore(%arg30 : memref<!tpu.dma_semaphore, #tpu.memory_space<semaphore_mem>>)
        %scan3A_537 = arith.constant 0 : i32
        scf.yield %scan3A_537 : i32
      }
      %scan3A_198 = arith.constant 5 : i32
      %dma_wait3A_199 = arith.constant 0 : i32
      %dma_wait3A_200 = tpu.memref_slice %arg9[%dma_wait3A_199] : memref<51200xi32, #tpu.memory_space<hbm>> -> memref<5120xi32, #tpu.memory_space<hbm>>
      %dma_wait3A_201 = arith.constant 0 : i32
      %dma_wait3A_202 = tpu.memref_slice %arg9[%dma_wait3A_201] : memref<51200xi32, #tpu.memory_space<hbm>> -> memref<5120xi32, #tpu.memory_space<hbm>>
      tpu.wait_dma2 semaphore(%arg27 : memref<!tpu.dma_semaphore, #tpu.memory_space<semaphore_mem>>) src(%dma_wait3A_202 : memref<5120xi32, #tpu.memory_space<hbm>>) dst(%arg22 : memref<5120xi32, #tpu.memory_space<vmem>>)
      %dma_wait3A_203 = arith.constant 0 : i32
      %dma_wait3A_204 = tpu.memref_slice %arg19[%dma_wait3A_203] : memref<32768000xf32, #tpu.memory_space<hbm>> -> memref<5120xf32, #tpu.memory_space<hbm>>
      %dma_wait3A_205 = arith.constant 0 : i32
      %dma_wait3A_206 = tpu.memref_slice %arg19[%dma_wait3A_205] : memref<32768000xf32, #tpu.memory_space<hbm>> -> memref<5120xf32, #tpu.memory_space<hbm>>
      tpu.wait_dma2 semaphore(%arg29 : memref<!tpu.dma_semaphore, #tpu.memory_space<semaphore_mem>>) src(%dma_wait3A_206 : memref<5120xf32, #tpu.memory_space<hbm>>) dst(%arg24 : memref<5120xf32, #tpu.memory_space<vmem>>)
      %dma_wait3A_207 = arith.constant 0 : i32
      %dma_wait3A_208 = tpu.memref_slice %arg19[%dma_wait3A_207] : memref<32768000xf32, #tpu.memory_space<hbm>> -> memref<5120xf32, #tpu.memory_space<hbm>>
      %dma_wait3A_209 = arith.constant 0 : i32
      %dma_wait3A_210 = tpu.memref_slice %arg19[%dma_wait3A_209] : memref<32768000xf32, #tpu.memory_space<hbm>> -> memref<5120xf32, #tpu.memory_space<hbm>>
      tpu.wait_dma2 semaphore(%arg30 : memref<!tpu.dma_semaphore, #tpu.memory_space<semaphore_mem>>) src(%dma_wait3A_210 : memref<5120xf32, #tpu.memory_space<hbm>>) dst(%arg25 : memref<5120xf32, #tpu.memory_space<vmem>>)
      %dma_wait3A_211 = arith.constant 0 : i32
      %dma_wait3A_212 = tpu.memref_slice %arg6[%add3A_11, %dma_wait3A_211] : memref<64x100004xf32, #tpu.memory_space<hbm>> -> memref<1x100004xf32, #tpu.memory_space<hbm>>
      %dma_wait3A_213 = tpu.memref_squeeze %dma_wait3A_212 : memref<1x100004xf32, #tpu.memory_space<hbm>> -> memref<100004xf32, #tpu.memory_space<hbm>>
      %dma_wait3A_214 = arith.constant 0 : i32
      %dma_wait3A_215 = tpu.memref_slice %arg6[%add3A_11, %dma_wait3A_214] : memref<64x100004xf32, #tpu.memory_space<hbm>> -> memref<1x100004xf32, #tpu.memory_space<hbm>>
      %dma_wait3A_216 = tpu.memref_squeeze %dma_wait3A_215 : memref<1x100004xf32, #tpu.memory_space<hbm>> -> memref<100004xf32, #tpu.memory_space<hbm>>
      tpu.wait_dma2 semaphore(%arg26 : memref<!tpu.dma_semaphore, #tpu.memory_space<semaphore_mem>>) src(%dma_wait3A_216 : memref<100004xf32, #tpu.memory_space<hbm>>) dst(%arg20 : memref<100004xf32, #tpu.memory_space<vmem>>)
      %multiple_of3A_217 = arith.constant 0 : i32
      %multiple_of3A_218 = tpu.assume_multiple %multiple_of3A_217, 5120 : i32
      %dma_start3A_219 = tpu.memref_slice %arg13[%multiple_of3A_218] : memref<51200xi32, #tpu.memory_space<hbm>> -> memref<5120xi32, #tpu.memory_space<hbm>>
      %dma_start3A_220 = tpu.memref_slice %arg13[%multiple_of3A_218] : memref<51200xi32, #tpu.memory_space<hbm>> -> memref<5120xi32, #tpu.memory_space<hbm>>
      tpu.enqueue_dma source(%dma_start3A_220 : memref<5120xi32, #tpu.memory_space<hbm>>) target(%arg22 : memref<5120xi32, #tpu.memory_space<vmem>>) target_semaphore(%arg27 : memref<!tpu.dma_semaphore, #tpu.memory_space<semaphore_mem>>)
      %scan3A_221 = arith.constant 0 : i32
      %scan3A_222 = arith.constant 0 : i32
      %scan3A_223 = arith.constant 5 : i32
      %scan3A_224 = arith.addi %scan3A_222, %scan3A_223 : i32
      %scan3A_225 = arith.constant 1 : i32
      %scan3A_226 = scf.for %scan3A_276 = %scan3A_222 to %scan3A_224 step %scan3A_225 iter_args(%scan3A_277 = %scan3A_221) -> (i32)  : i32 {
        %mul3A_278 = arith.constant 2 : i32
        %mul3A_279 = arith.muli %mul3A_278, %scan3A_276 : i32
        %mul3A_280 = arith.constant 2 : i32
        %mul3A_281 = arith.muli %mul3A_280, %scan3A_276 : i32
        %add3A_282 = arith.constant 1 : i32
        %add3A_283 = arith.addi %mul3A_281, %add3A_282 : i32
        %mul3A_284 = arith.constant 5120 : i32
        %mul3A_285 = arith.muli %add3A_283, %mul3A_284 : i32
        %multiple_of3A_286 = tpu.assume_multiple %mul3A_285, 5120 : i32
        %dma_start3A_287 = tpu.memref_slice %arg13[%multiple_of3A_286] : memref<51200xi32, #tpu.memory_space<hbm>> -> memref<5120xi32, #tpu.memory_space<hbm>>
        %dma_start3A_288 = tpu.memref_slice %arg13[%multiple_of3A_286] : memref<51200xi32, #tpu.memory_space<hbm>> -> memref<5120xi32, #tpu.memory_space<hbm>>
        tpu.enqueue_dma source(%dma_start3A_288 : memref<5120xi32, #tpu.memory_space<hbm>>) target(%arg23 : memref<5120xi32, #tpu.memory_space<vmem>>) target_semaphore(%arg28 : memref<!tpu.dma_semaphore, #tpu.memory_space<semaphore_mem>>)
        %dma_wait3A_289 = arith.constant 0 : i32
        %dma_wait3A_290 = tpu.memref_slice %arg9[%dma_wait3A_289] : memref<51200xi32, #tpu.memory_space<hbm>> -> memref<5120xi32, #tpu.memory_space<hbm>>
        %dma_wait3A_291 = arith.constant 0 : i32
        %dma_wait3A_292 = tpu.memref_slice %arg9[%dma_wait3A_291] : memref<51200xi32, #tpu.memory_space<hbm>> -> memref<5120xi32, #tpu.memory_space<hbm>>
        tpu.wait_dma2 semaphore(%arg27 : memref<!tpu.dma_semaphore, #tpu.memory_space<semaphore_mem>>) src(%dma_wait3A_292 : memref<5120xi32, #tpu.memory_space<hbm>>) dst(%arg22 : memref<5120xi32, #tpu.memory_space<vmem>>)
        %gt3A = arith.constant 0 : i32
        %gt3A_293 = arith.cmpi sgt, %scan3A_276, %gt3A : i32
        %convert_element_type3A = arith.extui %gt3A_293 : i1 to i32
        %cond3A = arith.constant 0 : i32
        %cond3A_294 = arith.cmpi ne, %convert_element_type3A, %cond3A : i32
        scf.if %cond3A_294 {
          %dma_wait3A_538 = arith.constant 0 : i32
          %dma_wait3A_539 = tpu.memref_slice %arg19[%dma_wait3A_538] : memref<32768000xf32, #tpu.memory_space<hbm>> -> memref<5120xf32, #tpu.memory_space<hbm>>
          %dma_wait3A_540 = arith.constant 0 : i32
          %dma_wait3A_541 = tpu.memref_slice %arg19[%dma_wait3A_540] : memref<32768000xf32, #tpu.memory_space<hbm>> -> memref<5120xf32, #tpu.memory_space<hbm>>
          tpu.wait_dma2 semaphore(%arg29 : memref<!tpu.dma_semaphore, #tpu.memory_space<semaphore_mem>>) src(%dma_wait3A_541 : memref<5120xf32, #tpu.memory_space<hbm>>) dst(%arg24 : memref<5120xf32, #tpu.memory_space<vmem>>)
        } else {
        }
        %parallel_loop3A = arith.constant 0 : i32
        %parallel_loop3A_295 = arith.constant 320 : i32
        %parallel_loop3A_296 = arith.constant 1 : i32
        scf.for %parallel_loop3A_538 = %parallel_loop3A to %parallel_loop3A_295 step %parallel_loop3A_296  : i32 {
          %parallel_loop3A_539 = arith.constant 16 : i32
          %parallel_loop3A_540 = arith.muli %parallel_loop3A_538, %parallel_loop3A_539 : i32
          %parallel_loop3A_541 = arith.index_cast %parallel_loop3A_540 : i32 to index
          %parallel_loop3A_542 = tpu.vector_load %arg22[%parallel_loop3A_541] {strides = array<i32>} : memref<5120xi32, #tpu.memory_space<vmem>>, vector<16xi32>,
          %parallel_loop3A_543 = tpu.vector_load_idx %arg20[%parallel_loop3A_542] : memref<100004xf32, #tpu.memory_space<vmem>>[vector<16xi32>], vector<16xf32>,
          %parallel_loop3A_544 = arith.index_cast %parallel_loop3A_540 : i32 to index
          %parallel_loop3A_545 = tpu.vector_load %arg24[%parallel_loop3A_544] {strides = array<i32>} : memref<5120xf32, #tpu.memory_space<vmem>>, vector<16xf32>,
          tpu.vector_store %arg24[%parallel_loop3A_544], %parallel_loop3A_543 {strides = array<i32>} : memref<5120xf32, #tpu.memory_space<vmem>>, vector<16xf32>,
        } {sc.loop_unroll_factor = 8 : i64, sc.parallel_access}
        %mul3A_297 = arith.constant 5 : i32
        %mul3A_298 = arith.muli %mul3A_279, %mul3A_297 : i32
        %add3A_299 = arith.constant 0 : i32
        %add3A_300 = arith.addi %mul3A_298, %add3A_299 : i32
        %mul3A_301 = arith.constant 10 : i32
        %mul3A_302 = arith.muli %add3A_300, %mul3A_301 : i32
        %add3A_303 = arith.constant 4 : i32
        %add3A_304 = arith.addi %mul3A_302, %add3A_303 : i32
        %mul3A_305 = arith.constant 64 : i32
        %mul3A_306 = arith.muli %add3A_304, %mul3A_305 : i32
        %mul3A_307 = arith.constant 1024 : i32
        %mul3A_308 = arith.muli %mul3A_306, %mul3A_307 : i32
        %mul3A_309 = arith.constant 1024 : i32
        %mul3A_310 = arith.muli %add3A_11, %mul3A_309 : i32
        %add3A_311 = arith.addi %mul3A_308, %mul3A_310 : i32
        %multiple_of3A_312 = tpu.assume_multiple %add3A_311, 1024 : i32
        %dma_start3A_313 = arith.constant 0 : i32
        %dma_start3A_314 = tpu.memref_slice %arg24[%dma_start3A_313] : memref<5120xf32, #tpu.memory_space<vmem>> -> memref<1024xf32, #tpu.memory_space<vmem>>
        %dma_start3A_315 = tpu.memref_slice %arg19[%multiple_of3A_312] : memref<32768000xf32, #tpu.memory_space<hbm>> -> memref<1024xf32, #tpu.memory_space<hbm>>
        %dma_start3A_316 = tpu.memref_slice %arg19[%multiple_of3A_312] : memref<32768000xf32, #tpu.memory_space<hbm>> -> memref<1024xf32, #tpu.memory_space<hbm>>
        %dma_start3A_317 = arith.constant 0 : i32
        %dma_start3A_318 = tpu.memref_slice %arg24[%dma_start3A_317] : memref<5120xf32, #tpu.memory_space<vmem>> -> memref<1024xf32, #tpu.memory_space<vmem>>
        tpu.enqueue_dma source(%dma_start3A_318 : memref<1024xf32, #tpu.memory_space<vmem>>) target(%dma_start3A_316 : memref<1024xf32, #tpu.memory_space<hbm>>) target_semaphore(%arg29 : memref<!tpu.dma_semaphore, #tpu.memory_space<semaphore_mem>>)
        %mul3A_319 = arith.constant 5 : i32
        %mul3A_320 = arith.muli %mul3A_279, %mul3A_319 : i32
        %add3A_321 = arith.constant 1 : i32
        %add3A_322 = arith.addi %mul3A_320, %add3A_321 : i32
        %mul3A_323 = arith.constant 10 : i32
        %mul3A_324 = arith.muli %add3A_322, %mul3A_323 : i32
        %add3A_325 = arith.constant 4 : i32
        %add3A_326 = arith.addi %mul3A_324, %add3A_325 : i32
        %mul3A_327 = arith.constant 64 : i32
        %mul3A_328 = arith.muli %add3A_326, %mul3A_327 : i32
        %mul3A_329 = arith.constant 1024 : i32
        %mul3A_330 = arith.muli %mul3A_328, %mul3A_329 : i32
        %mul3A_331 = arith.constant 1024 : i32
        %mul3A_332 = arith.muli %add3A_11, %mul3A_331 : i32
        %add3A_333 = arith.addi %mul3A_330, %mul3A_332 : i32
        %multiple_of3A_334 = tpu.assume_multiple %add3A_333, 1024 : i32
        %dma_start3A_335 = arith.constant 1024 : i32
        %dma_start3A_336 = tpu.memref_slice %arg24[%dma_start3A_335] : memref<5120xf32, #tpu.memory_space<vmem>> -> memref<1024xf32, #tpu.memory_space<vmem>>
        %dma_start3A_337 = tpu.memref_slice %arg19[%multiple_of3A_334] : memref<32768000xf32, #tpu.memory_space<hbm>> -> memref<1024xf32, #tpu.memory_space<hbm>>
        %dma_start3A_338 = tpu.memref_slice %arg19[%multiple_of3A_334] : memref<32768000xf32, #tpu.memory_space<hbm>> -> memref<1024xf32, #tpu.memory_space<hbm>>
        %dma_start3A_339 = arith.constant 1024 : i32
        %dma_start3A_340 = tpu.memref_slice %arg24[%dma_start3A_339] : memref<5120xf32, #tpu.memory_space<vmem>> -> memref<1024xf32, #tpu.memory_space<vmem>>
        tpu.enqueue_dma source(%dma_start3A_340 : memref<1024xf32, #tpu.memory_space<vmem>>) target(%dma_start3A_338 : memref<1024xf32, #tpu.memory_space<hbm>>) target_semaphore(%arg29 : memref<!tpu.dma_semaphore, #tpu.memory_space<semaphore_mem>>)
        %mul3A_341 = arith.constant 5 : i32
        %mul3A_342 = arith.muli %mul3A_279, %mul3A_341 : i32
        %add3A_343 = arith.constant 2 : i32
        %add3A_344 = arith.addi %mul3A_342, %add3A_343 : i32
        %mul3A_345 = arith.constant 10 : i32
        %mul3A_346 = arith.muli %add3A_344, %mul3A_345 : i32
        %add3A_347 = arith.constant 4 : i32
        %add3A_348 = arith.addi %mul3A_346, %add3A_347 : i32
        %mul3A_349 = arith.constant 64 : i32
        %mul3A_350 = arith.muli %add3A_348, %mul3A_349 : i32
        %mul3A_351 = arith.constant 1024 : i32
        %mul3A_352 = arith.muli %mul3A_350, %mul3A_351 : i32
        %mul3A_353 = arith.constant 1024 : i32
        %mul3A_354 = arith.muli %add3A_11, %mul3A_353 : i32
        %add3A_355 = arith.addi %mul3A_352, %mul3A_354 : i32
        %multiple_of3A_356 = tpu.assume_multiple %add3A_355, 1024 : i32
        %dma_start3A_357 = arith.constant 2048 : i32
        %dma_start3A_358 = tpu.memref_slice %arg24[%dma_start3A_357] : memref<5120xf32, #tpu.memory_space<vmem>> -> memref<1024xf32, #tpu.memory_space<vmem>>
        %dma_start3A_359 = tpu.memref_slice %arg19[%multiple_of3A_356] : memref<32768000xf32, #tpu.memory_space<hbm>> -> memref<1024xf32, #tpu.memory_space<hbm>>
        %dma_start3A_360 = tpu.memref_slice %arg19[%multiple_of3A_356] : memref<32768000xf32, #tpu.memory_space<hbm>> -> memref<1024xf32, #tpu.memory_space<hbm>>
        %dma_start3A_361 = arith.constant 2048 : i32
        %dma_start3A_362 = tpu.memref_slice %arg24[%dma_start3A_361] : memref<5120xf32, #tpu.memory_space<vmem>> -> memref<1024xf32, #tpu.memory_space<vmem>>
        tpu.enqueue_dma source(%dma_start3A_362 : memref<1024xf32, #tpu.memory_space<vmem>>) target(%dma_start3A_360 : memref<1024xf32, #tpu.memory_space<hbm>>) target_semaphore(%arg29 : memref<!tpu.dma_semaphore, #tpu.memory_space<semaphore_mem>>)
        %mul3A_363 = arith.constant 5 : i32
        %mul3A_364 = arith.muli %mul3A_279, %mul3A_363 : i32
        %add3A_365 = arith.constant 3 : i32
        %add3A_366 = arith.addi %mul3A_364, %add3A_365 : i32
        %mul3A_367 = arith.constant 10 : i32
        %mul3A_368 = arith.muli %add3A_366, %mul3A_367 : i32
        %add3A_369 = arith.constant 4 : i32
        %add3A_370 = arith.addi %mul3A_368, %add3A_369 : i32
        %mul3A_371 = arith.constant 64 : i32
        %mul3A_372 = arith.muli %add3A_370, %mul3A_371 : i32
        %mul3A_373 = arith.constant 1024 : i32
        %mul3A_374 = arith.muli %mul3A_372, %mul3A_373 : i32
        %mul3A_375 = arith.constant 1024 : i32
        %mul3A_376 = arith.muli %add3A_11, %mul3A_375 : i32
        %add3A_377 = arith.addi %mul3A_374, %mul3A_376 : i32
        %multiple_of3A_378 = tpu.assume_multiple %add3A_377, 1024 : i32
        %dma_start3A_379 = arith.constant 3072 : i32
        %dma_start3A_380 = tpu.memref_slice %arg24[%dma_start3A_379] : memref<5120xf32, #tpu.memory_space<vmem>> -> memref<1024xf32, #tpu.memory_space<vmem>>
        %dma_start3A_381 = tpu.memref_slice %arg19[%multiple_of3A_378] : memref<32768000xf32, #tpu.memory_space<hbm>> -> memref<1024xf32, #tpu.memory_space<hbm>>
        %dma_start3A_382 = tpu.memref_slice %arg19[%multiple_of3A_378] : memref<32768000xf32, #tpu.memory_space<hbm>> -> memref<1024xf32, #tpu.memory_space<hbm>>
        %dma_start3A_383 = arith.constant 3072 : i32
        %dma_start3A_384 = tpu.memref_slice %arg24[%dma_start3A_383] : memref<5120xf32, #tpu.memory_space<vmem>> -> memref<1024xf32, #tpu.memory_space<vmem>>
        tpu.enqueue_dma source(%dma_start3A_384 : memref<1024xf32, #tpu.memory_space<vmem>>) target(%dma_start3A_382 : memref<1024xf32, #tpu.memory_space<hbm>>) target_semaphore(%arg29 : memref<!tpu.dma_semaphore, #tpu.memory_space<semaphore_mem>>)
        %mul3A_385 = arith.constant 5 : i32
        %mul3A_386 = arith.muli %mul3A_279, %mul3A_385 : i32
        %add3A_387 = arith.constant 4 : i32
        %add3A_388 = arith.addi %mul3A_386, %add3A_387 : i32
        %mul3A_389 = arith.constant 10 : i32
        %mul3A_390 = arith.muli %add3A_388, %mul3A_389 : i32
        %add3A_391 = arith.constant 4 : i32
        %add3A_392 = arith.addi %mul3A_390, %add3A_391 : i32
        %mul3A_393 = arith.constant 64 : i32
        %mul3A_394 = arith.muli %add3A_392, %mul3A_393 : i32
        %mul3A_395 = arith.constant 1024 : i32
        %mul3A_396 = arith.muli %mul3A_394, %mul3A_395 : i32
        %mul3A_397 = arith.constant 1024 : i32
        %mul3A_398 = arith.muli %add3A_11, %mul3A_397 : i32
        %add3A_399 = arith.addi %mul3A_396, %mul3A_398 : i32
        %multiple_of3A_400 = tpu.assume_multiple %add3A_399, 1024 : i32
        %dma_start3A_401 = arith.constant 4096 : i32
        %dma_start3A_402 = tpu.memref_slice %arg24[%dma_start3A_401] : memref<5120xf32, #tpu.memory_space<vmem>> -> memref<1024xf32, #tpu.memory_space<vmem>>
        %dma_start3A_403 = tpu.memref_slice %arg19[%multiple_of3A_400] : memref<32768000xf32, #tpu.memory_space<hbm>> -> memref<1024xf32, #tpu.memory_space<hbm>>
        %dma_start3A_404 = tpu.memref_slice %arg19[%multiple_of3A_400] : memref<32768000xf32, #tpu.memory_space<hbm>> -> memref<1024xf32, #tpu.memory_space<hbm>>
        %dma_start3A_405 = arith.constant 4096 : i32
        %dma_start3A_406 = tpu.memref_slice %arg24[%dma_start3A_405] : memref<5120xf32, #tpu.memory_space<vmem>> -> memref<1024xf32, #tpu.memory_space<vmem>>
        tpu.enqueue_dma source(%dma_start3A_406 : memref<1024xf32, #tpu.memory_space<vmem>>) target(%dma_start3A_404 : memref<1024xf32, #tpu.memory_space<hbm>>) target_semaphore(%arg29 : memref<!tpu.dma_semaphore, #tpu.memory_space<semaphore_mem>>)
        %add3A_407 = arith.constant 1 : i32
        %add3A_408 = arith.addi %add3A_283, %add3A_407 : i32
        %rem3A = arith.constant 10 : i32
        %rem3A_409 = arith.remsi %add3A_408, %rem3A : i32
        %mul3A_410 = arith.constant 5120 : i32
        %mul3A_411 = arith.muli %rem3A_409, %mul3A_410 : i32
        %multiple_of3A_412 = tpu.assume_multiple %mul3A_411, 5120 : i32
        %dma_start3A_413 = tpu.memref_slice %arg13[%multiple_of3A_412] : memref<51200xi32, #tpu.memory_space<hbm>> -> memref<5120xi32, #tpu.memory_space<hbm>>
        %dma_start3A_414 = tpu.memref_slice %arg13[%multiple_of3A_412] : memref<51200xi32, #tpu.memory_space<hbm>> -> memref<5120xi32, #tpu.memory_space<hbm>>
        tpu.enqueue_dma source(%dma_start3A_414 : memref<5120xi32, #tpu.memory_space<hbm>>) target(%arg22 : memref<5120xi32, #tpu.memory_space<vmem>>) target_semaphore(%arg27 : memref<!tpu.dma_semaphore, #tpu.memory_space<semaphore_mem>>)
        %dma_wait3A_415 = arith.constant 0 : i32
        %dma_wait3A_416 = tpu.memref_slice %arg9[%dma_wait3A_415] : memref<51200xi32, #tpu.memory_space<hbm>> -> memref<5120xi32, #tpu.memory_space<hbm>>
        %dma_wait3A_417 = arith.constant 0 : i32
        %dma_wait3A_418 = tpu.memref_slice %arg9[%dma_wait3A_417] : memref<51200xi32, #tpu.memory_space<hbm>> -> memref<5120xi32, #tpu.memory_space<hbm>>
        tpu.wait_dma2 semaphore(%arg28 : memref<!tpu.dma_semaphore, #tpu.memory_space<semaphore_mem>>) src(%dma_wait3A_418 : memref<5120xi32, #tpu.memory_space<hbm>>) dst(%arg23 : memref<5120xi32, #tpu.memory_space<vmem>>)
        %gt3A_419 = arith.constant 0 : i32
        %gt3A_420 = arith.cmpi sgt, %scan3A_276, %gt3A_419 : i32
        %convert_element_type3A_421 = arith.extui %gt3A_420 : i1 to i32
        %cond3A_422 = arith.constant 0 : i32
        %cond3A_423 = arith.cmpi ne, %convert_element_type3A_421, %cond3A_422 : i32
        scf.if %cond3A_423 {
          %dma_wait3A_538 = arith.constant 0 : i32
          %dma_wait3A_539 = tpu.memref_slice %arg19[%dma_wait3A_538] : memref<32768000xf32, #tpu.memory_space<hbm>> -> memref<5120xf32, #tpu.memory_space<hbm>>
          %dma_wait3A_540 = arith.constant 0 : i32
          %dma_wait3A_541 = tpu.memref_slice %arg19[%dma_wait3A_540] : memref<32768000xf32, #tpu.memory_space<hbm>> -> memref<5120xf32, #tpu.memory_space<hbm>>
          tpu.wait_dma2 semaphore(%arg30 : memref<!tpu.dma_semaphore, #tpu.memory_space<semaphore_mem>>) src(%dma_wait3A_541 : memref<5120xf32, #tpu.memory_space<hbm>>) dst(%arg25 : memref<5120xf32, #tpu.memory_space<vmem>>)
        } else {
        }
        %parallel_loop3A_424 = arith.constant 0 : i32
        %parallel_loop3A_425 = arith.constant 320 : i32
        %parallel_loop3A_426 = arith.constant 1 : i32
        scf.for %parallel_loop3A_538 = %parallel_loop3A_424 to %parallel_loop3A_425 step %parallel_loop3A_426  : i32 {
          %parallel_loop3A_539 = arith.constant 16 : i32
          %parallel_loop3A_540 = arith.muli %parallel_loop3A_538, %parallel_loop3A_539 : i32
          %parallel_loop3A_541 = arith.index_cast %parallel_loop3A_540 : i32 to index
          %parallel_loop3A_542 = tpu.vector_load %arg23[%parallel_loop3A_541] {strides = array<i32>} : memref<5120xi32, #tpu.memory_space<vmem>>, vector<16xi32>,
          %parallel_loop3A_543 = tpu.vector_load_idx %arg20[%parallel_loop3A_542] : memref<100004xf32, #tpu.memory_space<vmem>>[vector<16xi32>], vector<16xf32>,
          %parallel_loop3A_544 = arith.index_cast %parallel_loop3A_540 : i32 to index
          %parallel_loop3A_545 = tpu.vector_load %arg25[%parallel_loop3A_544] {strides = array<i32>} : memref<5120xf32, #tpu.memory_space<vmem>>, vector<16xf32>,
          tpu.vector_store %arg25[%parallel_loop3A_544], %parallel_loop3A_543 {strides = array<i32>} : memref<5120xf32, #tpu.memory_space<vmem>>, vector<16xf32>,
        } {sc.loop_unroll_factor = 8 : i64, sc.parallel_access}
        %mul3A_427 = arith.constant 5 : i32
        %mul3A_428 = arith.muli %add3A_283, %mul3A_427 : i32
        %add3A_429 = arith.constant 0 : i32
        %add3A_430 = arith.addi %mul3A_428, %add3A_429 : i32
        %mul3A_431 = arith.constant 10 : i32
        %mul3A_432 = arith.muli %add3A_430, %mul3A_431 : i32
        %add3A_433 = arith.constant 4 : i32
        %add3A_434 = arith.addi %mul3A_432, %add3A_433 : i32
        %mul3A_435 = arith.constant 64 : i32
        %mul3A_436 = arith.muli %add3A_434, %mul3A_435 : i32
        %mul3A_437 = arith.constant 1024 : i32
        %mul3A_438 = arith.muli %mul3A_436, %mul3A_437 : i32
        %mul3A_439 = arith.constant 1024 : i32
        %mul3A_440 = arith.muli %add3A_11, %mul3A_439 : i32
        %add3A_441 = arith.addi %mul3A_438, %mul3A_440 : i32
        %multiple_of3A_442 = tpu.assume_multiple %add3A_441, 1024 : i32
        %dma_start3A_443 = arith.constant 0 : i32
        %dma_start3A_444 = tpu.memref_slice %arg25[%dma_start3A_443] : memref<5120xf32, #tpu.memory_space<vmem>> -> memref<1024xf32, #tpu.memory_space<vmem>>
        %dma_start3A_445 = tpu.memref_slice %arg19[%multiple_of3A_442] : memref<32768000xf32, #tpu.memory_space<hbm>> -> memref<1024xf32, #tpu.memory_space<hbm>>
        %dma_start3A_446 = tpu.memref_slice %arg19[%multiple_of3A_442] : memref<32768000xf32, #tpu.memory_space<hbm>> -> memref<1024xf32, #tpu.memory_space<hbm>>
        %dma_start3A_447 = arith.constant 0 : i32
        %dma_start3A_448 = tpu.memref_slice %arg25[%dma_start3A_447] : memref<5120xf32, #tpu.memory_space<vmem>> -> memref<1024xf32, #tpu.memory_space<vmem>>
        tpu.enqueue_dma source(%dma_start3A_448 : memref<1024xf32, #tpu.memory_space<vmem>>) target(%dma_start3A_446 : memref<1024xf32, #tpu.memory_space<hbm>>) target_semaphore(%arg30 : memref<!tpu.dma_semaphore, #tpu.memory_space<semaphore_mem>>)
        %mul3A_449 = arith.constant 5 : i32
        %mul3A_450 = arith.muli %add3A_283, %mul3A_449 : i32
        %add3A_451 = arith.constant 1 : i32
        %add3A_452 = arith.addi %mul3A_450, %add3A_451 : i32
        %mul3A_453 = arith.constant 10 : i32
        %mul3A_454 = arith.muli %add3A_452, %mul3A_453 : i32
        %add3A_455 = arith.constant 4 : i32
        %add3A_456 = arith.addi %mul3A_454, %add3A_455 : i32
        %mul3A_457 = arith.constant 64 : i32
        %mul3A_458 = arith.muli %add3A_456, %mul3A_457 : i32
        %mul3A_459 = arith.constant 1024 : i32
        %mul3A_460 = arith.muli %mul3A_458, %mul3A_459 : i32
        %mul3A_461 = arith.constant 1024 : i32
        %mul3A_462 = arith.muli %add3A_11, %mul3A_461 : i32
        %add3A_463 = arith.addi %mul3A_460, %mul3A_462 : i32
        %multiple_of3A_464 = tpu.assume_multiple %add3A_463, 1024 : i32
        %dma_start3A_465 = arith.constant 1024 : i32
        %dma_start3A_466 = tpu.memref_slice %arg25[%dma_start3A_465] : memref<5120xf32, #tpu.memory_space<vmem>> -> memref<1024xf32, #tpu.memory_space<vmem>>
        %dma_start3A_467 = tpu.memref_slice %arg19[%multiple_of3A_464] : memref<32768000xf32, #tpu.memory_space<hbm>> -> memref<1024xf32, #tpu.memory_space<hbm>>
        %dma_start3A_468 = tpu.memref_slice %arg19[%multiple_of3A_464] : memref<32768000xf32, #tpu.memory_space<hbm>> -> memref<1024xf32, #tpu.memory_space<hbm>>
        %dma_start3A_469 = arith.constant 1024 : i32
        %dma_start3A_470 = tpu.memref_slice %arg25[%dma_start3A_469] : memref<5120xf32, #tpu.memory_space<vmem>> -> memref<1024xf32, #tpu.memory_space<vmem>>
        tpu.enqueue_dma source(%dma_start3A_470 : memref<1024xf32, #tpu.memory_space<vmem>>) target(%dma_start3A_468 : memref<1024xf32, #tpu.memory_space<hbm>>) target_semaphore(%arg30 : memref<!tpu.dma_semaphore, #tpu.memory_space<semaphore_mem>>)
        %mul3A_471 = arith.constant 5 : i32
        %mul3A_472 = arith.muli %add3A_283, %mul3A_471 : i32
        %add3A_473 = arith.constant 2 : i32
        %add3A_474 = arith.addi %mul3A_472, %add3A_473 : i32
        %mul3A_475 = arith.constant 10 : i32
        %mul3A_476 = arith.muli %add3A_474, %mul3A_475 : i32
        %add3A_477 = arith.constant 4 : i32
        %add3A_478 = arith.addi %mul3A_476, %add3A_477 : i32
        %mul3A_479 = arith.constant 64 : i32
        %mul3A_480 = arith.muli %add3A_478, %mul3A_479 : i32
        %mul3A_481 = arith.constant 1024 : i32
        %mul3A_482 = arith.muli %mul3A_480, %mul3A_481 : i32
        %mul3A_483 = arith.constant 1024 : i32
        %mul3A_484 = arith.muli %add3A_11, %mul3A_483 : i32
        %add3A_485 = arith.addi %mul3A_482, %mul3A_484 : i32
        %multiple_of3A_486 = tpu.assume_multiple %add3A_485, 1024 : i32
        %dma_start3A_487 = arith.constant 2048 : i32
        %dma_start3A_488 = tpu.memref_slice %arg25[%dma_start3A_487] : memref<5120xf32, #tpu.memory_space<vmem>> -> memref<1024xf32, #tpu.memory_space<vmem>>
        %dma_start3A_489 = tpu.memref_slice %arg19[%multiple_of3A_486] : memref<32768000xf32, #tpu.memory_space<hbm>> -> memref<1024xf32, #tpu.memory_space<hbm>>
        %dma_start3A_490 = tpu.memref_slice %arg19[%multiple_of3A_486] : memref<32768000xf32, #tpu.memory_space<hbm>> -> memref<1024xf32, #tpu.memory_space<hbm>>
        %dma_start3A_491 = arith.constant 2048 : i32
        %dma_start3A_492 = tpu.memref_slice %arg25[%dma_start3A_491] : memref<5120xf32, #tpu.memory_space<vmem>> -> memref<1024xf32, #tpu.memory_space<vmem>>
        tpu.enqueue_dma source(%dma_start3A_492 : memref<1024xf32, #tpu.memory_space<vmem>>) target(%dma_start3A_490 : memref<1024xf32, #tpu.memory_space<hbm>>) target_semaphore(%arg30 : memref<!tpu.dma_semaphore, #tpu.memory_space<semaphore_mem>>)
        %mul3A_493 = arith.constant 5 : i32
        %mul3A_494 = arith.muli %add3A_283, %mul3A_493 : i32
        %add3A_495 = arith.constant 3 : i32
        %add3A_496 = arith.addi %mul3A_494, %add3A_495 : i32
        %mul3A_497 = arith.constant 10 : i32
        %mul3A_498 = arith.muli %add3A_496, %mul3A_497 : i32
        %add3A_499 = arith.constant 4 : i32
        %add3A_500 = arith.addi %mul3A_498, %add3A_499 : i32
        %mul3A_501 = arith.constant 64 : i32
        %mul3A_502 = arith.muli %add3A_500, %mul3A_501 : i32
        %mul3A_503 = arith.constant 1024 : i32
        %mul3A_504 = arith.muli %mul3A_502, %mul3A_503 : i32
        %mul3A_505 = arith.constant 1024 : i32
        %mul3A_506 = arith.muli %add3A_11, %mul3A_505 : i32
        %add3A_507 = arith.addi %mul3A_504, %mul3A_506 : i32
        %multiple_of3A_508 = tpu.assume_multiple %add3A_507, 1024 : i32
        %dma_start3A_509 = arith.constant 3072 : i32
        %dma_start3A_510 = tpu.memref_slice %arg25[%dma_start3A_509] : memref<5120xf32, #tpu.memory_space<vmem>> -> memref<1024xf32, #tpu.memory_space<vmem>>
        %dma_start3A_511 = tpu.memref_slice %arg19[%multiple_of3A_508] : memref<32768000xf32, #tpu.memory_space<hbm>> -> memref<1024xf32, #tpu.memory_space<hbm>>
        %dma_start3A_512 = tpu.memref_slice %arg19[%multiple_of3A_508] : memref<32768000xf32, #tpu.memory_space<hbm>> -> memref<1024xf32, #tpu.memory_space<hbm>>
        %dma_start3A_513 = arith.constant 3072 : i32
        %dma_start3A_514 = tpu.memref_slice %arg25[%dma_start3A_513] : memref<5120xf32, #tpu.memory_space<vmem>> -> memref<1024xf32, #tpu.memory_space<vmem>>
        tpu.enqueue_dma source(%dma_start3A_514 : memref<1024xf32, #tpu.memory_space<vmem>>) target(%dma_start3A_512 : memref<1024xf32, #tpu.memory_space<hbm>>) target_semaphore(%arg30 : memref<!tpu.dma_semaphore, #tpu.memory_space<semaphore_mem>>)
        %mul3A_515 = arith.constant 5 : i32
        %mul3A_516 = arith.muli %add3A_283, %mul3A_515 : i32
        %add3A_517 = arith.constant 4 : i32
        %add3A_518 = arith.addi %mul3A_516, %add3A_517 : i32
        %mul3A_519 = arith.constant 10 : i32
        %mul3A_520 = arith.muli %add3A_518, %mul3A_519 : i32
        %add3A_521 = arith.constant 4 : i32
        %add3A_522 = arith.addi %mul3A_520, %add3A_521 : i32
        %mul3A_523 = arith.constant 64 : i32
        %mul3A_524 = arith.muli %add3A_522, %mul3A_523 : i32
        %mul3A_525 = arith.constant 1024 : i32
        %mul3A_526 = arith.muli %mul3A_524, %mul3A_525 : i32
        %mul3A_527 = arith.constant 1024 : i32
        %mul3A_528 = arith.muli %add3A_11, %mul3A_527 : i32
        %add3A_529 = arith.addi %mul3A_526, %mul3A_528 : i32
        %multiple_of3A_530 = tpu.assume_multiple %add3A_529, 1024 : i32
        %dma_start3A_531 = arith.constant 4096 : i32
        %dma_start3A_532 = tpu.memref_slice %arg25[%dma_start3A_531] : memref<5120xf32, #tpu.memory_space<vmem>> -> memref<1024xf32, #tpu.memory_space<vmem>>
        %dma_start3A_533 = tpu.memref_slice %arg19[%multiple_of3A_530] : memref<32768000xf32, #tpu.memory_space<hbm>> -> memref<1024xf32, #tpu.memory_space<hbm>>
        %dma_start3A_534 = tpu.memref_slice %arg19[%multiple_of3A_530] : memref<32768000xf32, #tpu.memory_space<hbm>> -> memref<1024xf32, #tpu.memory_space<hbm>>
        %dma_start3A_535 = arith.constant 4096 : i32
        %dma_start3A_536 = tpu.memref_slice %arg25[%dma_start3A_535] : memref<5120xf32, #tpu.memory_space<vmem>> -> memref<1024xf32, #tpu.memory_space<vmem>>
        tpu.enqueue_dma source(%dma_start3A_536 : memref<1024xf32, #tpu.memory_space<vmem>>) target(%dma_start3A_534 : memref<1024xf32, #tpu.memory_space<hbm>>) target_semaphore(%arg30 : memref<!tpu.dma_semaphore, #tpu.memory_space<semaphore_mem>>)
        %scan3A_537 = arith.constant 0 : i32
        scf.yield %scan3A_537 : i32
      }
      %scan3A_227 = arith.constant 5 : i32
      %dma_wait3A_228 = arith.constant 0 : i32
      %dma_wait3A_229 = tpu.memref_slice %arg9[%dma_wait3A_228] : memref<51200xi32, #tpu.memory_space<hbm>> -> memref<5120xi32, #tpu.memory_space<hbm>>
      %dma_wait3A_230 = arith.constant 0 : i32
      %dma_wait3A_231 = tpu.memref_slice %arg9[%dma_wait3A_230] : memref<51200xi32, #tpu.memory_space<hbm>> -> memref<5120xi32, #tpu.memory_space<hbm>>
      tpu.wait_dma2 semaphore(%arg27 : memref<!tpu.dma_semaphore, #tpu.memory_space<semaphore_mem>>) src(%dma_wait3A_231 : memref<5120xi32, #tpu.memory_space<hbm>>) dst(%arg22 : memref<5120xi32, #tpu.memory_space<vmem>>)
      %dma_wait3A_232 = arith.constant 0 : i32
      %dma_wait3A_233 = tpu.memref_slice %arg19[%dma_wait3A_232] : memref<32768000xf32, #tpu.memory_space<hbm>> -> memref<5120xf32, #tpu.memory_space<hbm>>
      %dma_wait3A_234 = arith.constant 0 : i32
      %dma_wait3A_235 = tpu.memref_slice %arg19[%dma_wait3A_234] : memref<32768000xf32, #tpu.memory_space<hbm>> -> memref<5120xf32, #tpu.memory_space<hbm>>
      tpu.wait_dma2 semaphore(%arg29 : memref<!tpu.dma_semaphore, #tpu.memory_space<semaphore_mem>>) src(%dma_wait3A_235 : memref<5120xf32, #tpu.memory_space<hbm>>) dst(%arg24 : memref<5120xf32, #tpu.memory_space<vmem>>)
      %dma_wait3A_236 = arith.constant 0 : i32
      %dma_wait3A_237 = tpu.memref_slice %arg19[%dma_wait3A_236] : memref<32768000xf32, #tpu.memory_space<hbm>> -> memref<5120xf32, #tpu.memory_space<hbm>>
      %dma_wait3A_238 = arith.constant 0 : i32
      %dma_wait3A_239 = tpu.memref_slice %arg19[%dma_wait3A_238] : memref<32768000xf32, #tpu.memory_space<hbm>> -> memref<5120xf32, #tpu.memory_space<hbm>>
      tpu.wait_dma2 semaphore(%arg30 : memref<!tpu.dma_semaphore, #tpu.memory_space<semaphore_mem>>) src(%dma_wait3A_239 : memref<5120xf32, #tpu.memory_space<hbm>>) dst(%arg25 : memref<5120xf32, #tpu.memory_space<vmem>>)
      %dma_start3A_240 = arith.constant 0 : i32
      %dma_start3A_241 = tpu.memref_slice %arg7[%add3A_11, %dma_start3A_240] : memref<64x100004xf32, #tpu.memory_space<hbm>> -> memref<1x100004xf32, #tpu.memory_space<hbm>>
      %dma_start3A_242 = tpu.memref_squeeze %dma_start3A_241 : memref<1x100004xf32, #tpu.memory_space<hbm>> -> memref<100004xf32, #tpu.memory_space<hbm>>
      %dma_start3A_243 = arith.constant 0 : i32
      %dma_start3A_244 = tpu.memref_slice %arg7[%add3A_11, %dma_start3A_243] : memref<64x100004xf32, #tpu.memory_space<hbm>> -> memref<1x100004xf32, #tpu.memory_space<hbm>>
      %dma_start3A_245 = tpu.memref_squeeze %dma_start3A_244 : memref<1x100004xf32, #tpu.memory_space<hbm>> -> memref<100004xf32, #tpu.memory_space<hbm>>
      tpu.enqueue_dma source(%dma_start3A_245 : memref<100004xf32, #tpu.memory_space<hbm>>) target(%arg20 : memref<100004xf32, #tpu.memory_space<vmem>>) target_semaphore(%arg26 : memref<!tpu.dma_semaphore, #tpu.memory_space<semaphore_mem>>)
      %dma_wait3A_246 = arith.constant 0 : i32
      %dma_wait3A_247 = tpu.memref_slice %arg7[%add3A_11, %dma_wait3A_246] : memref<64x100004xf32, #tpu.memory_space<hbm>> -> memref<1x100004xf32, #tpu.memory_space<hbm>>
      %dma_wait3A_248 = tpu.memref_squeeze %dma_wait3A_247 : memref<1x100004xf32, #tpu.memory_space<hbm>> -> memref<100004xf32, #tpu.memory_space<hbm>>
      %dma_wait3A_249 = arith.constant 0 : i32
      %dma_wait3A_250 = tpu.memref_slice %arg7[%add3A_11, %dma_wait3A_249] : memref<64x100004xf32, #tpu.memory_space<hbm>> -> memref<1x100004xf32, #tpu.memory_space<hbm>>
      %dma_wait3A_251 = tpu.memref_squeeze %dma_wait3A_250 : memref<1x100004xf32, #tpu.memory_space<hbm>> -> memref<100004xf32, #tpu.memory_space<hbm>>
      tpu.wait_dma2 semaphore(%arg26 : memref<!tpu.dma_semaphore, #tpu.memory_space<semaphore_mem>>) src(%dma_wait3A_251 : memref<100004xf32, #tpu.memory_space<hbm>>) dst(%arg20 : memref<100004xf32, #tpu.memory_space<vmem>>)
      %multiple_of3A_252 = arith.constant 0 : i32
      %multiple_of3A_253 = tpu.assume_multiple %multiple_of3A_252, 5120 : i32
      %dma_start3A_254 = tpu.memref_slice %arg14[%multiple_of3A_253] : memref<51200xi32, #tpu.memory_space<hbm>> -> memref<5120xi32, #tpu.memory_space<hbm>>
      %dma_start3A_255 = tpu.memref_slice %arg14[%multiple_of3A_253] : memref<51200xi32, #tpu.memory_space<hbm>> -> memref<5120xi32, #tpu.memory_space<hbm>>
      tpu.enqueue_dma source(%dma_start3A_255 : memref<5120xi32, #tpu.memory_space<hbm>>) target(%arg22 : memref<5120xi32, #tpu.memory_space<vmem>>) target_semaphore(%arg27 : memref<!tpu.dma_semaphore, #tpu.memory_space<semaphore_mem>>)
      %scan3A_256 = arith.constant 0 : i32
      %scan3A_257 = arith.constant 0 : i32
      %scan3A_258 = arith.constant 5 : i32
      %scan3A_259 = arith.addi %scan3A_257, %scan3A_258 : i32
      %scan3A_260 = arith.constant 1 : i32
      %scan3A_261 = scf.for %scan3A_276 = %scan3A_257 to %scan3A_259 step %scan3A_260 iter_args(%scan3A_277 = %scan3A_256) -> (i32)  : i32 {
        %mul3A_278 = arith.constant 2 : i32
        %mul3A_279 = arith.muli %mul3A_278, %scan3A_276 : i32
        %mul3A_280 = arith.constant 2 : i32
        %mul3A_281 = arith.muli %mul3A_280, %scan3A_276 : i32
        %add3A_282 = arith.constant 1 : i32
        %add3A_283 = arith.addi %mul3A_281, %add3A_282 : i32
        %mul3A_284 = arith.constant 5120 : i32
        %mul3A_285 = arith.muli %add3A_283, %mul3A_284 : i32
        %multiple_of3A_286 = tpu.assume_multiple %mul3A_285, 5120 : i32
        %dma_start3A_287 = tpu.memref_slice %arg14[%multiple_of3A_286] : memref<51200xi32, #tpu.memory_space<hbm>> -> memref<5120xi32, #tpu.memory_space<hbm>>
        %dma_start3A_288 = tpu.memref_slice %arg14[%multiple_of3A_286] : memref<51200xi32, #tpu.memory_space<hbm>> -> memref<5120xi32, #tpu.memory_space<hbm>>
        tpu.enqueue_dma source(%dma_start3A_288 : memref<5120xi32, #tpu.memory_space<hbm>>) target(%arg23 : memref<5120xi32, #tpu.memory_space<vmem>>) target_semaphore(%arg28 : memref<!tpu.dma_semaphore, #tpu.memory_space<semaphore_mem>>)
        %dma_wait3A_289 = arith.constant 0 : i32
        %dma_wait3A_290 = tpu.memref_slice %arg9[%dma_wait3A_289] : memref<51200xi32, #tpu.memory_space<hbm>> -> memref<5120xi32, #tpu.memory_space<hbm>>
        %dma_wait3A_291 = arith.constant 0 : i32
        %dma_wait3A_292 = tpu.memref_slice %arg9[%dma_wait3A_291] : memref<51200xi32, #tpu.memory_space<hbm>> -> memref<5120xi32, #tpu.memory_space<hbm>>
        tpu.wait_dma2 semaphore(%arg27 : memref<!tpu.dma_semaphore, #tpu.memory_space<semaphore_mem>>) src(%dma_wait3A_292 : memref<5120xi32, #tpu.memory_space<hbm>>) dst(%arg22 : memref<5120xi32, #tpu.memory_space<vmem>>)
        %gt3A = arith.constant 0 : i32
        %gt3A_293 = arith.cmpi sgt, %scan3A_276, %gt3A : i32
        %convert_element_type3A = arith.extui %gt3A_293 : i1 to i32
        %cond3A = arith.constant 0 : i32
        %cond3A_294 = arith.cmpi ne, %convert_element_type3A, %cond3A : i32
        scf.if %cond3A_294 {
          %dma_wait3A_538 = arith.constant 0 : i32
          %dma_wait3A_539 = tpu.memref_slice %arg19[%dma_wait3A_538] : memref<32768000xf32, #tpu.memory_space<hbm>> -> memref<5120xf32, #tpu.memory_space<hbm>>
          %dma_wait3A_540 = arith.constant 0 : i32
          %dma_wait3A_541 = tpu.memref_slice %arg19[%dma_wait3A_540] : memref<32768000xf32, #tpu.memory_space<hbm>> -> memref<5120xf32, #tpu.memory_space<hbm>>
          tpu.wait_dma2 semaphore(%arg29 : memref<!tpu.dma_semaphore, #tpu.memory_space<semaphore_mem>>) src(%dma_wait3A_541 : memref<5120xf32, #tpu.memory_space<hbm>>) dst(%arg24 : memref<5120xf32, #tpu.memory_space<vmem>>)
        } else {
        }
        %parallel_loop3A = arith.constant 0 : i32
        %parallel_loop3A_295 = arith.constant 320 : i32
        %parallel_loop3A_296 = arith.constant 1 : i32
        scf.for %parallel_loop3A_538 = %parallel_loop3A to %parallel_loop3A_295 step %parallel_loop3A_296  : i32 {
          %parallel_loop3A_539 = arith.constant 16 : i32
          %parallel_loop3A_540 = arith.muli %parallel_loop3A_538, %parallel_loop3A_539 : i32
          %parallel_loop3A_541 = arith.index_cast %parallel_loop3A_540 : i32 to index
          %parallel_loop3A_542 = tpu.vector_load %arg22[%parallel_loop3A_541] {strides = array<i32>} : memref<5120xi32, #tpu.memory_space<vmem>>, vector<16xi32>,
          %parallel_loop3A_543 = tpu.vector_load_idx %arg20[%parallel_loop3A_542] : memref<100004xf32, #tpu.memory_space<vmem>>[vector<16xi32>], vector<16xf32>,
          %parallel_loop3A_544 = arith.index_cast %parallel_loop3A_540 : i32 to index
          %parallel_loop3A_545 = tpu.vector_load %arg24[%parallel_loop3A_544] {strides = array<i32>} : memref<5120xf32, #tpu.memory_space<vmem>>, vector<16xf32>,
          tpu.vector_store %arg24[%parallel_loop3A_544], %parallel_loop3A_543 {strides = array<i32>} : memref<5120xf32, #tpu.memory_space<vmem>>, vector<16xf32>,
        } {sc.loop_unroll_factor = 8 : i64, sc.parallel_access}
        %mul3A_297 = arith.constant 5 : i32
        %mul3A_298 = arith.muli %mul3A_279, %mul3A_297 : i32
        %add3A_299 = arith.constant 0 : i32
        %add3A_300 = arith.addi %mul3A_298, %add3A_299 : i32
        %mul3A_301 = arith.constant 10 : i32
        %mul3A_302 = arith.muli %add3A_300, %mul3A_301 : i32
        %add3A_303 = arith.constant 5 : i32
        %add3A_304 = arith.addi %mul3A_302, %add3A_303 : i32
        %mul3A_305 = arith.constant 64 : i32
        %mul3A_306 = arith.muli %add3A_304, %mul3A_305 : i32
        %mul3A_307 = arith.constant 1024 : i32
        %mul3A_308 = arith.muli %mul3A_306, %mul3A_307 : i32
        %mul3A_309 = arith.constant 1024 : i32
        %mul3A_310 = arith.muli %add3A_11, %mul3A_309 : i32
        %add3A_311 = arith.addi %mul3A_308, %mul3A_310 : i32
        %multiple_of3A_312 = tpu.assume_multiple %add3A_311, 1024 : i32
        %dma_start3A_313 = arith.constant 0 : i32
        %dma_start3A_314 = tpu.memref_slice %arg24[%dma_start3A_313] : memref<5120xf32, #tpu.memory_space<vmem>> -> memref<1024xf32, #tpu.memory_space<vmem>>
        %dma_start3A_315 = tpu.memref_slice %arg19[%multiple_of3A_312] : memref<32768000xf32, #tpu.memory_space<hbm>> -> memref<1024xf32, #tpu.memory_space<hbm>>
        %dma_start3A_316 = tpu.memref_slice %arg19[%multiple_of3A_312] : memref<32768000xf32, #tpu.memory_space<hbm>> -> memref<1024xf32, #tpu.memory_space<hbm>>
        %dma_start3A_317 = arith.constant 0 : i32
        %dma_start3A_318 = tpu.memref_slice %arg24[%dma_start3A_317] : memref<5120xf32, #tpu.memory_space<vmem>> -> memref<1024xf32, #tpu.memory_space<vmem>>
        tpu.enqueue_dma source(%dma_start3A_318 : memref<1024xf32, #tpu.memory_space<vmem>>) target(%dma_start3A_316 : memref<1024xf32, #tpu.memory_space<hbm>>) target_semaphore(%arg29 : memref<!tpu.dma_semaphore, #tpu.memory_space<semaphore_mem>>)
        %mul3A_319 = arith.constant 5 : i32
        %mul3A_320 = arith.muli %mul3A_279, %mul3A_319 : i32
        %add3A_321 = arith.constant 1 : i32
        %add3A_322 = arith.addi %mul3A_320, %add3A_321 : i32
        %mul3A_323 = arith.constant 10 : i32
        %mul3A_324 = arith.muli %add3A_322, %mul3A_323 : i32
        %add3A_325 = arith.constant 5 : i32
        %add3A_326 = arith.addi %mul3A_324, %add3A_325 : i32
        %mul3A_327 = arith.constant 64 : i32
        %mul3A_328 = arith.muli %add3A_326, %mul3A_327 : i32
        %mul3A_329 = arith.constant 1024 : i32
        %mul3A_330 = arith.muli %mul3A_328, %mul3A_329 : i32
        %mul3A_331 = arith.constant 1024 : i32
        %mul3A_332 = arith.muli %add3A_11, %mul3A_331 : i32
        %add3A_333 = arith.addi %mul3A_330, %mul3A_332 : i32
        %multiple_of3A_334 = tpu.assume_multiple %add3A_333, 1024 : i32
        %dma_start3A_335 = arith.constant 1024 : i32
        %dma_start3A_336 = tpu.memref_slice %arg24[%dma_start3A_335] : memref<5120xf32, #tpu.memory_space<vmem>> -> memref<1024xf32, #tpu.memory_space<vmem>>
        %dma_start3A_337 = tpu.memref_slice %arg19[%multiple_of3A_334] : memref<32768000xf32, #tpu.memory_space<hbm>> -> memref<1024xf32, #tpu.memory_space<hbm>>
        %dma_start3A_338 = tpu.memref_slice %arg19[%multiple_of3A_334] : memref<32768000xf32, #tpu.memory_space<hbm>> -> memref<1024xf32, #tpu.memory_space<hbm>>
        %dma_start3A_339 = arith.constant 1024 : i32
        %dma_start3A_340 = tpu.memref_slice %arg24[%dma_start3A_339] : memref<5120xf32, #tpu.memory_space<vmem>> -> memref<1024xf32, #tpu.memory_space<vmem>>
        tpu.enqueue_dma source(%dma_start3A_340 : memref<1024xf32, #tpu.memory_space<vmem>>) target(%dma_start3A_338 : memref<1024xf32, #tpu.memory_space<hbm>>) target_semaphore(%arg29 : memref<!tpu.dma_semaphore, #tpu.memory_space<semaphore_mem>>)
        %mul3A_341 = arith.constant 5 : i32
        %mul3A_342 = arith.muli %mul3A_279, %mul3A_341 : i32
        %add3A_343 = arith.constant 2 : i32
        %add3A_344 = arith.addi %mul3A_342, %add3A_343 : i32
        %mul3A_345 = arith.constant 10 : i32
        %mul3A_346 = arith.muli %add3A_344, %mul3A_345 : i32
        %add3A_347 = arith.constant 5 : i32
        %add3A_348 = arith.addi %mul3A_346, %add3A_347 : i32
        %mul3A_349 = arith.constant 64 : i32
        %mul3A_350 = arith.muli %add3A_348, %mul3A_349 : i32
        %mul3A_351 = arith.constant 1024 : i32
        %mul3A_352 = arith.muli %mul3A_350, %mul3A_351 : i32
        %mul3A_353 = arith.constant 1024 : i32
        %mul3A_354 = arith.muli %add3A_11, %mul3A_353 : i32
        %add3A_355 = arith.addi %mul3A_352, %mul3A_354 : i32
        %multiple_of3A_356 = tpu.assume_multiple %add3A_355, 1024 : i32
        %dma_start3A_357 = arith.constant 2048 : i32
        %dma_start3A_358 = tpu.memref_slice %arg24[%dma_start3A_357] : memref<5120xf32, #tpu.memory_space<vmem>> -> memref<1024xf32, #tpu.memory_space<vmem>>
        %dma_start3A_359 = tpu.memref_slice %arg19[%multiple_of3A_356] : memref<32768000xf32, #tpu.memory_space<hbm>> -> memref<1024xf32, #tpu.memory_space<hbm>>
        %dma_start3A_360 = tpu.memref_slice %arg19[%multiple_of3A_356] : memref<32768000xf32, #tpu.memory_space<hbm>> -> memref<1024xf32, #tpu.memory_space<hbm>>
        %dma_start3A_361 = arith.constant 2048 : i32
        %dma_start3A_362 = tpu.memref_slice %arg24[%dma_start3A_361] : memref<5120xf32, #tpu.memory_space<vmem>> -> memref<1024xf32, #tpu.memory_space<vmem>>
        tpu.enqueue_dma source(%dma_start3A_362 : memref<1024xf32, #tpu.memory_space<vmem>>) target(%dma_start3A_360 : memref<1024xf32, #tpu.memory_space<hbm>>) target_semaphore(%arg29 : memref<!tpu.dma_semaphore, #tpu.memory_space<semaphore_mem>>)
        %mul3A_363 = arith.constant 5 : i32
        %mul3A_364 = arith.muli %mul3A_279, %mul3A_363 : i32
        %add3A_365 = arith.constant 3 : i32
        %add3A_366 = arith.addi %mul3A_364, %add3A_365 : i32
        %mul3A_367 = arith.constant 10 : i32
        %mul3A_368 = arith.muli %add3A_366, %mul3A_367 : i32
        %add3A_369 = arith.constant 5 : i32
        %add3A_370 = arith.addi %mul3A_368, %add3A_369 : i32
        %mul3A_371 = arith.constant 64 : i32
        %mul3A_372 = arith.muli %add3A_370, %mul3A_371 : i32
        %mul3A_373 = arith.constant 1024 : i32
        %mul3A_374 = arith.muli %mul3A_372, %mul3A_373 : i32
        %mul3A_375 = arith.constant 1024 : i32
        %mul3A_376 = arith.muli %add3A_11, %mul3A_375 : i32
        %add3A_377 = arith.addi %mul3A_374, %mul3A_376 : i32
        %multiple_of3A_378 = tpu.assume_multiple %add3A_377, 1024 : i32
        %dma_start3A_379 = arith.constant 3072 : i32
        %dma_start3A_380 = tpu.memref_slice %arg24[%dma_start3A_379] : memref<5120xf32, #tpu.memory_space<vmem>> -> memref<1024xf32, #tpu.memory_space<vmem>>
        %dma_start3A_381 = tpu.memref_slice %arg19[%multiple_of3A_378] : memref<32768000xf32, #tpu.memory_space<hbm>> -> memref<1024xf32, #tpu.memory_space<hbm>>
        %dma_start3A_382 = tpu.memref_slice %arg19[%multiple_of3A_378] : memref<32768000xf32, #tpu.memory_space<hbm>> -> memref<1024xf32, #tpu.memory_space<hbm>>
        %dma_start3A_383 = arith.constant 3072 : i32
        %dma_start3A_384 = tpu.memref_slice %arg24[%dma_start3A_383] : memref<5120xf32, #tpu.memory_space<vmem>> -> memref<1024xf32, #tpu.memory_space<vmem>>
        tpu.enqueue_dma source(%dma_start3A_384 : memref<1024xf32, #tpu.memory_space<vmem>>) target(%dma_start3A_382 : memref<1024xf32, #tpu.memory_space<hbm>>) target_semaphore(%arg29 : memref<!tpu.dma_semaphore, #tpu.memory_space<semaphore_mem>>)
        %mul3A_385 = arith.constant 5 : i32
        %mul3A_386 = arith.muli %mul3A_279, %mul3A_385 : i32
        %add3A_387 = arith.constant 4 : i32
        %add3A_388 = arith.addi %mul3A_386, %add3A_387 : i32
        %mul3A_389 = arith.constant 10 : i32
        %mul3A_390 = arith.muli %add3A_388, %mul3A_389 : i32
        %add3A_391 = arith.constant 5 : i32
        %add3A_392 = arith.addi %mul3A_390, %add3A_391 : i32
        %mul3A_393 = arith.constant 64 : i32
        %mul3A_394 = arith.muli %add3A_392, %mul3A_393 : i32
        %mul3A_395 = arith.constant 1024 : i32
        %mul3A_396 = arith.muli %mul3A_394, %mul3A_395 : i32
        %mul3A_397 = arith.constant 1024 : i32
        %mul3A_398 = arith.muli %add3A_11, %mul3A_397 : i32
        %add3A_399 = arith.addi %mul3A_396, %mul3A_398 : i32
        %multiple_of3A_400 = tpu.assume_multiple %add3A_399, 1024 : i32
        %dma_start3A_401 = arith.constant 4096 : i32
        %dma_start3A_402 = tpu.memref_slice %arg24[%dma_start3A_401] : memref<5120xf32, #tpu.memory_space<vmem>> -> memref<1024xf32, #tpu.memory_space<vmem>>
        %dma_start3A_403 = tpu.memref_slice %arg19[%multiple_of3A_400] : memref<32768000xf32, #tpu.memory_space<hbm>> -> memref<1024xf32, #tpu.memory_space<hbm>>
        %dma_start3A_404 = tpu.memref_slice %arg19[%multiple_of3A_400] : memref<32768000xf32, #tpu.memory_space<hbm>> -> memref<1024xf32, #tpu.memory_space<hbm>>
        %dma_start3A_405 = arith.constant 4096 : i32
        %dma_start3A_406 = tpu.memref_slice %arg24[%dma_start3A_405] : memref<5120xf32, #tpu.memory_space<vmem>> -> memref<1024xf32, #tpu.memory_space<vmem>>
        tpu.enqueue_dma source(%dma_start3A_406 : memref<1024xf32, #tpu.memory_space<vmem>>) target(%dma_start3A_404 : memref<1024xf32, #tpu.memory_space<hbm>>) target_semaphore(%arg29 : memref<!tpu.dma_semaphore, #tpu.memory_space<semaphore_mem>>)
        %add3A_407 = arith.constant 1 : i32
        %add3A_408 = arith.addi %add3A_283, %add3A_407 : i32
        %rem3A = arith.constant 10 : i32
        %rem3A_409 = arith.remsi %add3A_408, %rem3A : i32
        %mul3A_410 = arith.constant 5120 : i32
        %mul3A_411 = arith.muli %rem3A_409, %mul3A_410 : i32
        %multiple_of3A_412 = tpu.assume_multiple %mul3A_411, 5120 : i32
        %dma_start3A_413 = tpu.memref_slice %arg14[%multiple_of3A_412] : memref<51200xi32, #tpu.memory_space<hbm>> -> memref<5120xi32, #tpu.memory_space<hbm>>
        %dma_start3A_414 = tpu.memref_slice %arg14[%multiple_of3A_412] : memref<51200xi32, #tpu.memory_space<hbm>> -> memref<5120xi32, #tpu.memory_space<hbm>>
        tpu.enqueue_dma source(%dma_start3A_414 : memref<5120xi32, #tpu.memory_space<hbm>>) target(%arg22 : memref<5120xi32, #tpu.memory_space<vmem>>) target_semaphore(%arg27 : memref<!tpu.dma_semaphore, #tpu.memory_space<semaphore_mem>>)
        %dma_wait3A_415 = arith.constant 0 : i32
        %dma_wait3A_416 = tpu.memref_slice %arg9[%dma_wait3A_415] : memref<51200xi32, #tpu.memory_space<hbm>> -> memref<5120xi32, #tpu.memory_space<hbm>>
        %dma_wait3A_417 = arith.constant 0 : i32
        %dma_wait3A_418 = tpu.memref_slice %arg9[%dma_wait3A_417] : memref<51200xi32, #tpu.memory_space<hbm>> -> memref<5120xi32, #tpu.memory_space<hbm>>
        tpu.wait_dma2 semaphore(%arg28 : memref<!tpu.dma_semaphore, #tpu.memory_space<semaphore_mem>>) src(%dma_wait3A_418 : memref<5120xi32, #tpu.memory_space<hbm>>) dst(%arg23 : memref<5120xi32, #tpu.memory_space<vmem>>)
        %gt3A_419 = arith.constant 0 : i32
        %gt3A_420 = arith.cmpi sgt, %scan3A_276, %gt3A_419 : i32
        %convert_element_type3A_421 = arith.extui %gt3A_420 : i1 to i32
        %cond3A_422 = arith.constant 0 : i32
        %cond3A_423 = arith.cmpi ne, %convert_element_type3A_421, %cond3A_422 : i32
        scf.if %cond3A_423 {
          %dma_wait3A_538 = arith.constant 0 : i32
          %dma_wait3A_539 = tpu.memref_slice %arg19[%dma_wait3A_538] : memref<32768000xf32, #tpu.memory_space<hbm>> -> memref<5120xf32, #tpu.memory_space<hbm>>
          %dma_wait3A_540 = arith.constant 0 : i32
          %dma_wait3A_541 = tpu.memref_slice %arg19[%dma_wait3A_540] : memref<32768000xf32, #tpu.memory_space<hbm>> -> memref<5120xf32, #tpu.memory_space<hbm>>
          tpu.wait_dma2 semaphore(%arg30 : memref<!tpu.dma_semaphore, #tpu.memory_space<semaphore_mem>>) src(%dma_wait3A_541 : memref<5120xf32, #tpu.memory_space<hbm>>) dst(%arg25 : memref<5120xf32, #tpu.memory_space<vmem>>)
        } else {
        }
        %parallel_loop3A_424 = arith.constant 0 : i32
        %parallel_loop3A_425 = arith.constant 320 : i32
        %parallel_loop3A_426 = arith.constant 1 : i32
        scf.for %parallel_loop3A_538 = %parallel_loop3A_424 to %parallel_loop3A_425 step %parallel_loop3A_426  : i32 {
          %parallel_loop3A_539 = arith.constant 16 : i32
          %parallel_loop3A_540 = arith.muli %parallel_loop3A_538, %parallel_loop3A_539 : i32
          %parallel_loop3A_541 = arith.index_cast %parallel_loop3A_540 : i32 to index
          %parallel_loop3A_542 = tpu.vector_load %arg23[%parallel_loop3A_541] {strides = array<i32>} : memref<5120xi32, #tpu.memory_space<vmem>>, vector<16xi32>,
          %parallel_loop3A_543 = tpu.vector_load_idx %arg20[%parallel_loop3A_542] : memref<100004xf32, #tpu.memory_space<vmem>>[vector<16xi32>], vector<16xf32>,
          %parallel_loop3A_544 = arith.index_cast %parallel_loop3A_540 : i32 to index
          %parallel_loop3A_545 = tpu.vector_load %arg25[%parallel_loop3A_544] {strides = array<i32>} : memref<5120xf32, #tpu.memory_space<vmem>>, vector<16xf32>,
          tpu.vector_store %arg25[%parallel_loop3A_544], %parallel_loop3A_543 {strides = array<i32>} : memref<5120xf32, #tpu.memory_space<vmem>>, vector<16xf32>,
        } {sc.loop_unroll_factor = 8 : i64, sc.parallel_access}
        %mul3A_427 = arith.constant 5 : i32
        %mul3A_428 = arith.muli %add3A_283, %mul3A_427 : i32
        %add3A_429 = arith.constant 0 : i32
        %add3A_430 = arith.addi %mul3A_428, %add3A_429 : i32
        %mul3A_431 = arith.constant 10 : i32
        %mul3A_432 = arith.muli %add3A_430, %mul3A_431 : i32
        %add3A_433 = arith.constant 5 : i32
        %add3A_434 = arith.addi %mul3A_432, %add3A_433 : i32
        %mul3A_435 = arith.constant 64 : i32
        %mul3A_436 = arith.muli %add3A_434, %mul3A_435 : i32
        %mul3A_437 = arith.constant 1024 : i32
        %mul3A_438 = arith.muli %mul3A_436, %mul3A_437 : i32
        %mul3A_439 = arith.constant 1024 : i32
        %mul3A_440 = arith.muli %add3A_11, %mul3A_439 : i32
        %add3A_441 = arith.addi %mul3A_438, %mul3A_440 : i32
        %multiple_of3A_442 = tpu.assume_multiple %add3A_441, 1024 : i32
        %dma_start3A_443 = arith.constant 0 : i32
        %dma_start3A_444 = tpu.memref_slice %arg25[%dma_start3A_443] : memref<5120xf32, #tpu.memory_space<vmem>> -> memref<1024xf32, #tpu.memory_space<vmem>>
        %dma_start3A_445 = tpu.memref_slice %arg19[%multiple_of3A_442] : memref<32768000xf32, #tpu.memory_space<hbm>> -> memref<1024xf32, #tpu.memory_space<hbm>>
        %dma_start3A_446 = tpu.memref_slice %arg19[%multiple_of3A_442] : memref<32768000xf32, #tpu.memory_space<hbm>> -> memref<1024xf32, #tpu.memory_space<hbm>>
        %dma_start3A_447 = arith.constant 0 : i32
        %dma_start3A_448 = tpu.memref_slice %arg25[%dma_start3A_447] : memref<5120xf32, #tpu.memory_space<vmem>> -> memref<1024xf32, #tpu.memory_space<vmem>>
        tpu.enqueue_dma source(%dma_start3A_448 : memref<1024xf32, #tpu.memory_space<vmem>>) target(%dma_start3A_446 : memref<1024xf32, #tpu.memory_space<hbm>>) target_semaphore(%arg30 : memref<!tpu.dma_semaphore, #tpu.memory_space<semaphore_mem>>)
        %mul3A_449 = arith.constant 5 : i32
        %mul3A_450 = arith.muli %add3A_283, %mul3A_449 : i32
        %add3A_451 = arith.constant 1 : i32
        %add3A_452 = arith.addi %mul3A_450, %add3A_451 : i32
        %mul3A_453 = arith.constant 10 : i32
        %mul3A_454 = arith.muli %add3A_452, %mul3A_453 : i32
        %add3A_455 = arith.constant 5 : i32
        %add3A_456 = arith.addi %mul3A_454, %add3A_455 : i32
        %mul3A_457 = arith.constant 64 : i32
        %mul3A_458 = arith.muli %add3A_456, %mul3A_457 : i32
        %mul3A_459 = arith.constant 1024 : i32
        %mul3A_460 = arith.muli %mul3A_458, %mul3A_459 : i32
        %mul3A_461 = arith.constant 1024 : i32
        %mul3A_462 = arith.muli %add3A_11, %mul3A_461 : i32
        %add3A_463 = arith.addi %mul3A_460, %mul3A_462 : i32
        %multiple_of3A_464 = tpu.assume_multiple %add3A_463, 1024 : i32
        %dma_start3A_465 = arith.constant 1024 : i32
        %dma_start3A_466 = tpu.memref_slice %arg25[%dma_start3A_465] : memref<5120xf32, #tpu.memory_space<vmem>> -> memref<1024xf32, #tpu.memory_space<vmem>>
        %dma_start3A_467 = tpu.memref_slice %arg19[%multiple_of3A_464] : memref<32768000xf32, #tpu.memory_space<hbm>> -> memref<1024xf32, #tpu.memory_space<hbm>>
        %dma_start3A_468 = tpu.memref_slice %arg19[%multiple_of3A_464] : memref<32768000xf32, #tpu.memory_space<hbm>> -> memref<1024xf32, #tpu.memory_space<hbm>>
        %dma_start3A_469 = arith.constant 1024 : i32
        %dma_start3A_470 = tpu.memref_slice %arg25[%dma_start3A_469] : memref<5120xf32, #tpu.memory_space<vmem>> -> memref<1024xf32, #tpu.memory_space<vmem>>
        tpu.enqueue_dma source(%dma_start3A_470 : memref<1024xf32, #tpu.memory_space<vmem>>) target(%dma_start3A_468 : memref<1024xf32, #tpu.memory_space<hbm>>) target_semaphore(%arg30 : memref<!tpu.dma_semaphore, #tpu.memory_space<semaphore_mem>>)
        %mul3A_471 = arith.constant 5 : i32
        %mul3A_472 = arith.muli %add3A_283, %mul3A_471 : i32
        %add3A_473 = arith.constant 2 : i32
        %add3A_474 = arith.addi %mul3A_472, %add3A_473 : i32
        %mul3A_475 = arith.constant 10 : i32
        %mul3A_476 = arith.muli %add3A_474, %mul3A_475 : i32
        %add3A_477 = arith.constant 5 : i32
        %add3A_478 = arith.addi %mul3A_476, %add3A_477 : i32
        %mul3A_479 = arith.constant 64 : i32
        %mul3A_480 = arith.muli %add3A_478, %mul3A_479 : i32
        %mul3A_481 = arith.constant 1024 : i32
        %mul3A_482 = arith.muli %mul3A_480, %mul3A_481 : i32
        %mul3A_483 = arith.constant 1024 : i32
        %mul3A_484 = arith.muli %add3A_11, %mul3A_483 : i32
        %add3A_485 = arith.addi %mul3A_482, %mul3A_484 : i32
        %multiple_of3A_486 = tpu.assume_multiple %add3A_485, 1024 : i32
        %dma_start3A_487 = arith.constant 2048 : i32
        %dma_start3A_488 = tpu.memref_slice %arg25[%dma_start3A_487] : memref<5120xf32, #tpu.memory_space<vmem>> -> memref<1024xf32, #tpu.memory_space<vmem>>
        %dma_start3A_489 = tpu.memref_slice %arg19[%multiple_of3A_486] : memref<32768000xf32, #tpu.memory_space<hbm>> -> memref<1024xf32, #tpu.memory_space<hbm>>
        %dma_start3A_490 = tpu.memref_slice %arg19[%multiple_of3A_486] : memref<32768000xf32, #tpu.memory_space<hbm>> -> memref<1024xf32, #tpu.memory_space<hbm>>
        %dma_start3A_491 = arith.constant 2048 : i32
        %dma_start3A_492 = tpu.memref_slice %arg25[%dma_start3A_491] : memref<5120xf32, #tpu.memory_space<vmem>> -> memref<1024xf32, #tpu.memory_space<vmem>>
        tpu.enqueue_dma source(%dma_start3A_492 : memref<1024xf32, #tpu.memory_space<vmem>>) target(%dma_start3A_490 : memref<1024xf32, #tpu.memory_space<hbm>>) target_semaphore(%arg30 : memref<!tpu.dma_semaphore, #tpu.memory_space<semaphore_mem>>)
        %mul3A_493 = arith.constant 5 : i32
        %mul3A_494 = arith.muli %add3A_283, %mul3A_493 : i32
        %add3A_495 = arith.constant 3 : i32
        %add3A_496 = arith.addi %mul3A_494, %add3A_495 : i32
        %mul3A_497 = arith.constant 10 : i32
        %mul3A_498 = arith.muli %add3A_496, %mul3A_497 : i32
        %add3A_499 = arith.constant 5 : i32
        %add3A_500 = arith.addi %mul3A_498, %add3A_499 : i32
        %mul3A_501 = arith.constant 64 : i32
        %mul3A_502 = arith.muli %add3A_500, %mul3A_501 : i32
        %mul3A_503 = arith.constant 1024 : i32
        %mul3A_504 = arith.muli %mul3A_502, %mul3A_503 : i32
        %mul3A_505 = arith.constant 1024 : i32
        %mul3A_506 = arith.muli %add3A_11, %mul3A_505 : i32
        %add3A_507 = arith.addi %mul3A_504, %mul3A_506 : i32
        %multiple_of3A_508 = tpu.assume_multiple %add3A_507, 1024 : i32
        %dma_start3A_509 = arith.constant 3072 : i32
        %dma_start3A_510 = tpu.memref_slice %arg25[%dma_start3A_509] : memref<5120xf32, #tpu.memory_space<vmem>> -> memref<1024xf32, #tpu.memory_space<vmem>>
        %dma_start3A_511 = tpu.memref_slice %arg19[%multiple_of3A_508] : memref<32768000xf32, #tpu.memory_space<hbm>> -> memref<1024xf32, #tpu.memory_space<hbm>>
        %dma_start3A_512 = tpu.memref_slice %arg19[%multiple_of3A_508] : memref<32768000xf32, #tpu.memory_space<hbm>> -> memref<1024xf32, #tpu.memory_space<hbm>>
        %dma_start3A_513 = arith.constant 3072 : i32
        %dma_start3A_514 = tpu.memref_slice %arg25[%dma_start3A_513] : memref<5120xf32, #tpu.memory_space<vmem>> -> memref<1024xf32, #tpu.memory_space<vmem>>
        tpu.enqueue_dma source(%dma_start3A_514 : memref<1024xf32, #tpu.memory_space<vmem>>) target(%dma_start3A_512 : memref<1024xf32, #tpu.memory_space<hbm>>) target_semaphore(%arg30 : memref<!tpu.dma_semaphore, #tpu.memory_space<semaphore_mem>>)
        %mul3A_515 = arith.constant 5 : i32
        %mul3A_516 = arith.muli %add3A_283, %mul3A_515 : i32
        %add3A_517 = arith.constant 4 : i32
        %add3A_518 = arith.addi %mul3A_516, %add3A_517 : i32
        %mul3A_519 = arith.constant 10 : i32
        %mul3A_520 = arith.muli %add3A_518, %mul3A_519 : i32
        %add3A_521 = arith.constant 5 : i32
        %add3A_522 = arith.addi %mul3A_520, %add3A_521 : i32
        %mul3A_523 = arith.constant 64 : i32
        %mul3A_524 = arith.muli %add3A_522, %mul3A_523 : i32
        %mul3A_525 = arith.constant 1024 : i32
        %mul3A_526 = arith.muli %mul3A_524, %mul3A_525 : i32
        %mul3A_527 = arith.constant 1024 : i32
        %mul3A_528 = arith.muli %add3A_11, %mul3A_527 : i32
        %add3A_529 = arith.addi %mul3A_526, %mul3A_528 : i32
        %multiple_of3A_530 = tpu.assume_multiple %add3A_529, 1024 : i32
        %dma_start3A_531 = arith.constant 4096 : i32
        %dma_start3A_532 = tpu.memref_slice %arg25[%dma_start3A_531] : memref<5120xf32, #tpu.memory_space<vmem>> -> memref<1024xf32, #tpu.memory_space<vmem>>
        %dma_start3A_533 = tpu.memref_slice %arg19[%multiple_of3A_530] : memref<32768000xf32, #tpu.memory_space<hbm>> -> memref<1024xf32, #tpu.memory_space<hbm>>
        %dma_start3A_534 = tpu.memref_slice %arg19[%multiple_of3A_530] : memref<32768000xf32, #tpu.memory_space<hbm>> -> memref<1024xf32, #tpu.memory_space<hbm>>
        %dma_start3A_535 = arith.constant 4096 : i32
        %dma_start3A_536 = tpu.memref_slice %arg25[%dma_start3A_535] : memref<5120xf32, #tpu.memory_space<vmem>> -> memref<1024xf32, #tpu.memory_space<vmem>>
        tpu.enqueue_dma source(%dma_start3A_536 : memref<1024xf32, #tpu.memory_space<vmem>>) target(%dma_start3A_534 : memref<1024xf32, #tpu.memory_space<hbm>>) target_semaphore(%arg30 : memref<!tpu.dma_semaphore, #tpu.memory_space<semaphore_mem>>)
        %scan3A_537 = arith.constant 0 : i32
        scf.yield %scan3A_537 : i32
      }
      %scan3A_262 = arith.constant 5 : i32
      %dma_wait3A_263 = arith.constant 0 : i32
      %dma_wait3A_264 = tpu.memref_slice %arg9[%dma_wait3A_263] : memref<51200xi32, #tpu.memory_space<hbm>> -> memref<5120xi32, #tpu.memory_space<hbm>>
      %dma_wait3A_265 = arith.constant 0 : i32
      %dma_wait3A_266 = tpu.memref_slice %arg9[%dma_wait3A_265] : memref<51200xi32, #tpu.memory_space<hbm>> -> memref<5120xi32, #tpu.memory_space<hbm>>
      tpu.wait_dma2 semaphore(%arg27 : memref<!tpu.dma_semaphore, #tpu.memory_space<semaphore_mem>>) src(%dma_wait3A_266 : memref<5120xi32, #tpu.memory_space<hbm>>) dst(%arg22 : memref<5120xi32, #tpu.memory_space<vmem>>)
      %dma_wait3A_267 = arith.constant 0 : i32
      %dma_wait3A_268 = tpu.memref_slice %arg19[%dma_wait3A_267] : memref<32768000xf32, #tpu.memory_space<hbm>> -> memref<5120xf32, #tpu.memory_space<hbm>>
      %dma_wait3A_269 = arith.constant 0 : i32
      %dma_wait3A_270 = tpu.memref_slice %arg19[%dma_wait3A_269] : memref<32768000xf32, #tpu.memory_space<hbm>> -> memref<5120xf32, #tpu.memory_space<hbm>>
      tpu.wait_dma2 semaphore(%arg29 : memref<!tpu.dma_semaphore, #tpu.memory_space<semaphore_mem>>) src(%dma_wait3A_270 : memref<5120xf32, #tpu.memory_space<hbm>>) dst(%arg24 : memref<5120xf32, #tpu.memory_space<vmem>>)
      %dma_wait3A_271 = arith.constant 0 : i32
      %dma_wait3A_272 = tpu.memref_slice %arg19[%dma_wait3A_271] : memref<32768000xf32, #tpu.memory_space<hbm>> -> memref<5120xf32, #tpu.memory_space<hbm>>
      %dma_wait3A_273 = arith.constant 0 : i32
      %dma_wait3A_274 = tpu.memref_slice %arg19[%dma_wait3A_273] : memref<32768000xf32, #tpu.memory_space<hbm>> -> memref<5120xf32, #tpu.memory_space<hbm>>
      tpu.wait_dma2 semaphore(%arg30 : memref<!tpu.dma_semaphore, #tpu.memory_space<semaphore_mem>>) src(%dma_wait3A_274 : memref<5120xf32, #tpu.memory_space<hbm>>) dst(%arg25 : memref<5120xf32, #tpu.memory_space<vmem>>)
      %scan3A_275 = arith.constant 0 : i32
      scf.yield %scan3A_275 : i32
    }
    %scan3A_6 = arith.constant 2 : i32
    return
  }
}

module attributes {stable_mosaic.version = 14 : i64} {
  func.func @body(%arg0: i32, %arg1: memref<16x128xf32, #tpu.memory_space<vmem>>, %arg2: memref<16x128xf32, #tpu.memory_space<vmem>>, %arg3: memref<16x128xf32, #tpu.memory_space<vmem>>, %arg4: memref<16x128xf32, #tpu.memory_space<vmem>>, %arg5: memref<16x128xf32, #tpu.memory_space<vmem>>, %arg6: memref<16x128xf32, #tpu.memory_space<vmem>>, %arg7: memref<72x192xf32, #tpu.memory_space<vmem>>, %arg8: memref<64x1xf32, #tpu.memory_space<vmem>>, %arg9: memref<64x1xf32, #tpu.memory_space<vmem>>, %arg10: memref<64x1xf32, #tpu.memory_space<vmem>>, %arg11: memref<64x2048xf32, #tpu.memory_space<vmem>>, %arg12: memref<64x2048xf32, #tpu.memory_space<vmem>>, %arg13: memref<64x2048xf32, #tpu.memory_space<vmem>>) attributes {dimension_semantics = [#tpu.dimension_semantics<arbitrary>], iteration_bounds = array<i64: 25>, scalar_prefetch = 0 : i64, scratch_operands = 0 : i64, tpu.core_type = #tpu.core_type<tc>, window_params = [{transform_indices = @transform_0, window_bounds = array<i64: 16, 128>}, {transform_indices = @transform_1, window_bounds = array<i64: 16, 128>}, {transform_indices = @transform_2, window_bounds = array<i64: 16, 128>}, {transform_indices = @transform_3, window_bounds = array<i64: 16, 128>}, {transform_indices = @transform_4, window_bounds = array<i64: 16, 128>}, {transform_indices = @transform_5, window_bounds = array<i64: 16, 128>}, {pipeline_mode = #tpu.pipeline_mode<synchronous>, transform_indices = @transform_6, window_bounds = array<i64: 72, 192>}, {pipeline_mode = #tpu.pipeline_mode<synchronous>, transform_indices = @transform_7, window_bounds = array<i64: 64, 1>}, {pipeline_mode = #tpu.pipeline_mode<synchronous>, transform_indices = @transform_8, window_bounds = array<i64: 64, 1>}, {pipeline_mode = #tpu.pipeline_mode<synchronous>, transform_indices = @transform_9, window_bounds = array<i64: 64, 1>}, {transform_indices = @transform_10, window_bounds = array<i64: 64, 2048>}, {transform_indices = @transform_11, window_bounds = array<i64: 64, 2048>}, {transform_indices = @transform_12, window_bounds = array<i64: 64, 2048>}]} {
    %get3A = arith.constant 0 : index
    %get3A_0 = arith.constant 0 : index
    %get3A_1 = vector.load %arg1[%get3A, %get3A_0] : memref<16x128xf32, #tpu.memory_space<vmem>>, vector<16x128xf32>
    %get3A_2 = arith.constant 0 : index
    %get3A_3 = arith.constant 0 : index
    %get3A_4 = vector.load %arg2[%get3A_2, %get3A_3] : memref<16x128xf32, #tpu.memory_space<vmem>>, vector<16x128xf32>
    %sub3A = arith.subf %get3A_1, %get3A_4 : vector<16x128xf32>
    %mul3A = arith.constant 0.0122718466 : f32
    %mul3A_5 = vector.broadcast %mul3A : f32 to vector<16x128xf32>
    %mul3A_6 = arith.mulf %sub3A, %mul3A_5 : vector<16x128xf32>
    %mul3A_7 = arith.constant 0.0245436933 : f32
    %mul3A_8 = vector.broadcast %mul3A_7 : f32 to vector<16x128xf32>
    %mul3A_9 = arith.mulf %sub3A, %mul3A_8 : vector<16x128xf32>
    %mul3A_10 = arith.constant 0.0490873866 : f32
    %mul3A_11 = vector.broadcast %mul3A_10 : f32 to vector<16x128xf32>
    %mul3A_12 = arith.mulf %sub3A, %mul3A_11 : vector<16x128xf32>
    %mul3A_13 = arith.constant 0.0981747731 : f32
    %mul3A_14 = vector.broadcast %mul3A_13 : f32 to vector<16x128xf32>
    %mul3A_15 = arith.mulf %sub3A, %mul3A_14 : vector<16x128xf32>
    %mul3A_16 = arith.constant 0.196349546 : f32
    %mul3A_17 = vector.broadcast %mul3A_16 : f32 to vector<16x128xf32>
    %mul3A_18 = arith.mulf %sub3A, %mul3A_17 : vector<16x128xf32>
    %mul3A_19 = arith.constant 0.392699093 : f32
    %mul3A_20 = vector.broadcast %mul3A_19 : f32 to vector<16x128xf32>
    %mul3A_21 = arith.mulf %sub3A, %mul3A_20 : vector<16x128xf32>
    %mul3A_22 = arith.constant 0.785398185 : f32
    %mul3A_23 = vector.broadcast %mul3A_22 : f32 to vector<16x128xf32>
    %mul3A_24 = arith.mulf %sub3A, %mul3A_23 : vector<16x128xf32>
    %mul3A_25 = arith.constant 1.57079637 : f32
    %mul3A_26 = vector.broadcast %mul3A_25 : f32 to vector<16x128xf32>
    %mul3A_27 = arith.mulf %sub3A, %mul3A_26 : vector<16x128xf32>
    %mul3A_28 = arith.constant 3.14159274 : f32
    %mul3A_29 = vector.broadcast %mul3A_28 : f32 to vector<16x128xf32>
    %mul3A_30 = arith.mulf %sub3A, %mul3A_29 : vector<16x128xf32>
    %mul3A_31 = arith.constant 6.28318548 : f32
    %mul3A_32 = vector.broadcast %mul3A_31 : f32 to vector<16x128xf32>
    %mul3A_33 = arith.mulf %sub3A, %mul3A_32 : vector<16x128xf32>
    %mul3A_34 = arith.constant 12.566371 : f32
    %mul3A_35 = vector.broadcast %mul3A_34 : f32 to vector<16x128xf32>
    %mul3A_36 = arith.mulf %sub3A, %mul3A_35 : vector<16x128xf32>
    %mul3A_37 = arith.constant 25.1327419 : f32
    %mul3A_38 = vector.broadcast %mul3A_37 : f32 to vector<16x128xf32>
    %mul3A_39 = arith.mulf %sub3A, %mul3A_38 : vector<16x128xf32>
    %sin3A = math.sin %mul3A_6 : vector<16x128xf32>
    %sin3A_40 = math.sin %mul3A_9 : vector<16x128xf32>
    %sin3A_41 = math.sin %mul3A_12 : vector<16x128xf32>
    %sin3A_42 = math.sin %mul3A_15 : vector<16x128xf32>
    %sin3A_43 = math.sin %mul3A_18 : vector<16x128xf32>
    %sin3A_44 = math.sin %mul3A_21 : vector<16x128xf32>
    %sin3A_45 = math.sin %mul3A_24 : vector<16x128xf32>
    %sin3A_46 = math.sin %mul3A_27 : vector<16x128xf32>
    %sin3A_47 = math.sin %mul3A_30 : vector<16x128xf32>
    %sin3A_48 = math.sin %mul3A_33 : vector<16x128xf32>
    %sin3A_49 = math.sin %mul3A_36 : vector<16x128xf32>
    %sin3A_50 = math.sin %mul3A_39 : vector<16x128xf32>
    %cos3A = math.cos %mul3A_6 : vector<16x128xf32>
    %cos3A_51 = math.cos %mul3A_9 : vector<16x128xf32>
    %cos3A_52 = math.cos %mul3A_12 : vector<16x128xf32>
    %cos3A_53 = math.cos %mul3A_15 : vector<16x128xf32>
    %cos3A_54 = math.cos %mul3A_18 : vector<16x128xf32>
    %cos3A_55 = math.cos %mul3A_21 : vector<16x128xf32>
    %cos3A_56 = math.cos %mul3A_24 : vector<16x128xf32>
    %cos3A_57 = math.cos %mul3A_27 : vector<16x128xf32>
    %cos3A_58 = math.cos %mul3A_30 : vector<16x128xf32>
    %cos3A_59 = math.cos %mul3A_33 : vector<16x128xf32>
    %cos3A_60 = math.cos %mul3A_36 : vector<16x128xf32>
    %cos3A_61 = math.cos %mul3A_39 : vector<16x128xf32>
    %get3A_62 = arith.constant 0 : index
    %get3A_63 = arith.constant 0 : index
    %get3A_64 = vector.load %arg3[%get3A_62, %get3A_63] : memref<16x128xf32, #tpu.memory_space<vmem>>, vector<16x128xf32>
    %get3A_65 = arith.constant 0 : index
    %get3A_66 = arith.constant 0 : index
    %get3A_67 = vector.load %arg4[%get3A_65, %get3A_66] : memref<16x128xf32, #tpu.memory_space<vmem>>, vector<16x128xf32>
    %sub3A_68 = arith.subf %get3A_64, %get3A_67 : vector<16x128xf32>
    %mul3A_69 = arith.constant 0.0122718466 : f32
    %mul3A_70 = vector.broadcast %mul3A_69 : f32 to vector<16x128xf32>
    %mul3A_71 = arith.mulf %sub3A_68, %mul3A_70 : vector<16x128xf32>
    %mul3A_72 = arith.constant 0.0245436933 : f32
    %mul3A_73 = vector.broadcast %mul3A_72 : f32 to vector<16x128xf32>
    %mul3A_74 = arith.mulf %sub3A_68, %mul3A_73 : vector<16x128xf32>
    %mul3A_75 = arith.constant 0.0490873866 : f32
    %mul3A_76 = vector.broadcast %mul3A_75 : f32 to vector<16x128xf32>
    %mul3A_77 = arith.mulf %sub3A_68, %mul3A_76 : vector<16x128xf32>
    %mul3A_78 = arith.constant 0.0981747731 : f32
    %mul3A_79 = vector.broadcast %mul3A_78 : f32 to vector<16x128xf32>
    %mul3A_80 = arith.mulf %sub3A_68, %mul3A_79 : vector<16x128xf32>
    %mul3A_81 = arith.constant 0.196349546 : f32
    %mul3A_82 = vector.broadcast %mul3A_81 : f32 to vector<16x128xf32>
    %mul3A_83 = arith.mulf %sub3A_68, %mul3A_82 : vector<16x128xf32>
    %mul3A_84 = arith.constant 0.392699093 : f32
    %mul3A_85 = vector.broadcast %mul3A_84 : f32 to vector<16x128xf32>
    %mul3A_86 = arith.mulf %sub3A_68, %mul3A_85 : vector<16x128xf32>
    %mul3A_87 = arith.constant 0.785398185 : f32
    %mul3A_88 = vector.broadcast %mul3A_87 : f32 to vector<16x128xf32>
    %mul3A_89 = arith.mulf %sub3A_68, %mul3A_88 : vector<16x128xf32>
    %mul3A_90 = arith.constant 1.57079637 : f32
    %mul3A_91 = vector.broadcast %mul3A_90 : f32 to vector<16x128xf32>
    %mul3A_92 = arith.mulf %sub3A_68, %mul3A_91 : vector<16x128xf32>
    %mul3A_93 = arith.constant 3.14159274 : f32
    %mul3A_94 = vector.broadcast %mul3A_93 : f32 to vector<16x128xf32>
    %mul3A_95 = arith.mulf %sub3A_68, %mul3A_94 : vector<16x128xf32>
    %mul3A_96 = arith.constant 6.28318548 : f32
    %mul3A_97 = vector.broadcast %mul3A_96 : f32 to vector<16x128xf32>
    %mul3A_98 = arith.mulf %sub3A_68, %mul3A_97 : vector<16x128xf32>
    %mul3A_99 = arith.constant 12.566371 : f32
    %mul3A_100 = vector.broadcast %mul3A_99 : f32 to vector<16x128xf32>
    %mul3A_101 = arith.mulf %sub3A_68, %mul3A_100 : vector<16x128xf32>
    %mul3A_102 = arith.constant 25.1327419 : f32
    %mul3A_103 = vector.broadcast %mul3A_102 : f32 to vector<16x128xf32>
    %mul3A_104 = arith.mulf %sub3A_68, %mul3A_103 : vector<16x128xf32>
    %sin3A_105 = math.sin %mul3A_71 : vector<16x128xf32>
    %sin3A_106 = math.sin %mul3A_74 : vector<16x128xf32>
    %sin3A_107 = math.sin %mul3A_77 : vector<16x128xf32>
    %sin3A_108 = math.sin %mul3A_80 : vector<16x128xf32>
    %sin3A_109 = math.sin %mul3A_83 : vector<16x128xf32>
    %sin3A_110 = math.sin %mul3A_86 : vector<16x128xf32>
    %sin3A_111 = math.sin %mul3A_89 : vector<16x128xf32>
    %sin3A_112 = math.sin %mul3A_92 : vector<16x128xf32>
    %sin3A_113 = math.sin %mul3A_95 : vector<16x128xf32>
    %sin3A_114 = math.sin %mul3A_98 : vector<16x128xf32>
    %sin3A_115 = math.sin %mul3A_101 : vector<16x128xf32>
    %sin3A_116 = math.sin %mul3A_104 : vector<16x128xf32>
    %cos3A_117 = math.cos %mul3A_71 : vector<16x128xf32>
    %cos3A_118 = math.cos %mul3A_74 : vector<16x128xf32>
    %cos3A_119 = math.cos %mul3A_77 : vector<16x128xf32>
    %cos3A_120 = math.cos %mul3A_80 : vector<16x128xf32>
    %cos3A_121 = math.cos %mul3A_83 : vector<16x128xf32>
    %cos3A_122 = math.cos %mul3A_86 : vector<16x128xf32>
    %cos3A_123 = math.cos %mul3A_89 : vector<16x128xf32>
    %cos3A_124 = math.cos %mul3A_92 : vector<16x128xf32>
    %cos3A_125 = math.cos %mul3A_95 : vector<16x128xf32>
    %cos3A_126 = math.cos %mul3A_98 : vector<16x128xf32>
    %cos3A_127 = math.cos %mul3A_101 : vector<16x128xf32>
    %cos3A_128 = math.cos %mul3A_104 : vector<16x128xf32>
    %get3A_129 = arith.constant 0 : index
    %get3A_130 = arith.constant 0 : index
    %get3A_131 = vector.load %arg5[%get3A_129, %get3A_130] : memref<16x128xf32, #tpu.memory_space<vmem>>, vector<16x128xf32>
    %get3A_132 = arith.constant 0 : index
    %get3A_133 = arith.constant 0 : index
    %get3A_134 = vector.load %arg6[%get3A_132, %get3A_133] : memref<16x128xf32, #tpu.memory_space<vmem>>, vector<16x128xf32>
    %sub3A_135 = arith.subf %get3A_131, %get3A_134 : vector<16x128xf32>
    %mul3A_136 = arith.constant 0.0122718466 : f32
    %mul3A_137 = vector.broadcast %mul3A_136 : f32 to vector<16x128xf32>
    %mul3A_138 = arith.mulf %sub3A_135, %mul3A_137 : vector<16x128xf32>
    %mul3A_139 = arith.constant 0.0245436933 : f32
    %mul3A_140 = vector.broadcast %mul3A_139 : f32 to vector<16x128xf32>
    %mul3A_141 = arith.mulf %sub3A_135, %mul3A_140 : vector<16x128xf32>
    %mul3A_142 = arith.constant 0.0490873866 : f32
    %mul3A_143 = vector.broadcast %mul3A_142 : f32 to vector<16x128xf32>
    %mul3A_144 = arith.mulf %sub3A_135, %mul3A_143 : vector<16x128xf32>
    %mul3A_145 = arith.constant 0.0981747731 : f32
    %mul3A_146 = vector.broadcast %mul3A_145 : f32 to vector<16x128xf32>
    %mul3A_147 = arith.mulf %sub3A_135, %mul3A_146 : vector<16x128xf32>
    %mul3A_148 = arith.constant 0.196349546 : f32
    %mul3A_149 = vector.broadcast %mul3A_148 : f32 to vector<16x128xf32>
    %mul3A_150 = arith.mulf %sub3A_135, %mul3A_149 : vector<16x128xf32>
    %mul3A_151 = arith.constant 0.392699093 : f32
    %mul3A_152 = vector.broadcast %mul3A_151 : f32 to vector<16x128xf32>
    %mul3A_153 = arith.mulf %sub3A_135, %mul3A_152 : vector<16x128xf32>
    %mul3A_154 = arith.constant 0.785398185 : f32
    %mul3A_155 = vector.broadcast %mul3A_154 : f32 to vector<16x128xf32>
    %mul3A_156 = arith.mulf %sub3A_135, %mul3A_155 : vector<16x128xf32>
    %mul3A_157 = arith.constant 1.57079637 : f32
    %mul3A_158 = vector.broadcast %mul3A_157 : f32 to vector<16x128xf32>
    %mul3A_159 = arith.mulf %sub3A_135, %mul3A_158 : vector<16x128xf32>
    %mul3A_160 = arith.constant 3.14159274 : f32
    %mul3A_161 = vector.broadcast %mul3A_160 : f32 to vector<16x128xf32>
    %mul3A_162 = arith.mulf %sub3A_135, %mul3A_161 : vector<16x128xf32>
    %mul3A_163 = arith.constant 6.28318548 : f32
    %mul3A_164 = vector.broadcast %mul3A_163 : f32 to vector<16x128xf32>
    %mul3A_165 = arith.mulf %sub3A_135, %mul3A_164 : vector<16x128xf32>
    %mul3A_166 = arith.constant 12.566371 : f32
    %mul3A_167 = vector.broadcast %mul3A_166 : f32 to vector<16x128xf32>
    %mul3A_168 = arith.mulf %sub3A_135, %mul3A_167 : vector<16x128xf32>
    %mul3A_169 = arith.constant 25.1327419 : f32
    %mul3A_170 = vector.broadcast %mul3A_169 : f32 to vector<16x128xf32>
    %mul3A_171 = arith.mulf %sub3A_135, %mul3A_170 : vector<16x128xf32>
    %sin3A_172 = math.sin %mul3A_138 : vector<16x128xf32>
    %sin3A_173 = math.sin %mul3A_141 : vector<16x128xf32>
    %sin3A_174 = math.sin %mul3A_144 : vector<16x128xf32>
    %sin3A_175 = math.sin %mul3A_147 : vector<16x128xf32>
    %sin3A_176 = math.sin %mul3A_150 : vector<16x128xf32>
    %sin3A_177 = math.sin %mul3A_153 : vector<16x128xf32>
    %sin3A_178 = math.sin %mul3A_156 : vector<16x128xf32>
    %sin3A_179 = math.sin %mul3A_159 : vector<16x128xf32>
    %sin3A_180 = math.sin %mul3A_162 : vector<16x128xf32>
    %sin3A_181 = math.sin %mul3A_165 : vector<16x128xf32>
    %sin3A_182 = math.sin %mul3A_168 : vector<16x128xf32>
    %sin3A_183 = math.sin %mul3A_171 : vector<16x128xf32>
    %cos3A_184 = math.cos %mul3A_138 : vector<16x128xf32>
    %cos3A_185 = math.cos %mul3A_141 : vector<16x128xf32>
    %cos3A_186 = math.cos %mul3A_144 : vector<16x128xf32>
    %cos3A_187 = math.cos %mul3A_147 : vector<16x128xf32>
    %cos3A_188 = math.cos %mul3A_150 : vector<16x128xf32>
    %cos3A_189 = math.cos %mul3A_153 : vector<16x128xf32>
    %cos3A_190 = math.cos %mul3A_156 : vector<16x128xf32>
    %cos3A_191 = math.cos %mul3A_159 : vector<16x128xf32>
    %cos3A_192 = math.cos %mul3A_162 : vector<16x128xf32>
    %cos3A_193 = math.cos %mul3A_165 : vector<16x128xf32>
    %cos3A_194 = math.cos %mul3A_168 : vector<16x128xf32>
    %cos3A_195 = math.cos %mul3A_171 : vector<16x128xf32>
    %stack3A = vector.shape_cast %sin3A : vector<16x128xf32> to vector<1x16x128xf32>
    %stack3A_196 = vector.shape_cast %sin3A_40 : vector<16x128xf32> to vector<1x16x128xf32>
    %stack3A_197 = vector.shape_cast %sin3A_41 : vector<16x128xf32> to vector<1x16x128xf32>
    %stack3A_198 = vector.shape_cast %sin3A_42 : vector<16x128xf32> to vector<1x16x128xf32>
    %stack3A_199 = vector.shape_cast %sin3A_43 : vector<16x128xf32> to vector<1x16x128xf32>
    %stack3A_200 = vector.shape_cast %sin3A_44 : vector<16x128xf32> to vector<1x16x128xf32>
    %stack3A_201 = vector.shape_cast %sin3A_45 : vector<16x128xf32> to vector<1x16x128xf32>
    %stack3A_202 = vector.shape_cast %sin3A_46 : vector<16x128xf32> to vector<1x16x128xf32>
    %stack3A_203 = vector.shape_cast %sin3A_47 : vector<16x128xf32> to vector<1x16x128xf32>
    %stack3A_204 = vector.shape_cast %sin3A_48 : vector<16x128xf32> to vector<1x16x128xf32>
    %stack3A_205 = vector.shape_cast %sin3A_49 : vector<16x128xf32> to vector<1x16x128xf32>
    %stack3A_206 = vector.shape_cast %sin3A_50 : vector<16x128xf32> to vector<1x16x128xf32>
    %stack3A_207 = vector.shape_cast %cos3A : vector<16x128xf32> to vector<1x16x128xf32>
    %stack3A_208 = vector.shape_cast %cos3A_51 : vector<16x128xf32> to vector<1x16x128xf32>
    %stack3A_209 = vector.shape_cast %cos3A_52 : vector<16x128xf32> to vector<1x16x128xf32>
    %stack3A_210 = vector.shape_cast %cos3A_53 : vector<16x128xf32> to vector<1x16x128xf32>
    %stack3A_211 = vector.shape_cast %cos3A_54 : vector<16x128xf32> to vector<1x16x128xf32>
    %stack3A_212 = vector.shape_cast %cos3A_55 : vector<16x128xf32> to vector<1x16x128xf32>
    %stack3A_213 = vector.shape_cast %cos3A_56 : vector<16x128xf32> to vector<1x16x128xf32>
    %stack3A_214 = vector.shape_cast %cos3A_57 : vector<16x128xf32> to vector<1x16x128xf32>
    %stack3A_215 = vector.shape_cast %cos3A_58 : vector<16x128xf32> to vector<1x16x128xf32>
    %stack3A_216 = vector.shape_cast %cos3A_59 : vector<16x128xf32> to vector<1x16x128xf32>
    %stack3A_217 = vector.shape_cast %cos3A_60 : vector<16x128xf32> to vector<1x16x128xf32>
    %stack3A_218 = vector.shape_cast %cos3A_61 : vector<16x128xf32> to vector<1x16x128xf32>
    %stack3A_219 = vector.shape_cast %sin3A_105 : vector<16x128xf32> to vector<1x16x128xf32>
    %stack3A_220 = vector.shape_cast %sin3A_106 : vector<16x128xf32> to vector<1x16x128xf32>
    %stack3A_221 = vector.shape_cast %sin3A_107 : vector<16x128xf32> to vector<1x16x128xf32>
    %stack3A_222 = vector.shape_cast %sin3A_108 : vector<16x128xf32> to vector<1x16x128xf32>
    %stack3A_223 = vector.shape_cast %sin3A_109 : vector<16x128xf32> to vector<1x16x128xf32>
    %stack3A_224 = vector.shape_cast %sin3A_110 : vector<16x128xf32> to vector<1x16x128xf32>
    %stack3A_225 = vector.shape_cast %sin3A_111 : vector<16x128xf32> to vector<1x16x128xf32>
    %stack3A_226 = vector.shape_cast %sin3A_112 : vector<16x128xf32> to vector<1x16x128xf32>
    %stack3A_227 = vector.shape_cast %sin3A_113 : vector<16x128xf32> to vector<1x16x128xf32>
    %stack3A_228 = vector.shape_cast %sin3A_114 : vector<16x128xf32> to vector<1x16x128xf32>
    %stack3A_229 = vector.shape_cast %sin3A_115 : vector<16x128xf32> to vector<1x16x128xf32>
    %stack3A_230 = vector.shape_cast %sin3A_116 : vector<16x128xf32> to vector<1x16x128xf32>
    %stack3A_231 = vector.shape_cast %cos3A_117 : vector<16x128xf32> to vector<1x16x128xf32>
    %stack3A_232 = vector.shape_cast %cos3A_118 : vector<16x128xf32> to vector<1x16x128xf32>
    %stack3A_233 = vector.shape_cast %cos3A_119 : vector<16x128xf32> to vector<1x16x128xf32>
    %stack3A_234 = vector.shape_cast %cos3A_120 : vector<16x128xf32> to vector<1x16x128xf32>
    %stack3A_235 = vector.shape_cast %cos3A_121 : vector<16x128xf32> to vector<1x16x128xf32>
    %stack3A_236 = vector.shape_cast %cos3A_122 : vector<16x128xf32> to vector<1x16x128xf32>
    %stack3A_237 = vector.shape_cast %cos3A_123 : vector<16x128xf32> to vector<1x16x128xf32>
    %stack3A_238 = vector.shape_cast %cos3A_124 : vector<16x128xf32> to vector<1x16x128xf32>
    %stack3A_239 = vector.shape_cast %cos3A_125 : vector<16x128xf32> to vector<1x16x128xf32>
    %stack3A_240 = vector.shape_cast %cos3A_126 : vector<16x128xf32> to vector<1x16x128xf32>
    %stack3A_241 = vector.shape_cast %cos3A_127 : vector<16x128xf32> to vector<1x16x128xf32>
    %stack3A_242 = vector.shape_cast %cos3A_128 : vector<16x128xf32> to vector<1x16x128xf32>
    %stack3A_243 = vector.shape_cast %sin3A_172 : vector<16x128xf32> to vector<1x16x128xf32>
    %stack3A_244 = vector.shape_cast %sin3A_173 : vector<16x128xf32> to vector<1x16x128xf32>
    %stack3A_245 = vector.shape_cast %sin3A_174 : vector<16x128xf32> to vector<1x16x128xf32>
    %stack3A_246 = vector.shape_cast %sin3A_175 : vector<16x128xf32> to vector<1x16x128xf32>
    %stack3A_247 = vector.shape_cast %sin3A_176 : vector<16x128xf32> to vector<1x16x128xf32>
    %stack3A_248 = vector.shape_cast %sin3A_177 : vector<16x128xf32> to vector<1x16x128xf32>
    %stack3A_249 = vector.shape_cast %sin3A_178 : vector<16x128xf32> to vector<1x16x128xf32>
    %stack3A_250 = vector.shape_cast %sin3A_179 : vector<16x128xf32> to vector<1x16x128xf32>
    %stack3A_251 = vector.shape_cast %sin3A_180 : vector<16x128xf32> to vector<1x16x128xf32>
    %stack3A_252 = vector.shape_cast %sin3A_181 : vector<16x128xf32> to vector<1x16x128xf32>
    %stack3A_253 = vector.shape_cast %sin3A_182 : vector<16x128xf32> to vector<1x16x128xf32>
    %stack3A_254 = vector.shape_cast %sin3A_183 : vector<16x128xf32> to vector<1x16x128xf32>
    %stack3A_255 = vector.shape_cast %cos3A_184 : vector<16x128xf32> to vector<1x16x128xf32>
    %stack3A_256 = vector.shape_cast %cos3A_185 : vector<16x128xf32> to vector<1x16x128xf32>
    %stack3A_257 = vector.shape_cast %cos3A_186 : vector<16x128xf32> to vector<1x16x128xf32>
    %stack3A_258 = vector.shape_cast %cos3A_187 : vector<16x128xf32> to vector<1x16x128xf32>
    %stack3A_259 = vector.shape_cast %cos3A_188 : vector<16x128xf32> to vector<1x16x128xf32>
    %stack3A_260 = vector.shape_cast %cos3A_189 : vector<16x128xf32> to vector<1x16x128xf32>
    %stack3A_261 = vector.shape_cast %cos3A_190 : vector<16x128xf32> to vector<1x16x128xf32>
    %stack3A_262 = vector.shape_cast %cos3A_191 : vector<16x128xf32> to vector<1x16x128xf32>
    %stack3A_263 = vector.shape_cast %cos3A_192 : vector<16x128xf32> to vector<1x16x128xf32>
    %stack3A_264 = vector.shape_cast %cos3A_193 : vector<16x128xf32> to vector<1x16x128xf32>
    %stack3A_265 = vector.shape_cast %cos3A_194 : vector<16x128xf32> to vector<1x16x128xf32>
    %stack3A_266 = vector.shape_cast %cos3A_195 : vector<16x128xf32> to vector<1x16x128xf32>
    %stack3A_267 = tpu.concatenate %stack3A, %stack3A_196, %stack3A_197, %stack3A_198, %stack3A_199, %stack3A_200, %stack3A_201, %stack3A_202, %stack3A_203, %stack3A_204, %stack3A_205, %stack3A_206, %stack3A_207, %stack3A_208, %stack3A_209, %stack3A_210, %stack3A_211, %stack3A_212, %stack3A_213, %stack3A_214, %stack3A_215, %stack3A_216, %stack3A_217, %stack3A_218, %stack3A_219, %stack3A_220, %stack3A_221, %stack3A_222, %stack3A_223, %stack3A_224, %stack3A_225, %stack3A_226, %stack3A_227, %stack3A_228, %stack3A_229, %stack3A_230, %stack3A_231, %stack3A_232, %stack3A_233, %stack3A_234, %stack3A_235, %stack3A_236, %stack3A_237, %stack3A_238, %stack3A_239, %stack3A_240, %stack3A_241, %stack3A_242, %stack3A_243, %stack3A_244, %stack3A_245, %stack3A_246, %stack3A_247, %stack3A_248, %stack3A_249, %stack3A_250, %stack3A_251, %stack3A_252, %stack3A_253, %stack3A_254, %stack3A_255, %stack3A_256, %stack3A_257, %stack3A_258, %stack3A_259, %stack3A_260, %stack3A_261, %stack3A_262, %stack3A_263, %stack3A_264, %stack3A_265, %stack3A_266 in 0 : vector<1x16x128xf32>, vector<1x16x128xf32>, vector<1x16x128xf32>, vector<1x16x128xf32>, vector<1x16x128xf32>, vector<1x16x128xf32>, vector<1x16x128xf32>, vector<1x16x128xf32>, vector<1x16x128xf32>, vector<1x16x128xf32>, vector<1x16x128xf32>, vector<1x16x128xf32>, vector<1x16x128xf32>, vector<1x16x128xf32>, vector<1x16x128xf32>, vector<1x16x128xf32>, vector<1x16x128xf32>, vector<1x16x128xf32>, vector<1x16x128xf32>, vector<1x16x128xf32>, vector<1x16x128xf32>, vector<1x16x128xf32>, vector<1x16x128xf32>, vector<1x16x128xf32>, vector<1x16x128xf32>, vector<1x16x128xf32>, vector<1x16x128xf32>, vector<1x16x128xf32>, vector<1x16x128xf32>, vector<1x16x128xf32>, vector<1x16x128xf32>, vector<1x16x128xf32>, vector<1x16x128xf32>, vector<1x16x128xf32>, vector<1x16x128xf32>, vector<1x16x128xf32>, vector<1x16x128xf32>, vector<1x16x128xf32>, vector<1x16x128xf32>, vector<1x16x128xf32>, vector<1x16x128xf32>, vector<1x16x128xf32>, vector<1x16x128xf32>, vector<1x16x128xf32>, vector<1x16x128xf32>, vector<1x16x128xf32>, vector<1x16x128xf32>, vector<1x16x128xf32>, vector<1x16x128xf32>, vector<1x16x128xf32>, vector<1x16x128xf32>, vector<1x16x128xf32>, vector<1x16x128xf32>, vector<1x16x128xf32>, vector<1x16x128xf32>, vector<1x16x128xf32>, vector<1x16x128xf32>, vector<1x16x128xf32>, vector<1x16x128xf32>, vector<1x16x128xf32>, vector<1x16x128xf32>, vector<1x16x128xf32>, vector<1x16x128xf32>, vector<1x16x128xf32>, vector<1x16x128xf32>, vector<1x16x128xf32>, vector<1x16x128xf32>, vector<1x16x128xf32>, vector<1x16x128xf32>, vector<1x16x128xf32>, vector<1x16x128xf32>, vector<1x16x128xf32> -> vector<72x16x128xf32>
    %get3A_268 = arith.constant 0 : index
    %get3A_269 = arith.constant 0 : index
    %get3A_270 = vector.load %arg7[%get3A_268, %get3A_269] : memref<72x192xf32, #tpu.memory_space<vmem>>, vector<72x192xf32>
    %slice3A = vector.extract_strided_slice %stack3A_267 {offsets = [0, 0, 0], sizes = [72, 1, 128], strides = [1, 1, 1]} : vector<72x16x128xf32> to vector<72x1x128xf32>
    %squeeze3A = vector.shape_cast %slice3A : vector<72x1x128xf32> to vector<72x128xf32>
    %dot_general3A = arith.constant dense<0.000000e+00> : vector<192x128xf32>
    %dot_general3A_271 = tpu.matmul %get3A_270, %squeeze3A, %dot_general3A {dimension_numbers = #tpu.dot_dimension_numbers<[0], [0], [1], [1], [0, 1, 1, 1], [], []>, transpose_lhs_hint = false} : vector<72x192xf32>, vector<72x128xf32>, vector<192x128xf32> -> vector<192x128xf32>
    %slice3A_272 = vector.extract_strided_slice %dot_general3A_271 {offsets = [0, 0], sizes = [64, 128], strides = [1, 1]} : vector<192x128xf32> to vector<64x128xf32>
    %get3A_273 = arith.constant 0 : index
    %get3A_274 = arith.constant 0 : index
    %get3A_275 = vector.load %arg8[%get3A_273, %get3A_274] : memref<64x1xf32, #tpu.memory_space<vmem>>, vector<64x1xf32>
    %add3A = vector.broadcast %get3A_275 : vector<64x1xf32> to vector<64x128xf32>
    %add3A_276 = arith.addf %slice3A_272, %add3A : vector<64x128xf32>
    %swap3A = arith.constant 0 : index
    %swap3A_277 = arith.constant 0 : index
    %swap3A_278 = vector.load %arg11[%swap3A, %swap3A_277] : memref<64x2048xf32, #tpu.memory_space<vmem>>, vector<64x128xf32>
    tpu.vector_store %arg11[%swap3A, %swap3A_277], %add3A_276 {strides = array<i32>} : memref<64x2048xf32, #tpu.memory_space<vmem>>, vector<64x128xf32>,
    %slice3A_279 = vector.extract_strided_slice %dot_general3A_271 {offsets = [64, 0], sizes = [64, 128], strides = [1, 1]} : vector<192x128xf32> to vector<64x128xf32>
    %get3A_280 = arith.constant 0 : index
    %get3A_281 = arith.constant 0 : index
    %get3A_282 = vector.load %arg9[%get3A_280, %get3A_281] : memref<64x1xf32, #tpu.memory_space<vmem>>, vector<64x1xf32>
    %add3A_283 = vector.broadcast %get3A_282 : vector<64x1xf32> to vector<64x128xf32>
    %add3A_284 = arith.addf %slice3A_279, %add3A_283 : vector<64x128xf32>
    %swap3A_285 = arith.constant 0 : index
    %swap3A_286 = arith.constant 0 : index
    %swap3A_287 = vector.load %arg12[%swap3A_285, %swap3A_286] : memref<64x2048xf32, #tpu.memory_space<vmem>>, vector<64x128xf32>
    tpu.vector_store %arg12[%swap3A_285, %swap3A_286], %add3A_284 {strides = array<i32>} : memref<64x2048xf32, #tpu.memory_space<vmem>>, vector<64x128xf32>,
    %slice3A_288 = vector.extract_strided_slice %dot_general3A_271 {offsets = [128, 0], sizes = [64, 128], strides = [1, 1]} : vector<192x128xf32> to vector<64x128xf32>
    %get3A_289 = arith.constant 0 : index
    %get3A_290 = arith.constant 0 : index
    %get3A_291 = vector.load %arg10[%get3A_289, %get3A_290] : memref<64x1xf32, #tpu.memory_space<vmem>>, vector<64x1xf32>
    %add3A_292 = vector.broadcast %get3A_291 : vector<64x1xf32> to vector<64x128xf32>
    %add3A_293 = arith.addf %slice3A_288, %add3A_292 : vector<64x128xf32>
    %swap3A_294 = arith.constant 0 : index
    %swap3A_295 = arith.constant 0 : index
    %swap3A_296 = vector.load %arg13[%swap3A_294, %swap3A_295] : memref<64x2048xf32, #tpu.memory_space<vmem>>, vector<64x128xf32>
    tpu.vector_store %arg13[%swap3A_294, %swap3A_295], %add3A_293 {strides = array<i32>} : memref<64x2048xf32, #tpu.memory_space<vmem>>, vector<64x128xf32>,
    %slice3A_297 = vector.extract_strided_slice %stack3A_267 {offsets = [0, 1, 0], sizes = [72, 1, 128], strides = [1, 1, 1]} : vector<72x16x128xf32> to vector<72x1x128xf32>
    %squeeze3A_298 = vector.shape_cast %slice3A_297 : vector<72x1x128xf32> to vector<72x128xf32>
    %dot_general3A_299 = arith.constant dense<0.000000e+00> : vector<192x128xf32>
    %dot_general3A_300 = tpu.matmul %get3A_270, %squeeze3A_298, %dot_general3A_299 {dimension_numbers = #tpu.dot_dimension_numbers<[0], [0], [1], [1], [0, 1, 1, 1], [], []>, transpose_lhs_hint = false} : vector<72x192xf32>, vector<72x128xf32>, vector<192x128xf32> -> vector<192x128xf32>
    %slice3A_301 = vector.extract_strided_slice %dot_general3A_300 {offsets = [0, 0], sizes = [64, 128], strides = [1, 1]} : vector<192x128xf32> to vector<64x128xf32>
    %get3A_302 = arith.constant 0 : index
    %get3A_303 = arith.constant 0 : index
    %get3A_304 = vector.load %arg8[%get3A_302, %get3A_303] : memref<64x1xf32, #tpu.memory_space<vmem>>, vector<64x1xf32>
    %add3A_305 = vector.broadcast %get3A_304 : vector<64x1xf32> to vector<64x128xf32>
    %add3A_306 = arith.addf %slice3A_301, %add3A_305 : vector<64x128xf32>
    %swap3A_307 = arith.constant 0 : index
    %swap3A_308 = arith.constant 128 : index
    %swap3A_309 = vector.load %arg11[%swap3A_307, %swap3A_308] : memref<64x2048xf32, #tpu.memory_space<vmem>>, vector<64x128xf32>
    tpu.vector_store %arg11[%swap3A_307, %swap3A_308], %add3A_306 {strides = array<i32>} : memref<64x2048xf32, #tpu.memory_space<vmem>>, vector<64x128xf32>,
    %slice3A_310 = vector.extract_strided_slice %dot_general3A_300 {offsets = [64, 0], sizes = [64, 128], strides = [1, 1]} : vector<192x128xf32> to vector<64x128xf32>
    %get3A_311 = arith.constant 0 : index
    %get3A_312 = arith.constant 0 : index
    %get3A_313 = vector.load %arg9[%get3A_311, %get3A_312] : memref<64x1xf32, #tpu.memory_space<vmem>>, vector<64x1xf32>
    %add3A_314 = vector.broadcast %get3A_313 : vector<64x1xf32> to vector<64x128xf32>
    %add3A_315 = arith.addf %slice3A_310, %add3A_314 : vector<64x128xf32>
    %swap3A_316 = arith.constant 0 : index
    %swap3A_317 = arith.constant 128 : index
    %swap3A_318 = vector.load %arg12[%swap3A_316, %swap3A_317] : memref<64x2048xf32, #tpu.memory_space<vmem>>, vector<64x128xf32>
    tpu.vector_store %arg12[%swap3A_316, %swap3A_317], %add3A_315 {strides = array<i32>} : memref<64x2048xf32, #tpu.memory_space<vmem>>, vector<64x128xf32>,
    %slice3A_319 = vector.extract_strided_slice %dot_general3A_300 {offsets = [128, 0], sizes = [64, 128], strides = [1, 1]} : vector<192x128xf32> to vector<64x128xf32>
    %get3A_320 = arith.constant 0 : index
    %get3A_321 = arith.constant 0 : index
    %get3A_322 = vector.load %arg10[%get3A_320, %get3A_321] : memref<64x1xf32, #tpu.memory_space<vmem>>, vector<64x1xf32>
    %add3A_323 = vector.broadcast %get3A_322 : vector<64x1xf32> to vector<64x128xf32>
    %add3A_324 = arith.addf %slice3A_319, %add3A_323 : vector<64x128xf32>
    %swap3A_325 = arith.constant 0 : index
    %swap3A_326 = arith.constant 128 : index
    %swap3A_327 = vector.load %arg13[%swap3A_325, %swap3A_326] : memref<64x2048xf32, #tpu.memory_space<vmem>>, vector<64x128xf32>
    tpu.vector_store %arg13[%swap3A_325, %swap3A_326], %add3A_324 {strides = array<i32>} : memref<64x2048xf32, #tpu.memory_space<vmem>>, vector<64x128xf32>,
    %slice3A_328 = vector.extract_strided_slice %stack3A_267 {offsets = [0, 2, 0], sizes = [72, 1, 128], strides = [1, 1, 1]} : vector<72x16x128xf32> to vector<72x1x128xf32>
    %squeeze3A_329 = vector.shape_cast %slice3A_328 : vector<72x1x128xf32> to vector<72x128xf32>
    %dot_general3A_330 = arith.constant dense<0.000000e+00> : vector<192x128xf32>
    %dot_general3A_331 = tpu.matmul %get3A_270, %squeeze3A_329, %dot_general3A_330 {dimension_numbers = #tpu.dot_dimension_numbers<[0], [0], [1], [1], [0, 1, 1, 1], [], []>, transpose_lhs_hint = false} : vector<72x192xf32>, vector<72x128xf32>, vector<192x128xf32> -> vector<192x128xf32>
    %slice3A_332 = vector.extract_strided_slice %dot_general3A_331 {offsets = [0, 0], sizes = [64, 128], strides = [1, 1]} : vector<192x128xf32> to vector<64x128xf32>
    %get3A_333 = arith.constant 0 : index
    %get3A_334 = arith.constant 0 : index
    %get3A_335 = vector.load %arg8[%get3A_333, %get3A_334] : memref<64x1xf32, #tpu.memory_space<vmem>>, vector<64x1xf32>
    %add3A_336 = vector.broadcast %get3A_335 : vector<64x1xf32> to vector<64x128xf32>
    %add3A_337 = arith.addf %slice3A_332, %add3A_336 : vector<64x128xf32>
    %swap3A_338 = arith.constant 0 : index
    %swap3A_339 = arith.constant 256 : index
    %swap3A_340 = vector.load %arg11[%swap3A_338, %swap3A_339] : memref<64x2048xf32, #tpu.memory_space<vmem>>, vector<64x128xf32>
    tpu.vector_store %arg11[%swap3A_338, %swap3A_339], %add3A_337 {strides = array<i32>} : memref<64x2048xf32, #tpu.memory_space<vmem>>, vector<64x128xf32>,
    %slice3A_341 = vector.extract_strided_slice %dot_general3A_331 {offsets = [64, 0], sizes = [64, 128], strides = [1, 1]} : vector<192x128xf32> to vector<64x128xf32>
    %get3A_342 = arith.constant 0 : index
    %get3A_343 = arith.constant 0 : index
    %get3A_344 = vector.load %arg9[%get3A_342, %get3A_343] : memref<64x1xf32, #tpu.memory_space<vmem>>, vector<64x1xf32>
    %add3A_345 = vector.broadcast %get3A_344 : vector<64x1xf32> to vector<64x128xf32>
    %add3A_346 = arith.addf %slice3A_341, %add3A_345 : vector<64x128xf32>
    %swap3A_347 = arith.constant 0 : index
    %swap3A_348 = arith.constant 256 : index
    %swap3A_349 = vector.load %arg12[%swap3A_347, %swap3A_348] : memref<64x2048xf32, #tpu.memory_space<vmem>>, vector<64x128xf32>
    tpu.vector_store %arg12[%swap3A_347, %swap3A_348], %add3A_346 {strides = array<i32>} : memref<64x2048xf32, #tpu.memory_space<vmem>>, vector<64x128xf32>,
    %slice3A_350 = vector.extract_strided_slice %dot_general3A_331 {offsets = [128, 0], sizes = [64, 128], strides = [1, 1]} : vector<192x128xf32> to vector<64x128xf32>
    %get3A_351 = arith.constant 0 : index
    %get3A_352 = arith.constant 0 : index
    %get3A_353 = vector.load %arg10[%get3A_351, %get3A_352] : memref<64x1xf32, #tpu.memory_space<vmem>>, vector<64x1xf32>
    %add3A_354 = vector.broadcast %get3A_353 : vector<64x1xf32> to vector<64x128xf32>
    %add3A_355 = arith.addf %slice3A_350, %add3A_354 : vector<64x128xf32>
    %swap3A_356 = arith.constant 0 : index
    %swap3A_357 = arith.constant 256 : index
    %swap3A_358 = vector.load %arg13[%swap3A_356, %swap3A_357] : memref<64x2048xf32, #tpu.memory_space<vmem>>, vector<64x128xf32>
    tpu.vector_store %arg13[%swap3A_356, %swap3A_357], %add3A_355 {strides = array<i32>} : memref<64x2048xf32, #tpu.memory_space<vmem>>, vector<64x128xf32>,
    %slice3A_359 = vector.extract_strided_slice %stack3A_267 {offsets = [0, 3, 0], sizes = [72, 1, 128], strides = [1, 1, 1]} : vector<72x16x128xf32> to vector<72x1x128xf32>
    %squeeze3A_360 = vector.shape_cast %slice3A_359 : vector<72x1x128xf32> to vector<72x128xf32>
    %dot_general3A_361 = arith.constant dense<0.000000e+00> : vector<192x128xf32>
    %dot_general3A_362 = tpu.matmul %get3A_270, %squeeze3A_360, %dot_general3A_361 {dimension_numbers = #tpu.dot_dimension_numbers<[0], [0], [1], [1], [0, 1, 1, 1], [], []>, transpose_lhs_hint = false} : vector<72x192xf32>, vector<72x128xf32>, vector<192x128xf32> -> vector<192x128xf32>
    %slice3A_363 = vector.extract_strided_slice %dot_general3A_362 {offsets = [0, 0], sizes = [64, 128], strides = [1, 1]} : vector<192x128xf32> to vector<64x128xf32>
    %get3A_364 = arith.constant 0 : index
    %get3A_365 = arith.constant 0 : index
    %get3A_366 = vector.load %arg8[%get3A_364, %get3A_365] : memref<64x1xf32, #tpu.memory_space<vmem>>, vector<64x1xf32>
    %add3A_367 = vector.broadcast %get3A_366 : vector<64x1xf32> to vector<64x128xf32>
    %add3A_368 = arith.addf %slice3A_363, %add3A_367 : vector<64x128xf32>
    %swap3A_369 = arith.constant 0 : index
    %swap3A_370 = arith.constant 384 : index
    %swap3A_371 = vector.load %arg11[%swap3A_369, %swap3A_370] : memref<64x2048xf32, #tpu.memory_space<vmem>>, vector<64x128xf32>
    tpu.vector_store %arg11[%swap3A_369, %swap3A_370], %add3A_368 {strides = array<i32>} : memref<64x2048xf32, #tpu.memory_space<vmem>>, vector<64x128xf32>,
    %slice3A_372 = vector.extract_strided_slice %dot_general3A_362 {offsets = [64, 0], sizes = [64, 128], strides = [1, 1]} : vector<192x128xf32> to vector<64x128xf32>
    %get3A_373 = arith.constant 0 : index
    %get3A_374 = arith.constant 0 : index
    %get3A_375 = vector.load %arg9[%get3A_373, %get3A_374] : memref<64x1xf32, #tpu.memory_space<vmem>>, vector<64x1xf32>
    %add3A_376 = vector.broadcast %get3A_375 : vector<64x1xf32> to vector<64x128xf32>
    %add3A_377 = arith.addf %slice3A_372, %add3A_376 : vector<64x128xf32>
    %swap3A_378 = arith.constant 0 : index
    %swap3A_379 = arith.constant 384 : index
    %swap3A_380 = vector.load %arg12[%swap3A_378, %swap3A_379] : memref<64x2048xf32, #tpu.memory_space<vmem>>, vector<64x128xf32>
    tpu.vector_store %arg12[%swap3A_378, %swap3A_379], %add3A_377 {strides = array<i32>} : memref<64x2048xf32, #tpu.memory_space<vmem>>, vector<64x128xf32>,
    %slice3A_381 = vector.extract_strided_slice %dot_general3A_362 {offsets = [128, 0], sizes = [64, 128], strides = [1, 1]} : vector<192x128xf32> to vector<64x128xf32>
    %get3A_382 = arith.constant 0 : index
    %get3A_383 = arith.constant 0 : index
    %get3A_384 = vector.load %arg10[%get3A_382, %get3A_383] : memref<64x1xf32, #tpu.memory_space<vmem>>, vector<64x1xf32>
    %add3A_385 = vector.broadcast %get3A_384 : vector<64x1xf32> to vector<64x128xf32>
    %add3A_386 = arith.addf %slice3A_381, %add3A_385 : vector<64x128xf32>
    %swap3A_387 = arith.constant 0 : index
    %swap3A_388 = arith.constant 384 : index
    %swap3A_389 = vector.load %arg13[%swap3A_387, %swap3A_388] : memref<64x2048xf32, #tpu.memory_space<vmem>>, vector<64x128xf32>
    tpu.vector_store %arg13[%swap3A_387, %swap3A_388], %add3A_386 {strides = array<i32>} : memref<64x2048xf32, #tpu.memory_space<vmem>>, vector<64x128xf32>,
    %slice3A_390 = vector.extract_strided_slice %stack3A_267 {offsets = [0, 4, 0], sizes = [72, 1, 128], strides = [1, 1, 1]} : vector<72x16x128xf32> to vector<72x1x128xf32>
    %squeeze3A_391 = vector.shape_cast %slice3A_390 : vector<72x1x128xf32> to vector<72x128xf32>
    %dot_general3A_392 = arith.constant dense<0.000000e+00> : vector<192x128xf32>
    %dot_general3A_393 = tpu.matmul %get3A_270, %squeeze3A_391, %dot_general3A_392 {dimension_numbers = #tpu.dot_dimension_numbers<[0], [0], [1], [1], [0, 1, 1, 1], [], []>, transpose_lhs_hint = false} : vector<72x192xf32>, vector<72x128xf32>, vector<192x128xf32> -> vector<192x128xf32>
    %slice3A_394 = vector.extract_strided_slice %dot_general3A_393 {offsets = [0, 0], sizes = [64, 128], strides = [1, 1]} : vector<192x128xf32> to vector<64x128xf32>
    %get3A_395 = arith.constant 0 : index
    %get3A_396 = arith.constant 0 : index
    %get3A_397 = vector.load %arg8[%get3A_395, %get3A_396] : memref<64x1xf32, #tpu.memory_space<vmem>>, vector<64x1xf32>
    %add3A_398 = vector.broadcast %get3A_397 : vector<64x1xf32> to vector<64x128xf32>
    %add3A_399 = arith.addf %slice3A_394, %add3A_398 : vector<64x128xf32>
    %swap3A_400 = arith.constant 0 : index
    %swap3A_401 = arith.constant 512 : index
    %swap3A_402 = vector.load %arg11[%swap3A_400, %swap3A_401] : memref<64x2048xf32, #tpu.memory_space<vmem>>, vector<64x128xf32>
    tpu.vector_store %arg11[%swap3A_400, %swap3A_401], %add3A_399 {strides = array<i32>} : memref<64x2048xf32, #tpu.memory_space<vmem>>, vector<64x128xf32>,
    %slice3A_403 = vector.extract_strided_slice %dot_general3A_393 {offsets = [64, 0], sizes = [64, 128], strides = [1, 1]} : vector<192x128xf32> to vector<64x128xf32>
    %get3A_404 = arith.constant 0 : index
    %get3A_405 = arith.constant 0 : index
    %get3A_406 = vector.load %arg9[%get3A_404, %get3A_405] : memref<64x1xf32, #tpu.memory_space<vmem>>, vector<64x1xf32>
    %add3A_407 = vector.broadcast %get3A_406 : vector<64x1xf32> to vector<64x128xf32>
    %add3A_408 = arith.addf %slice3A_403, %add3A_407 : vector<64x128xf32>
    %swap3A_409 = arith.constant 0 : index
    %swap3A_410 = arith.constant 512 : index
    %swap3A_411 = vector.load %arg12[%swap3A_409, %swap3A_410] : memref<64x2048xf32, #tpu.memory_space<vmem>>, vector<64x128xf32>
    tpu.vector_store %arg12[%swap3A_409, %swap3A_410], %add3A_408 {strides = array<i32>} : memref<64x2048xf32, #tpu.memory_space<vmem>>, vector<64x128xf32>,
    %slice3A_412 = vector.extract_strided_slice %dot_general3A_393 {offsets = [128, 0], sizes = [64, 128], strides = [1, 1]} : vector<192x128xf32> to vector<64x128xf32>
    %get3A_413 = arith.constant 0 : index
    %get3A_414 = arith.constant 0 : index
    %get3A_415 = vector.load %arg10[%get3A_413, %get3A_414] : memref<64x1xf32, #tpu.memory_space<vmem>>, vector<64x1xf32>
    %add3A_416 = vector.broadcast %get3A_415 : vector<64x1xf32> to vector<64x128xf32>
    %add3A_417 = arith.addf %slice3A_412, %add3A_416 : vector<64x128xf32>
    %swap3A_418 = arith.constant 0 : index
    %swap3A_419 = arith.constant 512 : index
    %swap3A_420 = vector.load %arg13[%swap3A_418, %swap3A_419] : memref<64x2048xf32, #tpu.memory_space<vmem>>, vector<64x128xf32>
    tpu.vector_store %arg13[%swap3A_418, %swap3A_419], %add3A_417 {strides = array<i32>} : memref<64x2048xf32, #tpu.memory_space<vmem>>, vector<64x128xf32>,
    %slice3A_421 = vector.extract_strided_slice %stack3A_267 {offsets = [0, 5, 0], sizes = [72, 1, 128], strides = [1, 1, 1]} : vector<72x16x128xf32> to vector<72x1x128xf32>
    %squeeze3A_422 = vector.shape_cast %slice3A_421 : vector<72x1x128xf32> to vector<72x128xf32>
    %dot_general3A_423 = arith.constant dense<0.000000e+00> : vector<192x128xf32>
    %dot_general3A_424 = tpu.matmul %get3A_270, %squeeze3A_422, %dot_general3A_423 {dimension_numbers = #tpu.dot_dimension_numbers<[0], [0], [1], [1], [0, 1, 1, 1], [], []>, transpose_lhs_hint = false} : vector<72x192xf32>, vector<72x128xf32>, vector<192x128xf32> -> vector<192x128xf32>
    %slice3A_425 = vector.extract_strided_slice %dot_general3A_424 {offsets = [0, 0], sizes = [64, 128], strides = [1, 1]} : vector<192x128xf32> to vector<64x128xf32>
    %get3A_426 = arith.constant 0 : index
    %get3A_427 = arith.constant 0 : index
    %get3A_428 = vector.load %arg8[%get3A_426, %get3A_427] : memref<64x1xf32, #tpu.memory_space<vmem>>, vector<64x1xf32>
    %add3A_429 = vector.broadcast %get3A_428 : vector<64x1xf32> to vector<64x128xf32>
    %add3A_430 = arith.addf %slice3A_425, %add3A_429 : vector<64x128xf32>
    %swap3A_431 = arith.constant 0 : index
    %swap3A_432 = arith.constant 640 : index
    %swap3A_433 = vector.load %arg11[%swap3A_431, %swap3A_432] : memref<64x2048xf32, #tpu.memory_space<vmem>>, vector<64x128xf32>
    tpu.vector_store %arg11[%swap3A_431, %swap3A_432], %add3A_430 {strides = array<i32>} : memref<64x2048xf32, #tpu.memory_space<vmem>>, vector<64x128xf32>,
    %slice3A_434 = vector.extract_strided_slice %dot_general3A_424 {offsets = [64, 0], sizes = [64, 128], strides = [1, 1]} : vector<192x128xf32> to vector<64x128xf32>
    %get3A_435 = arith.constant 0 : index
    %get3A_436 = arith.constant 0 : index
    %get3A_437 = vector.load %arg9[%get3A_435, %get3A_436] : memref<64x1xf32, #tpu.memory_space<vmem>>, vector<64x1xf32>
    %add3A_438 = vector.broadcast %get3A_437 : vector<64x1xf32> to vector<64x128xf32>
    %add3A_439 = arith.addf %slice3A_434, %add3A_438 : vector<64x128xf32>
    %swap3A_440 = arith.constant 0 : index
    %swap3A_441 = arith.constant 640 : index
    %swap3A_442 = vector.load %arg12[%swap3A_440, %swap3A_441] : memref<64x2048xf32, #tpu.memory_space<vmem>>, vector<64x128xf32>
    tpu.vector_store %arg12[%swap3A_440, %swap3A_441], %add3A_439 {strides = array<i32>} : memref<64x2048xf32, #tpu.memory_space<vmem>>, vector<64x128xf32>,
    %slice3A_443 = vector.extract_strided_slice %dot_general3A_424 {offsets = [128, 0], sizes = [64, 128], strides = [1, 1]} : vector<192x128xf32> to vector<64x128xf32>
    %get3A_444 = arith.constant 0 : index
    %get3A_445 = arith.constant 0 : index
    %get3A_446 = vector.load %arg10[%get3A_444, %get3A_445] : memref<64x1xf32, #tpu.memory_space<vmem>>, vector<64x1xf32>
    %add3A_447 = vector.broadcast %get3A_446 : vector<64x1xf32> to vector<64x128xf32>
    %add3A_448 = arith.addf %slice3A_443, %add3A_447 : vector<64x128xf32>
    %swap3A_449 = arith.constant 0 : index
    %swap3A_450 = arith.constant 640 : index
    %swap3A_451 = vector.load %arg13[%swap3A_449, %swap3A_450] : memref<64x2048xf32, #tpu.memory_space<vmem>>, vector<64x128xf32>
    tpu.vector_store %arg13[%swap3A_449, %swap3A_450], %add3A_448 {strides = array<i32>} : memref<64x2048xf32, #tpu.memory_space<vmem>>, vector<64x128xf32>,
    %slice3A_452 = vector.extract_strided_slice %stack3A_267 {offsets = [0, 6, 0], sizes = [72, 1, 128], strides = [1, 1, 1]} : vector<72x16x128xf32> to vector<72x1x128xf32>
    %squeeze3A_453 = vector.shape_cast %slice3A_452 : vector<72x1x128xf32> to vector<72x128xf32>
    %dot_general3A_454 = arith.constant dense<0.000000e+00> : vector<192x128xf32>
    %dot_general3A_455 = tpu.matmul %get3A_270, %squeeze3A_453, %dot_general3A_454 {dimension_numbers = #tpu.dot_dimension_numbers<[0], [0], [1], [1], [0, 1, 1, 1], [], []>, transpose_lhs_hint = false} : vector<72x192xf32>, vector<72x128xf32>, vector<192x128xf32> -> vector<192x128xf32>
    %slice3A_456 = vector.extract_strided_slice %dot_general3A_455 {offsets = [0, 0], sizes = [64, 128], strides = [1, 1]} : vector<192x128xf32> to vector<64x128xf32>
    %get3A_457 = arith.constant 0 : index
    %get3A_458 = arith.constant 0 : index
    %get3A_459 = vector.load %arg8[%get3A_457, %get3A_458] : memref<64x1xf32, #tpu.memory_space<vmem>>, vector<64x1xf32>
    %add3A_460 = vector.broadcast %get3A_459 : vector<64x1xf32> to vector<64x128xf32>
    %add3A_461 = arith.addf %slice3A_456, %add3A_460 : vector<64x128xf32>
    %swap3A_462 = arith.constant 0 : index
    %swap3A_463 = arith.constant 768 : index
    %swap3A_464 = vector.load %arg11[%swap3A_462, %swap3A_463] : memref<64x2048xf32, #tpu.memory_space<vmem>>, vector<64x128xf32>
    tpu.vector_store %arg11[%swap3A_462, %swap3A_463], %add3A_461 {strides = array<i32>} : memref<64x2048xf32, #tpu.memory_space<vmem>>, vector<64x128xf32>,
    %slice3A_465 = vector.extract_strided_slice %dot_general3A_455 {offsets = [64, 0], sizes = [64, 128], strides = [1, 1]} : vector<192x128xf32> to vector<64x128xf32>
    %get3A_466 = arith.constant 0 : index
    %get3A_467 = arith.constant 0 : index
    %get3A_468 = vector.load %arg9[%get3A_466, %get3A_467] : memref<64x1xf32, #tpu.memory_space<vmem>>, vector<64x1xf32>
    %add3A_469 = vector.broadcast %get3A_468 : vector<64x1xf32> to vector<64x128xf32>
    %add3A_470 = arith.addf %slice3A_465, %add3A_469 : vector<64x128xf32>
    %swap3A_471 = arith.constant 0 : index
    %swap3A_472 = arith.constant 768 : index
    %swap3A_473 = vector.load %arg12[%swap3A_471, %swap3A_472] : memref<64x2048xf32, #tpu.memory_space<vmem>>, vector<64x128xf32>
    tpu.vector_store %arg12[%swap3A_471, %swap3A_472], %add3A_470 {strides = array<i32>} : memref<64x2048xf32, #tpu.memory_space<vmem>>, vector<64x128xf32>,
    %slice3A_474 = vector.extract_strided_slice %dot_general3A_455 {offsets = [128, 0], sizes = [64, 128], strides = [1, 1]} : vector<192x128xf32> to vector<64x128xf32>
    %get3A_475 = arith.constant 0 : index
    %get3A_476 = arith.constant 0 : index
    %get3A_477 = vector.load %arg10[%get3A_475, %get3A_476] : memref<64x1xf32, #tpu.memory_space<vmem>>, vector<64x1xf32>
    %add3A_478 = vector.broadcast %get3A_477 : vector<64x1xf32> to vector<64x128xf32>
    %add3A_479 = arith.addf %slice3A_474, %add3A_478 : vector<64x128xf32>
    %swap3A_480 = arith.constant 0 : index
    %swap3A_481 = arith.constant 768 : index
    %swap3A_482 = vector.load %arg13[%swap3A_480, %swap3A_481] : memref<64x2048xf32, #tpu.memory_space<vmem>>, vector<64x128xf32>
    tpu.vector_store %arg13[%swap3A_480, %swap3A_481], %add3A_479 {strides = array<i32>} : memref<64x2048xf32, #tpu.memory_space<vmem>>, vector<64x128xf32>,
    %slice3A_483 = vector.extract_strided_slice %stack3A_267 {offsets = [0, 7, 0], sizes = [72, 1, 128], strides = [1, 1, 1]} : vector<72x16x128xf32> to vector<72x1x128xf32>
    %squeeze3A_484 = vector.shape_cast %slice3A_483 : vector<72x1x128xf32> to vector<72x128xf32>
    %dot_general3A_485 = arith.constant dense<0.000000e+00> : vector<192x128xf32>
    %dot_general3A_486 = tpu.matmul %get3A_270, %squeeze3A_484, %dot_general3A_485 {dimension_numbers = #tpu.dot_dimension_numbers<[0], [0], [1], [1], [0, 1, 1, 1], [], []>, transpose_lhs_hint = false} : vector<72x192xf32>, vector<72x128xf32>, vector<192x128xf32> -> vector<192x128xf32>
    %slice3A_487 = vector.extract_strided_slice %dot_general3A_486 {offsets = [0, 0], sizes = [64, 128], strides = [1, 1]} : vector<192x128xf32> to vector<64x128xf32>
    %get3A_488 = arith.constant 0 : index
    %get3A_489 = arith.constant 0 : index
    %get3A_490 = vector.load %arg8[%get3A_488, %get3A_489] : memref<64x1xf32, #tpu.memory_space<vmem>>, vector<64x1xf32>
    %add3A_491 = vector.broadcast %get3A_490 : vector<64x1xf32> to vector<64x128xf32>
    %add3A_492 = arith.addf %slice3A_487, %add3A_491 : vector<64x128xf32>
    %swap3A_493 = arith.constant 0 : index
    %swap3A_494 = arith.constant 896 : index
    %swap3A_495 = vector.load %arg11[%swap3A_493, %swap3A_494] : memref<64x2048xf32, #tpu.memory_space<vmem>>, vector<64x128xf32>
    tpu.vector_store %arg11[%swap3A_493, %swap3A_494], %add3A_492 {strides = array<i32>} : memref<64x2048xf32, #tpu.memory_space<vmem>>, vector<64x128xf32>,
    %slice3A_496 = vector.extract_strided_slice %dot_general3A_486 {offsets = [64, 0], sizes = [64, 128], strides = [1, 1]} : vector<192x128xf32> to vector<64x128xf32>
    %get3A_497 = arith.constant 0 : index
    %get3A_498 = arith.constant 0 : index
    %get3A_499 = vector.load %arg9[%get3A_497, %get3A_498] : memref<64x1xf32, #tpu.memory_space<vmem>>, vector<64x1xf32>
    %add3A_500 = vector.broadcast %get3A_499 : vector<64x1xf32> to vector<64x128xf32>
    %add3A_501 = arith.addf %slice3A_496, %add3A_500 : vector<64x128xf32>
    %swap3A_502 = arith.constant 0 : index
    %swap3A_503 = arith.constant 896 : index
    %swap3A_504 = vector.load %arg12[%swap3A_502, %swap3A_503] : memref<64x2048xf32, #tpu.memory_space<vmem>>, vector<64x128xf32>
    tpu.vector_store %arg12[%swap3A_502, %swap3A_503], %add3A_501 {strides = array<i32>} : memref<64x2048xf32, #tpu.memory_space<vmem>>, vector<64x128xf32>,
    %slice3A_505 = vector.extract_strided_slice %dot_general3A_486 {offsets = [128, 0], sizes = [64, 128], strides = [1, 1]} : vector<192x128xf32> to vector<64x128xf32>
    %get3A_506 = arith.constant 0 : index
    %get3A_507 = arith.constant 0 : index
    %get3A_508 = vector.load %arg10[%get3A_506, %get3A_507] : memref<64x1xf32, #tpu.memory_space<vmem>>, vector<64x1xf32>
    %add3A_509 = vector.broadcast %get3A_508 : vector<64x1xf32> to vector<64x128xf32>
    %add3A_510 = arith.addf %slice3A_505, %add3A_509 : vector<64x128xf32>
    %swap3A_511 = arith.constant 0 : index
    %swap3A_512 = arith.constant 896 : index
    %swap3A_513 = vector.load %arg13[%swap3A_511, %swap3A_512] : memref<64x2048xf32, #tpu.memory_space<vmem>>, vector<64x128xf32>
    tpu.vector_store %arg13[%swap3A_511, %swap3A_512], %add3A_510 {strides = array<i32>} : memref<64x2048xf32, #tpu.memory_space<vmem>>, vector<64x128xf32>,
    %slice3A_514 = vector.extract_strided_slice %stack3A_267 {offsets = [0, 8, 0], sizes = [72, 1, 128], strides = [1, 1, 1]} : vector<72x16x128xf32> to vector<72x1x128xf32>
    %squeeze3A_515 = vector.shape_cast %slice3A_514 : vector<72x1x128xf32> to vector<72x128xf32>
    %dot_general3A_516 = arith.constant dense<0.000000e+00> : vector<192x128xf32>
    %dot_general3A_517 = tpu.matmul %get3A_270, %squeeze3A_515, %dot_general3A_516 {dimension_numbers = #tpu.dot_dimension_numbers<[0], [0], [1], [1], [0, 1, 1, 1], [], []>, transpose_lhs_hint = false} : vector<72x192xf32>, vector<72x128xf32>, vector<192x128xf32> -> vector<192x128xf32>
    %slice3A_518 = vector.extract_strided_slice %dot_general3A_517 {offsets = [0, 0], sizes = [64, 128], strides = [1, 1]} : vector<192x128xf32> to vector<64x128xf32>
    %get3A_519 = arith.constant 0 : index
    %get3A_520 = arith.constant 0 : index
    %get3A_521 = vector.load %arg8[%get3A_519, %get3A_520] : memref<64x1xf32, #tpu.memory_space<vmem>>, vector<64x1xf32>
    %add3A_522 = vector.broadcast %get3A_521 : vector<64x1xf32> to vector<64x128xf32>
    %add3A_523 = arith.addf %slice3A_518, %add3A_522 : vector<64x128xf32>
    %swap3A_524 = arith.constant 0 : index
    %swap3A_525 = arith.constant 1024 : index
    %swap3A_526 = vector.load %arg11[%swap3A_524, %swap3A_525] : memref<64x2048xf32, #tpu.memory_space<vmem>>, vector<64x128xf32>
    tpu.vector_store %arg11[%swap3A_524, %swap3A_525], %add3A_523 {strides = array<i32>} : memref<64x2048xf32, #tpu.memory_space<vmem>>, vector<64x128xf32>,
    %slice3A_527 = vector.extract_strided_slice %dot_general3A_517 {offsets = [64, 0], sizes = [64, 128], strides = [1, 1]} : vector<192x128xf32> to vector<64x128xf32>
    %get3A_528 = arith.constant 0 : index
    %get3A_529 = arith.constant 0 : index
    %get3A_530 = vector.load %arg9[%get3A_528, %get3A_529] : memref<64x1xf32, #tpu.memory_space<vmem>>, vector<64x1xf32>
    %add3A_531 = vector.broadcast %get3A_530 : vector<64x1xf32> to vector<64x128xf32>
    %add3A_532 = arith.addf %slice3A_527, %add3A_531 : vector<64x128xf32>
    %swap3A_533 = arith.constant 0 : index
    %swap3A_534 = arith.constant 1024 : index
    %swap3A_535 = vector.load %arg12[%swap3A_533, %swap3A_534] : memref<64x2048xf32, #tpu.memory_space<vmem>>, vector<64x128xf32>
    tpu.vector_store %arg12[%swap3A_533, %swap3A_534], %add3A_532 {strides = array<i32>} : memref<64x2048xf32, #tpu.memory_space<vmem>>, vector<64x128xf32>,
    %slice3A_536 = vector.extract_strided_slice %dot_general3A_517 {offsets = [128, 0], sizes = [64, 128], strides = [1, 1]} : vector<192x128xf32> to vector<64x128xf32>
    %get3A_537 = arith.constant 0 : index
    %get3A_538 = arith.constant 0 : index
    %get3A_539 = vector.load %arg10[%get3A_537, %get3A_538] : memref<64x1xf32, #tpu.memory_space<vmem>>, vector<64x1xf32>
    %add3A_540 = vector.broadcast %get3A_539 : vector<64x1xf32> to vector<64x128xf32>
    %add3A_541 = arith.addf %slice3A_536, %add3A_540 : vector<64x128xf32>
    %swap3A_542 = arith.constant 0 : index
    %swap3A_543 = arith.constant 1024 : index
    %swap3A_544 = vector.load %arg13[%swap3A_542, %swap3A_543] : memref<64x2048xf32, #tpu.memory_space<vmem>>, vector<64x128xf32>
    tpu.vector_store %arg13[%swap3A_542, %swap3A_543], %add3A_541 {strides = array<i32>} : memref<64x2048xf32, #tpu.memory_space<vmem>>, vector<64x128xf32>,
    %slice3A_545 = vector.extract_strided_slice %stack3A_267 {offsets = [0, 9, 0], sizes = [72, 1, 128], strides = [1, 1, 1]} : vector<72x16x128xf32> to vector<72x1x128xf32>
    %squeeze3A_546 = vector.shape_cast %slice3A_545 : vector<72x1x128xf32> to vector<72x128xf32>
    %dot_general3A_547 = arith.constant dense<0.000000e+00> : vector<192x128xf32>
    %dot_general3A_548 = tpu.matmul %get3A_270, %squeeze3A_546, %dot_general3A_547 {dimension_numbers = #tpu.dot_dimension_numbers<[0], [0], [1], [1], [0, 1, 1, 1], [], []>, transpose_lhs_hint = false} : vector<72x192xf32>, vector<72x128xf32>, vector<192x128xf32> -> vector<192x128xf32>
    %slice3A_549 = vector.extract_strided_slice %dot_general3A_548 {offsets = [0, 0], sizes = [64, 128], strides = [1, 1]} : vector<192x128xf32> to vector<64x128xf32>
    %get3A_550 = arith.constant 0 : index
    %get3A_551 = arith.constant 0 : index
    %get3A_552 = vector.load %arg8[%get3A_550, %get3A_551] : memref<64x1xf32, #tpu.memory_space<vmem>>, vector<64x1xf32>
    %add3A_553 = vector.broadcast %get3A_552 : vector<64x1xf32> to vector<64x128xf32>
    %add3A_554 = arith.addf %slice3A_549, %add3A_553 : vector<64x128xf32>
    %swap3A_555 = arith.constant 0 : index
    %swap3A_556 = arith.constant 1152 : index
    %swap3A_557 = vector.load %arg11[%swap3A_555, %swap3A_556] : memref<64x2048xf32, #tpu.memory_space<vmem>>, vector<64x128xf32>
    tpu.vector_store %arg11[%swap3A_555, %swap3A_556], %add3A_554 {strides = array<i32>} : memref<64x2048xf32, #tpu.memory_space<vmem>>, vector<64x128xf32>,
    %slice3A_558 = vector.extract_strided_slice %dot_general3A_548 {offsets = [64, 0], sizes = [64, 128], strides = [1, 1]} : vector<192x128xf32> to vector<64x128xf32>
    %get3A_559 = arith.constant 0 : index
    %get3A_560 = arith.constant 0 : index
    %get3A_561 = vector.load %arg9[%get3A_559, %get3A_560] : memref<64x1xf32, #tpu.memory_space<vmem>>, vector<64x1xf32>
    %add3A_562 = vector.broadcast %get3A_561 : vector<64x1xf32> to vector<64x128xf32>
    %add3A_563 = arith.addf %slice3A_558, %add3A_562 : vector<64x128xf32>
    %swap3A_564 = arith.constant 0 : index
    %swap3A_565 = arith.constant 1152 : index
    %swap3A_566 = vector.load %arg12[%swap3A_564, %swap3A_565] : memref<64x2048xf32, #tpu.memory_space<vmem>>, vector<64x128xf32>
    tpu.vector_store %arg12[%swap3A_564, %swap3A_565], %add3A_563 {strides = array<i32>} : memref<64x2048xf32, #tpu.memory_space<vmem>>, vector<64x128xf32>,
    %slice3A_567 = vector.extract_strided_slice %dot_general3A_548 {offsets = [128, 0], sizes = [64, 128], strides = [1, 1]} : vector<192x128xf32> to vector<64x128xf32>
    %get3A_568 = arith.constant 0 : index
    %get3A_569 = arith.constant 0 : index
    %get3A_570 = vector.load %arg10[%get3A_568, %get3A_569] : memref<64x1xf32, #tpu.memory_space<vmem>>, vector<64x1xf32>
    %add3A_571 = vector.broadcast %get3A_570 : vector<64x1xf32> to vector<64x128xf32>
    %add3A_572 = arith.addf %slice3A_567, %add3A_571 : vector<64x128xf32>
    %swap3A_573 = arith.constant 0 : index
    %swap3A_574 = arith.constant 1152 : index
    %swap3A_575 = vector.load %arg13[%swap3A_573, %swap3A_574] : memref<64x2048xf32, #tpu.memory_space<vmem>>, vector<64x128xf32>
    tpu.vector_store %arg13[%swap3A_573, %swap3A_574], %add3A_572 {strides = array<i32>} : memref<64x2048xf32, #tpu.memory_space<vmem>>, vector<64x128xf32>,
    %slice3A_576 = vector.extract_strided_slice %stack3A_267 {offsets = [0, 10, 0], sizes = [72, 1, 128], strides = [1, 1, 1]} : vector<72x16x128xf32> to vector<72x1x128xf32>
    %squeeze3A_577 = vector.shape_cast %slice3A_576 : vector<72x1x128xf32> to vector<72x128xf32>
    %dot_general3A_578 = arith.constant dense<0.000000e+00> : vector<192x128xf32>
    %dot_general3A_579 = tpu.matmul %get3A_270, %squeeze3A_577, %dot_general3A_578 {dimension_numbers = #tpu.dot_dimension_numbers<[0], [0], [1], [1], [0, 1, 1, 1], [], []>, transpose_lhs_hint = false} : vector<72x192xf32>, vector<72x128xf32>, vector<192x128xf32> -> vector<192x128xf32>
    %slice3A_580 = vector.extract_strided_slice %dot_general3A_579 {offsets = [0, 0], sizes = [64, 128], strides = [1, 1]} : vector<192x128xf32> to vector<64x128xf32>
    %get3A_581 = arith.constant 0 : index
    %get3A_582 = arith.constant 0 : index
    %get3A_583 = vector.load %arg8[%get3A_581, %get3A_582] : memref<64x1xf32, #tpu.memory_space<vmem>>, vector<64x1xf32>
    %add3A_584 = vector.broadcast %get3A_583 : vector<64x1xf32> to vector<64x128xf32>
    %add3A_585 = arith.addf %slice3A_580, %add3A_584 : vector<64x128xf32>
    %swap3A_586 = arith.constant 0 : index
    %swap3A_587 = arith.constant 1280 : index
    %swap3A_588 = vector.load %arg11[%swap3A_586, %swap3A_587] : memref<64x2048xf32, #tpu.memory_space<vmem>>, vector<64x128xf32>
    tpu.vector_store %arg11[%swap3A_586, %swap3A_587], %add3A_585 {strides = array<i32>} : memref<64x2048xf32, #tpu.memory_space<vmem>>, vector<64x128xf32>,
    %slice3A_589 = vector.extract_strided_slice %dot_general3A_579 {offsets = [64, 0], sizes = [64, 128], strides = [1, 1]} : vector<192x128xf32> to vector<64x128xf32>
    %get3A_590 = arith.constant 0 : index
    %get3A_591 = arith.constant 0 : index
    %get3A_592 = vector.load %arg9[%get3A_590, %get3A_591] : memref<64x1xf32, #tpu.memory_space<vmem>>, vector<64x1xf32>
    %add3A_593 = vector.broadcast %get3A_592 : vector<64x1xf32> to vector<64x128xf32>
    %add3A_594 = arith.addf %slice3A_589, %add3A_593 : vector<64x128xf32>
    %swap3A_595 = arith.constant 0 : index
    %swap3A_596 = arith.constant 1280 : index
    %swap3A_597 = vector.load %arg12[%swap3A_595, %swap3A_596] : memref<64x2048xf32, #tpu.memory_space<vmem>>, vector<64x128xf32>
    tpu.vector_store %arg12[%swap3A_595, %swap3A_596], %add3A_594 {strides = array<i32>} : memref<64x2048xf32, #tpu.memory_space<vmem>>, vector<64x128xf32>,
    %slice3A_598 = vector.extract_strided_slice %dot_general3A_579 {offsets = [128, 0], sizes = [64, 128], strides = [1, 1]} : vector<192x128xf32> to vector<64x128xf32>
    %get3A_599 = arith.constant 0 : index
    %get3A_600 = arith.constant 0 : index
    %get3A_601 = vector.load %arg10[%get3A_599, %get3A_600] : memref<64x1xf32, #tpu.memory_space<vmem>>, vector<64x1xf32>
    %add3A_602 = vector.broadcast %get3A_601 : vector<64x1xf32> to vector<64x128xf32>
    %add3A_603 = arith.addf %slice3A_598, %add3A_602 : vector<64x128xf32>
    %swap3A_604 = arith.constant 0 : index
    %swap3A_605 = arith.constant 1280 : index
    %swap3A_606 = vector.load %arg13[%swap3A_604, %swap3A_605] : memref<64x2048xf32, #tpu.memory_space<vmem>>, vector<64x128xf32>
    tpu.vector_store %arg13[%swap3A_604, %swap3A_605], %add3A_603 {strides = array<i32>} : memref<64x2048xf32, #tpu.memory_space<vmem>>, vector<64x128xf32>,
    %slice3A_607 = vector.extract_strided_slice %stack3A_267 {offsets = [0, 11, 0], sizes = [72, 1, 128], strides = [1, 1, 1]} : vector<72x16x128xf32> to vector<72x1x128xf32>
    %squeeze3A_608 = vector.shape_cast %slice3A_607 : vector<72x1x128xf32> to vector<72x128xf32>
    %dot_general3A_609 = arith.constant dense<0.000000e+00> : vector<192x128xf32>
    %dot_general3A_610 = tpu.matmul %get3A_270, %squeeze3A_608, %dot_general3A_609 {dimension_numbers = #tpu.dot_dimension_numbers<[0], [0], [1], [1], [0, 1, 1, 1], [], []>, transpose_lhs_hint = false} : vector<72x192xf32>, vector<72x128xf32>, vector<192x128xf32> -> vector<192x128xf32>
    %slice3A_611 = vector.extract_strided_slice %dot_general3A_610 {offsets = [0, 0], sizes = [64, 128], strides = [1, 1]} : vector<192x128xf32> to vector<64x128xf32>
    %get3A_612 = arith.constant 0 : index
    %get3A_613 = arith.constant 0 : index
    %get3A_614 = vector.load %arg8[%get3A_612, %get3A_613] : memref<64x1xf32, #tpu.memory_space<vmem>>, vector<64x1xf32>
    %add3A_615 = vector.broadcast %get3A_614 : vector<64x1xf32> to vector<64x128xf32>
    %add3A_616 = arith.addf %slice3A_611, %add3A_615 : vector<64x128xf32>
    %swap3A_617 = arith.constant 0 : index
    %swap3A_618 = arith.constant 1408 : index
    %swap3A_619 = vector.load %arg11[%swap3A_617, %swap3A_618] : memref<64x2048xf32, #tpu.memory_space<vmem>>, vector<64x128xf32>
    tpu.vector_store %arg11[%swap3A_617, %swap3A_618], %add3A_616 {strides = array<i32>} : memref<64x2048xf32, #tpu.memory_space<vmem>>, vector<64x128xf32>,
    %slice3A_620 = vector.extract_strided_slice %dot_general3A_610 {offsets = [64, 0], sizes = [64, 128], strides = [1, 1]} : vector<192x128xf32> to vector<64x128xf32>
    %get3A_621 = arith.constant 0 : index
    %get3A_622 = arith.constant 0 : index
    %get3A_623 = vector.load %arg9[%get3A_621, %get3A_622] : memref<64x1xf32, #tpu.memory_space<vmem>>, vector<64x1xf32>
    %add3A_624 = vector.broadcast %get3A_623 : vector<64x1xf32> to vector<64x128xf32>
    %add3A_625 = arith.addf %slice3A_620, %add3A_624 : vector<64x128xf32>
    %swap3A_626 = arith.constant 0 : index
    %swap3A_627 = arith.constant 1408 : index
    %swap3A_628 = vector.load %arg12[%swap3A_626, %swap3A_627] : memref<64x2048xf32, #tpu.memory_space<vmem>>, vector<64x128xf32>
    tpu.vector_store %arg12[%swap3A_626, %swap3A_627], %add3A_625 {strides = array<i32>} : memref<64x2048xf32, #tpu.memory_space<vmem>>, vector<64x128xf32>,
    %slice3A_629 = vector.extract_strided_slice %dot_general3A_610 {offsets = [128, 0], sizes = [64, 128], strides = [1, 1]} : vector<192x128xf32> to vector<64x128xf32>
    %get3A_630 = arith.constant 0 : index
    %get3A_631 = arith.constant 0 : index
    %get3A_632 = vector.load %arg10[%get3A_630, %get3A_631] : memref<64x1xf32, #tpu.memory_space<vmem>>, vector<64x1xf32>
    %add3A_633 = vector.broadcast %get3A_632 : vector<64x1xf32> to vector<64x128xf32>
    %add3A_634 = arith.addf %slice3A_629, %add3A_633 : vector<64x128xf32>
    %swap3A_635 = arith.constant 0 : index
    %swap3A_636 = arith.constant 1408 : index
    %swap3A_637 = vector.load %arg13[%swap3A_635, %swap3A_636] : memref<64x2048xf32, #tpu.memory_space<vmem>>, vector<64x128xf32>
    tpu.vector_store %arg13[%swap3A_635, %swap3A_636], %add3A_634 {strides = array<i32>} : memref<64x2048xf32, #tpu.memory_space<vmem>>, vector<64x128xf32>,
    %slice3A_638 = vector.extract_strided_slice %stack3A_267 {offsets = [0, 12, 0], sizes = [72, 1, 128], strides = [1, 1, 1]} : vector<72x16x128xf32> to vector<72x1x128xf32>
    %squeeze3A_639 = vector.shape_cast %slice3A_638 : vector<72x1x128xf32> to vector<72x128xf32>
    %dot_general3A_640 = arith.constant dense<0.000000e+00> : vector<192x128xf32>
    %dot_general3A_641 = tpu.matmul %get3A_270, %squeeze3A_639, %dot_general3A_640 {dimension_numbers = #tpu.dot_dimension_numbers<[0], [0], [1], [1], [0, 1, 1, 1], [], []>, transpose_lhs_hint = false} : vector<72x192xf32>, vector<72x128xf32>, vector<192x128xf32> -> vector<192x128xf32>
    %slice3A_642 = vector.extract_strided_slice %dot_general3A_641 {offsets = [0, 0], sizes = [64, 128], strides = [1, 1]} : vector<192x128xf32> to vector<64x128xf32>
    %get3A_643 = arith.constant 0 : index
    %get3A_644 = arith.constant 0 : index
    %get3A_645 = vector.load %arg8[%get3A_643, %get3A_644] : memref<64x1xf32, #tpu.memory_space<vmem>>, vector<64x1xf32>
    %add3A_646 = vector.broadcast %get3A_645 : vector<64x1xf32> to vector<64x128xf32>
    %add3A_647 = arith.addf %slice3A_642, %add3A_646 : vector<64x128xf32>
    %swap3A_648 = arith.constant 0 : index
    %swap3A_649 = arith.constant 1536 : index
    %swap3A_650 = vector.load %arg11[%swap3A_648, %swap3A_649] : memref<64x2048xf32, #tpu.memory_space<vmem>>, vector<64x128xf32>
    tpu.vector_store %arg11[%swap3A_648, %swap3A_649], %add3A_647 {strides = array<i32>} : memref<64x2048xf32, #tpu.memory_space<vmem>>, vector<64x128xf32>,
    %slice3A_651 = vector.extract_strided_slice %dot_general3A_641 {offsets = [64, 0], sizes = [64, 128], strides = [1, 1]} : vector<192x128xf32> to vector<64x128xf32>
    %get3A_652 = arith.constant 0 : index
    %get3A_653 = arith.constant 0 : index
    %get3A_654 = vector.load %arg9[%get3A_652, %get3A_653] : memref<64x1xf32, #tpu.memory_space<vmem>>, vector<64x1xf32>
    %add3A_655 = vector.broadcast %get3A_654 : vector<64x1xf32> to vector<64x128xf32>
    %add3A_656 = arith.addf %slice3A_651, %add3A_655 : vector<64x128xf32>
    %swap3A_657 = arith.constant 0 : index
    %swap3A_658 = arith.constant 1536 : index
    %swap3A_659 = vector.load %arg12[%swap3A_657, %swap3A_658] : memref<64x2048xf32, #tpu.memory_space<vmem>>, vector<64x128xf32>
    tpu.vector_store %arg12[%swap3A_657, %swap3A_658], %add3A_656 {strides = array<i32>} : memref<64x2048xf32, #tpu.memory_space<vmem>>, vector<64x128xf32>,
    %slice3A_660 = vector.extract_strided_slice %dot_general3A_641 {offsets = [128, 0], sizes = [64, 128], strides = [1, 1]} : vector<192x128xf32> to vector<64x128xf32>
    %get3A_661 = arith.constant 0 : index
    %get3A_662 = arith.constant 0 : index
    %get3A_663 = vector.load %arg10[%get3A_661, %get3A_662] : memref<64x1xf32, #tpu.memory_space<vmem>>, vector<64x1xf32>
    %add3A_664 = vector.broadcast %get3A_663 : vector<64x1xf32> to vector<64x128xf32>
    %add3A_665 = arith.addf %slice3A_660, %add3A_664 : vector<64x128xf32>
    %swap3A_666 = arith.constant 0 : index
    %swap3A_667 = arith.constant 1536 : index
    %swap3A_668 = vector.load %arg13[%swap3A_666, %swap3A_667] : memref<64x2048xf32, #tpu.memory_space<vmem>>, vector<64x128xf32>
    tpu.vector_store %arg13[%swap3A_666, %swap3A_667], %add3A_665 {strides = array<i32>} : memref<64x2048xf32, #tpu.memory_space<vmem>>, vector<64x128xf32>,
    %slice3A_669 = vector.extract_strided_slice %stack3A_267 {offsets = [0, 13, 0], sizes = [72, 1, 128], strides = [1, 1, 1]} : vector<72x16x128xf32> to vector<72x1x128xf32>
    %squeeze3A_670 = vector.shape_cast %slice3A_669 : vector<72x1x128xf32> to vector<72x128xf32>
    %dot_general3A_671 = arith.constant dense<0.000000e+00> : vector<192x128xf32>
    %dot_general3A_672 = tpu.matmul %get3A_270, %squeeze3A_670, %dot_general3A_671 {dimension_numbers = #tpu.dot_dimension_numbers<[0], [0], [1], [1], [0, 1, 1, 1], [], []>, transpose_lhs_hint = false} : vector<72x192xf32>, vector<72x128xf32>, vector<192x128xf32> -> vector<192x128xf32>
    %slice3A_673 = vector.extract_strided_slice %dot_general3A_672 {offsets = [0, 0], sizes = [64, 128], strides = [1, 1]} : vector<192x128xf32> to vector<64x128xf32>
    %get3A_674 = arith.constant 0 : index
    %get3A_675 = arith.constant 0 : index
    %get3A_676 = vector.load %arg8[%get3A_674, %get3A_675] : memref<64x1xf32, #tpu.memory_space<vmem>>, vector<64x1xf32>
    %add3A_677 = vector.broadcast %get3A_676 : vector<64x1xf32> to vector<64x128xf32>
    %add3A_678 = arith.addf %slice3A_673, %add3A_677 : vector<64x128xf32>
    %swap3A_679 = arith.constant 0 : index
    %swap3A_680 = arith.constant 1664 : index
    %swap3A_681 = vector.load %arg11[%swap3A_679, %swap3A_680] : memref<64x2048xf32, #tpu.memory_space<vmem>>, vector<64x128xf32>
    tpu.vector_store %arg11[%swap3A_679, %swap3A_680], %add3A_678 {strides = array<i32>} : memref<64x2048xf32, #tpu.memory_space<vmem>>, vector<64x128xf32>,
    %slice3A_682 = vector.extract_strided_slice %dot_general3A_672 {offsets = [64, 0], sizes = [64, 128], strides = [1, 1]} : vector<192x128xf32> to vector<64x128xf32>
    %get3A_683 = arith.constant 0 : index
    %get3A_684 = arith.constant 0 : index
    %get3A_685 = vector.load %arg9[%get3A_683, %get3A_684] : memref<64x1xf32, #tpu.memory_space<vmem>>, vector<64x1xf32>
    %add3A_686 = vector.broadcast %get3A_685 : vector<64x1xf32> to vector<64x128xf32>
    %add3A_687 = arith.addf %slice3A_682, %add3A_686 : vector<64x128xf32>
    %swap3A_688 = arith.constant 0 : index
    %swap3A_689 = arith.constant 1664 : index
    %swap3A_690 = vector.load %arg12[%swap3A_688, %swap3A_689] : memref<64x2048xf32, #tpu.memory_space<vmem>>, vector<64x128xf32>
    tpu.vector_store %arg12[%swap3A_688, %swap3A_689], %add3A_687 {strides = array<i32>} : memref<64x2048xf32, #tpu.memory_space<vmem>>, vector<64x128xf32>,
    %slice3A_691 = vector.extract_strided_slice %dot_general3A_672 {offsets = [128, 0], sizes = [64, 128], strides = [1, 1]} : vector<192x128xf32> to vector<64x128xf32>
    %get3A_692 = arith.constant 0 : index
    %get3A_693 = arith.constant 0 : index
    %get3A_694 = vector.load %arg10[%get3A_692, %get3A_693] : memref<64x1xf32, #tpu.memory_space<vmem>>, vector<64x1xf32>
    %add3A_695 = vector.broadcast %get3A_694 : vector<64x1xf32> to vector<64x128xf32>
    %add3A_696 = arith.addf %slice3A_691, %add3A_695 : vector<64x128xf32>
    %swap3A_697 = arith.constant 0 : index
    %swap3A_698 = arith.constant 1664 : index
    %swap3A_699 = vector.load %arg13[%swap3A_697, %swap3A_698] : memref<64x2048xf32, #tpu.memory_space<vmem>>, vector<64x128xf32>
    tpu.vector_store %arg13[%swap3A_697, %swap3A_698], %add3A_696 {strides = array<i32>} : memref<64x2048xf32, #tpu.memory_space<vmem>>, vector<64x128xf32>,
    %slice3A_700 = vector.extract_strided_slice %stack3A_267 {offsets = [0, 14, 0], sizes = [72, 1, 128], strides = [1, 1, 1]} : vector<72x16x128xf32> to vector<72x1x128xf32>
    %squeeze3A_701 = vector.shape_cast %slice3A_700 : vector<72x1x128xf32> to vector<72x128xf32>
    %dot_general3A_702 = arith.constant dense<0.000000e+00> : vector<192x128xf32>
    %dot_general3A_703 = tpu.matmul %get3A_270, %squeeze3A_701, %dot_general3A_702 {dimension_numbers = #tpu.dot_dimension_numbers<[0], [0], [1], [1], [0, 1, 1, 1], [], []>, transpose_lhs_hint = false} : vector<72x192xf32>, vector<72x128xf32>, vector<192x128xf32> -> vector<192x128xf32>
    %slice3A_704 = vector.extract_strided_slice %dot_general3A_703 {offsets = [0, 0], sizes = [64, 128], strides = [1, 1]} : vector<192x128xf32> to vector<64x128xf32>
    %get3A_705 = arith.constant 0 : index
    %get3A_706 = arith.constant 0 : index
    %get3A_707 = vector.load %arg8[%get3A_705, %get3A_706] : memref<64x1xf32, #tpu.memory_space<vmem>>, vector<64x1xf32>
    %add3A_708 = vector.broadcast %get3A_707 : vector<64x1xf32> to vector<64x128xf32>
    %add3A_709 = arith.addf %slice3A_704, %add3A_708 : vector<64x128xf32>
    %swap3A_710 = arith.constant 0 : index
    %swap3A_711 = arith.constant 1792 : index
    %swap3A_712 = vector.load %arg11[%swap3A_710, %swap3A_711] : memref<64x2048xf32, #tpu.memory_space<vmem>>, vector<64x128xf32>
    tpu.vector_store %arg11[%swap3A_710, %swap3A_711], %add3A_709 {strides = array<i32>} : memref<64x2048xf32, #tpu.memory_space<vmem>>, vector<64x128xf32>,
    %slice3A_713 = vector.extract_strided_slice %dot_general3A_703 {offsets = [64, 0], sizes = [64, 128], strides = [1, 1]} : vector<192x128xf32> to vector<64x128xf32>
    %get3A_714 = arith.constant 0 : index
    %get3A_715 = arith.constant 0 : index
    %get3A_716 = vector.load %arg9[%get3A_714, %get3A_715] : memref<64x1xf32, #tpu.memory_space<vmem>>, vector<64x1xf32>
    %add3A_717 = vector.broadcast %get3A_716 : vector<64x1xf32> to vector<64x128xf32>
    %add3A_718 = arith.addf %slice3A_713, %add3A_717 : vector<64x128xf32>
    %swap3A_719 = arith.constant 0 : index
    %swap3A_720 = arith.constant 1792 : index
    %swap3A_721 = vector.load %arg12[%swap3A_719, %swap3A_720] : memref<64x2048xf32, #tpu.memory_space<vmem>>, vector<64x128xf32>
    tpu.vector_store %arg12[%swap3A_719, %swap3A_720], %add3A_718 {strides = array<i32>} : memref<64x2048xf32, #tpu.memory_space<vmem>>, vector<64x128xf32>,
    %slice3A_722 = vector.extract_strided_slice %dot_general3A_703 {offsets = [128, 0], sizes = [64, 128], strides = [1, 1]} : vector<192x128xf32> to vector<64x128xf32>
    %get3A_723 = arith.constant 0 : index
    %get3A_724 = arith.constant 0 : index
    %get3A_725 = vector.load %arg10[%get3A_723, %get3A_724] : memref<64x1xf32, #tpu.memory_space<vmem>>, vector<64x1xf32>
    %add3A_726 = vector.broadcast %get3A_725 : vector<64x1xf32> to vector<64x128xf32>
    %add3A_727 = arith.addf %slice3A_722, %add3A_726 : vector<64x128xf32>
    %swap3A_728 = arith.constant 0 : index
    %swap3A_729 = arith.constant 1792 : index
    %swap3A_730 = vector.load %arg13[%swap3A_728, %swap3A_729] : memref<64x2048xf32, #tpu.memory_space<vmem>>, vector<64x128xf32>
    tpu.vector_store %arg13[%swap3A_728, %swap3A_729], %add3A_727 {strides = array<i32>} : memref<64x2048xf32, #tpu.memory_space<vmem>>, vector<64x128xf32>,
    %slice3A_731 = vector.extract_strided_slice %stack3A_267 {offsets = [0, 15, 0], sizes = [72, 1, 128], strides = [1, 1, 1]} : vector<72x16x128xf32> to vector<72x1x128xf32>
    %squeeze3A_732 = vector.shape_cast %slice3A_731 : vector<72x1x128xf32> to vector<72x128xf32>
    %dot_general3A_733 = arith.constant dense<0.000000e+00> : vector<192x128xf32>
    %dot_general3A_734 = tpu.matmul %get3A_270, %squeeze3A_732, %dot_general3A_733 {dimension_numbers = #tpu.dot_dimension_numbers<[0], [0], [1], [1], [0, 1, 1, 1], [], []>, transpose_lhs_hint = false} : vector<72x192xf32>, vector<72x128xf32>, vector<192x128xf32> -> vector<192x128xf32>
    %slice3A_735 = vector.extract_strided_slice %dot_general3A_734 {offsets = [0, 0], sizes = [64, 128], strides = [1, 1]} : vector<192x128xf32> to vector<64x128xf32>
    %get3A_736 = arith.constant 0 : index
    %get3A_737 = arith.constant 0 : index
    %get3A_738 = vector.load %arg8[%get3A_736, %get3A_737] : memref<64x1xf32, #tpu.memory_space<vmem>>, vector<64x1xf32>
    %add3A_739 = vector.broadcast %get3A_738 : vector<64x1xf32> to vector<64x128xf32>
    %add3A_740 = arith.addf %slice3A_735, %add3A_739 : vector<64x128xf32>
    %swap3A_741 = arith.constant 0 : index
    %swap3A_742 = arith.constant 1920 : index
    %swap3A_743 = vector.load %arg11[%swap3A_741, %swap3A_742] : memref<64x2048xf32, #tpu.memory_space<vmem>>, vector<64x128xf32>
    tpu.vector_store %arg11[%swap3A_741, %swap3A_742], %add3A_740 {strides = array<i32>} : memref<64x2048xf32, #tpu.memory_space<vmem>>, vector<64x128xf32>,
    %slice3A_744 = vector.extract_strided_slice %dot_general3A_734 {offsets = [64, 0], sizes = [64, 128], strides = [1, 1]} : vector<192x128xf32> to vector<64x128xf32>
    %get3A_745 = arith.constant 0 : index
    %get3A_746 = arith.constant 0 : index
    %get3A_747 = vector.load %arg9[%get3A_745, %get3A_746] : memref<64x1xf32, #tpu.memory_space<vmem>>, vector<64x1xf32>
    %add3A_748 = vector.broadcast %get3A_747 : vector<64x1xf32> to vector<64x128xf32>
    %add3A_749 = arith.addf %slice3A_744, %add3A_748 : vector<64x128xf32>
    %swap3A_750 = arith.constant 0 : index
    %swap3A_751 = arith.constant 1920 : index
    %swap3A_752 = vector.load %arg12[%swap3A_750, %swap3A_751] : memref<64x2048xf32, #tpu.memory_space<vmem>>, vector<64x128xf32>
    tpu.vector_store %arg12[%swap3A_750, %swap3A_751], %add3A_749 {strides = array<i32>} : memref<64x2048xf32, #tpu.memory_space<vmem>>, vector<64x128xf32>,
    %slice3A_753 = vector.extract_strided_slice %dot_general3A_734 {offsets = [128, 0], sizes = [64, 128], strides = [1, 1]} : vector<192x128xf32> to vector<64x128xf32>
    %get3A_754 = arith.constant 0 : index
    %get3A_755 = arith.constant 0 : index
    %get3A_756 = vector.load %arg10[%get3A_754, %get3A_755] : memref<64x1xf32, #tpu.memory_space<vmem>>, vector<64x1xf32>
    %add3A_757 = vector.broadcast %get3A_756 : vector<64x1xf32> to vector<64x128xf32>
    %add3A_758 = arith.addf %slice3A_753, %add3A_757 : vector<64x128xf32>
    %swap3A_759 = arith.constant 0 : index
    %swap3A_760 = arith.constant 1920 : index
    %swap3A_761 = vector.load %arg13[%swap3A_759, %swap3A_760] : memref<64x2048xf32, #tpu.memory_space<vmem>>, vector<64x128xf32>
    tpu.vector_store %arg13[%swap3A_759, %swap3A_760], %add3A_758 {strides = array<i32>} : memref<64x2048xf32, #tpu.memory_space<vmem>>, vector<64x128xf32>,
    return
  }
  func.func @transform_0(%arg0: i32) -> (i32, i32) {
    %c0_i32 = arith.constant 0 : i32
    %c0_i32_0 = arith.constant 0 : i32
    return %arg0, %c0_i32 : i32, i32
  }
  func.func @transform_1(%arg0: i32) -> (i32, i32) {
    %c0_i32 = arith.constant 0 : i32
    %c0_i32_0 = arith.constant 0 : i32
    return %arg0, %c0_i32 : i32, i32
  }
  func.func @transform_2(%arg0: i32) -> (i32, i32) {
    %c0_i32 = arith.constant 0 : i32
    %c0_i32_0 = arith.constant 0 : i32
    return %arg0, %c0_i32 : i32, i32
  }
  func.func @transform_3(%arg0: i32) -> (i32, i32) {
    %c0_i32 = arith.constant 0 : i32
    %c0_i32_0 = arith.constant 0 : i32
    return %arg0, %c0_i32 : i32, i32
  }
  func.func @transform_4(%arg0: i32) -> (i32, i32) {
    %c0_i32 = arith.constant 0 : i32
    %c0_i32_0 = arith.constant 0 : i32
    return %arg0, %c0_i32 : i32, i32
  }
  func.func @transform_5(%arg0: i32) -> (i32, i32) {
    %c0_i32 = arith.constant 0 : i32
    %c0_i32_0 = arith.constant 0 : i32
    return %arg0, %c0_i32 : i32, i32
  }
  func.func @transform_6(%arg0: i32) -> (i32, i32) {
    %c0_i32 = arith.constant 0 : i32
    %c0_i32_0 = arith.constant 0 : i32
    %c0_i32_1 = arith.constant 0 : i32
    return %c0_i32, %c0_i32_0 : i32, i32
  }
  func.func @transform_7(%arg0: i32) -> (i32, i32) {
    %c0_i32 = arith.constant 0 : i32
    %c0_i32_0 = arith.constant 0 : i32
    %c0_i32_1 = arith.constant 0 : i32
    return %c0_i32, %c0_i32_0 : i32, i32
  }
  func.func @transform_8(%arg0: i32) -> (i32, i32) {
    %c0_i32 = arith.constant 0 : i32
    %c0_i32_0 = arith.constant 0 : i32
    %c0_i32_1 = arith.constant 0 : i32
    return %c0_i32, %c0_i32_0 : i32, i32
  }
  func.func @transform_9(%arg0: i32) -> (i32, i32) {
    %c0_i32 = arith.constant 0 : i32
    %c0_i32_0 = arith.constant 0 : i32
    %c0_i32_1 = arith.constant 0 : i32
    return %c0_i32, %c0_i32_0 : i32, i32
  }
  func.func @transform_10(%arg0: i32) -> (i32, i32) {
    %c0_i32 = arith.constant 0 : i32
    %c0_i32_0 = arith.constant 0 : i32
    return %c0_i32, %arg0 : i32, i32
  }
  func.func @transform_11(%arg0: i32) -> (i32, i32) {
    %c0_i32 = arith.constant 0 : i32
    %c0_i32_0 = arith.constant 0 : i32
    return %c0_i32, %arg0 : i32, i32
  }
  func.func @transform_12(%arg0: i32) -> (i32, i32) {
    %c0_i32 = arith.constant 0 : i32
    %c0_i32_0 = arith.constant 0 : i32
    return %c0_i32, %arg0 : i32, i32
  }
}

</mosaic_0001>

<sc_bundles>
// kernel: kernel.4.cloned.1.call-start
scs
__scs_entry_jumppad:
0x0: {  	(pc) =	sbr.rel $0x88, $3  }
0x1: {  	(tag) =	ssettag $0x0;
	lr =	simm.s32 $0x1  }
0x2: {  	[smem:$0x3F87] =	sst lr;
	_ =	strace $0xD0000000  }
0x3: {  	_ = 	snop  }
0x4: {  	_ = 	snop  }
0x5: {  	_ = 	snop  }
0x6: {  	_ = 	snop  }
0x7: {  	_ = 	snop  }
__scs_overlays_trampoline_lowered:
0x8: {  	[smem:$0x3F96] =	sst s0  }
0x9: {  	[smem:$0x3F97] =	sst s1  }
0xa: {  	[smem:$0x3F98] =	sst s2  }
0xb: {  	[smem:$0x3F99] =	sst s3  }
0xc: {  	[smem:$0x3F9A] =	sst s4  }
0xd: {  	[smem:$0x3F9B] =	sst s5  }
0xe: {  	[smem:$0x3F9C] =	sst s6  }
0xf: {  	[smem:$0x3F9D] =	sst s7  }
0x10: {  	[smem:$0x3F9E] =	sst s8  }
0x11: {  	[smem:$0x3F9F] =	sst s9;
	s0 =	simm.s32 @!p0 $0x0  }
0x12: {  	s1 =	sld [smem:$0x3F85];
	s0 =	simm.s32 @p0 $0x1  }
0x13: {  	[smem:$0x3FA0] =	sst s0;
	s0 =	simm.s32 @!p1 $0x0  }
0x14: {  	s2 =	sld [smem:$0x3F84];
	s0 =	simm.s32 @p1 $0x1  }
0x15: {  	[smem:$0x3FA1] =	sst s0;
	s0 =	simm.s32 @!p2 $0x0  }
0x16: {  	s3 =	sld [smem:$0x3FDB];
	s0 =	simm.s32 @p2 $0x1  }
0x17: {  	s4 =	simm.s32 $0x1BF5;
	[smem:$0x3FA3] =	sst s0  }
0x18: {  	s0 =	sld [smem:$0x3F86];
	_ =	swait.ge [sflag:s4], $0x0  }
0x19: {  	s7 =	sld [smem:$0x3F87]  }
0x1a: {  	s8 =	sadd.s32 $0xFFFFE003, lr  }
0x1b: {  	s9 =	sadd.s32 $0xFFFFFEF7, lr;
	s5 =	simm.s32 $0xFFFFFFFF;
	p2 =	slt.u32 s8, $0xFFFFF086  }
0x1c: {  	p1 =	slt.u32 s9, $0xF7A;
	s5 =	simm.s32 @!p2 $0x0  }
0x1d: {  	s5 =	simm.s32 @p1 $0x1;
	p0 =	seq.s32 s7, s2  }
0x1e: {  	s7 =	smul.u32 @!p0 $0xF7A, s2;
	p2 =	seq.s32 @!p0 s5, $0x0  }
0x1f: {  	s9 =	smul.u32 $0xF7A, s1;
	s8 =	simm.s32 @!p0 $0x1BF5;
	p2 =	por !p2, p0  }
0x20: {  	[sflag:s8] =	ssyncset.s32 @!p0 $0xFFFFF086;
	s6 =	sadd.s32 @!p0 s3, s7;
	s7 =	simm.s32 @!p0 $0x108  }
0x21: {  	s3 =	sadd.s32 s3, s9;
	s6 =	sadd.s32 @!p0 $0x88, s6;
	s7 =	simm.s32 @p2 $0x1082  }
0x22: {  	[simem:s7], [sflag:s8] =	dma.local @!p0 [hbm:s6], $0xF7A  }
0x23: {  	s9 =	sor.u32 $0xD0000000, s2;
	s6 =	simm.s32 $0x108;
	_ =	swait.ge @!p0 [sflag:s8], $0x0  }
0x24: {  	s3 =	sadd.s32 $0x88, s3;
	s6 =	simm.s32 @!p1 $0x1082;
	[sflag:s4] =	ssyncset.s32 $0xFFFFF086  }
0x25: {  	[simem:s6], [sflag:s4] =	dma.local [hbm:s3], $0xF7A  }
0x26: {  	[smem:$0x3F87] =	sst s1;
	(tag) =	ssettag s2;
	_ =	strace s9  }
0x27: {  	s1 =	sld [smem:$0x3F97]  }
0x28: {  	s2 =	sld [smem:$0x3F98]  }
0x29: {  	s4 =	sld [smem:$0x3F9A]  }
0x2a: {  	p0 =	seq.s32 s5, $0x0;
	s5 =	sld [smem:$0x3F9B]  }
0x2b: {  	s6 =	sld [smem:$0x3F9C]  }
0x2c: {  	s7 =	sld [smem:$0x3F9D]  }
0x2d: {  	s3 =	simm.s32 $0x108;
	s8 =	sld [smem:$0x3F9E]  }
0x2e: {  	s3 =	simm.s32 @!p0 $0x1082;
	s9 =	sld [smem:$0x3F9F]  }
0x2f: {  	lr =	sadd.s32 s0, s3;
	s0 =	sld [smem:$0x3F96]  }
0x30: {  	s3 =	sld [smem:$0x3F99]  }
0x31: {  	[smem:$0x3FA2] =	sst s10  }
0x32: {  	s10 =	sld [smem:$0x3FA0];
	_ =	sdelay $0x3  }
0x33: {  	p0 =	seq.s32 s10, $0x1;
	s10 =	sld [smem:$0x3FA2];
	_ =	sdelay $0x3  }
0x34: {  	[smem:$0x3FA2] =	sst s10  }
0x35: {  	s10 =	sld [smem:$0x3FA1];
	_ =	sdelay $0x3  }
0x36: {  	p1 =	seq.s32 s10, $0x1;
	s10 =	sld [smem:$0x3FA2];
	_ =	sdelay $0x3  }
0x37: {  	[smem:$0x3FA2] =	sst s10  }
0x38: {  	s10 =	sld [smem:$0x3FA3]  }
0x39: {  	_ = 	snop;
	(pc) =	sbr.ind lr, $3  }
0x3a: {  	_ = 	snop  }
0x3b: {  	_ = 	snop  }
0x3c: {  	p2 =	seq.s32 s10, $0x1;
	s10 =	sld [smem:$0x3FA2]  }
0x3d: {  	_ =	shalt  }
0x3e: {  	_ =	shalt  }
0x3f: {  	_ =	shalt  }
0x40: {  	_ =	shalt  }
0x41: {  	_ =	shalt  }
0x42: {  	_ =	shalt  }
0x43: {  	_ =	shalt  }
0x44: {  	_ =	shalt  }
0x45: {  	_ =	shalt  }
0x46: {  	_ =	shalt  }
0x47: {  	_ =	shalt  }
0x48: {  	_ =	shalt  }
0x49: {  	_ =	shalt  }
0x4a: {  	_ =	shalt  }
0x4b: {  	_ =	shalt  }
0x4c: {  	_ =	shalt  }
0x4d: {  	_ =	shalt  }
0x4e: {  	_ =	shalt  }
0x4f: {  	_ =	shalt  }
0x50: {  	_ =	shalt  }
0x51: {  	_ =	shalt  }
0x52: {  	_ =	shalt  }
0x53: {  	_ =	shalt  }
0x54: {  	_ =	shalt  }
0x55: {  	_ =	shalt  }
0x56: {  	_ =	shalt  }
0x57: {  	_ =	shalt  }
0x58: {  	_ =	shalt  }
0x59: {  	_ =	shalt  }
0x5a: {  	_ =	shalt  }
0x5b: {  	_ =	shalt  }
0x5c: {  	_ =	shalt  }
0x5d: {  	_ =	shalt  }
0x5e: {  	_ =	shalt  }
0x5f: {  	_ =	shalt  }
0x60: {  	_ =	shalt  }
0x61: {  	_ =	shalt  }
0x62: {  	_ =	shalt  }
0x63: {  	_ =	shalt  }
0x64: {  	_ =	shalt  }
0x65: {  	_ =	shalt  }
0x66: {  	_ =	shalt  }
0x67: {  	_ =	shalt  }
0x68: {  	_ =	shalt  }
0x69: {  	_ =	shalt  }
0x6a: {  	_ =	shalt  }
0x6b: {  	_ =	shalt  }
0x6c: {  	_ =	shalt  }
0x6d: {  	_ =	shalt  }
0x6e: {  	_ =	shalt  }
0x6f: {  	_ =	shalt  }
0x70: {  	_ =	shalt  }
0x71: {  	_ =	shalt  }
0x72: {  	_ =	shalt  }
0x73: {  	_ =	shalt  }
0x74: {  	_ =	shalt  }
0x75: {  	_ =	shalt  }
0x76: {  	_ =	shalt  }
0x77: {  	_ =	shalt  }
0x78: {  	_ =	shalt  }
0x79: {  	_ =	shalt  }
0x7a: {  	_ =	shalt  }
0x7b: {  	_ =	shalt  }
0x7c: {  	_ =	shalt  }
0x7d: {  	_ =	shalt  }
0x7e: {  	_ =	shalt  }
0x7f: {  	_ =	shalt  }
0x80: {  	_ =	shalt  }
0x81: {  	_ =	shalt  }
0x82: {  	_ =	shalt  }
0x83: {  	_ =	shalt  }
0x84: {  	_ =	shalt  }
0x85: {  	_ =	shalt  }
0x86: {  	_ =	shalt  }
0x87: {  	_ =	shalt  }
.Lfunc_end0:
.L_simem_size_0:
called_computation_lowered:
.L_overlay_start_0:
0x88: {  	s2 =	sld [smem:$0x3FD9]  }
0x89: {  	s3 =	sld [smem:$0x3FFE];
	_ =	sdelay $0x1  }
0x8a: {  	s1 =	srdreg.scid  }
0x8b: {  	s0 =	sand.u32 $0x1, s1  }
0x8c: {  	s17 =	sshll.u32 s0, $0xA;
	s2 =	sadd.s32 s3, s2  }
0x8d: {  	s2 =	sadd.s32 s2, s17  }
0x8e: {  	[smem:$0x3FAE] =	sst s2  }
0x8f: {  	_ = 	snop  }
0x90: {  	s2 =	sld [smem:$0x3FC8]  }
0x91: {  	s18 =	sld [smem:$0x3FC6]  }
0x92: {  	s4 =	sld [smem:$0x3FC4]  }
0x93: {  	s5 =	sld [smem:$0x3FC2]  }
0x94: {  	s6 =	sld [smem:$0x3FC0]  }
0x95: {  	s7 =	sld [smem:$0x3FBE]  }
0x96: {  	s8 =	sld [smem:$0x3FBC]  }
0x97: {  	s9 =	sld [smem:$0x3FD0];
	(tm) =	ssettm $0x1  }
0x98: {  	s10 =	sld [smem:$0x3FFB];
	_ =	sdelay $0x3  }
0x99: {  	_ =	strace s10  }
0x9a: {  	s10 =	sld [smem:$0x3FFC];
	_ =	sdelay $0x3  }
0x9b: {  	_ =	strace s10  }
0x9c: {  	s10 =	sld [smem:$0x3FFD];
	_ =	sdelay $0x3  }
0x9d: {  	_ =	strace s10  }
0x9e: {  	_ =	strace $0x8FFFFFFF  }
0x9f: {  	s19 =	sld [smem:$0x3FDB];
	_ =	sdelay $0x1  }
0xa0: {  	s11 =	simm.s32 $_scs_section_size  }
0xa1: {  	s12 =	simm.s32 $_size__tile_overlayer_lowered;
	s13 =	simm.s32 $_tile_overlayer_lowered  }
0xa2: {  	s22 =	simm.s32 $0x1BFF;
	s21 =	sshll.u32 s13, $0x1;
	s10 =	sadd.s32 s11, s19  }
0xa3: {  	s14 =	simm.s32 $0x0;
	s20 =	sshll.u32 s12, $0x1;
	s12 =	sadd.s32 s21, s10  }
0xa4: {  	[timem:s14], [sflag:s22] =	dma.local [hbm:s12], s20  }
0xa5: {  	_ =	swait.ge [sflag:s22], s20  }
0xa6: {  	s11 =	ssub.s32 $0x0, s20;
	[sflag:s22] =	ssyncset.done $0x0  }
0xa7: {  	[sflag:s22] =	ssyncadd.s32 s11;
	_ =	sdelay $0x1  }
0xa8: {  	s23 =	simm.s32 $0x1B8B  }
0xa9: {  	_ =	swait.ge [sflag:s23], $0x1  }
0xaa: {  	[sflag:s23] =	ssyncset.done $0x0  }
0xab: {  	s25 =	simm.s32 $0x1B8E;
	s24 =	sld [smem:$0x3FFE];
	[sflag:s23] =	ssyncadd.s32 $0xFFFFFFFF  }
0xac: {  	s26 =	simm.s32 $execute0_lowered;
	[smem:$0x3FD2] =	sst s25  }
0xad: {  	s12 =	sshll.u32 s26, $0x1;
	_ =	strace $0x80000046;
	[dreg:$0x1] =	wrdreg $0xFFFFFFFF  }
0xae: {  	s28 =	simm.s32 $_size_execute0_lowered;
	s10 =	sadd.s32 s10, s12;
	[dreg:$0x0] =	wrdreg $0x0  }
0xaf: {  	s12 =	sshll.u32 s28, $0x1;
	[dreg:$0x2] =	wrdreg s10  }
0xb0: {  	[dreg:$0x3] =	wrdreg s12  }
0xb1: {  	[dreg:$0x4] =	wrdreg $0xC0  }
0xb2: {  	_ =	task [dreg:s14], $0x5FFFF  }
0xb3: {  	[dreg:$0x1] =	wrdreg $0xFFFFFFFF  }
0xb4: {  	[dreg:$0x0] =	wrdreg $0x60  }
0xb5: {  	[dreg:$0x2] =	wrdreg s2  }
0xb6: {  	[dreg:$0x3] =	wrdreg s18  }
0xb7: {  	[dreg:$0x4] =	wrdreg s4  }
0xb8: {  	[dreg:$0x5] =	wrdreg s5  }
0xb9: {  	[dreg:$0x6] =	wrdreg s6  }
0xba: {  	[dreg:$0x7] =	wrdreg s7  }
0xbb: {  	[dreg:$0x8] =	wrdreg s8  }
0xbc: {  	[dreg:$0x9] =	wrdreg s24  }
0xbd: {  	[dreg:$0xa] =	wrdreg s9  }
0xbe: {  	[dreg:$0xb] =	wrdreg $0x9  }
0xbf: {  	_ =	task.clear_ibuf [dreg:s14], $0xCFFFF;
	_ =	strace $0x90000046  }
0xc0: {  	s29 =	simm.s32 $0x9;
	_ =	strace $0x80000048  }
0xc1: {  	_ =	swait.ge [sflag:s29], $0x1  }
0xc2: {  	[sflag:s29] =	ssyncadd.s32 $0xFFFFFFFF  }
0xc3: {  	_ =	strace $0x90000048  }
0xc4: {  	_ =	sfence  }
0xc5: {  	s30 =	sld [smem:$0x0];
	_ =	sdelay $0x2  }
0xc6: {  	s31 =	sshll.u32 s1, $0xD;
	s1 =	sshrl.u32 s1, $0x2  }
0xc7: {  	s3 =	sand.u32 $0x4000, s31;
	s1 =	sadd.s32 s1, s30  }
0xc8: {  	s0 =	sor.u32 s3, s0;
	s1 =	sshll.u32 s1, $0x11  }
0xc9: {  	s0 =	sor.u32 s1, s0  }
0xca: {  	s0 =	sadd.s32 $0x8F2B, s0  }
0xcb: {  	[sflag:s0] =	ssyncadd.remote.s32 $0x1  }
0xcc: {  	_ =	sfence.sel $0xFFFF  }
0xcd: {  	[dreg:$0x0] =	wrdreg $0xFFFFFFFF;
	(pc) =	sbr.abs _section_cstart, $3  }
0xce: {  	[dreg:$0x1] =	wrdreg $0xFFFFFFFF  }
0xcf: {  	_ =	task.clear_ibuf [dreg:s14], $0x2FFFF;
	_ =	strace $0x9FFFFFFF  }
0xd0: {  	(tm) =	ssettm $0x7FFFFFFF  }
0xd1: {  	_ =	shalt  }
tec
execute0_lowered:
.L_overlay_start_1:
0x0: {  	(tag) =	ssettag $0x1  }
0x1: {  	s0 =	rddreg [dreg:$0x7];
	s9 =	simm.s32 $0x0  }
0x2: {  	s16 =	srdreg.scid;
	s4 =	stileid.u32;
	s28 =	simm.s32 $0x400  }
0x3: {  	s29 =	simm.s32 $0x18700;
	s31 =	simm.s32 $0x18F80;
	s14 =	simm.s32 $0x2  }
0x4: {  	s7 =	simm.s32 $0x1CF80;
	[smem:$0x7FF] =	sst s9;
	s1 =	sadd.s32 $0x800, s0  }
0x5: {  	s15 =	sadd.s32 $0x2200, s0;
	_ =	strace $0x80000047;
	[dreg:$0xa] =	wrdreg s1  }
0x6: {  	s8 =	simm.s32 $0x1D380;
	s2 =	sadd.s32 $0x3C00, s0;
	[dreg:$0xb] =	wrdreg s15  }
0x7: {  	s6 =	simm.s32 $0x0;
	s17 =	sadd.s32 $0x7000, s0;
	[dreg:$0xc] =	wrdreg s2  }
0x8: {  	s30 =	sadd.s32 $0x5600, s0;
	s3 =	sadd.s32 $0xA400, s0;
	[dreg:$0xe] =	wrdreg s17  }
0x9: {  	s24 =	sadd.s32 $0x8A00, s0;
	s5 =	sadd.s32 $0x6FE00, s0;
	[dreg:$0x10] =	wrdreg s3  }
0xa: {  	s20 =	sshrl.u32 s4, $0x1;
	s22 =	sadd.s32 $0xBE00, s0;
	[dreg:$0x11] =	wrdreg s5  }
0xb: {  	s4 =	sshll.u32 s4, $0x2;
	s21 =	smul.u32 $0x4400, s20;
	[dreg:$0x13] =	wrdreg s22  }
0xc: {  	s1 =	sand.u32 $0x1, s16;
	s23 =	smul.u32 $0xC3800, s20;
	[dreg:$0xd] =	wrdreg s30  }
0xd: {  	s25 =	smul.u32 $0x64000, s20;
	s5 =	simm.s32 $0x3;
	[dreg:$0xf] =	wrdreg s24  }
0xe: {  	s20 =	simm.s32 $0x4;
	s18 =	ssub.s32 $0x2, s1;
	[dreg:$0x12] =	wrdreg s21  }
0xf: {  	s1 =	sshll.u32 s1, $0x1;
	s19 =	sshrl.u32 s18, $0x1;
	[dreg:$0x15] =	wrdreg s23  }
0x10: {  	s1 =	sor.u32 s1, s4;
	s23 =	sadd.s32 $0xD3E00, s0;
	[dreg:$0x16] =	wrdreg s25  }
0x11: {  	s25 =	simm.s32 $0x1B780;
	s0 =	simm.s32 $0x1BB80;
	s4 =	simm.s32 $0x1C780  }
0x12: {  	s2 =	ssub.s32 s18, s19;
	[dreg:$0x14] =	wrdreg s1;
	s1 =	simm.s32 $0x1BF80  }
0x13: {  	s18 =	simm.s32 $0x1D780;
	s19 =	simm.s32 $0x1DB80;
	s26 =	smax.u32 s2, $0x1  }
0x14: {  	s2 =	simm.s32 $0x1C380;
	[dreg:$0x17] =	wrdreg s26;
	s26 =	simm.s32 $0x80  }
.LBB2_1:
0x15: {  	[dreg:$0x18] =	wrdreg s6;
	p1 =	por $0x1, $0x1;
	s21 =	simm.s32 $0x0  }
.LBB2_2:
0x16: {  	s3 =	rddreg [dreg:$0x14]  }
0x17: {  	s3 =	sor.u32 s3, s21  }
0x18: {  	s6 =	sshll.u32 s3, $0x7  }
0x19: {  	s10 =	rddreg [dreg:$0x12];
	s6 =	sand.u32 $0x380, s6  }
0x1a: {  	s11 =	rddreg [dreg:$0x6];
	s10 =	sor.u32 s10, s6  }
0x1b: {  	s16 =	rddreg [dreg:$0x15];
	s10 =	sshrl.u32 s10, $0x3  }
0x1c: {  	s6 =	sor.u32 s16, s6;
	s10 =	sadd.s32 s11, s10  }
0x1d: {  	[tilespmem:s29], [sflag:$0x1] =	stream.strided.gather [hbm4b:s10+s26], $0x880, s28, s26, $0x38;
	[tilespmem:$0x1DF80] =	vst v63  }
0x1e: {  	s17 =	rddreg [dreg:$0x0];
	s30 =	simm.s32 $0x0;
	s10 =	sshrl.u32 s6, $0x3  }
0x1f: {  	s22 =	simm.s32 $0x1;
	[dreg:$0x19] =	wrdreg s10;
	s6 =	sadd.s32 s17, s10  }
0x20: {  	[tilespmem:s30], [sflag:$0x1] =	stream.strided.gather [hbm4b:s6+s26], $0x18700, s28, s26, $0x38;
	[tilespmem:$0x1DF80] =	vst v63  }
0x21: {  	_ =	swait.ge [sflag:s22], $0x18700  }
0x22: {  	[sflag:s22] =	ssyncset.done $0x0  }
0x23: {  	s24 =	rddreg [dreg:$0xa];
	[sflag:s22] =	ssyncadd.s32 $0xFFFE7900  }
0x24: {  	[tilespmem:s31], [sflag:$0x2] =	stream.linear.gather [hbm4b:s24+s30], $0x1400, $0x38;
	[tilespmem:$0x1DF80] =	vst v63  }
0x25: {  	s24 =	sshll.u32 s3, $0xA  }
0x26: {  	p0 =	por p1, p1;
	s22 =	sor.u32 $0xA0000, s24  }
0x27: {  	s10 =	sor.u32 $0x140000, s24;
	s11 =	sor.u32 $0x1E0000, s24;
	s12 =	sor.u32 $0x280000, s24  }
.LBB2_3:
0x28: {  	s13 =	sshllo.u32 s30, $0x1  }
0x29: {  	s3 =	smul.u32 $0x280, s13  }
0x2a: {  	s6 =	rddreg [dreg:$0xa]  }
0x2b: {  	s16 =	simm.s32 $0x1A380;
	s3 =	sadd.s32 s6, s3  }
0x2c: {  	[tilespmem:s16], [sflag:$0x3] =	stream.linear.gather [hbm4b:s3+s9], $0x1400, $0x38;
	[tilespmem:$0x1DF80] =	vst v63  }
0x2d: {  	_ =	swait.ge [sflag:s14], $0x1400  }
0x2e: {  	p1 =	seq.s32 s30, $0x0;
	[sflag:s14] =	ssyncset.done $0x0  }
0x2f: {  	s3 =	simm.s32 @!p1 $0x4;
	[sflag:s14] =	ssyncadd.s32 $0xFFFFEC00  }
0x30: {  	_ =	swait.ge @!p1 [sflag:s3], $0x1400  }
0x31: {  	[sflag:s3] =	ssyncset.done @!p1 $0x0  }
0x32: {  	s17 =	simm.s32 $0x18FC0;
	[sflag:s3] =	ssyncadd.s32 @!p1 $0xFFFFEC00  }
0x33: {  	v0 =	vld [tilespmem:s17+$0x30]  }
0x34: {  	v1 =	vld [tilespmem:s17+$0xFFFFFFD0]  }
0x35: {  	v2 =	vld [tilespmem:s17+$0xFFFFFFE0]  }
0x36: {  	v3 =	vld [tilespmem:s17+$0xFFFFFFF0]  }
0x37: {  	v6 =	vld [tilespmem:s17+$0x0]  }
0x38: {  	v7 =	vld [tilespmem:s17+$0x10]  }
0x39: {  	v8 =	vld [tilespmem:s17+$0x20]  }
0x3a: {  	v9 =	vld [tilespmem:s17+$0xFFFFFFC0]  }
0x3b: {  	v10 =	vld.idx.msk [tilespmem:v0+s9+$0x0], $0xffff  }
0x3c: {  	v11 =	vld.idx.msk [tilespmem:v1+s9+$0x0], $0xffff  }
0x3d: {  	v5 =	vld.idx.msk [tilespmem:v2+s9+$0x0], $0xffff  }
0x3e: {  	v4 =	vld.idx.msk [tilespmem:v3+s9+$0x0], $0xffff  }
0x3f: {  	v1 =	vld.idx.msk [tilespmem:v6+s9+$0x0], $0xffff  }
0x40: {  	s16 =	simm.s32 $0x1B7C0;
	v2 =	vld.idx.msk [tilespmem:v7+s9+$0x0], $0xffff  }
0x41: {  	v0 =	vld.idx.msk [tilespmem:v8+s9+$0x0], $0xffff;
	[tilespmem:s16+$0x30] =	vst v10  }
0x42: {  	s15 =	sshll.u32 s30, $0x1;
	s3 =	simm.s32 $0x19040;
	s17 =	simm.s32 $0x0;
	v3 =	vld.idx.msk [tilespmem:v9+s9+$0x0], $0xffff;
	[tilespmem:s16+$0xFFFFFFD0] =	vst v11  }
.LBB2_4:
0x43: {  	v6 =	vld [tilespmem:s3+$0x30];
	s17 =	sadd.s32 $0x8, s17;
	[tilespmem:s16+$0xFFFFFFE0] =	vst v5  }
0x44: {  	v5 =	vld [tilespmem:s3+$0xFFFFFFD0];
	p2 =	slt.u32 s17, $0x138;
	[tilespmem:s16+$0xFFFFFFF0] =	vst v4  }
0x45: {  	v4 =	vld [tilespmem:s3+$0xFFFFFFE0];
	[tilespmem:s16+$0x0] =	vst v1  }
0x46: {  	v1 =	vld [tilespmem:s3+$0xFFFFFFF0];
	[tilespmem:s16+$0x10] =	vst v2  }
0x47: {  	v2 =	vld [tilespmem:s3+$0x0];
	[tilespmem:s16+$0x20] =	vst v0  }
0x48: {  	v0 =	vld [tilespmem:s3+$0x10];
	[tilespmem:s16+$0xFFFFFFC0] =	vst v3  }
0x49: {  	v3 =	vld [tilespmem:s3+$0x20]  }
0x4a: {  	v7 =	vld [tilespmem:s3+$0xFFFFFFC0]  }
0x4b: {  	v6 =	vld.idx.msk [tilespmem:v6+s9+$0x0], $0xffff  }
0x4c: {  	v8 =	vld.idx.msk [tilespmem:v5+s9+$0x0], $0xffff  }
0x4d: {  	v5 =	vld.idx.msk [tilespmem:v4+s9+$0x0], $0xffff  }
.Ltmp0:
0x4e: {  	v4 =	vld.idx.msk [tilespmem:v1+s9+$0x0], $0xffff;
	(pc) =	sbr.rel @p2 .LBB2_4-.Ltmp0, $4  }
0x4f: {  	v1 =	vld.idx.msk [tilespmem:v2+s9+$0x0], $0xffff  }
0x50: {  	s16 =	sadd.s32 $0x80, s16;
	v2 =	vld.idx.msk [tilespmem:v0+s9+$0x0], $0xffff  }
0x51: {  	v0 =	vld.idx.msk [tilespmem:v3+s9+$0x0], $0xffff;
	[tilespmem:s16+$0x30] =	vst v6  }
0x52: {  	s3 =	sadd.s32 $0x80, s3;
	v3 =	vld.idx.msk [tilespmem:v7+s9+$0x0], $0xffff;
	[tilespmem:s16+$0xFFFFFFD0] =	vst v8  }
0x53: {  	[tilespmem:s16+$0xFFFFFFE0] =	vst v5  }
0x54: {  	[tilespmem:s16+$0xFFFFFFF0] =	vst v4;
	s3 =	smul.u32 $0x640000, s30  }
0x55: {  	[tilespmem:s16+$0x0] =	vst v1  }
0x56: {  	[tilespmem:s16+$0x10] =	vst v2;
	s6 =	sor.u32 s24, s3  }
0x57: {  	[tilespmem:s16+$0x20] =	vst v0;
	s6 =	sshrl.u32 s6, $0x3  }
0x58: {  	s17 =	sadd.s32 s22, s3;
	[tilespmem:s16+$0xFFFFFFC0] =	vst v3;
	s6 =	sadd.s32 s23, s6  }
0x59: {  	[hbm4b:s6+s9] =	stream.linear.scatter [tilespmem:s25], [sflag:$0x4], $0x400, $0x38;
	[tilespmem:$0x1DF80] =	vst v63  }
0x5a: {  	s6 =	sshrl.u32 s17, $0x3  }
0x5b: {  	s16 =	sadd.s32 s10, s3;
	s6 =	sadd.s32 s23, s6  }
0x5c: {  	[hbm4b:s6+s9] =	stream.linear.scatter [tilespmem:s0], [sflag:$0x4], $0x400, $0x38;
	[tilespmem:$0x1DF80] =	vst v63  }
0x5d: {  	s6 =	sshrl.u32 s16, $0x3  }
0x5e: {  	s17 =	sadd.s32 s11, s3;
	s6 =	sadd.s32 s23, s6  }
0x5f: {  	[hbm4b:s6+s9] =	stream.linear.scatter [tilespmem:s1], [sflag:$0x4], $0x400, $0x38;
	[tilespmem:$0x1DF80] =	vst v63  }
0x60: {  	s3 =	sadd.s32 s12, s3;
	s6 =	sshrl.u32 s17, $0x3  }
0x61: {  	s15 =	sadd.s32 $0x2, s15;
	s3 =	sshrl.u32 s3, $0x3;
	s6 =	sadd.s32 s23, s6  }
0x62: {  	[hbm4b:s6+s9] =	stream.linear.scatter [tilespmem:s2], [sflag:$0x4], $0x400, $0x38;
	[tilespmem:$0x1DF80] =	vst v63  }
0x63: {  	p2 =	seq.s32 s15, $0xA;
	s3 =	sadd.s32 s23, s3;
	s6 =	smul.u32 $0x280, s15  }
0x64: {  	[hbm4b:s3+s9] =	stream.linear.scatter [tilespmem:s4], [sflag:$0x4], $0x400, $0x38;
	[tilespmem:$0x1DF80] =	vst v63  }
0x65: {  	s16 =	rddreg [dreg:$0xa];
	s6 =	simm.s32 @p2 $0x0  }
0x66: {  	s3 =	sadd.s32 s16, s6  }
0x67: {  	[tilespmem:s31], [sflag:$0x2] =	stream.linear.gather [hbm4b:s3+s9], $0x1400, $0x38;
	[tilespmem:$0x1DF80] =	vst v63  }
0x68: {  	_ =	swait.ge [sflag:s5], $0x1400  }
0x69: {  	[sflag:s5] =	ssyncset.done $0x0  }
0x6a: {  	s3 =	simm.s32 @!p1 $0x5;
	[sflag:s5] =	ssyncadd.s32 $0xFFFFEC00  }
0x6b: {  	_ =	swait.ge @!p1 [sflag:s3], $0x1400  }
0x6c: {  	[sflag:s3] =	ssyncset.done @!p1 $0x0  }
0x6d: {  	s17 =	simm.s32 $0x1A3C0;
	[sflag:s3] =	ssyncadd.s32 @!p1 $0xFFFFEC00  }
0x6e: {  	v0 =	vld [tilespmem:s17+$0x30]  }
0x6f: {  	v1 =	vld [tilespmem:s17+$0xFFFFFFD0]  }
0x70: {  	v2 =	vld [tilespmem:s17+$0xFFFFFFE0]  }
0x71: {  	v3 =	vld [tilespmem:s17+$0xFFFFFFF0]  }
0x72: {  	v6 =	vld [tilespmem:s17+$0x0]  }
0x73: {  	v7 =	vld [tilespmem:s17+$0x10]  }
0x74: {  	v8 =	vld [tilespmem:s17+$0x20]  }
0x75: {  	v9 =	vld [tilespmem:s17+$0xFFFFFFC0]  }
0x76: {  	v10 =	vld.idx.msk [tilespmem:v0+s9+$0x0], $0xffff  }
0x77: {  	v11 =	vld.idx.msk [tilespmem:v1+s9+$0x0], $0xffff  }
0x78: {  	v5 =	vld.idx.msk [tilespmem:v2+s9+$0x0], $0xffff  }
0x79: {  	v4 =	vld.idx.msk [tilespmem:v3+s9+$0x0], $0xffff  }
0x7a: {  	v1 =	vld.idx.msk [tilespmem:v6+s9+$0x0], $0xffff  }
0x7b: {  	s15 =	simm.s32 $0x1CBC0;
	v2 =	vld.idx.msk [tilespmem:v7+s9+$0x0], $0xffff  }
0x7c: {  	v0 =	vld.idx.msk [tilespmem:v8+s9+$0x0], $0xffff;
	[tilespmem:s15+$0x30] =	vst v10  }
0x7d: {  	s16 =	simm.s32 $0x0;
	s3 =	simm.s32 $0x1A440;
	v3 =	vld.idx.msk [tilespmem:v9+s9+$0x0], $0xffff;
	[tilespmem:s15+$0xFFFFFFD0] =	vst v11  }
.LBB2_6:
0x7e: {  	v6 =	vld [tilespmem:s3+$0x30];
	s16 =	sadd.s32 $0x8, s16;
	[tilespmem:s15+$0xFFFFFFE0] =	vst v5  }
0x7f: {  	v5 =	vld [tilespmem:s3+$0xFFFFFFD0];
	p1 =	slt.u32 s16, $0x138;
	[tilespmem:s15+$0xFFFFFFF0] =	vst v4  }
0x80: {  	v4 =	vld [tilespmem:s3+$0xFFFFFFE0];
	[tilespmem:s15+$0x0] =	vst v1  }
0x81: {  	v1 =	vld [tilespmem:s3+$0xFFFFFFF0];
	[tilespmem:s15+$0x10] =	vst v2  }
0x82: {  	v2 =	vld [tilespmem:s3+$0x0];
	[tilespmem:s15+$0x20] =	vst v0  }
0x83: {  	v0 =	vld [tilespmem:s3+$0x10];
	[tilespmem:s15+$0xFFFFFFC0] =	vst v3  }
0x84: {  	v3 =	vld [tilespmem:s3+$0x20]  }
0x85: {  	v7 =	vld [tilespmem:s3+$0xFFFFFFC0]  }
0x86: {  	v6 =	vld.idx.msk [tilespmem:v6+s9+$0x0], $0xffff  }
0x87: {  	v8 =	vld.idx.msk [tilespmem:v5+s9+$0x0], $0xffff  }
0x88: {  	v5 =	vld.idx.msk [tilespmem:v4+s9+$0x0], $0xffff  }
.Ltmp1:
0x89: {  	v4 =	vld.idx.msk [tilespmem:v1+s9+$0x0], $0xffff;
	(pc) =	sbr.rel @p1 .LBB2_6-.Ltmp1, $4  }
0x8a: {  	v1 =	vld.idx.msk [tilespmem:v2+s9+$0x0], $0xffff  }
0x8b: {  	s15 =	sadd.s32 $0x80, s15;
	v2 =	vld.idx.msk [tilespmem:v0+s9+$0x0], $0xffff  }
0x8c: {  	v0 =	vld.idx.msk [tilespmem:v3+s9+$0x0], $0xffff;
	[tilespmem:s15+$0x30] =	vst v6  }
0x8d: {  	s3 =	sadd.s32 $0x80, s3;
	v3 =	vld.idx.msk [tilespmem:v7+s9+$0x0], $0xffff;
	[tilespmem:s15+$0xFFFFFFD0] =	vst v8  }
0x8e: {  	[tilespmem:s15+$0xFFFFFFE0] =	vst v5  }
0x8f: {  	[tilespmem:s15+$0xFFFFFFF0] =	vst v4;
	s3 =	smul.u32 $0x320000, s13  }
0x90: {  	[tilespmem:s15+$0x0] =	vst v1  }
0x91: {  	[tilespmem:s15+$0x10] =	vst v2;
	s6 =	sor.u32 s24, s3  }
0x92: {  	[tilespmem:s15+$0x20] =	vst v0;
	s6 =	sshrl.u32 s6, $0x3  }
0x93: {  	s17 =	simm.s32 $0x1CB80;
	[tilespmem:s15+$0xFFFFFFC0] =	vst v3;
	s6 =	sadd.s32 s23, s6;
	s15 =	sadd.s32 s22, s3  }
0x94: {  	[hbm4b:s6+s9] =	stream.linear.scatter [tilespmem:s17], [sflag:$0x5], $0x400, $0x38;
	[tilespmem:$0x1DF80] =	vst v63  }
0x95: {  	s6 =	sshrl.u32 s15, $0x3  }
0x96: {  	s16 =	sadd.s32 s10, s3;
	s6 =	sadd.s32 s23, s6  }
0x97: {  	[hbm4b:s6+s9] =	stream.linear.scatter [tilespmem:s7], [sflag:$0x5], $0x400, $0x38;
	[tilespmem:$0x1DF80] =	vst v63  }
0x98: {  	s30 =	sadd.s32 $0x1, s30;
	s6 =	sshrl.u32 s16, $0x3  }
0x99: {  	p1 =	sne.s32 s30, $0x5;
	s17 =	sadd.s32 s11, s3;
	s6 =	sadd.s32 s23, s6  }
0x9a: {  	[hbm4b:s6+s9] =	stream.linear.scatter [tilespmem:s8], [sflag:$0x5], $0x400, $0x38;
	[tilespmem:$0x1DF80] =	vst v63  }
.Ltmp2:
0x9b: {  	s3 =	sadd.s32 s12, s3;
	s6 =	sshrl.u32 s17, $0x3;
	(pc) =	sbr.rel @p1 .LBB2_3-.Ltmp2, $4  }
0x9c: {  	s3 =	sshrl.u32 s3, $0x3;
	s6 =	sadd.s32 s23, s6  }
0x9d: {  	[hbm4b:s6+s9] =	stream.linear.scatter [tilespmem:s18], [sflag:$0x5], $0x400, $0x38;
	[tilespmem:$0x1DF80] =	vst v63  }
0x9e: {  	s3 =	sadd.s32 s23, s3  }
0x9f: {  	[hbm4b:s3+s9] =	stream.linear.scatter [tilespmem:s19], [sflag:$0x5], $0x400, $0x38;
	[tilespmem:$0x1DF80] =	vst v63  }
0xa0: {  	_ =	swait.ge [sflag:s14], $0x1400  }
0xa1: {  	[sflag:s14] =	ssyncset.done $0x0  }
0xa2: {  	[sflag:s14] =	ssyncadd.s32 $0xFFFFEC00  }
0xa3: {  	_ =	swait.ge [sflag:s20], $0x1400  }
0xa4: {  	[sflag:s20] =	ssyncset.done $0x0  }
0xa5: {  	s3 =	simm.s32 $0x5;
	[sflag:s20] =	ssyncadd.s32 $0xFFFFEC00  }
0xa6: {  	_ =	swait.ge [sflag:s3], $0x1400  }
0xa7: {  	[sflag:s3] =	ssyncset.done $0x0  }
0xa8: {  	s6 =	rddreg [dreg:$0x19];
	[sflag:s3] =	ssyncadd.s32 $0xFFFFEC00  }
0xa9: {  	s3 =	rddreg [dreg:$0x1]  }
0xaa: {  	s11 =	simm.s32 $0x0;
	s12 =	rddreg [dreg:$0x14];
	s3 =	sadd.s32 s3, s6  }
0xab: {  	[tilespmem:s11], [sflag:$0x1] =	stream.strided.gather [hbm4b:s3+s26], $0x18700, s28, s26, $0x38;
	[tilespmem:$0x1DF80] =	vst v63  }
0xac: {  	s3 =	sadd.s32 s21, s12  }
0xad: {  	s13 =	sand.u32 $0x7, s3  }
0xae: {  	s10 =	rddreg [dreg:$0x16];
	s6 =	sshll.u32 s13, $0x7  }
0xaf: {  	s6 =	sadd.s32 s6, s10  }
0xb0: {  	s15 =	rddreg [dreg:$0x11];
	s10 =	sshrl.u32 s6, $0x3  }
0xb1: {  	s3 =	sshll.u32 s3, $0x7;
	[dreg:$0x1a] =	wrdreg s10;
	s10 =	sadd.s32 s10, s15  }
0xb2: {  	[tilespmem:s25], [sflag:$0x2] =	stream.strided.gather [hbm4b:s10+s26], $0x1400, s28, s26, $0x38;
	[tilespmem:$0x1DF80] =	vst v63  }
0xb3: {  	s21 =	sadd.s32 s3, s23;
	_ =	swait.ge [sflag:s14], $0x1400  }
0xb4: {  	s3 =	sadd.s32 $0x0, s21;
	[sflag:s14] =	ssyncset.done $0x0  }
0xb5: {  	s16 =	sadd.s32 $0xC000, s3;
	[sflag:s14] =	ssyncadd.s32 $0xFFFFEC00  }
0xb6: {  	[hbm4b:s16+s9] =	stream.linear.scatter [tilespmem:s25], [sflag:$0x4], $0x400, $0x38;
	[tilespmem:$0x1DF80] =	vst v63  }
0xb7: {  	s17 =	sadd.s32 $0x20000, s3  }
0xb8: {  	[hbm4b:s17+s9] =	stream.linear.scatter [tilespmem:s0], [sflag:$0x4], $0x400, $0x38;
	[tilespmem:$0x1DF80] =	vst v63  }
0xb9: {  	s22 =	sadd.s32 $0x34000, s3  }
0xba: {  	[hbm4b:s22+s9] =	stream.linear.scatter [tilespmem:s1], [sflag:$0x4], $0x400, $0x38;
	[tilespmem:$0x1DF80] =	vst v63  }
0xbb: {  	s30 =	sadd.s32 $0x48000, s3  }
0xbc: {  	[hbm4b:s30+s9] =	stream.linear.scatter [tilespmem:s2], [sflag:$0x4], $0x400, $0x38;
	[tilespmem:$0x1DF80] =	vst v63  }
0xbd: {  	s3 =	sadd.s32 $0x5C000, s3  }
0xbe: {  	[hbm4b:s3+s9] =	stream.linear.scatter [tilespmem:s4], [sflag:$0x4], $0x400, $0x38;
	[tilespmem:$0x1DF80] =	vst v63  }
0xbf: {  	_ =	swait.ge [sflag:s20], $0x1400  }
0xc0: {  	s3 =	simm.s32 $0x64000;
	[sflag:s20] =	ssyncset.done $0x0  }
.LBB2_9:
0xc1: {  	p1 =	sne.s32 s3, $0x384000;
	[sflag:s20] =	ssyncadd.s32 $0xFFFFEC00;
	s10 =	sadd.s32 $0x1400, s10  }
0xc2: {  	s6 =	smov.u32 s3;
	s3 =	sadd.s32 $0x64000, s3  }
0xc3: {  	[tilespmem:s25], [sflag:$0x2] =	stream.strided.gather [hbm4b:s10+s26], $0x1400, s28, s26, $0x38;
	[tilespmem:$0x1DF80] =	vst v63  }
0xc4: {  	_ =	swait.ge [sflag:s14], $0x1400  }
0xc5: {  	s6 =	sadd.s32 s6, s21;
	[sflag:s14] =	ssyncset.done $0x0  }
0xc6: {  	s11 =	sadd.s32 $0xC000, s6;
	[sflag:s14] =	ssyncadd.s32 $0xFFFFEC00  }
0xc7: {  	[hbm4b:s11+s9] =	stream.linear.scatter [tilespmem:s25], [sflag:$0x4], $0x400, $0x38;
	[tilespmem:$0x1DF80] =	vst v63  }
0xc8: {  	s11 =	sadd.s32 $0x20000, s6  }
0xc9: {  	[hbm4b:s11+s9] =	stream.linear.scatter [tilespmem:s0], [sflag:$0x4], $0x400, $0x38;
	[tilespmem:$0x1DF80] =	vst v63  }
0xca: {  	s11 =	sadd.s32 $0x34000, s6  }
0xcb: {  	[hbm4b:s11+s9] =	stream.linear.scatter [tilespmem:s1], [sflag:$0x4], $0x400, $0x38;
	[tilespmem:$0x1DF80] =	vst v63  }
0xcc: {  	s11 =	sadd.s32 $0x48000, s6  }
0xcd: {  	[hbm4b:s11+s9] =	stream.linear.scatter [tilespmem:s2], [sflag:$0x4], $0x400, $0x38;
	[tilespmem:$0x1DF80] =	vst v63  }
.Ltmp3:
0xce: {  	_ = 	snop;
	(pc) =	sbr.rel @p1 .LBB2_9-.Ltmp3, $4  }
0xcf: {  	s6 =	sadd.s32 $0x5C000, s6  }
0xd0: {  	[hbm4b:s6+s9] =	stream.linear.scatter [tilespmem:s4], [sflag:$0x4], $0x400, $0x38;
	[tilespmem:$0x1DF80] =	vst v63  }
0xd1: {  	_ =	swait.ge [sflag:s20], $0x1400  }
0xd2: {  	[sflag:s20] =	ssyncset.done $0x0  }
0xd3: {  	[sflag:s20] =	ssyncadd.s32 $0xFFFFEC00;
	s3 =	simm.s32 $0x1  }
0xd4: {  	s22 =	simm.s32 $0x0;
	s30 =	sor.u32 $0xB0000, s24;
	_ =	swait.ge [sflag:s3], $0x18700  }
0xd5: {  	s10 =	sor.u32 $0x150000, s24;
	s11 =	sor.u32 $0x1F0000, s24;
	[sflag:s3] =	ssyncset.done $0x0  }
0xd6: {  	s12 =	sor.u32 $0x290000, s24;
	s17 =	rddreg [dreg:$0xb];
	[sflag:s3] =	ssyncadd.s32 $0xFFFE7900  }
0xd7: {  	[tilespmem:s31], [sflag:$0x2] =	stream.linear.gather [hbm4b:s17+s22], $0x1400, $0x38;
	[tilespmem:$0x1DF80] =	vst v63  }
.LBB2_11:
0xd8: {  	s13 =	sshllo.u32 s22, $0x1  }
0xd9: {  	s3 =	smul.u32 $0x280, s13  }
0xda: {  	s6 =	rddreg [dreg:$0xb]  }
0xdb: {  	s16 =	simm.s32 $0x1A380;
	s3 =	sadd.s32 s6, s3  }
0xdc: {  	[tilespmem:s16], [sflag:$0x3] =	stream.linear.gather [hbm4b:s3+s9], $0x1400, $0x38;
	[tilespmem:$0x1DF80] =	vst v63  }
0xdd: {  	_ =	swait.ge [sflag:s14], $0x1400  }
0xde: {  	p1 =	seq.s32 s22, $0x0;
	[sflag:s14] =	ssyncset.done $0x0  }
0xdf: {  	s3 =	simm.s32 @!p1 $0x4;
	[sflag:s14] =	ssyncadd.s32 $0xFFFFEC00  }
0xe0: {  	_ =	swait.ge @!p1 [sflag:s3], $0x1400  }
0xe1: {  	[sflag:s3] =	ssyncset.done @!p1 $0x0  }
0xe2: {  	s17 =	simm.s32 $0x18FC0;
	[sflag:s3] =	ssyncadd.s32 @!p1 $0xFFFFEC00  }
0xe3: {  	v0 =	vld [tilespmem:s17+$0x30]  }
0xe4: {  	v1 =	vld [tilespmem:s17+$0xFFFFFFD0]  }
0xe5: {  	v2 =	vld [tilespmem:s17+$0xFFFFFFE0]  }
0xe6: {  	v3 =	vld [tilespmem:s17+$0xFFFFFFF0]  }
0xe7: {  	v6 =	vld [tilespmem:s17+$0x0]  }
0xe8: {  	v7 =	vld [tilespmem:s17+$0x10]  }
0xe9: {  	v8 =	vld [tilespmem:s17+$0x20]  }
0xea: {  	v9 =	vld [tilespmem:s17+$0xFFFFFFC0]  }
0xeb: {  	v10 =	vld.idx.msk [tilespmem:v0+s9+$0x0], $0xffff  }
0xec: {  	v11 =	vld.idx.msk [tilespmem:v1+s9+$0x0], $0xffff  }
0xed: {  	v5 =	vld.idx.msk [tilespmem:v2+s9+$0x0], $0xffff  }
0xee: {  	v4 =	vld.idx.msk [tilespmem:v3+s9+$0x0], $0xffff  }
0xef: {  	v2 =	vld.idx.msk [tilespmem:v6+s9+$0x0], $0xffff  }
0xf0: {  	s16 =	simm.s32 $0x1B7C0;
	v1 =	vld.idx.msk [tilespmem:v7+s9+$0x0], $0xffff  }
0xf1: {  	v0 =	vld.idx.msk [tilespmem:v8+s9+$0x0], $0xffff;
	[tilespmem:s16+$0x30] =	vst v10  }
0xf2: {  	s15 =	sshll.u32 s22, $0x1;
	s3 =	simm.s32 $0x19040;
	s17 =	simm.s32 $0x0;
	v3 =	vld.idx.msk [tilespmem:v9+s9+$0x0], $0xffff;
	[tilespmem:s16+$0xFFFFFFD0] =	vst v11  }
.LBB2_12:
0xf3: {  	v6 =	vld [tilespmem:s3+$0x30];
	s17 =	sadd.s32 $0x8, s17;
	[tilespmem:s16+$0xFFFFFFE0] =	vst v5  }
0xf4: {  	v5 =	vld [tilespmem:s3+$0xFFFFFFD0];
	p2 =	slt.u32 s17, $0x138;
	[tilespmem:s16+$0xFFFFFFF0] =	vst v4  }
0xf5: {  	v4 =	vld [tilespmem:s3+$0xFFFFFFE0];
	[tilespmem:s16+$0x0] =	vst v2  }
0xf6: {  	v2 =	vld [tilespmem:s3+$0xFFFFFFF0];
	[tilespmem:s16+$0x10] =	vst v1  }
0xf7: {  	v1 =	vld [tilespmem:s3+$0x0];
	[tilespmem:s16+$0x20] =	vst v0  }
0xf8: {  	v0 =	vld [tilespmem:s3+$0x10];
	[tilespmem:s16+$0xFFFFFFC0] =	vst v3  }
0xf9: {  	v3 =	vld [tilespmem:s3+$0x20]  }
0xfa: {  	v7 =	vld [tilespmem:s3+$0xFFFFFFC0]  }
0xfb: {  	v6 =	vld.idx.msk [tilespmem:v6+s9+$0x0], $0xffff  }
0xfc: {  	v8 =	vld.idx.msk [tilespmem:v5+s9+$0x0], $0xffff  }
0xfd: {  	v5 =	vld.idx.msk [tilespmem:v4+s9+$0x0], $0xffff  }
.Ltmp4:
0xfe: {  	v4 =	vld.idx.msk [tilespmem:v2+s9+$0x0], $0xffff;
	(pc) =	sbr.rel @p2 .LBB2_12-.Ltmp4, $4  }
0xff: {  	v2 =	vld.idx.msk [tilespmem:v1+s9+$0x0], $0xffff  }
0x100: {  	s16 =	sadd.s32 $0x80, s16;
	v1 =	vld.idx.msk [tilespmem:v0+s9+$0x0], $0xffff  }
0x101: {  	v0 =	vld.idx.msk [tilespmem:v3+s9+$0x0], $0xffff;
	[tilespmem:s16+$0x30] =	vst v6  }
0x102: {  	s3 =	sadd.s32 $0x80, s3;
	v3 =	vld.idx.msk [tilespmem:v7+s9+$0x0], $0xffff;
	[tilespmem:s16+$0xFFFFFFD0] =	vst v8  }
0x103: {  	[tilespmem:s16+$0xFFFFFFE0] =	vst v5;
	s3 =	smul.u32 $0x640000, s22  }
0x104: {  	[tilespmem:s16+$0xFFFFFFF0] =	vst v4  }
0x105: {  	[tilespmem:s16+$0x0] =	vst v2;
	s6 =	sor.u32 s24, s3  }
0x106: {  	[tilespmem:s16+$0x10] =	vst v1;
	s6 =	sshrl.u32 s6, $0x3  }
0x107: {  	[tilespmem:s16+$0x20] =	vst v0;
	s6 =	sor.u32 $0x2000, s6  }
0x108: {  	s17 =	sadd.s32 s30, s3;
	[tilespmem:s16+$0xFFFFFFC0] =	vst v3;
	s6 =	sadd.s32 s23, s6  }
0x109: {  	[hbm4b:s6+s9] =	stream.linear.scatter [tilespmem:s25], [sflag:$0x4], $0x400, $0x38;
	[tilespmem:$0x1DF80] =	vst v63  }
0x10a: {  	s6 =	sshrl.u32 s17, $0x3  }
0x10b: {  	s16 =	sadd.s32 s10, s3;
	s6 =	sadd.s32 s23, s6  }
0x10c: {  	[hbm4b:s6+s9] =	stream.linear.scatter [tilespmem:s0], [sflag:$0x4], $0x400, $0x38;
	[tilespmem:$0x1DF80] =	vst v63  }
0x10d: {  	s6 =	sshrl.u32 s16, $0x3  }
0x10e: {  	s17 =	sadd.s32 s11, s3;
	s6 =	sadd.s32 s23, s6  }
0x10f: {  	[hbm4b:s6+s9] =	stream.linear.scatter [tilespmem:s1], [sflag:$0x4], $0x400, $0x38;
	[tilespmem:$0x1DF80] =	vst v63  }
0x110: {  	s3 =	sadd.s32 s12, s3;
	s6 =	sshrl.u32 s17, $0x3  }
0x111: {  	s15 =	sadd.s32 $0x2, s15;
	s3 =	sshrl.u32 s3, $0x3;
	s6 =	sadd.s32 s23, s6  }
0x112: {  	[hbm4b:s6+s9] =	stream.linear.scatter [tilespmem:s2], [sflag:$0x4], $0x400, $0x38;
	[tilespmem:$0x1DF80] =	vst v63  }
0x113: {  	p2 =	seq.s32 s15, $0xA;
	s3 =	sadd.s32 s23, s3;
	s6 =	smul.u32 $0x280, s15  }
0x114: {  	[hbm4b:s3+s9] =	stream.linear.scatter [tilespmem:s4], [sflag:$0x4], $0x400, $0x38;
	[tilespmem:$0x1DF80] =	vst v63  }
0x115: {  	s16 =	rddreg [dreg:$0xb];
	s6 =	simm.s32 @p2 $0x0  }
0x116: {  	s3 =	sadd.s32 s16, s6  }
0x117: {  	[tilespmem:s31], [sflag:$0x2] =	stream.linear.gather [hbm4b:s3+s9], $0x1400, $0x38;
	[tilespmem:$0x1DF80] =	vst v63  }
0x118: {  	_ =	swait.ge [sflag:s5], $0x1400  }
0x119: {  	[sflag:s5] =	ssyncset.done $0x0  }
0x11a: {  	s3 =	simm.s32 @!p1 $0x5;
	[sflag:s5] =	ssyncadd.s32 $0xFFFFEC00  }
0x11b: {  	_ =	swait.ge @!p1 [sflag:s3], $0x1400  }
0x11c: {  	[sflag:s3] =	ssyncset.done @!p1 $0x0  }
0x11d: {  	s17 =	simm.s32 $0x1A3C0;
	[sflag:s3] =	ssyncadd.s32 @!p1 $0xFFFFEC00  }
0x11e: {  	v0 =	vld [tilespmem:s17+$0x30]  }
0x11f: {  	v1 =	vld [tilespmem:s17+$0xFFFFFFD0]  }
0x120: {  	v2 =	vld [tilespmem:s17+$0xFFFFFFE0]  }
0x121: {  	v3 =	vld [tilespmem:s17+$0xFFFFFFF0]  }
0x122: {  	v6 =	vld [tilespmem:s17+$0x0]  }
0x123: {  	v7 =	vld [tilespmem:s17+$0x10]  }
0x124: {  	v8 =	vld [tilespmem:s17+$0x20]  }
0x125: {  	v9 =	vld [tilespmem:s17+$0xFFFFFFC0]  }
0x126: {  	v10 =	vld.idx.msk [tilespmem:v0+s9+$0x0], $0xffff  }
0x127: {  	v11 =	vld.idx.msk [tilespmem:v1+s9+$0x0], $0xffff  }
0x128: {  	v5 =	vld.idx.msk [tilespmem:v2+s9+$0x0], $0xffff  }
0x129: {  	v4 =	vld.idx.msk [tilespmem:v3+s9+$0x0], $0xffff  }
0x12a: {  	v3 =	vld.idx.msk [tilespmem:v6+s9+$0x0], $0xffff  }
0x12b: {  	s15 =	simm.s32 $0x1CBC0;
	v1 =	vld.idx.msk [tilespmem:v7+s9+$0x0], $0xffff  }
0x12c: {  	v0 =	vld.idx.msk [tilespmem:v8+s9+$0x0], $0xffff;
	[tilespmem:s15+$0x30] =	vst v10  }
0x12d: {  	s16 =	simm.s32 $0x0;
	s3 =	simm.s32 $0x1A440;
	v2 =	vld.idx.msk [tilespmem:v9+s9+$0x0], $0xffff;
	[tilespmem:s15+$0xFFFFFFD0] =	vst v11  }
.LBB2_14:
0x12e: {  	v6 =	vld [tilespmem:s3+$0x30];
	s16 =	sadd.s32 $0x8, s16;
	[tilespmem:s15+$0xFFFFFFE0] =	vst v5  }
0x12f: {  	v5 =	vld [tilespmem:s3+$0xFFFFFFD0];
	p1 =	slt.u32 s16, $0x138;
	[tilespmem:s15+$0xFFFFFFF0] =	vst v4  }
0x130: {  	v4 =	vld [tilespmem:s3+$0xFFFFFFE0];
	[tilespmem:s15+$0x0] =	vst v3  }
0x131: {  	v3 =	vld [tilespmem:s3+$0xFFFFFFF0];
	[tilespmem:s15+$0x10] =	vst v1  }
0x132: {  	v1 =	vld [tilespmem:s3+$0x0];
	[tilespmem:s15+$0x20] =	vst v0  }
0x133: {  	v0 =	vld [tilespmem:s3+$0x10];
	[tilespmem:s15+$0xFFFFFFC0] =	vst v2  }
0x134: {  	v2 =	vld [tilespmem:s3+$0x20]  }
0x135: {  	v7 =	vld [tilespmem:s3+$0xFFFFFFC0]  }
0x136: {  	v6 =	vld.idx.msk [tilespmem:v6+s9+$0x0], $0xffff  }
0x137: {  	v8 =	vld.idx.msk [tilespmem:v5+s9+$0x0], $0xffff  }
0x138: {  	v5 =	vld.idx.msk [tilespmem:v4+s9+$0x0], $0xffff  }
.Ltmp5:
0x139: {  	v4 =	vld.idx.msk [tilespmem:v3+s9+$0x0], $0xffff;
	(pc) =	sbr.rel @p1 .LBB2_14-.Ltmp5, $4  }
0x13a: {  	v3 =	vld.idx.msk [tilespmem:v1+s9+$0x0], $0xffff  }
0x13b: {  	s15 =	sadd.s32 $0x80, s15;
	v1 =	vld.idx.msk [tilespmem:v0+s9+$0x0], $0xffff  }
0x13c: {  	v0 =	vld.idx.msk [tilespmem:v2+s9+$0x0], $0xffff;
	[tilespmem:s15+$0x30] =	vst v6  }
0x13d: {  	s3 =	sadd.s32 $0x80, s3;
	v2 =	vld.idx.msk [tilespmem:v7+s9+$0x0], $0xffff;
	[tilespmem:s15+$0xFFFFFFD0] =	vst v8  }
0x13e: {  	[tilespmem:s15+$0xFFFFFFE0] =	vst v5;
	s3 =	smul.u32 $0x320000, s13  }
0x13f: {  	[tilespmem:s15+$0xFFFFFFF0] =	vst v4  }
0x140: {  	[tilespmem:s15+$0x0] =	vst v3;
	s6 =	sor.u32 s24, s3  }
0x141: {  	[tilespmem:s15+$0x10] =	vst v1;
	s6 =	sshrl.u32 s6, $0x3  }
0x142: {  	[tilespmem:s15+$0x20] =	vst v0;
	s6 =	sor.u32 $0x2000, s6  }
0x143: {  	s17 =	simm.s32 $0x1CB80;
	[tilespmem:s15+$0xFFFFFFC0] =	vst v2;
	s15 =	sadd.s32 s30, s3;
	s6 =	sadd.s32 s23, s6  }
0x144: {  	[hbm4b:s6+s9] =	stream.linear.scatter [tilespmem:s17], [sflag:$0x5], $0x400, $0x38;
	[tilespmem:$0x1DF80] =	vst v63  }
0x145: {  	s6 =	sshrl.u32 s15, $0x3  }
0x146: {  	s16 =	sadd.s32 s10, s3;
	s6 =	sadd.s32 s23, s6  }
0x147: {  	[hbm4b:s6+s9] =	stream.linear.scatter [tilespmem:s7], [sflag:$0x5], $0x400, $0x38;
	[tilespmem:$0x1DF80] =	vst v63  }
0x148: {  	s22 =	sadd.s32 $0x1, s22;
	s6 =	sshrl.u32 s16, $0x3  }
0x149: {  	p1 =	sne.s32 s22, $0x5;
	s17 =	sadd.s32 s11, s3;
	s6 =	sadd.s32 s23, s6  }
0x14a: {  	[hbm4b:s6+s9] =	stream.linear.scatter [tilespmem:s8], [sflag:$0x5], $0x400, $0x38;
	[tilespmem:$0x1DF80] =	vst v63  }
.Ltmp6:
0x14b: {  	s3 =	sadd.s32 s12, s3;
	s6 =	sshrl.u32 s17, $0x3;
	(pc) =	sbr.rel @p1 .LBB2_11-.Ltmp6, $4  }
0x14c: {  	s3 =	sshrl.u32 s3, $0x3;
	s6 =	sadd.s32 s23, s6  }
0x14d: {  	[hbm4b:s6+s9] =	stream.linear.scatter [tilespmem:s18], [sflag:$0x5], $0x400, $0x38;
	[tilespmem:$0x1DF80] =	vst v63  }
0x14e: {  	s3 =	sadd.s32 s23, s3  }
0x14f: {  	[hbm4b:s3+s9] =	stream.linear.scatter [tilespmem:s19], [sflag:$0x5], $0x400, $0x38;
	[tilespmem:$0x1DF80] =	vst v63  }
0x150: {  	_ =	swait.ge [sflag:s14], $0x1400  }
0x151: {  	[sflag:s14] =	ssyncset.done $0x0  }
0x152: {  	[sflag:s14] =	ssyncadd.s32 $0xFFFFEC00  }
0x153: {  	_ =	swait.ge [sflag:s20], $0x1400  }
0x154: {  	[sflag:s20] =	ssyncset.done $0x0  }
0x155: {  	s3 =	simm.s32 $0x5;
	[sflag:s20] =	ssyncadd.s32 $0xFFFFEC00  }
0x156: {  	_ =	swait.ge [sflag:s3], $0x1400  }
0x157: {  	[sflag:s3] =	ssyncset.done $0x0;
	s6 =	rddreg [dreg:$0x19]  }
0x158: {  	s13 =	rddreg [dreg:$0x1a];
	[sflag:s3] =	ssyncadd.s32 $0xFFFFEC00  }
0x159: {  	s3 =	rddreg [dreg:$0x2]  }
0x15a: {  	s11 =	simm.s32 $0x0;
	s12 =	rddreg [dreg:$0x8];
	s3 =	sadd.s32 s3, s6  }
0x15b: {  	[tilespmem:s11], [sflag:$0x1] =	stream.strided.gather [hbm4b:s3+s26], $0x18700, s28, s26, $0x38;
	[tilespmem:$0x1DF80] =	vst v63  }
0x15c: {  	s10 =	sadd.s32 s13, s12  }
0x15d: {  	[tilespmem:s25], [sflag:$0x2] =	stream.strided.gather [hbm4b:s10+s26], $0x1400, s28, s26, $0x38;
	[tilespmem:$0x1DF80] =	vst v63  }
0x15e: {  	_ =	swait.ge [sflag:s14], $0x1400  }
0x15f: {  	s15 =	sadd.s32 $0x0, s21;
	[sflag:s14] =	ssyncset.done $0x0  }
0x160: {  	s16 =	sadd.s32 $0xE000, s15;
	[sflag:s14] =	ssyncadd.s32 $0xFFFFEC00  }
0x161: {  	[hbm4b:s16+s9] =	stream.linear.scatter [tilespmem:s25], [sflag:$0x4], $0x400, $0x38;
	[tilespmem:$0x1DF80] =	vst v63  }
0x162: {  	s17 =	sadd.s32 $0x22000, s15  }
0x163: {  	[hbm4b:s17+s9] =	stream.linear.scatter [tilespmem:s0], [sflag:$0x4], $0x400, $0x38;
	[tilespmem:$0x1DF80] =	vst v63  }
0x164: {  	s22 =	sadd.s32 $0x36000, s15  }
0x165: {  	[hbm4b:s22+s9] =	stream.linear.scatter [tilespmem:s1], [sflag:$0x4], $0x400, $0x38;
	[tilespmem:$0x1DF80] =	vst v63  }
0x166: {  	s30 =	sadd.s32 $0x4A000, s15  }
0x167: {  	[hbm4b:s30+s9] =	stream.linear.scatter [tilespmem:s2], [sflag:$0x4], $0x400, $0x38;
	[tilespmem:$0x1DF80] =	vst v63  }
0x168: {  	s3 =	sadd.s32 $0x5E000, s15  }
0x169: {  	[hbm4b:s3+s9] =	stream.linear.scatter [tilespmem:s4], [sflag:$0x4], $0x400, $0x38;
	[tilespmem:$0x1DF80] =	vst v63  }
0x16a: {  	_ =	swait.ge [sflag:s20], $0x1400  }
0x16b: {  	s3 =	simm.s32 $0x64000;
	[sflag:s20] =	ssyncset.done $0x0  }
.LBB2_17:
0x16c: {  	p1 =	sne.s32 s3, $0x384000;
	[sflag:s20] =	ssyncadd.s32 $0xFFFFEC00;
	s10 =	sadd.s32 $0x1400, s10  }
0x16d: {  	s6 =	smov.u32 s3;
	s3 =	sadd.s32 $0x64000, s3  }
0x16e: {  	[tilespmem:s25], [sflag:$0x2] =	stream.strided.gather [hbm4b:s10+s26], $0x1400, s28, s26, $0x38;
	[tilespmem:$0x1DF80] =	vst v63  }
0x16f: {  	_ =	swait.ge [sflag:s14], $0x1400  }
0x170: {  	s6 =	sadd.s32 s6, s21;
	[sflag:s14] =	ssyncset.done $0x0  }
0x171: {  	s11 =	sadd.s32 $0xE000, s6;
	[sflag:s14] =	ssyncadd.s32 $0xFFFFEC00  }
0x172: {  	[hbm4b:s11+s9] =	stream.linear.scatter [tilespmem:s25], [sflag:$0x4], $0x400, $0x38;
	[tilespmem:$0x1DF80] =	vst v63  }
0x173: {  	s11 =	sadd.s32 $0x22000, s6  }
0x174: {  	[hbm4b:s11+s9] =	stream.linear.scatter [tilespmem:s0], [sflag:$0x4], $0x400, $0x38;
	[tilespmem:$0x1DF80] =	vst v63  }
0x175: {  	s11 =	sadd.s32 $0x36000, s6  }
0x176: {  	[hbm4b:s11+s9] =	stream.linear.scatter [tilespmem:s1], [sflag:$0x4], $0x400, $0x38;
	[tilespmem:$0x1DF80] =	vst v63  }
0x177: {  	s11 =	sadd.s32 $0x4A000, s6  }
0x178: {  	[hbm4b:s11+s9] =	stream.linear.scatter [tilespmem:s2], [sflag:$0x4], $0x400, $0x38;
	[tilespmem:$0x1DF80] =	vst v63  }
.Ltmp7:
0x179: {  	_ = 	snop;
	(pc) =	sbr.rel @p1 .LBB2_17-.Ltmp7, $4  }
0x17a: {  	s6 =	sadd.s32 $0x5E000, s6  }
0x17b: {  	[hbm4b:s6+s9] =	stream.linear.scatter [tilespmem:s4], [sflag:$0x4], $0x400, $0x38;
	[tilespmem:$0x1DF80] =	vst v63  }
0x17c: {  	_ =	swait.ge [sflag:s20], $0x1400  }
0x17d: {  	[sflag:s20] =	ssyncset.done $0x0  }
0x17e: {  	[sflag:s20] =	ssyncadd.s32 $0xFFFFEC00;
	s3 =	simm.s32 $0x1;
	s22 =	simm.s32 $0x0  }
0x17f: {  	s30 =	sor.u32 $0xC0000, s24;
	s10 =	sor.u32 $0x160000, s24;
	_ =	swait.ge [sflag:s3], $0x18700  }
0x180: {  	s11 =	sor.u32 $0x200000, s24;
	s12 =	sor.u32 $0x2A0000, s24;
	[sflag:s3] =	ssyncset.done $0x0  }
0x181: {  	s13 =	sor.u32 $0x20000, s24;
	s17 =	rddreg [dreg:$0xc];
	[sflag:s3] =	ssyncadd.s32 $0xFFFE7900  }
0x182: {  	[tilespmem:s31], [sflag:$0x2] =	stream.linear.gather [hbm4b:s17+s22], $0x1400, $0x38;
	[tilespmem:$0x1DF80] =	vst v63  }
.LBB2_19:
0x183: {  	s15 =	sshllo.u32 s22, $0x1  }
0x184: {  	s3 =	smul.u32 $0x280, s15  }
0x185: {  	s6 =	rddreg [dreg:$0xc]  }
0x186: {  	s16 =	simm.s32 $0x1A380;
	s3 =	sadd.s32 s6, s3  }
0x187: {  	[tilespmem:s16], [sflag:$0x3] =	stream.linear.gather [hbm4b:s3+s9], $0x1400, $0x38;
	[tilespmem:$0x1DF80] =	vst v63  }
0x188: {  	_ =	swait.ge [sflag:s14], $0x1400  }
0x189: {  	p1 =	seq.s32 s22, $0x0;
	[sflag:s14] =	ssyncset.done $0x0  }
0x18a: {  	s3 =	simm.s32 @!p1 $0x4;
	[sflag:s14] =	ssyncadd.s32 $0xFFFFEC00  }
0x18b: {  	_ =	swait.ge @!p1 [sflag:s3], $0x1400  }
0x18c: {  	[sflag:s3] =	ssyncset.done @!p1 $0x0  }
0x18d: {  	s17 =	simm.s32 $0x18FC0;
	[sflag:s3] =	ssyncadd.s32 @!p1 $0xFFFFEC00  }
0x18e: {  	v0 =	vld [tilespmem:s17+$0x30]  }
0x18f: {  	v1 =	vld [tilespmem:s17+$0xFFFFFFD0]  }
0x190: {  	v2 =	vld [tilespmem:s17+$0xFFFFFFE0]  }
0x191: {  	v3 =	vld [tilespmem:s17+$0xFFFFFFF0]  }
0x192: {  	v6 =	vld [tilespmem:s17+$0x0]  }
0x193: {  	v7 =	vld [tilespmem:s17+$0x10]  }
0x194: {  	v8 =	vld [tilespmem:s17+$0x20]  }
0x195: {  	v9 =	vld [tilespmem:s17+$0xFFFFFFC0]  }
0x196: {  	v10 =	vld.idx.msk [tilespmem:v0+s9+$0x0], $0xffff  }
0x197: {  	v11 =	vld.idx.msk [tilespmem:v1+s9+$0x0], $0xffff  }
0x198: {  	v5 =	vld.idx.msk [tilespmem:v2+s9+$0x0], $0xffff  }
0x199: {  	v4 =	vld.idx.msk [tilespmem:v3+s9+$0x0], $0xffff  }
0x19a: {  	v2 =	vld.idx.msk [tilespmem:v6+s9+$0x0], $0xffff  }
0x19b: {  	s17 =	simm.s32 $0x1B7C0;
	v1 =	vld.idx.msk [tilespmem:v7+s9+$0x0], $0xffff  }
0x19c: {  	v0 =	vld.idx.msk [tilespmem:v8+s9+$0x0], $0xffff;
	[tilespmem:s17+$0x30] =	vst v10  }
0x19d: {  	s6 =	simm.s32 $0x19040;
	s16 =	sshll.u32 s22, $0x1;
	s3 =	simm.s32 $0x0;
	v3 =	vld.idx.msk [tilespmem:v9+s9+$0x0], $0xffff;
	[tilespmem:s17+$0xFFFFFFD0] =	vst v11  }
.LBB2_20:
0x19e: {  	v6 =	vld [tilespmem:s6+$0x30];
	s3 =	sadd.s32 $0x8, s3;
	[tilespmem:s17+$0xFFFFFFE0] =	vst v5  }
0x19f: {  	v5 =	vld [tilespmem:s6+$0xFFFFFFD0];
	p2 =	slt.u32 s3, $0x138;
	[tilespmem:s17+$0xFFFFFFF0] =	vst v4  }
0x1a0: {  	v4 =	vld [tilespmem:s6+$0xFFFFFFE0];
	[tilespmem:s17+$0x0] =	vst v2  }
0x1a1: {  	v2 =	vld [tilespmem:s6+$0xFFFFFFF0];
	[tilespmem:s17+$0x10] =	vst v1  }
0x1a2: {  	v1 =	vld [tilespmem:s6+$0x0];
	[tilespmem:s17+$0x20] =	vst v0  }
0x1a3: {  	v0 =	vld [tilespmem:s6+$0x10];
	[tilespmem:s17+$0xFFFFFFC0] =	vst v3  }
0x1a4: {  	v3 =	vld [tilespmem:s6+$0x20]  }
0x1a5: {  	v7 =	vld [tilespmem:s6+$0xFFFFFFC0]  }
0x1a6: {  	v6 =	vld.idx.msk [tilespmem:v6+s9+$0x0], $0xffff  }
0x1a7: {  	v8 =	vld.idx.msk [tilespmem:v5+s9+$0x0], $0xffff  }
0x1a8: {  	v5 =	vld.idx.msk [tilespmem:v4+s9+$0x0], $0xffff  }
.Ltmp8:
0x1a9: {  	v4 =	vld.idx.msk [tilespmem:v2+s9+$0x0], $0xffff;
	(pc) =	sbr.rel @p2 .LBB2_20-.Ltmp8, $4  }
0x1aa: {  	v2 =	vld.idx.msk [tilespmem:v1+s9+$0x0], $0xffff  }
0x1ab: {  	s17 =	sadd.s32 $0x80, s17;
	v1 =	vld.idx.msk [tilespmem:v0+s9+$0x0], $0xffff  }
0x1ac: {  	v0 =	vld.idx.msk [tilespmem:v3+s9+$0x0], $0xffff;
	[tilespmem:s17+$0x30] =	vst v6  }
0x1ad: {  	s6 =	sadd.s32 $0x80, s6;
	v3 =	vld.idx.msk [tilespmem:v7+s9+$0x0], $0xffff;
	[tilespmem:s17+$0xFFFFFFD0] =	vst v8  }
0x1ae: {  	[tilespmem:s17+$0xFFFFFFE0] =	vst v5;
	s3 =	smul.u32 $0x640000, s22  }
0x1af: {  	[tilespmem:s17+$0xFFFFFFF0] =	vst v4  }
0x1b0: {  	[tilespmem:s17+$0x0] =	vst v2;
	s6 =	sor.u32 s24, s3  }
0x1b1: {  	[tilespmem:s17+$0x10] =	vst v1;
	s6 =	sshrl.u32 s6, $0x3  }
0x1b2: {  	[tilespmem:s17+$0x20] =	vst v0;
	s6 =	sor.u32 $0x4000, s6  }
0x1b3: {  	[tilespmem:s17+$0xFFFFFFC0] =	vst v3;
	s17 =	sadd.s32 s30, s3;
	s6 =	sadd.s32 s23, s6  }
0x1b4: {  	[hbm4b:s6+s9] =	stream.linear.scatter [tilespmem:s25], [sflag:$0x4], $0x400, $0x38;
	[tilespmem:$0x1DF80] =	vst v63  }
0x1b5: {  	s6 =	sshrl.u32 s17, $0x3  }
0x1b6: {  	s17 =	sadd.s32 s10, s3;
	s6 =	sadd.s32 s23, s6  }
0x1b7: {  	[hbm4b:s6+s9] =	stream.linear.scatter [tilespmem:s0], [sflag:$0x4], $0x400, $0x38;
	[tilespmem:$0x1DF80] =	vst v63  }
0x1b8: {  	s6 =	sshrl.u32 s17, $0x3  }
0x1b9: {  	s17 =	sadd.s32 s11, s3;
	s6 =	sadd.s32 s23, s6  }
0x1ba: {  	[hbm4b:s6+s9] =	stream.linear.scatter [tilespmem:s1], [sflag:$0x4], $0x400, $0x38;
	[tilespmem:$0x1DF80] =	vst v63  }
0x1bb: {  	s3 =	sadd.s32 s12, s3;
	s6 =	sshrl.u32 s17, $0x3  }
0x1bc: {  	s3 =	sshrl.u32 s3, $0x3;
	s17 =	sadd.s32 $0x2, s16;
	s6 =	sadd.s32 s23, s6  }
0x1bd: {  	[hbm4b:s6+s9] =	stream.linear.scatter [tilespmem:s2], [sflag:$0x4], $0x400, $0x38;
	[tilespmem:$0x1DF80] =	vst v63  }
0x1be: {  	s3 =	sadd.s32 s23, s3;
	p2 =	seq.s32 s17, $0xA;
	s6 =	smul.u32 $0x280, s17  }
0x1bf: {  	[hbm4b:s3+s9] =	stream.linear.scatter [tilespmem:s4], [sflag:$0x4], $0x400, $0x38;
	[tilespmem:$0x1DF80] =	vst v63  }
0x1c0: {  	s16 =	rddreg [dreg:$0xc];
	s6 =	simm.s32 @p2 $0x0  }
0x1c1: {  	s3 =	sadd.s32 s16, s6  }
0x1c2: {  	[tilespmem:s31], [sflag:$0x2] =	stream.linear.gather [hbm4b:s3+s9], $0x1400, $0x38;
	[tilespmem:$0x1DF80] =	vst v63  }
0x1c3: {  	_ =	swait.ge [sflag:s5], $0x1400  }
0x1c4: {  	[sflag:s5] =	ssyncset.done $0x0  }
0x1c5: {  	s3 =	simm.s32 @!p1 $0x5;
	[sflag:s5] =	ssyncadd.s32 $0xFFFFEC00  }
0x1c6: {  	_ =	swait.ge @!p1 [sflag:s3], $0x1400  }
0x1c7: {  	[sflag:s3] =	ssyncset.done @!p1 $0x0  }
0x1c8: {  	s17 =	simm.s32 $0x1A3C0;
	[sflag:s3] =	ssyncadd.s32 @!p1 $0xFFFFEC00  }
0x1c9: {  	v0 =	vld [tilespmem:s17+$0x30]  }
0x1ca: {  	v1 =	vld [tilespmem:s17+$0xFFFFFFD0]  }
0x1cb: {  	v2 =	vld [tilespmem:s17+$0xFFFFFFE0]  }
0x1cc: {  	v3 =	vld [tilespmem:s17+$0xFFFFFFF0]  }
0x1cd: {  	v6 =	vld [tilespmem:s17+$0x0]  }
0x1ce: {  	v7 =	vld [tilespmem:s17+$0x10]  }
0x1cf: {  	v8 =	vld [tilespmem:s17+$0x20]  }
0x1d0: {  	v9 =	vld [tilespmem:s17+$0xFFFFFFC0]  }
0x1d1: {  	v10 =	vld.idx.msk [tilespmem:v0+s9+$0x0], $0xffff  }
0x1d2: {  	v11 =	vld.idx.msk [tilespmem:v1+s9+$0x0], $0xffff  }
0x1d3: {  	v5 =	vld.idx.msk [tilespmem:v2+s9+$0x0], $0xffff  }
0x1d4: {  	v4 =	vld.idx.msk [tilespmem:v3+s9+$0x0], $0xffff  }
0x1d5: {  	v1 =	vld.idx.msk [tilespmem:v6+s9+$0x0], $0xffff  }
0x1d6: {  	s16 =	simm.s32 $0x1CBC0;
	v2 =	vld.idx.msk [tilespmem:v7+s9+$0x0], $0xffff  }
0x1d7: {  	v0 =	vld.idx.msk [tilespmem:v8+s9+$0x0], $0xffff;
	[tilespmem:s16+$0x30] =	vst v10  }
0x1d8: {  	s6 =	simm.s32 $0x1A440;
	s3 =	simm.s32 $0x0;
	v3 =	vld.idx.msk [tilespmem:v9+s9+$0x0], $0xffff;
	[tilespmem:s16+$0xFFFFFFD0] =	vst v11  }
.LBB2_22:
0x1d9: {  	v6 =	vld [tilespmem:s6+$0x30];
	s3 =	sadd.s32 $0x8, s3;
	[tilespmem:s16+$0xFFFFFFE0] =	vst v5  }
0x1da: {  	v5 =	vld [tilespmem:s6+$0xFFFFFFD0];
	p1 =	slt.u32 s3, $0x138;
	[tilespmem:s16+$0xFFFFFFF0] =	vst v4  }
0x1db: {  	v4 =	vld [tilespmem:s6+$0xFFFFFFE0];
	[tilespmem:s16+$0x0] =	vst v1  }
0x1dc: {  	v1 =	vld [tilespmem:s6+$0xFFFFFFF0];
	[tilespmem:s16+$0x10] =	vst v2  }
0x1dd: {  	v2 =	vld [tilespmem:s6+$0x0];
	[tilespmem:s16+$0x20] =	vst v0  }
0x1de: {  	v0 =	vld [tilespmem:s6+$0x10];
	[tilespmem:s16+$0xFFFFFFC0] =	vst v3  }
0x1df: {  	v3 =	vld [tilespmem:s6+$0x20]  }
0x1e0: {  	v7 =	vld [tilespmem:s6+$0xFFFFFFC0]  }
0x1e1: {  	v6 =	vld.idx.msk [tilespmem:v6+s9+$0x0], $0xffff  }
0x1e2: {  	v8 =	vld.idx.msk [tilespmem:v5+s9+$0x0], $0xffff  }
0x1e3: {  	v5 =	vld.idx.msk [tilespmem:v4+s9+$0x0], $0xffff  }
.Ltmp9:
0x1e4: {  	v4 =	vld.idx.msk [tilespmem:v1+s9+$0x0], $0xffff;
	(pc) =	sbr.rel @p1 .LBB2_22-.Ltmp9, $4  }
0x1e5: {  	v1 =	vld.idx.msk [tilespmem:v2+s9+$0x0], $0xffff  }
0x1e6: {  	s16 =	sadd.s32 $0x80, s16;
	v2 =	vld.idx.msk [tilespmem:v0+s9+$0x0], $0xffff  }
0x1e7: {  	v0 =	vld.idx.msk [tilespmem:v3+s9+$0x0], $0xffff;
	[tilespmem:s16+$0x30] =	vst v6  }
0x1e8: {  	s6 =	sadd.s32 $0x80, s6;
	v3 =	vld.idx.msk [tilespmem:v7+s9+$0x0], $0xffff;
	[tilespmem:s16+$0xFFFFFFD0] =	vst v8  }
0x1e9: {  	[tilespmem:s16+$0xFFFFFFE0] =	vst v5  }
0x1ea: {  	[tilespmem:s16+$0xFFFFFFF0] =	vst v4;
	s3 =	smul.u32 $0x320000, s15  }
0x1eb: {  	[tilespmem:s16+$0x0] =	vst v1  }
0x1ec: {  	[tilespmem:s16+$0x10] =	vst v2;
	s6 =	sadd.s32 s13, s3  }
0x1ed: {  	[tilespmem:s16+$0x20] =	vst v0;
	s6 =	sshrl.u32 s6, $0x3  }
0x1ee: {  	s17 =	simm.s32 $0x1CB80;
	s15 =	sadd.s32 s30, s3;
	[tilespmem:s16+$0xFFFFFFC0] =	vst v3;
	s6 =	sadd.s32 s23, s6  }
0x1ef: {  	[hbm4b:s6+s9] =	stream.linear.scatter [tilespmem:s17], [sflag:$0x5], $0x400, $0x38;
	[tilespmem:$0x1DF80] =	vst v63  }
0x1f0: {  	s6 =	sshrl.u32 s15, $0x3  }
0x1f1: {  	s16 =	sadd.s32 s10, s3;
	s6 =	sadd.s32 s23, s6  }
0x1f2: {  	[hbm4b:s6+s9] =	stream.linear.scatter [tilespmem:s7], [sflag:$0x5], $0x400, $0x38;
	[tilespmem:$0x1DF80] =	vst v63  }
0x1f3: {  	s22 =	sadd.s32 $0x1, s22;
	s6 =	sshrl.u32 s16, $0x3  }
0x1f4: {  	p1 =	sne.s32 s22, $0x5;
	s17 =	sadd.s32 s11, s3;
	s6 =	sadd.s32 s23, s6  }
0x1f5: {  	[hbm4b:s6+s9] =	stream.linear.scatter [tilespmem:s8], [sflag:$0x5], $0x400, $0x38;
	[tilespmem:$0x1DF80] =	vst v63  }
.Ltmp10:
0x1f6: {  	s3 =	sadd.s32 s12, s3;
	s6 =	sshrl.u32 s17, $0x3;
	(pc) =	sbr.rel @p1 .LBB2_19-.Ltmp10, $4  }
0x1f7: {  	s3 =	sshrl.u32 s3, $0x3;
	s6 =	sadd.s32 s23, s6  }
0x1f8: {  	[hbm4b:s6+s9] =	stream.linear.scatter [tilespmem:s18], [sflag:$0x5], $0x400, $0x38;
	[tilespmem:$0x1DF80] =	vst v63  }
0x1f9: {  	s3 =	sadd.s32 s23, s3  }
0x1fa: {  	[hbm4b:s3+s9] =	stream.linear.scatter [tilespmem:s19], [sflag:$0x5], $0x400, $0x38;
	[tilespmem:$0x1DF80] =	vst v63  }
0x1fb: {  	_ =	swait.ge [sflag:s14], $0x1400  }
0x1fc: {  	[sflag:s14] =	ssyncset.done $0x0  }
0x1fd: {  	[sflag:s14] =	ssyncadd.s32 $0xFFFFEC00  }
0x1fe: {  	_ =	swait.ge [sflag:s20], $0x1400  }
0x1ff: {  	[sflag:s20] =	ssyncset.done $0x0  }
0x200: {  	s3 =	simm.s32 $0x5;
	[sflag:s20] =	ssyncadd.s32 $0xFFFFEC00  }
0x201: {  	_ =	swait.ge [sflag:s3], $0x1400  }
0x202: {  	[sflag:s3] =	ssyncset.done $0x0;
	s6 =	rddreg [dreg:$0x19]  }
0x203: {  	s12 =	rddreg [dreg:$0x13];
	[sflag:s3] =	ssyncadd.s32 $0xFFFFEC00  }
0x204: {  	s3 =	rddreg [dreg:$0x3]  }
0x205: {  	s11 =	simm.s32 $0x0;
	s13 =	rddreg [dreg:$0x1a];
	s3 =	sadd.s32 s3, s6  }
0x206: {  	[tilespmem:s11], [sflag:$0x1] =	stream.strided.gather [hbm4b:s3+s26], $0x18700, s28, s26, $0x38;
	[tilespmem:$0x1DF80] =	vst v63  }
0x207: {  	s10 =	sadd.s32 s13, s12  }
0x208: {  	[tilespmem:s25], [sflag:$0x2] =	stream.strided.gather [hbm4b:s10+s26], $0x1400, s28, s26, $0x38;
	[tilespmem:$0x1DF80] =	vst v63  }
0x209: {  	_ =	swait.ge [sflag:s14], $0x1400  }
0x20a: {  	s15 =	sadd.s32 $0x0, s21;
	[sflag:s14] =	ssyncset.done $0x0  }
0x20b: {  	s16 =	sadd.s32 $0x12000, s15;
	[sflag:s14] =	ssyncadd.s32 $0xFFFFEC00  }
0x20c: {  	[hbm4b:s16+s9] =	stream.linear.scatter [tilespmem:s25], [sflag:$0x4], $0x400, $0x38;
	[tilespmem:$0x1DF80] =	vst v63  }
0x20d: {  	s17 =	sadd.s32 $0x26000, s15  }
0x20e: {  	[hbm4b:s17+s9] =	stream.linear.scatter [tilespmem:s0], [sflag:$0x4], $0x400, $0x38;
	[tilespmem:$0x1DF80] =	vst v63  }
0x20f: {  	s22 =	sadd.s32 $0x3A000, s15  }
0x210: {  	[hbm4b:s22+s9] =	stream.linear.scatter [tilespmem:s1], [sflag:$0x4], $0x400, $0x38;
	[tilespmem:$0x1DF80] =	vst v63  }
0x211: {  	s30 =	sadd.s32 $0x4E000, s15  }
0x212: {  	[hbm4b:s30+s9] =	stream.linear.scatter [tilespmem:s2], [sflag:$0x4], $0x400, $0x38;
	[tilespmem:$0x1DF80] =	vst v63  }
0x213: {  	s3 =	sadd.s32 $0x62000, s15  }
0x214: {  	[hbm4b:s3+s9] =	stream.linear.scatter [tilespmem:s4], [sflag:$0x4], $0x400, $0x38;
	[tilespmem:$0x1DF80] =	vst v63  }
0x215: {  	_ =	swait.ge [sflag:s20], $0x1400  }
0x216: {  	s3 =	simm.s32 $0x64000;
	[sflag:s20] =	ssyncset.done $0x0  }
.LBB2_25:
0x217: {  	p1 =	sne.s32 s3, $0x384000;
	[sflag:s20] =	ssyncadd.s32 $0xFFFFEC00;
	s10 =	sadd.s32 $0x1400, s10  }
0x218: {  	s6 =	smov.u32 s3;
	s3 =	sadd.s32 $0x64000, s3  }
0x219: {  	[tilespmem:s25], [sflag:$0x2] =	stream.strided.gather [hbm4b:s10+s26], $0x1400, s28, s26, $0x38;
	[tilespmem:$0x1DF80] =	vst v63  }
0x21a: {  	_ =	swait.ge [sflag:s14], $0x1400  }
0x21b: {  	s6 =	sadd.s32 s6, s21;
	[sflag:s14] =	ssyncset.done $0x0  }
0x21c: {  	s11 =	sadd.s32 $0x12000, s6;
	[sflag:s14] =	ssyncadd.s32 $0xFFFFEC00  }
0x21d: {  	[hbm4b:s11+s9] =	stream.linear.scatter [tilespmem:s25], [sflag:$0x4], $0x400, $0x38;
	[tilespmem:$0x1DF80] =	vst v63  }
0x21e: {  	s11 =	sadd.s32 $0x26000, s6  }
0x21f: {  	[hbm4b:s11+s9] =	stream.linear.scatter [tilespmem:s0], [sflag:$0x4], $0x400, $0x38;
	[tilespmem:$0x1DF80] =	vst v63  }
0x220: {  	s11 =	sadd.s32 $0x3A000, s6  }
0x221: {  	[hbm4b:s11+s9] =	stream.linear.scatter [tilespmem:s1], [sflag:$0x4], $0x400, $0x38;
	[tilespmem:$0x1DF80] =	vst v63  }
0x222: {  	s11 =	sadd.s32 $0x4E000, s6  }
0x223: {  	[hbm4b:s11+s9] =	stream.linear.scatter [tilespmem:s2], [sflag:$0x4], $0x400, $0x38;
	[tilespmem:$0x1DF80] =	vst v63  }
.Ltmp11:
0x224: {  	_ = 	snop;
	(pc) =	sbr.rel @p1 .LBB2_25-.Ltmp11, $4  }
0x225: {  	s6 =	sadd.s32 $0x62000, s6  }
0x226: {  	[hbm4b:s6+s9] =	stream.linear.scatter [tilespmem:s4], [sflag:$0x4], $0x400, $0x38;
	[tilespmem:$0x1DF80] =	vst v63  }
0x227: {  	_ =	swait.ge [sflag:s20], $0x1400  }
0x228: {  	[sflag:s20] =	ssyncset.done $0x0  }
0x229: {  	[sflag:s20] =	ssyncadd.s32 $0xFFFFEC00;
	s3 =	simm.s32 $0x1;
	s21 =	simm.s32 $0x0  }
0x22a: {  	s22 =	sor.u32 $0xD0000, s24;
	s10 =	sor.u32 $0x170000, s24;
	_ =	swait.ge [sflag:s3], $0x18700  }
0x22b: {  	s11 =	sor.u32 $0x210000, s24;
	s12 =	sor.u32 $0x2B0000, s24;
	[sflag:s3] =	ssyncset.done $0x0  }
0x22c: {  	s13 =	sor.u32 $0x30000, s24;
	s30 =	rddreg [dreg:$0xd];
	[sflag:s3] =	ssyncadd.s32 $0xFFFE7900  }
0x22d: {  	[tilespmem:s31], [sflag:$0x2] =	stream.linear.gather [hbm4b:s30+s21], $0x1400, $0x38;
	[tilespmem:$0x1DF80] =	vst v63  }
.LBB2_27:
0x22e: {  	s15 =	sshllo.u32 s21, $0x1  }
0x22f: {  	s3 =	smul.u32 $0x280, s15;
	_ =	sdelay $0x1  }
0x230: {  	s6 =	simm.s32 $0x1A380;
	s3 =	sadd.s32 s30, s3  }
0x231: {  	[tilespmem:s6], [sflag:$0x3] =	stream.linear.gather [hbm4b:s3+s9], $0x1400, $0x38;
	[tilespmem:$0x1DF80] =	vst v63  }
0x232: {  	_ =	swait.ge [sflag:s14], $0x1400  }
0x233: {  	p1 =	seq.s32 s21, $0x0;
	[sflag:s14] =	ssyncset.done $0x0  }
0x234: {  	s3 =	simm.s32 @!p1 $0x4;
	[sflag:s14] =	ssyncadd.s32 $0xFFFFEC00  }
0x235: {  	_ =	swait.ge @!p1 [sflag:s3], $0x1400  }
0x236: {  	[sflag:s3] =	ssyncset.done @!p1 $0x0  }
0x237: {  	s17 =	simm.s32 $0x18FC0;
	[sflag:s3] =	ssyncadd.s32 @!p1 $0xFFFFEC00  }
0x238: {  	v0 =	vld [tilespmem:s17+$0x30]  }
0x239: {  	v1 =	vld [tilespmem:s17+$0xFFFFFFD0]  }
0x23a: {  	v2 =	vld [tilespmem:s17+$0xFFFFFFE0]  }
0x23b: {  	v3 =	vld [tilespmem:s17+$0xFFFFFFF0]  }
0x23c: {  	v6 =	vld [tilespmem:s17+$0x0]  }
0x23d: {  	v7 =	vld [tilespmem:s17+$0x10]  }
0x23e: {  	v8 =	vld [tilespmem:s17+$0x20]  }
0x23f: {  	v9 =	vld [tilespmem:s17+$0xFFFFFFC0]  }
0x240: {  	v10 =	vld.idx.msk [tilespmem:v0+s9+$0x0], $0xffff  }
0x241: {  	v11 =	vld.idx.msk [tilespmem:v1+s9+$0x0], $0xffff  }
0x242: {  	v5 =	vld.idx.msk [tilespmem:v2+s9+$0x0], $0xffff  }
0x243: {  	v4 =	vld.idx.msk [tilespmem:v3+s9+$0x0], $0xffff  }
0x244: {  	v2 =	vld.idx.msk [tilespmem:v6+s9+$0x0], $0xffff  }
0x245: {  	s17 =	simm.s32 $0x1B7C0;
	v1 =	vld.idx.msk [tilespmem:v7+s9+$0x0], $0xffff  }
0x246: {  	v0 =	vld.idx.msk [tilespmem:v8+s9+$0x0], $0xffff;
	[tilespmem:s17+$0x30] =	vst v10  }
0x247: {  	s16 =	sshll.u32 s21, $0x1;
	s6 =	simm.s32 $0x19040;
	s3 =	simm.s32 $0x0;
	v3 =	vld.idx.msk [tilespmem:v9+s9+$0x0], $0xffff;
	[tilespmem:s17+$0xFFFFFFD0] =	vst v11  }
.LBB2_28:
0x248: {  	v6 =	vld [tilespmem:s6+$0x30];
	s3 =	sadd.s32 $0x8, s3;
	[tilespmem:s17+$0xFFFFFFE0] =	vst v5  }
0x249: {  	v5 =	vld [tilespmem:s6+$0xFFFFFFD0];
	p2 =	slt.u32 s3, $0x138;
	[tilespmem:s17+$0xFFFFFFF0] =	vst v4  }
0x24a: {  	v4 =	vld [tilespmem:s6+$0xFFFFFFE0];
	[tilespmem:s17+$0x0] =	vst v2  }
0x24b: {  	v2 =	vld [tilespmem:s6+$0xFFFFFFF0];
	[tilespmem:s17+$0x10] =	vst v1  }
0x24c: {  	v1 =	vld [tilespmem:s6+$0x0];
	[tilespmem:s17+$0x20] =	vst v0  }
0x24d: {  	v0 =	vld [tilespmem:s6+$0x10];
	[tilespmem:s17+$0xFFFFFFC0] =	vst v3  }
0x24e: {  	v3 =	vld [tilespmem:s6+$0x20]  }
0x24f: {  	v7 =	vld [tilespmem:s6+$0xFFFFFFC0]  }
0x250: {  	v6 =	vld.idx.msk [tilespmem:v6+s9+$0x0], $0xffff  }
0x251: {  	v8 =	vld.idx.msk [tilespmem:v5+s9+$0x0], $0xffff  }
0x252: {  	v5 =	vld.idx.msk [tilespmem:v4+s9+$0x0], $0xffff  }
.Ltmp12:
0x253: {  	v4 =	vld.idx.msk [tilespmem:v2+s9+$0x0], $0xffff;
	(pc) =	sbr.rel @p2 .LBB2_28-.Ltmp12, $4  }
0x254: {  	v2 =	vld.idx.msk [tilespmem:v1+s9+$0x0], $0xffff  }
0x255: {  	s17 =	sadd.s32 $0x80, s17;
	v1 =	vld.idx.msk [tilespmem:v0+s9+$0x0], $0xffff  }
0x256: {  	v0 =	vld.idx.msk [tilespmem:v3+s9+$0x0], $0xffff;
	[tilespmem:s17+$0x30] =	vst v6  }
0x257: {  	s6 =	sadd.s32 $0x80, s6;
	v3 =	vld.idx.msk [tilespmem:v7+s9+$0x0], $0xffff;
	[tilespmem:s17+$0xFFFFFFD0] =	vst v8  }
0x258: {  	[tilespmem:s17+$0xFFFFFFE0] =	vst v5;
	s3 =	smul.u32 $0x640000, s21  }
0x259: {  	[tilespmem:s17+$0xFFFFFFF0] =	vst v4  }
0x25a: {  	[tilespmem:s17+$0x0] =	vst v2;
	s6 =	sor.u32 s24, s3  }
0x25b: {  	[tilespmem:s17+$0x10] =	vst v1;
	s6 =	sshrl.u32 s6, $0x3  }
0x25c: {  	[tilespmem:s17+$0x20] =	vst v0;
	s6 =	sor.u32 $0x6000, s6  }
0x25d: {  	[tilespmem:s17+$0xFFFFFFC0] =	vst v3;
	s17 =	sadd.s32 s22, s3;
	s6 =	sadd.s32 s23, s6  }
0x25e: {  	[hbm4b:s6+s9] =	stream.linear.scatter [tilespmem:s25], [sflag:$0x4], $0x400, $0x38;
	[tilespmem:$0x1DF80] =	vst v63  }
0x25f: {  	s6 =	sshrl.u32 s17, $0x3  }
0x260: {  	s17 =	sadd.s32 s10, s3;
	s6 =	sadd.s32 s23, s6  }
0x261: {  	[hbm4b:s6+s9] =	stream.linear.scatter [tilespmem:s0], [sflag:$0x4], $0x400, $0x38;
	[tilespmem:$0x1DF80] =	vst v63  }
0x262: {  	s6 =	sshrl.u32 s17, $0x3  }
0x263: {  	s17 =	sadd.s32 s11, s3;
	s6 =	sadd.s32 s23, s6  }
0x264: {  	[hbm4b:s6+s9] =	stream.linear.scatter [tilespmem:s1], [sflag:$0x4], $0x400, $0x38;
	[tilespmem:$0x1DF80] =	vst v63  }
0x265: {  	s3 =	sadd.s32 s12, s3;
	s6 =	sshrl.u32 s17, $0x3  }
0x266: {  	s3 =	sshrl.u32 s3, $0x3;
	s17 =	sadd.s32 $0x2, s16;
	s6 =	sadd.s32 s23, s6  }
0x267: {  	[hbm4b:s6+s9] =	stream.linear.scatter [tilespmem:s2], [sflag:$0x4], $0x400, $0x38;
	[tilespmem:$0x1DF80] =	vst v63  }
0x268: {  	s3 =	sadd.s32 s23, s3;
	p2 =	seq.s32 s17, $0xA;
	s6 =	smul.u32 $0x280, s17  }
0x269: {  	[hbm4b:s3+s9] =	stream.linear.scatter [tilespmem:s4], [sflag:$0x4], $0x400, $0x38;
	[tilespmem:$0x1DF80] =	vst v63  }
0x26a: {  	s6 =	simm.s32 @p2 $0x0  }
0x26b: {  	s16 =	sadd.s32 s30, s6  }
0x26c: {  	[tilespmem:s31], [sflag:$0x2] =	stream.linear.gather [hbm4b:s16+s9], $0x1400, $0x38;
	[tilespmem:$0x1DF80] =	vst v63  }
0x26d: {  	_ =	swait.ge [sflag:s5], $0x1400  }
0x26e: {  	[sflag:s5] =	ssyncset.done $0x0  }
0x26f: {  	s3 =	simm.s32 @!p1 $0x5;
	[sflag:s5] =	ssyncadd.s32 $0xFFFFEC00  }
0x270: {  	_ =	swait.ge @!p1 [sflag:s3], $0x1400  }
0x271: {  	[sflag:s3] =	ssyncset.done @!p1 $0x0  }
0x272: {  	s17 =	simm.s32 $0x1A3C0;
	[sflag:s3] =	ssyncadd.s32 @!p1 $0xFFFFEC00  }
0x273: {  	v0 =	vld [tilespmem:s17+$0x30]  }
0x274: {  	v1 =	vld [tilespmem:s17+$0xFFFFFFD0]  }
0x275: {  	v2 =	vld [tilespmem:s17+$0xFFFFFFE0]  }
0x276: {  	v3 =	vld [tilespmem:s17+$0xFFFFFFF0]  }
0x277: {  	v6 =	vld [tilespmem:s17+$0x0]  }
0x278: {  	v7 =	vld [tilespmem:s17+$0x10]  }
0x279: {  	v8 =	vld [tilespmem:s17+$0x20]  }
0x27a: {  	v9 =	vld [tilespmem:s17+$0xFFFFFFC0]  }
0x27b: {  	v10 =	vld.idx.msk [tilespmem:v0+s9+$0x0], $0xffff  }
0x27c: {  	v11 =	vld.idx.msk [tilespmem:v1+s9+$0x0], $0xffff  }
0x27d: {  	v5 =	vld.idx.msk [tilespmem:v2+s9+$0x0], $0xffff  }
0x27e: {  	v4 =	vld.idx.msk [tilespmem:v3+s9+$0x0], $0xffff  }
0x27f: {  	v1 =	vld.idx.msk [tilespmem:v6+s9+$0x0], $0xffff  }
0x280: {  	s16 =	simm.s32 $0x1CBC0;
	v2 =	vld.idx.msk [tilespmem:v7+s9+$0x0], $0xffff  }
0x281: {  	v0 =	vld.idx.msk [tilespmem:v8+s9+$0x0], $0xffff;
	[tilespmem:s16+$0x30] =	vst v10  }
0x282: {  	s6 =	simm.s32 $0x1A440;
	s3 =	simm.s32 $0x0;
	v3 =	vld.idx.msk [tilespmem:v9+s9+$0x0], $0xffff;
	[tilespmem:s16+$0xFFFFFFD0] =	vst v11  }
.LBB2_30:
0x283: {  	v6 =	vld [tilespmem:s6+$0x30];
	s3 =	sadd.s32 $0x8, s3;
	[tilespmem:s16+$0xFFFFFFE0] =	vst v5  }
0x284: {  	v5 =	vld [tilespmem:s6+$0xFFFFFFD0];
	p1 =	slt.u32 s3, $0x138;
	[tilespmem:s16+$0xFFFFFFF0] =	vst v4  }
0x285: {  	v4 =	vld [tilespmem:s6+$0xFFFFFFE0];
	[tilespmem:s16+$0x0] =	vst v1  }
0x286: {  	v1 =	vld [tilespmem:s6+$0xFFFFFFF0];
	[tilespmem:s16+$0x10] =	vst v2  }
0x287: {  	v2 =	vld [tilespmem:s6+$0x0];
	[tilespmem:s16+$0x20] =	vst v0  }
0x288: {  	v0 =	vld [tilespmem:s6+$0x10];
	[tilespmem:s16+$0xFFFFFFC0] =	vst v3  }
0x289: {  	v3 =	vld [tilespmem:s6+$0x20]  }
0x28a: {  	v7 =	vld [tilespmem:s6+$0xFFFFFFC0]  }
0x28b: {  	v6 =	vld.idx.msk [tilespmem:v6+s9+$0x0], $0xffff  }
0x28c: {  	v8 =	vld.idx.msk [tilespmem:v5+s9+$0x0], $0xffff  }
0x28d: {  	v5 =	vld.idx.msk [tilespmem:v4+s9+$0x0], $0xffff  }
.Ltmp13:
0x28e: {  	v4 =	vld.idx.msk [tilespmem:v1+s9+$0x0], $0xffff;
	(pc) =	sbr.rel @p1 .LBB2_30-.Ltmp13, $4  }
0x28f: {  	v1 =	vld.idx.msk [tilespmem:v2+s9+$0x0], $0xffff  }
0x290: {  	s16 =	sadd.s32 $0x80, s16;
	v2 =	vld.idx.msk [tilespmem:v0+s9+$0x0], $0xffff  }
0x291: {  	v0 =	vld.idx.msk [tilespmem:v3+s9+$0x0], $0xffff;
	[tilespmem:s16+$0x30] =	vst v6  }
0x292: {  	s6 =	sadd.s32 $0x80, s6;
	v3 =	vld.idx.msk [tilespmem:v7+s9+$0x0], $0xffff;
	[tilespmem:s16+$0xFFFFFFD0] =	vst v8  }
0x293: {  	[tilespmem:s16+$0xFFFFFFE0] =	vst v5  }
0x294: {  	[tilespmem:s16+$0xFFFFFFF0] =	vst v4;
	s3 =	smul.u32 $0x320000, s15  }
0x295: {  	[tilespmem:s16+$0x0] =	vst v1  }
0x296: {  	[tilespmem:s16+$0x10] =	vst v2;
	s6 =	sadd.s32 s13, s3  }
0x297: {  	[tilespmem:s16+$0x20] =	vst v0;
	s6 =	sshrl.u32 s6, $0x3  }
0x298: {  	s17 =	simm.s32 $0x1CB80;
	s15 =	sadd.s32 s22, s3;
	[tilespmem:s16+$0xFFFFFFC0] =	vst v3;
	s6 =	sadd.s32 s23, s6  }
0x299: {  	[hbm4b:s6+s9] =	stream.linear.scatter [tilespmem:s17], [sflag:$0x5], $0x400, $0x38;
	[tilespmem:$0x1DF80] =	vst v63  }
0x29a: {  	s6 =	sshrl.u32 s15, $0x3  }
0x29b: {  	s16 =	sadd.s32 s10, s3;
	s6 =	sadd.s32 s23, s6  }
0x29c: {  	[hbm4b:s6+s9] =	stream.linear.scatter [tilespmem:s7], [sflag:$0x5], $0x400, $0x38;
	[tilespmem:$0x1DF80] =	vst v63  }
0x29d: {  	s21 =	sadd.s32 $0x1, s21;
	s6 =	sshrl.u32 s16, $0x3  }
0x29e: {  	p1 =	sne.s32 s21, $0x5;
	s17 =	sadd.s32 s11, s3;
	s6 =	sadd.s32 s23, s6  }
0x29f: {  	[hbm4b:s6+s9] =	stream.linear.scatter [tilespmem:s8], [sflag:$0x5], $0x400, $0x38;
	[tilespmem:$0x1DF80] =	vst v63  }
.Ltmp14:
0x2a0: {  	s3 =	sadd.s32 s12, s3;
	s6 =	sshrl.u32 s17, $0x3;
	(pc) =	sbr.rel @p1 .LBB2_27-.Ltmp14, $4  }
0x2a1: {  	s3 =	sshrl.u32 s3, $0x3;
	s6 =	sadd.s32 s23, s6  }
0x2a2: {  	[hbm4b:s6+s9] =	stream.linear.scatter [tilespmem:s18], [sflag:$0x5], $0x400, $0x38;
	[tilespmem:$0x1DF80] =	vst v63  }
0x2a3: {  	s3 =	sadd.s32 s23, s3  }
0x2a4: {  	[hbm4b:s3+s9] =	stream.linear.scatter [tilespmem:s19], [sflag:$0x5], $0x400, $0x38;
	[tilespmem:$0x1DF80] =	vst v63  }
0x2a5: {  	_ =	swait.ge [sflag:s14], $0x1400  }
0x2a6: {  	[sflag:s14] =	ssyncset.done $0x0  }
0x2a7: {  	[sflag:s14] =	ssyncadd.s32 $0xFFFFEC00  }
0x2a8: {  	_ =	swait.ge [sflag:s20], $0x1400  }
0x2a9: {  	[sflag:s20] =	ssyncset.done $0x0  }
0x2aa: {  	s3 =	simm.s32 $0x5;
	[sflag:s20] =	ssyncadd.s32 $0xFFFFEC00  }
0x2ab: {  	_ =	swait.ge [sflag:s3], $0x1400  }
0x2ac: {  	[sflag:s3] =	ssyncset.done $0x0  }
0x2ad: {  	s6 =	rddreg [dreg:$0x19];
	[sflag:s3] =	ssyncadd.s32 $0xFFFFEC00  }
0x2ae: {  	s3 =	rddreg [dreg:$0x4]  }
0x2af: {  	s21 =	simm.s32 $0x0;
	s22 =	simm.s32 $0x1;
	s3 =	sadd.s32 s3, s6  }
0x2b0: {  	[tilespmem:s21], [sflag:$0x1] =	stream.strided.gather [hbm4b:s3+s26], $0x18700, s28, s26, $0x38;
	[tilespmem:$0x1DF80] =	vst v63  }
0x2b1: {  	s10 =	sor.u32 $0x80000, s24;
	s11 =	sor.u32 $0x120000, s24;
	_ =	swait.ge [sflag:s22], $0x880  }
0x2b2: {  	s12 =	sor.u32 $0x1C0000, s24;
	s13 =	sor.u32 $0x260000, s24;
	[sflag:s22] =	ssyncset.done $0x0  }
0x2b3: {  	s30 =	rddreg [dreg:$0x10];
	[sflag:s22] =	ssyncadd.s32 $0xFFFFF780;
	s22 =	sor.u32 $0x300000, s24  }
0x2b4: {  	[tilespmem:s31], [sflag:$0x2] =	stream.linear.gather [hbm4b:s30+s21], $0x1400, $0x38;
	[tilespmem:$0x1DF80] =	vst v63  }
.LBB2_33:
0x2b5: {  	s15 =	sshllo.u32 s21, $0x1  }
0x2b6: {  	s3 =	smul.u32 $0x280, s15  }
0x2b7: {  	s6 =	rddreg [dreg:$0x10]  }
0x2b8: {  	s17 =	simm.s32 $0x1A380;
	s3 =	sadd.s32 s6, s3  }
0x2b9: {  	[tilespmem:s17], [sflag:$0x3] =	stream.linear.gather [hbm4b:s3+s9], $0x1400, $0x38;
	[tilespmem:$0x1DF80] =	vst v63  }
0x2ba: {  	_ =	swait.ge [sflag:s14], $0x1400  }
0x2bb: {  	p1 =	seq.s32 s21, $0x0;
	[sflag:s14] =	ssyncset.done $0x0  }
0x2bc: {  	s3 =	simm.s32 @!p1 $0x4;
	[sflag:s14] =	ssyncadd.s32 $0xFFFFEC00  }
0x2bd: {  	_ =	swait.ge @!p1 [sflag:s3], $0x1400  }
0x2be: {  	[sflag:s3] =	ssyncset.done @!p1 $0x0  }
0x2bf: {  	s30 =	simm.s32 $0x18FC0;
	[sflag:s3] =	ssyncadd.s32 @!p1 $0xFFFFEC00  }
0x2c0: {  	v0 =	vld [tilespmem:s30+$0x30]  }
0x2c1: {  	v1 =	vld [tilespmem:s30+$0xFFFFFFD0]  }
0x2c2: {  	v2 =	vld [tilespmem:s30+$0xFFFFFFE0]  }
0x2c3: {  	v3 =	vld [tilespmem:s30+$0xFFFFFFF0]  }
0x2c4: {  	v6 =	vld [tilespmem:s30+$0x0]  }
0x2c5: {  	v7 =	vld [tilespmem:s30+$0x10]  }
0x2c6: {  	v8 =	vld [tilespmem:s30+$0x20]  }
0x2c7: {  	v9 =	vld [tilespmem:s30+$0xFFFFFFC0]  }
0x2c8: {  	v10 =	vld.idx.msk [tilespmem:v0+s29+$0x0], $0xffff  }
0x2c9: {  	v11 =	vld.idx.msk [tilespmem:v1+s29+$0x0], $0xffff  }
0x2ca: {  	v5 =	vld.idx.msk [tilespmem:v2+s29+$0x0], $0xffff  }
0x2cb: {  	v4 =	vld.idx.msk [tilespmem:v3+s29+$0x0], $0xffff  }
0x2cc: {  	v1 =	vld.idx.msk [tilespmem:v6+s29+$0x0], $0xffff  }
0x2cd: {  	s17 =	simm.s32 $0x1B7C0;
	v2 =	vld.idx.msk [tilespmem:v7+s29+$0x0], $0xffff  }
0x2ce: {  	v0 =	vld.idx.msk [tilespmem:v8+s29+$0x0], $0xffff;
	[tilespmem:s17+$0x30] =	vst v10  }
0x2cf: {  	s16 =	sshll.u32 s21, $0x1;
	s6 =	simm.s32 $0x19040;
	s3 =	simm.s32 $0x0;
	v3 =	vld.idx.msk [tilespmem:v9+s29+$0x0], $0xffff;
	[tilespmem:s17+$0xFFFFFFD0] =	vst v11  }
.LBB2_34:
0x2d0: {  	v6 =	vld [tilespmem:s6+$0x30];
	s3 =	sadd.s32 $0x8, s3;
	[tilespmem:s17+$0xFFFFFFE0] =	vst v5  }
0x2d1: {  	v5 =	vld [tilespmem:s6+$0xFFFFFFD0];
	p2 =	slt.u32 s3, $0x138;
	[tilespmem:s17+$0xFFFFFFF0] =	vst v4  }
0x2d2: {  	v4 =	vld [tilespmem:s6+$0xFFFFFFE0];
	[tilespmem:s17+$0x0] =	vst v1  }
0x2d3: {  	v1 =	vld [tilespmem:s6+$0xFFFFFFF0];
	[tilespmem:s17+$0x10] =	vst v2  }
0x2d4: {  	v2 =	vld [tilespmem:s6+$0x0];
	[tilespmem:s17+$0x20] =	vst v0  }
0x2d5: {  	v0 =	vld [tilespmem:s6+$0x10];
	[tilespmem:s17+$0xFFFFFFC0] =	vst v3  }
0x2d6: {  	v3 =	vld [tilespmem:s6+$0x20]  }
0x2d7: {  	v7 =	vld [tilespmem:s6+$0xFFFFFFC0]  }
0x2d8: {  	v6 =	vld.idx.msk [tilespmem:v6+s29+$0x0], $0xffff  }
0x2d9: {  	v8 =	vld.idx.msk [tilespmem:v5+s29+$0x0], $0xffff  }
0x2da: {  	v5 =	vld.idx.msk [tilespmem:v4+s29+$0x0], $0xffff  }
.Ltmp15:
0x2db: {  	v4 =	vld.idx.msk [tilespmem:v1+s29+$0x0], $0xffff;
	(pc) =	sbr.rel @p2 .LBB2_34-.Ltmp15, $4  }
0x2dc: {  	v1 =	vld.idx.msk [tilespmem:v2+s29+$0x0], $0xffff  }
0x2dd: {  	s17 =	sadd.s32 $0x80, s17;
	v2 =	vld.idx.msk [tilespmem:v0+s29+$0x0], $0xffff  }
0x2de: {  	v0 =	vld.idx.msk [tilespmem:v3+s29+$0x0], $0xffff;
	[tilespmem:s17+$0x30] =	vst v6  }
0x2df: {  	s6 =	sadd.s32 $0x80, s6;
	v3 =	vld.idx.msk [tilespmem:v7+s29+$0x0], $0xffff;
	[tilespmem:s17+$0xFFFFFFD0] =	vst v8  }
0x2e0: {  	[tilespmem:s17+$0xFFFFFFE0] =	vst v5  }
0x2e1: {  	[tilespmem:s17+$0xFFFFFFF0] =	vst v4;
	s3 =	smul.u32 $0x640000, s21  }
0x2e2: {  	[tilespmem:s17+$0x0] =	vst v1  }
0x2e3: {  	[tilespmem:s17+$0x10] =	vst v2;
	s6 =	sadd.s32 s10, s3  }
0x2e4: {  	[tilespmem:s17+$0x20] =	vst v0;
	s6 =	sshrl.u32 s6, $0x3  }
0x2e5: {  	s30 =	sadd.s32 s11, s3;
	[tilespmem:s17+$0xFFFFFFC0] =	vst v3;
	s6 =	sadd.s32 s23, s6  }
0x2e6: {  	[hbm4b:s6+s9] =	stream.linear.scatter [tilespmem:s25], [sflag:$0x4], $0x400, $0x38;
	[tilespmem:$0x1DF80] =	vst v63  }
0x2e7: {  	s6 =	sshrl.u32 s30, $0x3  }
0x2e8: {  	s17 =	sadd.s32 s12, s3;
	s6 =	sadd.s32 s23, s6  }
0x2e9: {  	[hbm4b:s6+s9] =	stream.linear.scatter [tilespmem:s0], [sflag:$0x4], $0x400, $0x38;
	[tilespmem:$0x1DF80] =	vst v63  }
0x2ea: {  	s6 =	sshrl.u32 s17, $0x3  }
0x2eb: {  	s30 =	sadd.s32 s13, s3;
	s6 =	sadd.s32 s23, s6  }
0x2ec: {  	[hbm4b:s6+s9] =	stream.linear.scatter [tilespmem:s1], [sflag:$0x4], $0x400, $0x38;
	[tilespmem:$0x1DF80] =	vst v63  }
0x2ed: {  	s3 =	sadd.s32 s22, s3;
	s6 =	sshrl.u32 s30, $0x3  }
0x2ee: {  	s16 =	sadd.s32 $0x2, s16;
	s3 =	sshrl.u32 s3, $0x3;
	s6 =	sadd.s32 s23, s6  }
0x2ef: {  	[hbm4b:s6+s9] =	stream.linear.scatter [tilespmem:s2], [sflag:$0x4], $0x400, $0x38;
	[tilespmem:$0x1DF80] =	vst v63  }
0x2f0: {  	p2 =	seq.s32 s16, $0xA;
	s3 =	sadd.s32 s23, s3;
	s6 =	smul.u32 $0x280, s16  }
0x2f1: {  	[hbm4b:s3+s9] =	stream.linear.scatter [tilespmem:s4], [sflag:$0x4], $0x400, $0x38;
	[tilespmem:$0x1DF80] =	vst v63  }
0x2f2: {  	s17 =	rddreg [dreg:$0x10];
	s6 =	simm.s32 @p2 $0x0  }
0x2f3: {  	s3 =	sadd.s32 s17, s6  }
0x2f4: {  	[tilespmem:s31], [sflag:$0x2] =	stream.linear.gather [hbm4b:s3+s9], $0x1400, $0x38;
	[tilespmem:$0x1DF80] =	vst v63  }
0x2f5: {  	_ =	swait.ge [sflag:s5], $0x1400  }
0x2f6: {  	[sflag:s5] =	ssyncset.done $0x0  }
0x2f7: {  	s3 =	simm.s32 @!p1 $0x5;
	[sflag:s5] =	ssyncadd.s32 $0xFFFFEC00  }
0x2f8: {  	_ =	swait.ge @!p1 [sflag:s3], $0x1400  }
0x2f9: {  	[sflag:s3] =	ssyncset.done @!p1 $0x0  }
0x2fa: {  	s30 =	simm.s32 $0x1A3C0;
	[sflag:s3] =	ssyncadd.s32 @!p1 $0xFFFFEC00  }
0x2fb: {  	v0 =	vld [tilespmem:s30+$0x30]  }
0x2fc: {  	v1 =	vld [tilespmem:s30+$0xFFFFFFD0]  }
0x2fd: {  	v2 =	vld [tilespmem:s30+$0xFFFFFFE0]  }
0x2fe: {  	v3 =	vld [tilespmem:s30+$0xFFFFFFF0]  }
0x2ff: {  	v6 =	vld [tilespmem:s30+$0x0]  }
0x300: {  	v7 =	vld [tilespmem:s30+$0x10]  }
0x301: {  	v8 =	vld [tilespmem:s30+$0x20]  }
0x302: {  	v9 =	vld [tilespmem:s30+$0xFFFFFFC0]  }
0x303: {  	v10 =	vld.idx.msk [tilespmem:v0+s29+$0x0], $0xffff  }
0x304: {  	v11 =	vld.idx.msk [tilespmem:v1+s29+$0x0], $0xffff  }
0x305: {  	v5 =	vld.idx.msk [tilespmem:v2+s29+$0x0], $0xffff  }
0x306: {  	v4 =	vld.idx.msk [tilespmem:v3+s29+$0x0], $0xffff  }
0x307: {  	v1 =	vld.idx.msk [tilespmem:v6+s29+$0x0], $0xffff  }
0x308: {  	s16 =	simm.s32 $0x1CBC0;
	v2 =	vld.idx.msk [tilespmem:v7+s29+$0x0], $0xffff  }
0x309: {  	v0 =	vld.idx.msk [tilespmem:v8+s29+$0x0], $0xffff;
	[tilespmem:s16+$0x30] =	vst v10  }
0x30a: {  	s6 =	simm.s32 $0x1A440;
	s3 =	simm.s32 $0x0;
	v3 =	vld.idx.msk [tilespmem:v9+s29+$0x0], $0xffff;
	[tilespmem:s16+$0xFFFFFFD0] =	vst v11  }
.LBB2_36:
0x30b: {  	v6 =	vld [tilespmem:s6+$0x30];
	s3 =	sadd.s32 $0x8, s3;
	[tilespmem:s16+$0xFFFFFFE0] =	vst v5  }
0x30c: {  	v5 =	vld [tilespmem:s6+$0xFFFFFFD0];
	p1 =	slt.u32 s3, $0x138;
	[tilespmem:s16+$0xFFFFFFF0] =	vst v4  }
0x30d: {  	v4 =	vld [tilespmem:s6+$0xFFFFFFE0];
	[tilespmem:s16+$0x0] =	vst v1  }
0x30e: {  	v1 =	vld [tilespmem:s6+$0xFFFFFFF0];
	[tilespmem:s16+$0x10] =	vst v2  }
0x30f: {  	v2 =	vld [tilespmem:s6+$0x0];
	[tilespmem:s16+$0x20] =	vst v0  }
0x310: {  	v0 =	vld [tilespmem:s6+$0x10];
	[tilespmem:s16+$0xFFFFFFC0] =	vst v3  }
0x311: {  	v3 =	vld [tilespmem:s6+$0x20]  }
0x312: {  	v7 =	vld [tilespmem:s6+$0xFFFFFFC0]  }
0x313: {  	v6 =	vld.idx.msk [tilespmem:v6+s29+$0x0], $0xffff  }
0x314: {  	v8 =	vld.idx.msk [tilespmem:v5+s29+$0x0], $0xffff  }
0x315: {  	v5 =	vld.idx.msk [tilespmem:v4+s29+$0x0], $0xffff  }
.Ltmp16:
0x316: {  	v4 =	vld.idx.msk [tilespmem:v1+s29+$0x0], $0xffff;
	(pc) =	sbr.rel @p1 .LBB2_36-.Ltmp16, $4  }
0x317: {  	v1 =	vld.idx.msk [tilespmem:v2+s29+$0x0], $0xffff  }
0x318: {  	s16 =	sadd.s32 $0x80, s16;
	v2 =	vld.idx.msk [tilespmem:v0+s29+$0x0], $0xffff  }
0x319: {  	v0 =	vld.idx.msk [tilespmem:v3+s29+$0x0], $0xffff;
	[tilespmem:s16+$0x30] =	vst v6  }
0x31a: {  	s6 =	sadd.s32 $0x80, s6;
	v3 =	vld.idx.msk [tilespmem:v7+s29+$0x0], $0xffff;
	[tilespmem:s16+$0xFFFFFFD0] =	vst v8  }
0x31b: {  	[tilespmem:s16+$0xFFFFFFE0] =	vst v5  }
0x31c: {  	[tilespmem:s16+$0xFFFFFFF0] =	vst v4;
	s3 =	smul.u32 $0x320000, s15  }
0x31d: {  	[tilespmem:s16+$0x0] =	vst v1  }
0x31e: {  	[tilespmem:s16+$0x10] =	vst v2;
	s6 =	sadd.s32 s10, s3  }
0x31f: {  	[tilespmem:s16+$0x20] =	vst v0;
	s6 =	sshrl.u32 s6, $0x3  }
0x320: {  	s30 =	simm.s32 $0x1CB80;
	[tilespmem:s16+$0xFFFFFFC0] =	vst v3;
	s6 =	sadd.s32 s23, s6;
	s16 =	sadd.s32 s11, s3  }
0x321: {  	[hbm4b:s6+s9] =	stream.linear.scatter [tilespmem:s30], [sflag:$0x5], $0x400, $0x38;
	[tilespmem:$0x1DF80] =	vst v63  }
0x322: {  	s6 =	sshrl.u32 s16, $0x3  }
0x323: {  	s17 =	sadd.s32 s12, s3;
	s6 =	sadd.s32 s23, s6  }
0x324: {  	[hbm4b:s6+s9] =	stream.linear.scatter [tilespmem:s7], [sflag:$0x5], $0x400, $0x38;
	[tilespmem:$0x1DF80] =	vst v63  }
0x325: {  	s21 =	sadd.s32 $0x1, s21;
	s6 =	sshrl.u32 s17, $0x3  }
0x326: {  	p1 =	sne.s32 s21, $0x5;
	s30 =	sadd.s32 s13, s3;
	s6 =	sadd.s32 s23, s6  }
0x327: {  	[hbm4b:s6+s9] =	stream.linear.scatter [tilespmem:s8], [sflag:$0x5], $0x400, $0x38;
	[tilespmem:$0x1DF80] =	vst v63  }
.Ltmp17:
0x328: {  	s3 =	sadd.s32 s22, s3;
	s6 =	sshrl.u32 s30, $0x3;
	(pc) =	sbr.rel @p1 .LBB2_33-.Ltmp17, $4  }
0x329: {  	s3 =	sshrl.u32 s3, $0x3;
	s6 =	sadd.s32 s23, s6  }
0x32a: {  	[hbm4b:s6+s9] =	stream.linear.scatter [tilespmem:s18], [sflag:$0x5], $0x400, $0x38;
	[tilespmem:$0x1DF80] =	vst v63  }
0x32b: {  	s3 =	sadd.s32 s23, s3  }
0x32c: {  	[hbm4b:s3+s9] =	stream.linear.scatter [tilespmem:s19], [sflag:$0x5], $0x400, $0x38;
	[tilespmem:$0x1DF80] =	vst v63  }
0x32d: {  	_ =	swait.ge [sflag:s14], $0x1400  }
0x32e: {  	[sflag:s14] =	ssyncset.done $0x0  }
0x32f: {  	[sflag:s14] =	ssyncadd.s32 $0xFFFFEC00  }
0x330: {  	_ =	swait.ge [sflag:s20], $0x1400  }
0x331: {  	[sflag:s20] =	ssyncset.done $0x0  }
0x332: {  	s3 =	simm.s32 $0x5;
	[sflag:s20] =	ssyncadd.s32 $0xFFFFEC00  }
0x333: {  	_ =	swait.ge [sflag:s3], $0x1400  }
0x334: {  	[sflag:s3] =	ssyncset.done $0x0  }
0x335: {  	s22 =	simm.s32 $0x1;
	s21 =	simm.s32 $0x0;
	[sflag:s3] =	ssyncadd.s32 $0xFFFFEC00  }
0x336: {  	s10 =	sor.u32 $0x40000, s24;
	s11 =	sor.u32 $0xE0000, s24;
	_ =	swait.ge [sflag:s22], $0x18700  }
0x337: {  	s12 =	sor.u32 $0x180000, s24;
	s13 =	sor.u32 $0x220000, s24;
	[sflag:s22] =	ssyncset.done $0x0  }
0x338: {  	s30 =	rddreg [dreg:$0xe];
	[sflag:s22] =	ssyncadd.s32 $0xFFFE7900;
	s22 =	sor.u32 $0x2C0000, s24  }
0x339: {  	[tilespmem:s31], [sflag:$0x2] =	stream.linear.gather [hbm4b:s30+s21], $0x1400, $0x38;
	[tilespmem:$0x1DF80] =	vst v63  }
.LBB2_39:
0x33a: {  	s15 =	sshllo.u32 s21, $0x1  }
0x33b: {  	s3 =	smul.u32 $0x280, s15  }
0x33c: {  	s6 =	rddreg [dreg:$0xe]  }
0x33d: {  	s17 =	simm.s32 $0x1A380;
	s3 =	sadd.s32 s6, s3  }
0x33e: {  	[tilespmem:s17], [sflag:$0x3] =	stream.linear.gather [hbm4b:s3+s9], $0x1400, $0x38;
	[tilespmem:$0x1DF80] =	vst v63  }
0x33f: {  	_ =	swait.ge [sflag:s14], $0x1400  }
0x340: {  	p1 =	seq.s32 s21, $0x0;
	[sflag:s14] =	ssyncset.done $0x0  }
0x341: {  	s3 =	simm.s32 @!p1 $0x4;
	[sflag:s14] =	ssyncadd.s32 $0xFFFFEC00  }
0x342: {  	_ =	swait.ge @!p1 [sflag:s3], $0x1400  }
0x343: {  	[sflag:s3] =	ssyncset.done @!p1 $0x0  }
0x344: {  	s30 =	simm.s32 $0x18FC0;
	[sflag:s3] =	ssyncadd.s32 @!p1 $0xFFFFEC00  }
0x345: {  	v0 =	vld [tilespmem:s30+$0x30]  }
0x346: {  	v1 =	vld [tilespmem:s30+$0xFFFFFFD0]  }
0x347: {  	v2 =	vld [tilespmem:s30+$0xFFFFFFE0]  }
0x348: {  	v3 =	vld [tilespmem:s30+$0xFFFFFFF0]  }
0x349: {  	v6 =	vld [tilespmem:s30+$0x0]  }
0x34a: {  	v7 =	vld [tilespmem:s30+$0x10]  }
0x34b: {  	v8 =	vld [tilespmem:s30+$0x20]  }
0x34c: {  	v9 =	vld [tilespmem:s30+$0xFFFFFFC0]  }
0x34d: {  	v10 =	vld.idx.msk [tilespmem:v0+s9+$0x0], $0xffff  }
0x34e: {  	v11 =	vld.idx.msk [tilespmem:v1+s9+$0x0], $0xffff  }
0x34f: {  	v5 =	vld.idx.msk [tilespmem:v2+s9+$0x0], $0xffff  }
0x350: {  	v4 =	vld.idx.msk [tilespmem:v3+s9+$0x0], $0xffff  }
0x351: {  	v1 =	vld.idx.msk [tilespmem:v6+s9+$0x0], $0xffff  }
0x352: {  	s17 =	simm.s32 $0x1B7C0;
	v2 =	vld.idx.msk [tilespmem:v7+s9+$0x0], $0xffff  }
0x353: {  	v0 =	vld.idx.msk [tilespmem:v8+s9+$0x0], $0xffff;
	[tilespmem:s17+$0x30] =	vst v10  }
0x354: {  	s16 =	sshll.u32 s21, $0x1;
	s6 =	simm.s32 $0x19040;
	s3 =	simm.s32 $0x0;
	v3 =	vld.idx.msk [tilespmem:v9+s9+$0x0], $0xffff;
	[tilespmem:s17+$0xFFFFFFD0] =	vst v11  }
.LBB2_40:
0x355: {  	v6 =	vld [tilespmem:s6+$0x30];
	s3 =	sadd.s32 $0x8, s3;
	[tilespmem:s17+$0xFFFFFFE0] =	vst v5  }
0x356: {  	v5 =	vld [tilespmem:s6+$0xFFFFFFD0];
	p2 =	slt.u32 s3, $0x138;
	[tilespmem:s17+$0xFFFFFFF0] =	vst v4  }
0x357: {  	v4 =	vld [tilespmem:s6+$0xFFFFFFE0];
	[tilespmem:s17+$0x0] =	vst v1  }
0x358: {  	v1 =	vld [tilespmem:s6+$0xFFFFFFF0];
	[tilespmem:s17+$0x10] =	vst v2  }
0x359: {  	v2 =	vld [tilespmem:s6+$0x0];
	[tilespmem:s17+$0x20] =	vst v0  }
0x35a: {  	v0 =	vld [tilespmem:s6+$0x10];
	[tilespmem:s17+$0xFFFFFFC0] =	vst v3  }
0x35b: {  	v3 =	vld [tilespmem:s6+$0x20]  }
0x35c: {  	v7 =	vld [tilespmem:s6+$0xFFFFFFC0]  }
0x35d: {  	v6 =	vld.idx.msk [tilespmem:v6+s9+$0x0], $0xffff  }
0x35e: {  	v8 =	vld.idx.msk [tilespmem:v5+s9+$0x0], $0xffff  }
0x35f: {  	v5 =	vld.idx.msk [tilespmem:v4+s9+$0x0], $0xffff  }
.Ltmp18:
0x360: {  	v4 =	vld.idx.msk [tilespmem:v1+s9+$0x0], $0xffff;
	(pc) =	sbr.rel @p2 .LBB2_40-.Ltmp18, $4  }
0x361: {  	v1 =	vld.idx.msk [tilespmem:v2+s9+$0x0], $0xffff  }
0x362: {  	s17 =	sadd.s32 $0x80, s17;
	v2 =	vld.idx.msk [tilespmem:v0+s9+$0x0], $0xffff  }
0x363: {  	v0 =	vld.idx.msk [tilespmem:v3+s9+$0x0], $0xffff;
	[tilespmem:s17+$0x30] =	vst v6  }
0x364: {  	s6 =	sadd.s32 $0x80, s6;
	v3 =	vld.idx.msk [tilespmem:v7+s9+$0x0], $0xffff;
	[tilespmem:s17+$0xFFFFFFD0] =	vst v8  }
0x365: {  	[tilespmem:s17+$0xFFFFFFE0] =	vst v5  }
0x366: {  	[tilespmem:s17+$0xFFFFFFF0] =	vst v4;
	s3 =	smul.u32 $0x640000, s21  }
0x367: {  	[tilespmem:s17+$0x0] =	vst v1  }
0x368: {  	[tilespmem:s17+$0x10] =	vst v2;
	s6 =	sadd.s32 s10, s3  }
0x369: {  	[tilespmem:s17+$0x20] =	vst v0;
	s6 =	sshrl.u32 s6, $0x3  }
0x36a: {  	s30 =	sadd.s32 s11, s3;
	[tilespmem:s17+$0xFFFFFFC0] =	vst v3;
	s6 =	sadd.s32 s23, s6  }
0x36b: {  	[hbm4b:s6+s9] =	stream.linear.scatter [tilespmem:s25], [sflag:$0x4], $0x400, $0x38;
	[tilespmem:$0x1DF80] =	vst v63  }
0x36c: {  	s6 =	sshrl.u32 s30, $0x3  }
0x36d: {  	s17 =	sadd.s32 s12, s3;
	s6 =	sadd.s32 s23, s6  }
0x36e: {  	[hbm4b:s6+s9] =	stream.linear.scatter [tilespmem:s0], [sflag:$0x4], $0x400, $0x38;
	[tilespmem:$0x1DF80] =	vst v63  }
0x36f: {  	s6 =	sshrl.u32 s17, $0x3  }
0x370: {  	s30 =	sadd.s32 s13, s3;
	s6 =	sadd.s32 s23, s6  }
0x371: {  	[hbm4b:s6+s9] =	stream.linear.scatter [tilespmem:s1], [sflag:$0x4], $0x400, $0x38;
	[tilespmem:$0x1DF80] =	vst v63  }
0x372: {  	s3 =	sadd.s32 s22, s3;
	s6 =	sshrl.u32 s30, $0x3  }
0x373: {  	s16 =	sadd.s32 $0x2, s16;
	s3 =	sshrl.u32 s3, $0x3;
	s6 =	sadd.s32 s23, s6  }
0x374: {  	[hbm4b:s6+s9] =	stream.linear.scatter [tilespmem:s2], [sflag:$0x4], $0x400, $0x38;
	[tilespmem:$0x1DF80] =	vst v63  }
0x375: {  	p2 =	seq.s32 s16, $0xA;
	s3 =	sadd.s32 s23, s3;
	s6 =	smul.u32 $0x280, s16  }
0x376: {  	[hbm4b:s3+s9] =	stream.linear.scatter [tilespmem:s4], [sflag:$0x4], $0x400, $0x38;
	[tilespmem:$0x1DF80] =	vst v63  }
0x377: {  	s17 =	rddreg [dreg:$0xe];
	s6 =	simm.s32 @p2 $0x0  }
0x378: {  	s3 =	sadd.s32 s17, s6  }
0x379: {  	[tilespmem:s31], [sflag:$0x2] =	stream.linear.gather [hbm4b:s3+s9], $0x1400, $0x38;
	[tilespmem:$0x1DF80] =	vst v63  }
0x37a: {  	_ =	swait.ge [sflag:s5], $0x1400  }
0x37b: {  	[sflag:s5] =	ssyncset.done $0x0  }
0x37c: {  	s3 =	simm.s32 @!p1 $0x5;
	[sflag:s5] =	ssyncadd.s32 $0xFFFFEC00  }
0x37d: {  	_ =	swait.ge @!p1 [sflag:s3], $0x1400  }
0x37e: {  	[sflag:s3] =	ssyncset.done @!p1 $0x0  }
0x37f: {  	s30 =	simm.s32 $0x1A3C0;
	[sflag:s3] =	ssyncadd.s32 @!p1 $0xFFFFEC00  }
0x380: {  	v0 =	vld [tilespmem:s30+$0x30]  }
0x381: {  	v1 =	vld [tilespmem:s30+$0xFFFFFFD0]  }
0x382: {  	v2 =	vld [tilespmem:s30+$0xFFFFFFE0]  }
0x383: {  	v3 =	vld [tilespmem:s30+$0xFFFFFFF0]  }
0x384: {  	v6 =	vld [tilespmem:s30+$0x0]  }
0x385: {  	v7 =	vld [tilespmem:s30+$0x10]  }
0x386: {  	v8 =	vld [tilespmem:s30+$0x20]  }
0x387: {  	v9 =	vld [tilespmem:s30+$0xFFFFFFC0]  }
0x388: {  	v10 =	vld.idx.msk [tilespmem:v0+s9+$0x0], $0xffff  }
0x389: {  	v11 =	vld.idx.msk [tilespmem:v1+s9+$0x0], $0xffff  }
0x38a: {  	v5 =	vld.idx.msk [tilespmem:v2+s9+$0x0], $0xffff  }
0x38b: {  	v4 =	vld.idx.msk [tilespmem:v3+s9+$0x0], $0xffff  }
0x38c: {  	v1 =	vld.idx.msk [tilespmem:v6+s9+$0x0], $0xffff  }
0x38d: {  	s16 =	simm.s32 $0x1CBC0;
	v2 =	vld.idx.msk [tilespmem:v7+s9+$0x0], $0xffff  }
0x38e: {  	v0 =	vld.idx.msk [tilespmem:v8+s9+$0x0], $0xffff;
	[tilespmem:s16+$0x30] =	vst v10  }
0x38f: {  	s6 =	simm.s32 $0x1A440;
	s3 =	simm.s32 $0x0;
	v3 =	vld.idx.msk [tilespmem:v9+s9+$0x0], $0xffff;
	[tilespmem:s16+$0xFFFFFFD0] =	vst v11  }
.LBB2_42:
0x390: {  	v6 =	vld [tilespmem:s6+$0x30];
	s3 =	sadd.s32 $0x8, s3;
	[tilespmem:s16+$0xFFFFFFE0] =	vst v5  }
0x391: {  	v5 =	vld [tilespmem:s6+$0xFFFFFFD0];
	p1 =	slt.u32 s3, $0x138;
	[tilespmem:s16+$0xFFFFFFF0] =	vst v4  }
0x392: {  	v4 =	vld [tilespmem:s6+$0xFFFFFFE0];
	[tilespmem:s16+$0x0] =	vst v1  }
0x393: {  	v1 =	vld [tilespmem:s6+$0xFFFFFFF0];
	[tilespmem:s16+$0x10] =	vst v2  }
0x394: {  	v2 =	vld [tilespmem:s6+$0x0];
	[tilespmem:s16+$0x20] =	vst v0  }
0x395: {  	v0 =	vld [tilespmem:s6+$0x10];
	[tilespmem:s16+$0xFFFFFFC0] =	vst v3  }
0x396: {  	v3 =	vld [tilespmem:s6+$0x20]  }
0x397: {  	v7 =	vld [tilespmem:s6+$0xFFFFFFC0]  }
0x398: {  	v6 =	vld.idx.msk [tilespmem:v6+s9+$0x0], $0xffff  }
0x399: {  	v8 =	vld.idx.msk [tilespmem:v5+s9+$0x0], $0xffff  }
0x39a: {  	v5 =	vld.idx.msk [tilespmem:v4+s9+$0x0], $0xffff  }
.Ltmp19:
0x39b: {  	v4 =	vld.idx.msk [tilespmem:v1+s9+$0x0], $0xffff;
	(pc) =	sbr.rel @p1 .LBB2_42-.Ltmp19, $4  }
0x39c: {  	v1 =	vld.idx.msk [tilespmem:v2+s9+$0x0], $0xffff  }
0x39d: {  	s16 =	sadd.s32 $0x80, s16;
	v2 =	vld.idx.msk [tilespmem:v0+s9+$0x0], $0xffff  }
0x39e: {  	v0 =	vld.idx.msk [tilespmem:v3+s9+$0x0], $0xffff;
	[tilespmem:s16+$0x30] =	vst v6  }
0x39f: {  	s6 =	sadd.s32 $0x80, s6;
	v3 =	vld.idx.msk [tilespmem:v7+s9+$0x0], $0xffff;
	[tilespmem:s16+$0xFFFFFFD0] =	vst v8  }
0x3a0: {  	[tilespmem:s16+$0xFFFFFFE0] =	vst v5  }
0x3a1: {  	[tilespmem:s16+$0xFFFFFFF0] =	vst v4;
	s3 =	smul.u32 $0x320000, s15  }
0x3a2: {  	[tilespmem:s16+$0x0] =	vst v1  }
0x3a3: {  	[tilespmem:s16+$0x10] =	vst v2;
	s6 =	sadd.s32 s10, s3  }
0x3a4: {  	[tilespmem:s16+$0x20] =	vst v0;
	s6 =	sshrl.u32 s6, $0x3  }
0x3a5: {  	s30 =	simm.s32 $0x1CB80;
	[tilespmem:s16+$0xFFFFFFC0] =	vst v3;
	s6 =	sadd.s32 s23, s6;
	s16 =	sadd.s32 s11, s3  }
0x3a6: {  	[hbm4b:s6+s9] =	stream.linear.scatter [tilespmem:s30], [sflag:$0x5], $0x400, $0x38;
	[tilespmem:$0x1DF80] =	vst v63  }
0x3a7: {  	s6 =	sshrl.u32 s16, $0x3  }
0x3a8: {  	s17 =	sadd.s32 s12, s3;
	s6 =	sadd.s32 s23, s6  }
0x3a9: {  	[hbm4b:s6+s9] =	stream.linear.scatter [tilespmem:s7], [sflag:$0x5], $0x400, $0x38;
	[tilespmem:$0x1DF80] =	vst v63  }
0x3aa: {  	s21 =	sadd.s32 $0x1, s21;
	s6 =	sshrl.u32 s17, $0x3  }
0x3ab: {  	p1 =	sne.s32 s21, $0x5;
	s30 =	sadd.s32 s13, s3;
	s6 =	sadd.s32 s23, s6  }
0x3ac: {  	[hbm4b:s6+s9] =	stream.linear.scatter [tilespmem:s8], [sflag:$0x5], $0x400, $0x38;
	[tilespmem:$0x1DF80] =	vst v63  }
.Ltmp20:
0x3ad: {  	s3 =	sadd.s32 s22, s3;
	s6 =	sshrl.u32 s30, $0x3;
	(pc) =	sbr.rel @p1 .LBB2_39-.Ltmp20, $4  }
0x3ae: {  	s3 =	sshrl.u32 s3, $0x3;
	s6 =	sadd.s32 s23, s6  }
0x3af: {  	[hbm4b:s6+s9] =	stream.linear.scatter [tilespmem:s18], [sflag:$0x5], $0x400, $0x38;
	[tilespmem:$0x1DF80] =	vst v63  }
0x3b0: {  	s3 =	sadd.s32 s23, s3  }
0x3b1: {  	[hbm4b:s3+s9] =	stream.linear.scatter [tilespmem:s19], [sflag:$0x5], $0x400, $0x38;
	[tilespmem:$0x1DF80] =	vst v63  }
0x3b2: {  	_ =	swait.ge [sflag:s14], $0x1400  }
0x3b3: {  	[sflag:s14] =	ssyncset.done $0x0  }
0x3b4: {  	[sflag:s14] =	ssyncadd.s32 $0xFFFFEC00  }
0x3b5: {  	_ =	swait.ge [sflag:s20], $0x1400  }
0x3b6: {  	[sflag:s20] =	ssyncset.done $0x0  }
0x3b7: {  	s3 =	simm.s32 $0x5;
	[sflag:s20] =	ssyncadd.s32 $0xFFFFEC00  }
0x3b8: {  	_ =	swait.ge [sflag:s3], $0x1400  }
0x3b9: {  	[sflag:s3] =	ssyncset.done $0x0  }
0x3ba: {  	s6 =	rddreg [dreg:$0x19];
	[sflag:s3] =	ssyncadd.s32 $0xFFFFEC00  }
0x3bb: {  	s21 =	simm.s32 $0x0;
	s3 =	rddreg [dreg:$0x5]  }
0x3bc: {  	s22 =	simm.s32 $0x1;
	s10 =	sor.u32 $0x50000, s24;
	s3 =	sadd.s32 s3, s6  }
0x3bd: {  	[tilespmem:s21], [sflag:$0x1] =	stream.strided.gather [hbm4b:s3+s26], $0x18700, s28, s26, $0x38;
	[tilespmem:$0x1DF80] =	vst v63  }
0x3be: {  	s11 =	sor.u32 $0xF0000, s24;
	s12 =	sor.u32 $0x190000, s24;
	_ =	swait.ge [sflag:s22], $0x18700  }
0x3bf: {  	s13 =	sor.u32 $0x230000, s24;
	[sflag:s22] =	ssyncset.done $0x0;
	s30 =	rddreg [dreg:$0xf]  }
0x3c0: {  	[sflag:s22] =	ssyncadd.s32 $0xFFFE7900;
	s22 =	sor.u32 $0x2D0000, s24;
	s24 =	smov.u32 s30  }
0x3c1: {  	[tilespmem:s31], [sflag:$0x2] =	stream.linear.gather [hbm4b:s30+s21], $0x1400, $0x38;
	[tilespmem:$0x1DF80] =	vst v63  }
.LBB2_45:
0x3c2: {  	s15 =	sshllo.u32 s21, $0x1  }
0x3c3: {  	s3 =	smul.u32 $0x280, s15;
	_ =	sdelay $0x1  }
0x3c4: {  	s6 =	simm.s32 $0x1A380;
	s3 =	sadd.s32 s24, s3  }
0x3c5: {  	[tilespmem:s6], [sflag:$0x3] =	stream.linear.gather [hbm4b:s3+s9], $0x1400, $0x38;
	[tilespmem:$0x1DF80] =	vst v63  }
0x3c6: {  	_ =	swait.ge [sflag:s14], $0x1400  }
0x3c7: {  	p1 =	seq.s32 s21, $0x0;
	[sflag:s14] =	ssyncset.done $0x0  }
0x3c8: {  	s3 =	simm.s32 @!p1 $0x4;
	[sflag:s14] =	ssyncadd.s32 $0xFFFFEC00  }
0x3c9: {  	_ =	swait.ge @!p1 [sflag:s3], $0x1400  }
0x3ca: {  	[sflag:s3] =	ssyncset.done @!p1 $0x0  }
0x3cb: {  	s30 =	simm.s32 $0x18FC0;
	[sflag:s3] =	ssyncadd.s32 @!p1 $0xFFFFEC00  }
0x3cc: {  	v0 =	vld [tilespmem:s30+$0x30]  }
0x3cd: {  	v1 =	vld [tilespmem:s30+$0xFFFFFFD0]  }
0x3ce: {  	v2 =	vld [tilespmem:s30+$0xFFFFFFE0]  }
0x3cf: {  	v3 =	vld [tilespmem:s30+$0xFFFFFFF0]  }
0x3d0: {  	v6 =	vld [tilespmem:s30+$0x0]  }
0x3d1: {  	v7 =	vld [tilespmem:s30+$0x10]  }
0x3d2: {  	v8 =	vld [tilespmem:s30+$0x20]  }
0x3d3: {  	v9 =	vld [tilespmem:s30+$0xFFFFFFC0]  }
0x3d4: {  	v10 =	vld.idx.msk [tilespmem:v0+s9+$0x0], $0xffff  }
0x3d5: {  	v11 =	vld.idx.msk [tilespmem:v1+s9+$0x0], $0xffff  }
0x3d6: {  	v5 =	vld.idx.msk [tilespmem:v2+s9+$0x0], $0xffff  }
0x3d7: {  	v4 =	vld.idx.msk [tilespmem:v3+s9+$0x0], $0xffff  }
0x3d8: {  	v1 =	vld.idx.msk [tilespmem:v6+s9+$0x0], $0xffff  }
0x3d9: {  	s17 =	simm.s32 $0x1B7C0;
	v2 =	vld.idx.msk [tilespmem:v7+s9+$0x0], $0xffff  }
0x3da: {  	v0 =	vld.idx.msk [tilespmem:v8+s9+$0x0], $0xffff;
	[tilespmem:s17+$0x30] =	vst v10  }
0x3db: {  	s16 =	sshll.u32 s21, $0x1;
	s6 =	simm.s32 $0x19040;
	s3 =	simm.s32 $0x0;
	v3 =	vld.idx.msk [tilespmem:v9+s9+$0x0], $0xffff;
	[tilespmem:s17+$0xFFFFFFD0] =	vst v11  }
.LBB2_46:
0x3dc: {  	v6 =	vld [tilespmem:s6+$0x30];
	s3 =	sadd.s32 $0x8, s3;
	[tilespmem:s17+$0xFFFFFFE0] =	vst v5  }
0x3dd: {  	v5 =	vld [tilespmem:s6+$0xFFFFFFD0];
	p2 =	slt.u32 s3, $0x138;
	[tilespmem:s17+$0xFFFFFFF0] =	vst v4  }
0x3de: {  	v4 =	vld [tilespmem:s6+$0xFFFFFFE0];
	[tilespmem:s17+$0x0] =	vst v1  }
0x3df: {  	v1 =	vld [tilespmem:s6+$0xFFFFFFF0];
	[tilespmem:s17+$0x10] =	vst v2  }
0x3e0: {  	v2 =	vld [tilespmem:s6+$0x0];
	[tilespmem:s17+$0x20] =	vst v0  }
0x3e1: {  	v0 =	vld [tilespmem:s6+$0x10];
	[tilespmem:s17+$0xFFFFFFC0] =	vst v3  }
0x3e2: {  	v3 =	vld [tilespmem:s6+$0x20]  }
0x3e3: {  	v7 =	vld [tilespmem:s6+$0xFFFFFFC0]  }
0x3e4: {  	v6 =	vld.idx.msk [tilespmem:v6+s9+$0x0], $0xffff  }
0x3e5: {  	v8 =	vld.idx.msk [tilespmem:v5+s9+$0x0], $0xffff  }
0x3e6: {  	v5 =	vld.idx.msk [tilespmem:v4+s9+$0x0], $0xffff  }
.Ltmp21:
0x3e7: {  	v4 =	vld.idx.msk [tilespmem:v1+s9+$0x0], $0xffff;
	(pc) =	sbr.rel @p2 .LBB2_46-.Ltmp21, $4  }
0x3e8: {  	v1 =	vld.idx.msk [tilespmem:v2+s9+$0x0], $0xffff  }
0x3e9: {  	s17 =	sadd.s32 $0x80, s17;
	v2 =	vld.idx.msk [tilespmem:v0+s9+$0x0], $0xffff  }
0x3ea: {  	v0 =	vld.idx.msk [tilespmem:v3+s9+$0x0], $0xffff;
	[tilespmem:s17+$0x30] =	vst v6  }
0x3eb: {  	s6 =	sadd.s32 $0x80, s6;
	v3 =	vld.idx.msk [tilespmem:v7+s9+$0x0], $0xffff;
	[tilespmem:s17+$0xFFFFFFD0] =	vst v8  }
0x3ec: {  	[tilespmem:s17+$0xFFFFFFE0] =	vst v5  }
0x3ed: {  	[tilespmem:s17+$0xFFFFFFF0] =	vst v4;
	s3 =	smul.u32 $0x640000, s21  }
0x3ee: {  	[tilespmem:s17+$0x0] =	vst v1  }
0x3ef: {  	[tilespmem:s17+$0x10] =	vst v2;
	s6 =	sadd.s32 s10, s3  }
0x3f0: {  	[tilespmem:s17+$0x20] =	vst v0;
	s6 =	sshrl.u32 s6, $0x3  }
0x3f1: {  	s30 =	sadd.s32 s11, s3;
	[tilespmem:s17+$0xFFFFFFC0] =	vst v3;
	s6 =	sadd.s32 s23, s6  }
0x3f2: {  	[hbm4b:s6+s9] =	stream.linear.scatter [tilespmem:s25], [sflag:$0x4], $0x400, $0x38;
	[tilespmem:$0x1DF80] =	vst v63  }
0x3f3: {  	s6 =	sshrl.u32 s30, $0x3  }
0x3f4: {  	s17 =	sadd.s32 s12, s3;
	s6 =	sadd.s32 s23, s6  }
0x3f5: {  	[hbm4b:s6+s9] =	stream.linear.scatter [tilespmem:s0], [sflag:$0x4], $0x400, $0x38;
	[tilespmem:$0x1DF80] =	vst v63  }
0x3f6: {  	s6 =	sshrl.u32 s17, $0x3  }
0x3f7: {  	s30 =	sadd.s32 s13, s3;
	s6 =	sadd.s32 s23, s6  }
0x3f8: {  	[hbm4b:s6+s9] =	stream.linear.scatter [tilespmem:s1], [sflag:$0x4], $0x400, $0x38;
	[tilespmem:$0x1DF80] =	vst v63  }
0x3f9: {  	s3 =	sadd.s32 s22, s3;
	s6 =	sshrl.u32 s30, $0x3  }
0x3fa: {  	s16 =	sadd.s32 $0x2, s16;
	s3 =	sshrl.u32 s3, $0x3;
	s6 =	sadd.s32 s23, s6  }
0x3fb: {  	[hbm4b:s6+s9] =	stream.linear.scatter [tilespmem:s2], [sflag:$0x4], $0x400, $0x38;
	[tilespmem:$0x1DF80] =	vst v63  }
0x3fc: {  	p2 =	seq.s32 s16, $0xA;
	s3 =	sadd.s32 s23, s3;
	s6 =	smul.u32 $0x280, s16  }
0x3fd: {  	[hbm4b:s3+s9] =	stream.linear.scatter [tilespmem:s4], [sflag:$0x4], $0x400, $0x38;
	[tilespmem:$0x1DF80] =	vst v63  }
0x3fe: {  	s6 =	simm.s32 @p2 $0x0  }
0x3ff: {  	s17 =	sadd.s32 s24, s6  }
0x400: {  	[tilespmem:s31], [sflag:$0x2] =	stream.linear.gather [hbm4b:s17+s9], $0x1400, $0x38;
	[tilespmem:$0x1DF80] =	vst v63  }
0x401: {  	_ =	swait.ge [sflag:s5], $0x1400  }
0x402: {  	[sflag:s5] =	ssyncset.done $0x0  }
0x403: {  	s3 =	simm.s32 @!p1 $0x5;
	[sflag:s5] =	ssyncadd.s32 $0xFFFFEC00  }
0x404: {  	_ =	swait.ge @!p1 [sflag:s3], $0x1400  }
0x405: {  	[sflag:s3] =	ssyncset.done @!p1 $0x0  }
0x406: {  	s30 =	simm.s32 $0x1A3C0;
	[sflag:s3] =	ssyncadd.s32 @!p1 $0xFFFFEC00  }
0x407: {  	v0 =	vld [tilespmem:s30+$0x30]  }
0x408: {  	v1 =	vld [tilespmem:s30+$0xFFFFFFD0]  }
0x409: {  	v2 =	vld [tilespmem:s30+$0xFFFFFFE0]  }
0x40a: {  	v3 =	vld [tilespmem:s30+$0xFFFFFFF0]  }
0x40b: {  	v6 =	vld [tilespmem:s30+$0x0]  }
0x40c: {  	v7 =	vld [tilespmem:s30+$0x10]  }
0x40d: {  	v8 =	vld [tilespmem:s30+$0x20]  }
0x40e: {  	v9 =	vld [tilespmem:s30+$0xFFFFFFC0]  }
0x40f: {  	v10 =	vld.idx.msk [tilespmem:v0+s9+$0x0], $0xffff  }
0x410: {  	v11 =	vld.idx.msk [tilespmem:v1+s9+$0x0], $0xffff  }
0x411: {  	v5 =	vld.idx.msk [tilespmem:v2+s9+$0x0], $0xffff  }
0x412: {  	v4 =	vld.idx.msk [tilespmem:v3+s9+$0x0], $0xffff  }
0x413: {  	v1 =	vld.idx.msk [tilespmem:v6+s9+$0x0], $0xffff  }
0x414: {  	s16 =	simm.s32 $0x1CBC0;
	v2 =	vld.idx.msk [tilespmem:v7+s9+$0x0], $0xffff  }
0x415: {  	v0 =	vld.idx.msk [tilespmem:v8+s9+$0x0], $0xffff;
	[tilespmem:s16+$0x30] =	vst v10  }
0x416: {  	s6 =	simm.s32 $0x1A440;
	s3 =	simm.s32 $0x0;
	v3 =	vld.idx.msk [tilespmem:v9+s9+$0x0], $0xffff;
	[tilespmem:s16+$0xFFFFFFD0] =	vst v11  }
.LBB2_48:
0x417: {  	v6 =	vld [tilespmem:s6+$0x30];
	s3 =	sadd.s32 $0x8, s3;
	[tilespmem:s16+$0xFFFFFFE0] =	vst v5  }
0x418: {  	v5 =	vld [tilespmem:s6+$0xFFFFFFD0];
	p1 =	slt.u32 s3, $0x138;
	[tilespmem:s16+$0xFFFFFFF0] =	vst v4  }
0x419: {  	v4 =	vld [tilespmem:s6+$0xFFFFFFE0];
	[tilespmem:s16+$0x0] =	vst v1  }
0x41a: {  	v1 =	vld [tilespmem:s6+$0xFFFFFFF0];
	[tilespmem:s16+$0x10] =	vst v2  }
0x41b: {  	v2 =	vld [tilespmem:s6+$0x0];
	[tilespmem:s16+$0x20] =	vst v0  }
0x41c: {  	v0 =	vld [tilespmem:s6+$0x10];
	[tilespmem:s16+$0xFFFFFFC0] =	vst v3  }
0x41d: {  	v3 =	vld [tilespmem:s6+$0x20]  }
0x41e: {  	v7 =	vld [tilespmem:s6+$0xFFFFFFC0]  }
0x41f: {  	v6 =	vld.idx.msk [tilespmem:v6+s9+$0x0], $0xffff  }
0x420: {  	v8 =	vld.idx.msk [tilespmem:v5+s9+$0x0], $0xffff  }
0x421: {  	v5 =	vld.idx.msk [tilespmem:v4+s9+$0x0], $0xffff  }
.Ltmp22:
0x422: {  	v4 =	vld.idx.msk [tilespmem:v1+s9+$0x0], $0xffff;
	(pc) =	sbr.rel @p1 .LBB2_48-.Ltmp22, $4  }
0x423: {  	v1 =	vld.idx.msk [tilespmem:v2+s9+$0x0], $0xffff  }
0x424: {  	s16 =	sadd.s32 $0x80, s16;
	v2 =	vld.idx.msk [tilespmem:v0+s9+$0x0], $0xffff  }
0x425: {  	v0 =	vld.idx.msk [tilespmem:v3+s9+$0x0], $0xffff;
	[tilespmem:s16+$0x30] =	vst v6  }
0x426: {  	s6 =	sadd.s32 $0x80, s6;
	v3 =	vld.idx.msk [tilespmem:v7+s9+$0x0], $0xffff;
	[tilespmem:s16+$0xFFFFFFD0] =	vst v8  }
0x427: {  	[tilespmem:s16+$0xFFFFFFE0] =	vst v5  }
0x428: {  	[tilespmem:s16+$0xFFFFFFF0] =	vst v4;
	s3 =	smul.u32 $0x320000, s15  }
0x429: {  	[tilespmem:s16+$0x0] =	vst v1  }
0x42a: {  	[tilespmem:s16+$0x10] =	vst v2;
	s6 =	sadd.s32 s10, s3  }
0x42b: {  	[tilespmem:s16+$0x20] =	vst v0;
	s6 =	sshrl.u32 s6, $0x3  }
0x42c: {  	s30 =	simm.s32 $0x1CB80;
	[tilespmem:s16+$0xFFFFFFC0] =	vst v3;
	s6 =	sadd.s32 s23, s6;
	s16 =	sadd.s32 s11, s3  }
0x42d: {  	[hbm4b:s6+s9] =	stream.linear.scatter [tilespmem:s30], [sflag:$0x5], $0x400, $0x38;
	[tilespmem:$0x1DF80] =	vst v63  }
0x42e: {  	s6 =	sshrl.u32 s16, $0x3  }
0x42f: {  	s17 =	sadd.s32 s12, s3;
	s6 =	sadd.s32 s23, s6  }
0x430: {  	[hbm4b:s6+s9] =	stream.linear.scatter [tilespmem:s7], [sflag:$0x5], $0x400, $0x38;
	[tilespmem:$0x1DF80] =	vst v63  }
0x431: {  	s21 =	sadd.s32 $0x1, s21;
	s6 =	sshrl.u32 s17, $0x3  }
0x432: {  	p1 =	sne.s32 s21, $0x5;
	s30 =	sadd.s32 s13, s3;
	s6 =	sadd.s32 s23, s6  }
0x433: {  	[hbm4b:s6+s9] =	stream.linear.scatter [tilespmem:s8], [sflag:$0x5], $0x400, $0x38;
	[tilespmem:$0x1DF80] =	vst v63  }
.Ltmp23:
0x434: {  	s3 =	sadd.s32 s22, s3;
	s6 =	sshrl.u32 s30, $0x3;
	(pc) =	sbr.rel @p1 .LBB2_45-.Ltmp23, $4  }
0x435: {  	s3 =	sshrl.u32 s3, $0x3;
	s6 =	sadd.s32 s23, s6  }
0x436: {  	[hbm4b:s6+s9] =	stream.linear.scatter [tilespmem:s18], [sflag:$0x5], $0x400, $0x38;
	[tilespmem:$0x1DF80] =	vst v63  }
0x437: {  	s3 =	sadd.s32 s23, s3  }
0x438: {  	[hbm4b:s3+s9] =	stream.linear.scatter [tilespmem:s19], [sflag:$0x5], $0x400, $0x38;
	[tilespmem:$0x1DF80] =	vst v63  }
0x439: {  	_ =	swait.ge [sflag:s14], $0x1400  }
0x43a: {  	[sflag:s14] =	ssyncset.done $0x0  }
0x43b: {  	[sflag:s14] =	ssyncadd.s32 $0xFFFFEC00  }
0x43c: {  	_ =	swait.ge [sflag:s20], $0x1400  }
.Ltmp24:
0x43d: {  	[sflag:s20] =	ssyncset.done $0x0;
	(pc) =	sbr.rel @p0 .LBB2_2-.Ltmp24, $4  }
0x43e: {  	s3 =	simm.s32 $0x5;
	[sflag:s20] =	ssyncadd.s32 $0xFFFFEC00  }
0x43f: {  	_ =	swait.ge [sflag:s3], $0x1400  }
0x440: {  	[sflag:s3] =	ssyncset.done $0x0  }
0x441: {  	s21 =	simm.s32 $0x1;
	p1 =	por $0x0, $0x0;
	[sflag:s3] =	ssyncadd.s32 $0xFFFFEC00  }
0x442: {  	s6 =	rddreg [dreg:$0x18]  }
0x443: {  	s3 =	rddreg [dreg:$0x17];
	s6 =	sadd.s32 $0x1, s6  }
0x444: {  	p0 =	sne.s32 s6, s3  }
.Ltmp25:
0x445: {  	_ = 	snop;
	(pc) =	sbr.rel @p0 .LBB2_1-.Ltmp25, $1  }
0x446: {  	_ =	sdelay $0x3  }
0x447: {  	_ =	sfence.sel $0x180000  }
0x448: {  	[bflag:$0x0] =	sbarrier.arrive $0xFFFF  }
0x449: {  	_ =	strace $0x90000047  }
0x44a: {  	s0 =	stileid.u32;
	[bflag:$0x2] =	sbarrier.arrive $0xFFFF  }
0x44b: {  	p0 =	sne.s32 s0, $0x0;
	s0 =	rddreg [dreg:$0x9]  }
0x44c: {  	s0 =	sadd.s32 @!p0 $0x100000, s0  }
0x44d: {  	[sflag:s0] =	ssyncadd.tile.s32 @!p0 $0x1;
	_ =	shalt  }
.Lfunc_end2:
_tile_overlayer_lowered:
.L_overlay_start_2:
0x44e: {  	(tag) =	ssettag $0x2  }
0x44f: {  	s0 =	rddreg [dreg:$0x0];
	s2 =	stileid.u32  }
0x450: {  	s1 =	rddreg [dreg:$0x1];
	p0 =	sne.s32 s2, $0x0  }
0x451: {  	s3 =	rddreg [dreg:$0x2];
	[bflag:$0x3] =	sbarrier.arrive $0xFFFF;
	s2 =	simm.s32 @!p0 $0x1C06  }
0x452: {  	[timem:s3], [sflag:s2] =	dma.local @!p0 [hbm:s0], s1  }
0x453: {  	s0 =	simm.s32 @!p0 $0x6  }
0x454: {  	_ =	swait.ge @!p0 [sflag:s0], s1  }
0x455: {  	s1 =	ssub.s32 @!p0 $0x0, s1;
	[sflag:s0] =	ssyncset.done @!p0 $0x0  }
0x456: {  	[sflag:s0] =	ssyncadd.s32 @!p0 s1  }
0x457: {  	[bflag:$0x3] =	sbarrier.arrive $0xFFFF  }
0x458: {  	_ =	shalt  }

</sc_bundles>
